<compile_context>
chip_gen: v7x
topology: tpu7x:2x2x1
jax: 0.10.2.dev20260603
libtpu: 0.0.44.dev20260713+nightly
codegen_flags: <defaults>
</compile_context>

<pallas_src>
import functools

import jax
import jax.numpy as jnp
from jax import lax
from jax.experimental import pallas as pl
from jax.experimental.pallas import tpu as pltpu
from jax.experimental.pallas import tpu_sc as plsc

N_NODES = 10000
N_EDGES = 320000
EDIM = 16
NDIM_IN = 128
NDIM_OUT = 128
ACCW = 32

NWORK = 32
EPT = N_EDGES // NWORK
SUB = 100
CH = 1000
NCH = EPT // CH
RPC = CH // SUB
IPT = EPT // SUB
N_PAD = 10240
ROWS_PER_TILE = N_PAD // 16


def _sc_scatter_body(ef_hbm, nw_hbm, dst_hbm, zeros_hbm, out_hbm,
                     ef_a, ef_b, msg_a, msg_b, nw_a, nw_b, dst_v, acc_sh,
                     sem_in, sem_sc):
    cid = lax.axis_index("c")
    sid = lax.axis_index("s")
    wid = cid * 16 + sid

    zbase = sid * ROWS_PER_TILE
    pltpu.sync_copy(zeros_hbm.at[pl.ds(zbase, ROWS_PER_TILE)],
                    acc_sh.at[pl.ds(zbase, ROWS_PER_TILE)])
    pltpu.sync_copy(dst_hbm.at[wid], dst_v)

    onehot = jnp.where(lax.iota(jnp.int32, 16) == 0, 1.0, 0.0)

    @plsc.parallel_loop(0, CH, unroll=8)
    def _(e):
        msg_a[e, pl.ds(EDIM, EDIM)] = onehot
        msg_b[e, pl.ds(EDIM, EDIM)] = onehot

    plsc.subcore_barrier()

    efs = [ef_a, ef_b]
    msgs = [msg_a, msg_b]
    nws = [nw_a, nw_b]
    pending = [[], []]
    stage = [None, None]

    def start_stage(ci):
        base = wid * EPT + ci * CH
        return (pltpu.async_copy(ef_hbm.at[pl.ds(base, CH), :, :],
                                 efs[ci % 2], sem_in),
                pltpu.async_copy(nw_hbm.at[pl.ds(base, CH)],
                                 nws[ci % 2], sem_in))

    stage[0] = start_stage(0)
    for ci in range(NCH):
        b = ci % 2
        nb = (ci + 1) % 2
        if ci + 1 < NCH:
            for h in pending[nb]:
                h.wait()
            pending[nb] = []
            stage[nb] = start_stage(ci + 1)
        for h in stage[b]:
            h.wait()
        efb = efs[b]
        msgb = msgs[b]
        nwb = nws[b]

        @plsc.parallel_loop(0, CH, unroll=8)
        def _(e):
            nwv = plsc.load_gather(nwb, [jnp.full((16,), e, dtype=jnp.int32)])
            msgb[e, pl.ds(0, EDIM)] = efb[e, 0, :] * nwv

        hs = []
        for j in range(RPC):
            hs.append(pltpu.async_copy(msgb.at[pl.ds(j * SUB, SUB)],
                                       acc_sh.at[dst_v.at[ci * RPC + j]],
                                       sem_sc, add=True))
        pending[b] = hs

    for bb in range(2):
        for h in pending[bb]:
            h.wait()

    plsc.subcore_barrier()
    pltpu.sync_copy(acc_sh.at[pl.ds(zbase, ROWS_PER_TILE)],
                    out_hbm.at[cid, pl.ds(zbase, ROWS_PER_TILE)])


_sc_scatter = functools.partial(
    pl.kernel,
    out_type=jax.ShapeDtypeStruct((2, N_PAD, ACCW), jnp.float32),
    mesh=plsc.VectorSubcoreMesh(core_axis_name="c", subcore_axis_name="s"),
    compiler_params=pltpu.CompilerParams(use_tc_tiling_on_sc=False,
                                         needs_layout_passes=False),
    scratch_types=[
        pltpu.VMEM((CH, 1, EDIM), jnp.float32),
        pltpu.VMEM((CH, 1, EDIM), jnp.float32),
        pltpu.VMEM((CH, ACCW), jnp.float32),
        pltpu.VMEM((CH, ACCW), jnp.float32),
        pltpu.VMEM((CH,), jnp.float32),
        pltpu.VMEM((CH,), jnp.float32),
        pltpu.VMEM((IPT, SUB), jnp.int32),
        pltpu.VMEM_SHARED((N_PAD, ACCW), jnp.float32),
        pltpu.SemaphoreType.DMA,
        pltpu.SemaphoreType.DMA,
    ],
)(_sc_scatter_body)


def _final_body(parts_ref, nf_ref, wt_ref, b_ref, out_ref):
    s = parts_ref[0] + parts_ref[1]
    deg = jnp.maximum(s[:N_NODES, EDIM:EDIM + 1], 1.0)
    h_neigh = s[:N_NODES, :EDIM] / deg
    h = jnp.concatenate([nf_ref[...], h_neigh], axis=1)
    acc = jnp.dot(h, wt_ref[...], preferred_element_type=jnp.float32)
    out_ref[...] = jnp.maximum(acc + b_ref[...], 0.0)


def _final(parts, nf2, wt, b2):
    return pl.pallas_call(
        _final_body,
        out_shape=jax.ShapeDtypeStruct((N_NODES, NDIM_OUT), jnp.float32),
    )(parts, nf2, wt, b2)


def kernel(nfeats, efeats, edge_index, norm_weight, W, b):
    dst = edge_index[1].astype(jnp.int32).reshape(NWORK, IPT, SUB)
    zeros = jnp.zeros((N_PAD, ACCW), jnp.float32)
    wt = W.T
    b2 = b.reshape(1, NDIM_OUT)

    parts = _sc_scatter(efeats, norm_weight, dst, zeros)
    out2 = _final(parts, nfeats.reshape(N_NODES, NDIM_IN), wt, b2)
    return out2.reshape(N_NODES, 1, NDIM_OUT)

# --- scband reference (transcript-rebuilt; emitter-appended) ---
"""Pipeline reference for scband-gcnlayer-352187318566 (READ-ONLY COPY).

The authoritative reference and input builder live on the scoring server;
editing this copy changes nothing except your own understanding.
"""

import jax, jax.numpy as jnp
import numpy as np

N_NODES = 10000
N_EDGES = 320000
NDIM_IN = 128
EDIM = 16
NDIM_OUT = 128


def setup_inputs(seed: int = 0) -> dict:
    key = jax.random.key(seed)
    k1, k2, k3, k4, k5, k6 = jax.random.split(key, 6)
    nfeats = jax.random.normal(k1, (N_NODES, 1, NDIM_IN), dtype=jnp.float32)
    efeats = jax.random.normal(k2, (N_EDGES, 1, EDIM), dtype=jnp.float32)
    edge_index = jax.random.randint(k3, (2, N_EDGES), 0, N_NODES, dtype=jnp.int64)
    norm_weight = jax.random.uniform(k4, (N_EDGES,), dtype=jnp.float32)
    # Linear W_apply: in = ndim_in + edim, out = ndim_out
    fan_in = NDIM_IN + EDIM
    bound = 1.0 / np.sqrt(fan_in)
    W = jax.random.uniform(k5, (NDIM_OUT, fan_in), dtype=jnp.float32, minval=-bound, maxval=bound)
    b = jax.random.uniform(k6, (NDIM_OUT,), dtype=jnp.float32, minval=-bound, maxval=bound)
    return {"nfeats": nfeats, "efeats": efeats, "edge_index": edge_index, "norm_weight": norm_weight, "W": W, "b": b}


def reference(nfeats, efeats, edge_index, norm_weight, W, b):
    # message_func: m = norm_weight[:, None, None] * efeats  (norm=True)
    msg = norm_weight[:, None, None] * efeats  # [E, 1, edim]
    dst = edge_index[1]
    num_nodes = nfeats.shape[0]
    # fn.mean('m', 'h_neigh'): segment mean over incoming edges per dst node
    summed = jax.ops.segment_sum(msg, dst, num_segments=num_nodes)  # [N, 1, edim]
    deg = jax.ops.segment_sum(jnp.ones((msg.shape[0],), dtype=msg.dtype), dst, num_segments=num_nodes)
    h_neigh = summed / jnp.maximum(deg, 1.0)[:, None, None]
    # use_node_h=True: cat([h, h_neigh], dim=2) -> Linear -> activation (relu)
    h = jnp.concatenate([nfeats, h_neigh], axis=2)  # [N, 1, ndim_in+edim]
    out = jax.nn.relu(jnp.einsum('nid,od->nio', h, W) + b)
    return out

if __name__ == "__main__":
    import jax
    _d = setup_inputs()
    print(jax.jit(kernel)(*tuple(_d.values())))

</pallas_src>

<mosaic_0001>
#map = affine_map<(d0, d1) -> (0, 0, 0)>
#map1 = affine_map<(d0, d1) -> (0)>
#map2 = affine_map<(d0, d1) -> (0, 0)>
module attributes {stable_mosaic.version = 14 : i64} {
  func.func @_sc_scatter_body(%arg0: i32, %arg1: i32, %arg2: memref<320000x1x16xf32, #tpu.memory_space<hbm>>, %arg3: memref<320000xf32, #tpu.memory_space<hbm>>, %arg4: memref<32x100x100xi32, #tpu.memory_space<hbm>>, %arg5: memref<10240x32xf32, #tpu.memory_space<hbm>>, %arg6: memref<2x10240x32xf32, #tpu.memory_space<hbm>>, %arg7: memref<1000x1x16xf32, #tpu.memory_space<vmem>>, %arg8: memref<1000x1x16xf32, #tpu.memory_space<vmem>>, %arg9: memref<1000x32xf32, #tpu.memory_space<vmem>>, %arg10: memref<1000x32xf32, #tpu.memory_space<vmem>>, %arg11: memref<1000xf32, #tpu.memory_space<vmem>>, %arg12: memref<1000xf32, #tpu.memory_space<vmem>>, %arg13: memref<100x100xi32, #tpu.memory_space<vmem>>, %arg14: memref<10240x32xf32, #tpu.memory_space<vmem_shared>>, %arg15: memref<!tpu.dma_semaphore, #tpu.memory_space<semaphore_mem>>, %arg16: memref<!tpu.dma_semaphore, #tpu.memory_space<semaphore_mem>>) attributes {dimension_semantics = [#tpu.dimension_semantics<core_parallel>, #tpu.dimension_semantics<subcore_parallel>], iteration_bounds = array<i64: 2, 16>, scalar_prefetch = 0 : i64, scratch_operands = 10 : i64, tpu.core_type = #tpu.core_type<sc_vector_subcore>, window_params = [{transform_indices = #map}, {transform_indices = #map1}, {transform_indices = #map}, {transform_indices = #map2}, {transform_indices = #map}]} {
    %mul3A = arith.constant 16 : i32
    %mul3A_0 = arith.muli %arg0, %mul3A : i32
    %add3A = arith.addi %mul3A_0, %arg1 : i32
    %mul3A_1 = arith.constant 640 : i32
    %mul3A_2 = arith.muli %arg1, %mul3A_1 : i32
    "tpu.region"() ({
      %run_scoped3A = tpu.sem_alloc : memref<!tpu.dma_semaphore, #tpu.memory_space<semaphore_mem>>
      %dma_start3A_2238 = arith.constant 0 : i32
      %dma_start3A_2239 = tpu.memref_slice %arg14[%mul3A_2, %dma_start3A_2238] : memref<10240x32xf32, #tpu.memory_space<vmem_shared>> -> memref<640x32xf32, #tpu.memory_space<vmem_shared>>
      %dma_start3A_2240 = arith.constant 0 : i32
      %dma_start3A_2241 = tpu.memref_slice %arg5[%mul3A_2, %dma_start3A_2240] : memref<10240x32xf32, #tpu.memory_space<hbm>> -> memref<640x32xf32, #tpu.memory_space<hbm>>
      tpu.enqueue_dma source(%dma_start3A_2241 : memref<640x32xf32, #tpu.memory_space<hbm>>) target(%dma_start3A_2239 : memref<640x32xf32, #tpu.memory_space<vmem_shared>>) target_semaphore(%run_scoped3A : memref<!tpu.dma_semaphore, #tpu.memory_space<semaphore_mem>>)
      %dma_wait3A_2242 = arith.constant 0 : i32
      %dma_wait3A_2243 = tpu.memref_slice %arg14[%mul3A_2, %dma_wait3A_2242] : memref<10240x32xf32, #tpu.memory_space<vmem_shared>> -> memref<640x32xf32, #tpu.memory_space<vmem_shared>>
      %dma_wait3A_2244 = arith.constant 0 : i32
      %dma_wait3A_2245 = tpu.memref_slice %arg5[%mul3A_2, %dma_wait3A_2244] : memref<10240x32xf32, #tpu.memory_space<hbm>> -> memref<640x32xf32, #tpu.memory_space<hbm>>
      tpu.wait_dma2 semaphore(%run_scoped3A : memref<!tpu.dma_semaphore, #tpu.memory_space<semaphore_mem>>) src(%dma_wait3A_2245 : memref<640x32xf32, #tpu.memory_space<hbm>>) dst(%dma_wait3A_2243 : memref<640x32xf32, #tpu.memory_space<vmem_shared>>)
      tpu.yield
    }) : () -> ()
    "tpu.region"() ({
      %run_scoped3A = tpu.sem_alloc : memref<!tpu.dma_semaphore, #tpu.memory_space<semaphore_mem>>
      %dma_start3A_2238 = arith.constant 0 : i32
      %dma_start3A_2239 = arith.constant 0 : i32
      %dma_start3A_2240 = tpu.memref_slice %arg4[%add3A, %dma_start3A_2238, %dma_start3A_2239] : memref<32x100x100xi32, #tpu.memory_space<hbm>> -> memref<1x100x100xi32, #tpu.memory_space<hbm>>
      %dma_start3A_2241 = tpu.memref_squeeze %dma_start3A_2240 : memref<1x100x100xi32, #tpu.memory_space<hbm>> -> memref<100x100xi32, #tpu.memory_space<hbm>>
      %dma_start3A_2242 = arith.constant 0 : i32
      %dma_start3A_2243 = arith.constant 0 : i32
      %dma_start3A_2244 = tpu.memref_slice %arg4[%add3A, %dma_start3A_2242, %dma_start3A_2243] : memref<32x100x100xi32, #tpu.memory_space<hbm>> -> memref<1x100x100xi32, #tpu.memory_space<hbm>>
      %dma_start3A_2245 = tpu.memref_squeeze %dma_start3A_2244 : memref<1x100x100xi32, #tpu.memory_space<hbm>> -> memref<100x100xi32, #tpu.memory_space<hbm>>
      tpu.enqueue_dma source(%dma_start3A_2245 : memref<100x100xi32, #tpu.memory_space<hbm>>) target(%arg13 : memref<100x100xi32, #tpu.memory_space<vmem>>) target_semaphore(%run_scoped3A : memref<!tpu.dma_semaphore, #tpu.memory_space<semaphore_mem>>)
      %dma_wait3A_2246 = arith.constant 0 : i32
      %dma_wait3A_2247 = arith.constant 0 : i32
      %dma_wait3A_2248 = tpu.memref_slice %arg4[%add3A, %dma_wait3A_2246, %dma_wait3A_2247] : memref<32x100x100xi32, #tpu.memory_space<hbm>> -> memref<1x100x100xi32, #tpu.memory_space<hbm>>
      %dma_wait3A_2249 = tpu.memref_squeeze %dma_wait3A_2248 : memref<1x100x100xi32, #tpu.memory_space<hbm>> -> memref<100x100xi32, #tpu.memory_space<hbm>>
      %dma_wait3A_2250 = arith.constant 0 : i32
      %dma_wait3A_2251 = arith.constant 0 : i32
      %dma_wait3A_2252 = tpu.memref_slice %arg4[%add3A, %dma_wait3A_2250, %dma_wait3A_2251] : memref<32x100x100xi32, #tpu.memory_space<hbm>> -> memref<1x100x100xi32, #tpu.memory_space<hbm>>
      %dma_wait3A_2253 = tpu.memref_squeeze %dma_wait3A_2252 : memref<1x100x100xi32, #tpu.memory_space<hbm>> -> memref<100x100xi32, #tpu.memory_space<hbm>>
      tpu.wait_dma2 semaphore(%run_scoped3A : memref<!tpu.dma_semaphore, #tpu.memory_space<semaphore_mem>>) src(%dma_wait3A_2253 : memref<100x100xi32, #tpu.memory_space<hbm>>) dst(%arg13 : memref<100x100xi32, #tpu.memory_space<vmem>>)
      tpu.yield
    }) : () -> ()
    %iota3A = tpu.iota {dimensions = array<i32: 0>} : vector<16xi32>
    %eq3A = arith.constant 0 : i32
    %eq3A_3 = vector.broadcast %eq3A : i32 to vector<16xi32>
    %eq3A_4 = arith.cmpi eq, %iota3A, %eq3A_3 : vector<16xi32>
    %jit3A = arith.constant 1.000000e+00 : f32
    %jit3A_5 = arith.constant 0.000000e+00 : f32
    %broadcast_in_dim3A = vector.broadcast %jit3A : f32 to vector<16xf32>
    %broadcast_in_dim3A_6 = vector.broadcast %jit3A_5 : f32 to vector<16xf32>
    %select_n3A = arith.select %eq3A_4, %broadcast_in_dim3A, %broadcast_in_dim3A_6 : vector<16xi1>, vector<16xf32>
    %parallel_loop3A = arith.constant 0 : i32
    %parallel_loop3A_7 = arith.constant 1000 : i32
    %parallel_loop3A_8 = arith.constant 1 : i32
    scf.for %parallel_loop3A_2238 = %parallel_loop3A to %parallel_loop3A_7 step %parallel_loop3A_8  : i32 {
      %parallel_loop3A_2239 = arith.index_cast %parallel_loop3A_2238 : i32 to index
      %parallel_loop3A_2240 = arith.constant 16 : index
      %parallel_loop3A_2241 = tpu.vector_load %arg9[%parallel_loop3A_2239, %parallel_loop3A_2240] {strides = array<i32>} : memref<1000x32xf32, #tpu.memory_space<vmem>>, vector<16xf32>,
      tpu.vector_store %arg9[%parallel_loop3A_2239, %parallel_loop3A_2240], %select_n3A {strides = array<i32>} : memref<1000x32xf32, #tpu.memory_space<vmem>>, vector<16xf32>,
      %parallel_loop3A_2242 = arith.index_cast %parallel_loop3A_2238 : i32 to index
      %parallel_loop3A_2243 = arith.constant 16 : index
      %parallel_loop3A_2244 = tpu.vector_load %arg10[%parallel_loop3A_2242, %parallel_loop3A_2243] {strides = array<i32>} : memref<1000x32xf32, #tpu.memory_space<vmem>>, vector<16xf32>,
      tpu.vector_store %arg10[%parallel_loop3A_2242, %parallel_loop3A_2243], %select_n3A {strides = array<i32>} : memref<1000x32xf32, #tpu.memory_space<vmem>>, vector<16xf32>,
    } {sc.loop_unroll_factor = 8 : i64, sc.parallel_access}
    %barrier3A = arith.constant 0 : index
    tpu.barrier barrier_id(%barrier3A)
    %mul3A_9 = arith.constant 10000 : i32
    %mul3A_10 = arith.muli %add3A, %mul3A_9 : i32
    %add3A_11 = arith.constant 0 : i32
    %add3A_12 = arith.addi %mul3A_10, %add3A_11 : i32
    %dma_start3A = arith.constant 0 : i32
    %dma_start3A_13 = arith.constant 0 : i32
    %dma_start3A_14 = tpu.memref_slice %arg2[%add3A_12, %dma_start3A, %dma_start3A_13] : memref<320000x1x16xf32, #tpu.memory_space<hbm>> -> memref<1000x1x16xf32, #tpu.memory_space<hbm>>
    %dma_start3A_15 = arith.constant 0 : i32
    %dma_start3A_16 = arith.constant 0 : i32
    %dma_start3A_17 = tpu.memref_slice %arg2[%add3A_12, %dma_start3A_15, %dma_start3A_16] : memref<320000x1x16xf32, #tpu.memory_space<hbm>> -> memref<1000x1x16xf32, #tpu.memory_space<hbm>>
    tpu.enqueue_dma source(%dma_start3A_17 : memref<1000x1x16xf32, #tpu.memory_space<hbm>>) target(%arg7 : memref<1000x1x16xf32, #tpu.memory_space<vmem>>) target_semaphore(%arg15 : memref<!tpu.dma_semaphore, #tpu.memory_space<semaphore_mem>>)
    %dma_start3A_18 = tpu.memref_slice %arg3[%add3A_12] : memref<320000xf32, #tpu.memory_space<hbm>> -> memref<1000xf32, #tpu.memory_space<hbm>>
    %dma_start3A_19 = tpu.memref_slice %arg3[%add3A_12] : memref<320000xf32, #tpu.memory_space<hbm>> -> memref<1000xf32, #tpu.memory_space<hbm>>
    tpu.enqueue_dma source(%dma_start3A_19 : memref<1000xf32, #tpu.memory_space<hbm>>) target(%arg11 : memref<1000xf32, #tpu.memory_space<vmem>>) target_semaphore(%arg15 : memref<!tpu.dma_semaphore, #tpu.memory_space<semaphore_mem>>)
    %mul3A_20 = arith.constant 10000 : i32
    %mul3A_21 = arith.muli %add3A, %mul3A_20 : i32
    %add3A_22 = arith.constant 1000 : i32
    %add3A_23 = arith.addi %mul3A_21, %add3A_22 : i32
    %dma_start3A_24 = arith.constant 0 : i32
    %dma_start3A_25 = arith.constant 0 : i32
    %dma_start3A_26 = tpu.memref_slice %arg2[%add3A_23, %dma_start3A_24, %dma_start3A_25] : memref<320000x1x16xf32, #tpu.memory_space<hbm>> -> memref<1000x1x16xf32, #tpu.memory_space<hbm>>
    %dma_start3A_27 = arith.constant 0 : i32
    %dma_start3A_28 = arith.constant 0 : i32
    %dma_start3A_29 = tpu.memref_slice %arg2[%add3A_23, %dma_start3A_27, %dma_start3A_28] : memref<320000x1x16xf32, #tpu.memory_space<hbm>> -> memref<1000x1x16xf32, #tpu.memory_space<hbm>>
    tpu.enqueue_dma source(%dma_start3A_29 : memref<1000x1x16xf32, #tpu.memory_space<hbm>>) target(%arg8 : memref<1000x1x16xf32, #tpu.memory_space<vmem>>) target_semaphore(%arg15 : memref<!tpu.dma_semaphore, #tpu.memory_space<semaphore_mem>>)
    %dma_start3A_30 = tpu.memref_slice %arg3[%add3A_23] : memref<320000xf32, #tpu.memory_space<hbm>> -> memref<1000xf32, #tpu.memory_space<hbm>>
    %dma_start3A_31 = tpu.memref_slice %arg3[%add3A_23] : memref<320000xf32, #tpu.memory_space<hbm>> -> memref<1000xf32, #tpu.memory_space<hbm>>
    tpu.enqueue_dma source(%dma_start3A_31 : memref<1000xf32, #tpu.memory_space<hbm>>) target(%arg12 : memref<1000xf32, #tpu.memory_space<vmem>>) target_semaphore(%arg15 : memref<!tpu.dma_semaphore, #tpu.memory_space<semaphore_mem>>)
    %dma_wait3A = arith.constant 0 : i32
    %dma_wait3A_32 = arith.constant 0 : i32
    %dma_wait3A_33 = tpu.memref_slice %arg2[%add3A_12, %dma_wait3A, %dma_wait3A_32] : memref<320000x1x16xf32, #tpu.memory_space<hbm>> -> memref<1000x1x16xf32, #tpu.memory_space<hbm>>
    %dma_wait3A_34 = arith.constant 0 : i32
    %dma_wait3A_35 = arith.constant 0 : i32
    %dma_wait3A_36 = tpu.memref_slice %arg2[%add3A_12, %dma_wait3A_34, %dma_wait3A_35] : memref<320000x1x16xf32, #tpu.memory_space<hbm>> -> memref<1000x1x16xf32, #tpu.memory_space<hbm>>
    tpu.wait_dma2 semaphore(%arg15 : memref<!tpu.dma_semaphore, #tpu.memory_space<semaphore_mem>>) src(%dma_wait3A_36 : memref<1000x1x16xf32, #tpu.memory_space<hbm>>) dst(%arg7 : memref<1000x1x16xf32, #tpu.memory_space<vmem>>)
    %dma_wait3A_37 = tpu.memref_slice %arg3[%add3A_12] : memref<320000xf32, #tpu.memory_space<hbm>> -> memref<1000xf32, #tpu.memory_space<hbm>>
    %dma_wait3A_38 = tpu.memref_slice %arg3[%add3A_12] : memref<320000xf32, #tpu.memory_space<hbm>> -> memref<1000xf32, #tpu.memory_space<hbm>>
    tpu.wait_dma2 semaphore(%arg15 : memref<!tpu.dma_semaphore, #tpu.memory_space<semaphore_mem>>) src(%dma_wait3A_38 : memref<1000xf32, #tpu.memory_space<hbm>>) dst(%arg11 : memref<1000xf32, #tpu.memory_space<vmem>>)
    %parallel_loop3A_39 = arith.constant 0 : i32
    %parallel_loop3A_40 = arith.constant 1000 : i32
    %parallel_loop3A_41 = arith.constant 1 : i32
    scf.for %parallel_loop3A_2238 = %parallel_loop3A_39 to %parallel_loop3A_40 step %parallel_loop3A_41  : i32 {
      %parallel_loop3A_2239 = vector.broadcast %parallel_loop3A_2238 : i32 to vector<16xi32>
      %parallel_loop3A_2240 = tpu.vector_load_idx %arg11[%parallel_loop3A_2239] : memref<1000xf32, #tpu.memory_space<vmem>>[vector<16xi32>], vector<16xf32>,
      %parallel_loop3A_2241 = arith.constant 0 : i32
      %parallel_loop3A_2242 = arith.index_cast %parallel_loop3A_2238 : i32 to index
      %parallel_loop3A_2243 = arith.index_cast %parallel_loop3A_2241 : i32 to index
      %parallel_loop3A_2244 = arith.constant 0 : index
      %parallel_loop3A_2245 = tpu.vector_load %arg7[%parallel_loop3A_2242, %parallel_loop3A_2243, %parallel_loop3A_2244] {strides = array<i32>} : memref<1000x1x16xf32, #tpu.memory_space<vmem>>, vector<16xf32>,
      %parallel_loop3A_2246 = arith.mulf %parallel_loop3A_2245, %parallel_loop3A_2240 : vector<16xf32>
      %parallel_loop3A_2247 = arith.index_cast %parallel_loop3A_2238 : i32 to index
      %parallel_loop3A_2248 = arith.constant 0 : index
      %parallel_loop3A_2249 = tpu.vector_load %arg9[%parallel_loop3A_2247, %parallel_loop3A_2248] {strides = array<i32>} : memref<1000x32xf32, #tpu.memory_space<vmem>>, vector<16xf32>,
      tpu.vector_store %arg9[%parallel_loop3A_2247, %parallel_loop3A_2248], %parallel_loop3A_2246 {strides = array<i32>} : memref<1000x32xf32, #tpu.memory_space<vmem>>, vector<16xf32>,
    } {sc.loop_unroll_factor = 8 : i64, sc.parallel_access}
    %dma_start3A_42 = arith.constant 0 : i32
    %dma_start3A_43 = arith.constant 0 : i32
    %dma_start3A_44 = arith.constant 0 : i32
    %dma_start3A_45 = tpu.memref_slice %arg9[%dma_start3A_43, %dma_start3A_44] : memref<1000x32xf32, #tpu.memory_space<vmem>> -> memref<100x32xf32, #tpu.memory_space<vmem>>
    %dma_start3A_46 = arith.constant 0 : i32
    %dma_start3A_47 = tpu.memref_slice %arg13[%dma_start3A_42, %dma_start3A_46] : memref<100x100xi32, #tpu.memory_space<vmem>> -> memref<1x100xi32, #tpu.memory_space<vmem>>
    %dma_start3A_48 = tpu.memref_squeeze %dma_start3A_47 : memref<1x100xi32, #tpu.memory_space<vmem>> -> memref<100xi32, #tpu.memory_space<vmem>>
    %dma_start3A_49 = arith.constant 0 : i32
    %dma_start3A_50 = arith.constant 0 : i32
    %dma_start3A_51 = tpu.memref_slice %arg14[%dma_start3A_49, %dma_start3A_50] : memref<10240x32xf32, #tpu.memory_space<vmem_shared>> -> memref<10240x32xf32, #tpu.memory_space<vmem_shared>>
    tpu.enqueue_indirect_dma source(%dma_start3A_45 : memref<100x32xf32, #tpu.memory_space<vmem>>) target(%dma_start3A_51 : memref<10240x32xf32, #tpu.memory_space<vmem_shared>>) offsets(%dma_start3A_48 : memref<100xi32, #tpu.memory_space<vmem>>) semaphore(%arg16 : memref<!tpu.dma_semaphore, #tpu.memory_space<semaphore_mem>>) {add = true}
    %dma_start3A_52 = arith.constant 1 : i32
    %dma_start3A_53 = arith.constant 100 : i32
    %dma_start3A_54 = arith.constant 0 : i32
    %dma_start3A_55 = tpu.memref_slice %arg9[%dma_start3A_53, %dma_start3A_54] : memref<1000x32xf32, #tpu.memory_space<vmem>> -> memref<100x32xf32, #tpu.memory_space<vmem>>
    %dma_start3A_56 = arith.constant 0 : i32
    %dma_start3A_57 = tpu.memref_slice %arg13[%dma_start3A_52, %dma_start3A_56] : memref<100x100xi32, #tpu.memory_space<vmem>> -> memref<1x100xi32, #tpu.memory_space<vmem>>
    %dma_start3A_58 = tpu.memref_squeeze %dma_start3A_57 : memref<1x100xi32, #tpu.memory_space<vmem>> -> memref<100xi32, #tpu.memory_space<vmem>>
    %dma_start3A_59 = arith.constant 0 : i32
    %dma_start3A_60 = arith.constant 0 : i32
    %dma_start3A_61 = tpu.memref_slice %arg14[%dma_start3A_59, %dma_start3A_60] : memref<10240x32xf32, #tpu.memory_space<vmem_shared>> -> memref<10240x32xf32, #tpu.memory_space<vmem_shared>>
    tpu.enqueue_indirect_dma source(%dma_start3A_55 : memref<100x32xf32, #tpu.memory_space<vmem>>) target(%dma_start3A_61 : memref<10240x32xf32, #tpu.memory_space<vmem_shared>>) offsets(%dma_start3A_58 : memref<100xi32, #tpu.memory_space<vmem>>) semaphore(%arg16 : memref<!tpu.dma_semaphore, #tpu.memory_space<semaphore_mem>>) {add = true}
    %dma_start3A_62 = arith.constant 2 : i32
    %dma_start3A_63 = arith.constant 200 : i32
    %dma_start3A_64 = arith.constant 0 : i32
    %dma_start3A_65 = tpu.memref_slice %arg9[%dma_start3A_63, %dma_start3A_64] : memref<1000x32xf32, #tpu.memory_space<vmem>> -> memref<100x32xf32, #tpu.memory_space<vmem>>
    %dma_start3A_66 = arith.constant 0 : i32
    %dma_start3A_67 = tpu.memref_slice %arg13[%dma_start3A_62, %dma_start3A_66] : memref<100x100xi32, #tpu.memory_space<vmem>> -> memref<1x100xi32, #tpu.memory_space<vmem>>
    %dma_start3A_68 = tpu.memref_squeeze %dma_start3A_67 : memref<1x100xi32, #tpu.memory_space<vmem>> -> memref<100xi32, #tpu.memory_space<vmem>>
    %dma_start3A_69 = arith.constant 0 : i32
    %dma_start3A_70 = arith.constant 0 : i32
    %dma_start3A_71 = tpu.memref_slice %arg14[%dma_start3A_69, %dma_start3A_70] : memref<10240x32xf32, #tpu.memory_space<vmem_shared>> -> memref<10240x32xf32, #tpu.memory_space<vmem_shared>>
    tpu.enqueue_indirect_dma source(%dma_start3A_65 : memref<100x32xf32, #tpu.memory_space<vmem>>) target(%dma_start3A_71 : memref<10240x32xf32, #tpu.memory_space<vmem_shared>>) offsets(%dma_start3A_68 : memref<100xi32, #tpu.memory_space<vmem>>) semaphore(%arg16 : memref<!tpu.dma_semaphore, #tpu.memory_space<semaphore_mem>>) {add = true}
    %dma_start3A_72 = arith.constant 3 : i32
    %dma_start3A_73 = arith.constant 300 : i32
    %dma_start3A_74 = arith.constant 0 : i32
    %dma_start3A_75 = tpu.memref_slice %arg9[%dma_start3A_73, %dma_start3A_74] : memref<1000x32xf32, #tpu.memory_space<vmem>> -> memref<100x32xf32, #tpu.memory_space<vmem>>
    %dma_start3A_76 = arith.constant 0 : i32
    %dma_start3A_77 = tpu.memref_slice %arg13[%dma_start3A_72, %dma_start3A_76] : memref<100x100xi32, #tpu.memory_space<vmem>> -> memref<1x100xi32, #tpu.memory_space<vmem>>
    %dma_start3A_78 = tpu.memref_squeeze %dma_start3A_77 : memref<1x100xi32, #tpu.memory_space<vmem>> -> memref<100xi32, #tpu.memory_space<vmem>>
    %dma_start3A_79 = arith.constant 0 : i32
    %dma_start3A_80 = arith.constant 0 : i32
    %dma_start3A_81 = tpu.memref_slice %arg14[%dma_start3A_79, %dma_start3A_80] : memref<10240x32xf32, #tpu.memory_space<vmem_shared>> -> memref<10240x32xf32, #tpu.memory_space<vmem_shared>>
    tpu.enqueue_indirect_dma source(%dma_start3A_75 : memref<100x32xf32, #tpu.memory_space<vmem>>) target(%dma_start3A_81 : memref<10240x32xf32, #tpu.memory_space<vmem_shared>>) offsets(%dma_start3A_78 : memref<100xi32, #tpu.memory_space<vmem>>) semaphore(%arg16 : memref<!tpu.dma_semaphore, #tpu.memory_space<semaphore_mem>>) {add = true}
    %dma_start3A_82 = arith.constant 4 : i32
    %dma_start3A_83 = arith.constant 400 : i32
    %dma_start3A_84 = arith.constant 0 : i32
    %dma_start3A_85 = tpu.memref_slice %arg9[%dma_start3A_83, %dma_start3A_84] : memref<1000x32xf32, #tpu.memory_space<vmem>> -> memref<100x32xf32, #tpu.memory_space<vmem>>
    %dma_start3A_86 = arith.constant 0 : i32
    %dma_start3A_87 = tpu.memref_slice %arg13[%dma_start3A_82, %dma_start3A_86] : memref<100x100xi32, #tpu.memory_space<vmem>> -> memref<1x100xi32, #tpu.memory_space<vmem>>
    %dma_start3A_88 = tpu.memref_squeeze %dma_start3A_87 : memref<1x100xi32, #tpu.memory_space<vmem>> -> memref<100xi32, #tpu.memory_space<vmem>>
    %dma_start3A_89 = arith.constant 0 : i32
    %dma_start3A_90 = arith.constant 0 : i32
    %dma_start3A_91 = tpu.memref_slice %arg14[%dma_start3A_89, %dma_start3A_90] : memref<10240x32xf32, #tpu.memory_space<vmem_shared>> -> memref<10240x32xf32, #tpu.memory_space<vmem_shared>>
    tpu.enqueue_indirect_dma source(%dma_start3A_85 : memref<100x32xf32, #tpu.memory_space<vmem>>) target(%dma_start3A_91 : memref<10240x32xf32, #tpu.memory_space<vmem_shared>>) offsets(%dma_start3A_88 : memref<100xi32, #tpu.memory_space<vmem>>) semaphore(%arg16 : memref<!tpu.dma_semaphore, #tpu.memory_space<semaphore_mem>>) {add = true}
    %dma_start3A_92 = arith.constant 5 : i32
    %dma_start3A_93 = arith.constant 500 : i32
    %dma_start3A_94 = arith.constant 0 : i32
    %dma_start3A_95 = tpu.memref_slice %arg9[%dma_start3A_93, %dma_start3A_94] : memref<1000x32xf32, #tpu.memory_space<vmem>> -> memref<100x32xf32, #tpu.memory_space<vmem>>
    %dma_start3A_96 = arith.constant 0 : i32
    %dma_start3A_97 = tpu.memref_slice %arg13[%dma_start3A_92, %dma_start3A_96] : memref<100x100xi32, #tpu.memory_space<vmem>> -> memref<1x100xi32, #tpu.memory_space<vmem>>
    %dma_start3A_98 = tpu.memref_squeeze %dma_start3A_97 : memref<1x100xi32, #tpu.memory_space<vmem>> -> memref<100xi32, #tpu.memory_space<vmem>>
    %dma_start3A_99 = arith.constant 0 : i32
    %dma_start3A_100 = arith.constant 0 : i32
    %dma_start3A_101 = tpu.memref_slice %arg14[%dma_start3A_99, %dma_start3A_100] : memref<10240x32xf32, #tpu.memory_space<vmem_shared>> -> memref<10240x32xf32, #tpu.memory_space<vmem_shared>>
    tpu.enqueue_indirect_dma source(%dma_start3A_95 : memref<100x32xf32, #tpu.memory_space<vmem>>) target(%dma_start3A_101 : memref<10240x32xf32, #tpu.memory_space<vmem_shared>>) offsets(%dma_start3A_98 : memref<100xi32, #tpu.memory_space<vmem>>) semaphore(%arg16 : memref<!tpu.dma_semaphore, #tpu.memory_space<semaphore_mem>>) {add = true}
    %dma_start3A_102 = arith.constant 6 : i32
    %dma_start3A_103 = arith.constant 600 : i32
    %dma_start3A_104 = arith.constant 0 : i32
    %dma_start3A_105 = tpu.memref_slice %arg9[%dma_start3A_103, %dma_start3A_104] : memref<1000x32xf32, #tpu.memory_space<vmem>> -> memref<100x32xf32, #tpu.memory_space<vmem>>
    %dma_start3A_106 = arith.constant 0 : i32
    %dma_start3A_107 = tpu.memref_slice %arg13[%dma_start3A_102, %dma_start3A_106] : memref<100x100xi32, #tpu.memory_space<vmem>> -> memref<1x100xi32, #tpu.memory_space<vmem>>
    %dma_start3A_108 = tpu.memref_squeeze %dma_start3A_107 : memref<1x100xi32, #tpu.memory_space<vmem>> -> memref<100xi32, #tpu.memory_space<vmem>>
    %dma_start3A_109 = arith.constant 0 : i32
    %dma_start3A_110 = arith.constant 0 : i32
    %dma_start3A_111 = tpu.memref_slice %arg14[%dma_start3A_109, %dma_start3A_110] : memref<10240x32xf32, #tpu.memory_space<vmem_shared>> -> memref<10240x32xf32, #tpu.memory_space<vmem_shared>>
    tpu.enqueue_indirect_dma source(%dma_start3A_105 : memref<100x32xf32, #tpu.memory_space<vmem>>) target(%dma_start3A_111 : memref<10240x32xf32, #tpu.memory_space<vmem_shared>>) offsets(%dma_start3A_108 : memref<100xi32, #tpu.memory_space<vmem>>) semaphore(%arg16 : memref<!tpu.dma_semaphore, #tpu.memory_space<semaphore_mem>>) {add = true}
    %dma_start3A_112 = arith.constant 7 : i32
    %dma_start3A_113 = arith.constant 700 : i32
    %dma_start3A_114 = arith.constant 0 : i32
    %dma_start3A_115 = tpu.memref_slice %arg9[%dma_start3A_113, %dma_start3A_114] : memref<1000x32xf32, #tpu.memory_space<vmem>> -> memref<100x32xf32, #tpu.memory_space<vmem>>
    %dma_start3A_116 = arith.constant 0 : i32
    %dma_start3A_117 = tpu.memref_slice %arg13[%dma_start3A_112, %dma_start3A_116] : memref<100x100xi32, #tpu.memory_space<vmem>> -> memref<1x100xi32, #tpu.memory_space<vmem>>
    %dma_start3A_118 = tpu.memref_squeeze %dma_start3A_117 : memref<1x100xi32, #tpu.memory_space<vmem>> -> memref<100xi32, #tpu.memory_space<vmem>>
    %dma_start3A_119 = arith.constant 0 : i32
    %dma_start3A_120 = arith.constant 0 : i32
    %dma_start3A_121 = tpu.memref_slice %arg14[%dma_start3A_119, %dma_start3A_120] : memref<10240x32xf32, #tpu.memory_space<vmem_shared>> -> memref<10240x32xf32, #tpu.memory_space<vmem_shared>>
    tpu.enqueue_indirect_dma source(%dma_start3A_115 : memref<100x32xf32, #tpu.memory_space<vmem>>) target(%dma_start3A_121 : memref<10240x32xf32, #tpu.memory_space<vmem_shared>>) offsets(%dma_start3A_118 : memref<100xi32, #tpu.memory_space<vmem>>) semaphore(%arg16 : memref<!tpu.dma_semaphore, #tpu.memory_space<semaphore_mem>>) {add = true}
    %dma_start3A_122 = arith.constant 8 : i32
    %dma_start3A_123 = arith.constant 800 : i32
    %dma_start3A_124 = arith.constant 0 : i32
    %dma_start3A_125 = tpu.memref_slice %arg9[%dma_start3A_123, %dma_start3A_124] : memref<1000x32xf32, #tpu.memory_space<vmem>> -> memref<100x32xf32, #tpu.memory_space<vmem>>
    %dma_start3A_126 = arith.constant 0 : i32
    %dma_start3A_127 = tpu.memref_slice %arg13[%dma_start3A_122, %dma_start3A_126] : memref<100x100xi32, #tpu.memory_space<vmem>> -> memref<1x100xi32, #tpu.memory_space<vmem>>
    %dma_start3A_128 = tpu.memref_squeeze %dma_start3A_127 : memref<1x100xi32, #tpu.memory_space<vmem>> -> memref<100xi32, #tpu.memory_space<vmem>>
    %dma_start3A_129 = arith.constant 0 : i32
    %dma_start3A_130 = arith.constant 0 : i32
    %dma_start3A_131 = tpu.memref_slice %arg14[%dma_start3A_129, %dma_start3A_130] : memref<10240x32xf32, #tpu.memory_space<vmem_shared>> -> memref<10240x32xf32, #tpu.memory_space<vmem_shared>>
    tpu.enqueue_indirect_dma source(%dma_start3A_125 : memref<100x32xf32, #tpu.memory_space<vmem>>) target(%dma_start3A_131 : memref<10240x32xf32, #tpu.memory_space<vmem_shared>>) offsets(%dma_start3A_128 : memref<100xi32, #tpu.memory_space<vmem>>) semaphore(%arg16 : memref<!tpu.dma_semaphore, #tpu.memory_space<semaphore_mem>>) {add = true}
    %dma_start3A_132 = arith.constant 9 : i32
    %dma_start3A_133 = arith.constant 900 : i32
    %dma_start3A_134 = arith.constant 0 : i32
    %dma_start3A_135 = tpu.memref_slice %arg9[%dma_start3A_133, %dma_start3A_134] : memref<1000x32xf32, #tpu.memory_space<vmem>> -> memref<100x32xf32, #tpu.memory_space<vmem>>
    %dma_start3A_136 = arith.constant 0 : i32
    %dma_start3A_137 = tpu.memref_slice %arg13[%dma_start3A_132, %dma_start3A_136] : memref<100x100xi32, #tpu.memory_space<vmem>> -> memref<1x100xi32, #tpu.memory_space<vmem>>
    %dma_start3A_138 = tpu.memref_squeeze %dma_start3A_137 : memref<1x100xi32, #tpu.memory_space<vmem>> -> memref<100xi32, #tpu.memory_space<vmem>>
    %dma_start3A_139 = arith.constant 0 : i32
    %dma_start3A_140 = arith.constant 0 : i32
    %dma_start3A_141 = tpu.memref_slice %arg14[%dma_start3A_139, %dma_start3A_140] : memref<10240x32xf32, #tpu.memory_space<vmem_shared>> -> memref<10240x32xf32, #tpu.memory_space<vmem_shared>>
    tpu.enqueue_indirect_dma source(%dma_start3A_135 : memref<100x32xf32, #tpu.memory_space<vmem>>) target(%dma_start3A_141 : memref<10240x32xf32, #tpu.memory_space<vmem_shared>>) offsets(%dma_start3A_138 : memref<100xi32, #tpu.memory_space<vmem>>) semaphore(%arg16 : memref<!tpu.dma_semaphore, #tpu.memory_space<semaphore_mem>>) {add = true}
    %dma_wait3A_142 = arith.constant 0 : i32
    %dma_wait3A_143 = arith.constant 0 : i32
    %dma_wait3A_144 = arith.constant 0 : i32
    %dma_wait3A_145 = tpu.memref_slice %arg9[%dma_wait3A_143, %dma_wait3A_144] : memref<1000x32xf32, #tpu.memory_space<vmem>> -> memref<100x32xf32, #tpu.memory_space<vmem>>
    %dma_wait3A_146 = arith.constant 0 : i32
    %dma_wait3A_147 = tpu.memref_slice %arg13[%dma_wait3A_142, %dma_wait3A_146] : memref<100x100xi32, #tpu.memory_space<vmem>> -> memref<1x100xi32, #tpu.memory_space<vmem>>
    %dma_wait3A_148 = tpu.memref_squeeze %dma_wait3A_147 : memref<1x100xi32, #tpu.memory_space<vmem>> -> memref<100xi32, #tpu.memory_space<vmem>>
    %dma_wait3A_149 = arith.constant 0 : i32
    %dma_wait3A_150 = arith.constant 0 : i32
    %dma_wait3A_151 = tpu.memref_slice %arg14[%dma_wait3A_149, %dma_wait3A_150] : memref<10240x32xf32, #tpu.memory_space<vmem_shared>> -> memref<10240x32xf32, #tpu.memory_space<vmem_shared>>
    tpu.wait_indirect_dma semaphore(%arg16 : memref<!tpu.dma_semaphore, #tpu.memory_space<semaphore_mem>>) src(%dma_wait3A_145 : memref<100x32xf32, #tpu.memory_space<vmem>>) dst(%dma_wait3A_151 : memref<10240x32xf32, #tpu.memory_space<vmem_shared>>)
    %dma_wait3A_152 = arith.constant 1 : i32
    %dma_wait3A_153 = arith.constant 100 : i32
    %dma_wait3A_154 = arith.constant 0 : i32
    %dma_wait3A_155 = tpu.memref_slice %arg9[%dma_wait3A_153, %dma_wait3A_154] : memref<1000x32xf32, #tpu.memory_space<vmem>> -> memref<100x32xf32, #tpu.memory_space<vmem>>
    %dma_wait3A_156 = arith.constant 0 : i32
    %dma_wait3A_157 = tpu.memref_slice %arg13[%dma_wait3A_152, %dma_wait3A_156] : memref<100x100xi32, #tpu.memory_space<vmem>> -> memref<1x100xi32, #tpu.memory_space<vmem>>
    %dma_wait3A_158 = tpu.memref_squeeze %dma_wait3A_157 : memref<1x100xi32, #tpu.memory_space<vmem>> -> memref<100xi32, #tpu.memory_space<vmem>>
    %dma_wait3A_159 = arith.constant 0 : i32
    %dma_wait3A_160 = arith.constant 0 : i32
    %dma_wait3A_161 = tpu.memref_slice %arg14[%dma_wait3A_159, %dma_wait3A_160] : memref<10240x32xf32, #tpu.memory_space<vmem_shared>> -> memref<10240x32xf32, #tpu.memory_space<vmem_shared>>
    tpu.wait_indirect_dma semaphore(%arg16 : memref<!tpu.dma_semaphore, #tpu.memory_space<semaphore_mem>>) src(%dma_wait3A_155 : memref<100x32xf32, #tpu.memory_space<vmem>>) dst(%dma_wait3A_161 : memref<10240x32xf32, #tpu.memory_space<vmem_shared>>)
    %dma_wait3A_162 = arith.constant 2 : i32
    %dma_wait3A_163 = arith.constant 200 : i32
    %dma_wait3A_164 = arith.constant 0 : i32
    %dma_wait3A_165 = tpu.memref_slice %arg9[%dma_wait3A_163, %dma_wait3A_164] : memref<1000x32xf32, #tpu.memory_space<vmem>> -> memref<100x32xf32, #tpu.memory_space<vmem>>
    %dma_wait3A_166 = arith.constant 0 : i32
    %dma_wait3A_167 = tpu.memref_slice %arg13[%dma_wait3A_162, %dma_wait3A_166] : memref<100x100xi32, #tpu.memory_space<vmem>> -> memref<1x100xi32, #tpu.memory_space<vmem>>
    %dma_wait3A_168 = tpu.memref_squeeze %dma_wait3A_167 : memref<1x100xi32, #tpu.memory_space<vmem>> -> memref<100xi32, #tpu.memory_space<vmem>>
    %dma_wait3A_169 = arith.constant 0 : i32
    %dma_wait3A_170 = arith.constant 0 : i32
    %dma_wait3A_171 = tpu.memref_slice %arg14[%dma_wait3A_169, %dma_wait3A_170] : memref<10240x32xf32, #tpu.memory_space<vmem_shared>> -> memref<10240x32xf32, #tpu.memory_space<vmem_shared>>
    tpu.wait_indirect_dma semaphore(%arg16 : memref<!tpu.dma_semaphore, #tpu.memory_space<semaphore_mem>>) src(%dma_wait3A_165 : memref<100x32xf32, #tpu.memory_space<vmem>>) dst(%dma_wait3A_171 : memref<10240x32xf32, #tpu.memory_space<vmem_shared>>)
    %dma_wait3A_172 = arith.constant 3 : i32
    %dma_wait3A_173 = arith.constant 300 : i32
    %dma_wait3A_174 = arith.constant 0 : i32
    %dma_wait3A_175 = tpu.memref_slice %arg9[%dma_wait3A_173, %dma_wait3A_174] : memref<1000x32xf32, #tpu.memory_space<vmem>> -> memref<100x32xf32, #tpu.memory_space<vmem>>
    %dma_wait3A_176 = arith.constant 0 : i32
    %dma_wait3A_177 = tpu.memref_slice %arg13[%dma_wait3A_172, %dma_wait3A_176] : memref<100x100xi32, #tpu.memory_space<vmem>> -> memref<1x100xi32, #tpu.memory_space<vmem>>
    %dma_wait3A_178 = tpu.memref_squeeze %dma_wait3A_177 : memref<1x100xi32, #tpu.memory_space<vmem>> -> memref<100xi32, #tpu.memory_space<vmem>>
    %dma_wait3A_179 = arith.constant 0 : i32
    %dma_wait3A_180 = arith.constant 0 : i32
    %dma_wait3A_181 = tpu.memref_slice %arg14[%dma_wait3A_179, %dma_wait3A_180] : memref<10240x32xf32, #tpu.memory_space<vmem_shared>> -> memref<10240x32xf32, #tpu.memory_space<vmem_shared>>
    tpu.wait_indirect_dma semaphore(%arg16 : memref<!tpu.dma_semaphore, #tpu.memory_space<semaphore_mem>>) src(%dma_wait3A_175 : memref<100x32xf32, #tpu.memory_space<vmem>>) dst(%dma_wait3A_181 : memref<10240x32xf32, #tpu.memory_space<vmem_shared>>)
    %dma_wait3A_182 = arith.constant 4 : i32
    %dma_wait3A_183 = arith.constant 400 : i32
    %dma_wait3A_184 = arith.constant 0 : i32
    %dma_wait3A_185 = tpu.memref_slice %arg9[%dma_wait3A_183, %dma_wait3A_184] : memref<1000x32xf32, #tpu.memory_space<vmem>> -> memref<100x32xf32, #tpu.memory_space<vmem>>
    %dma_wait3A_186 = arith.constant 0 : i32
    %dma_wait3A_187 = tpu.memref_slice %arg13[%dma_wait3A_182, %dma_wait3A_186] : memref<100x100xi32, #tpu.memory_space<vmem>> -> memref<1x100xi32, #tpu.memory_space<vmem>>
    %dma_wait3A_188 = tpu.memref_squeeze %dma_wait3A_187 : memref<1x100xi32, #tpu.memory_space<vmem>> -> memref<100xi32, #tpu.memory_space<vmem>>
    %dma_wait3A_189 = arith.constant 0 : i32
    %dma_wait3A_190 = arith.constant 0 : i32
    %dma_wait3A_191 = tpu.memref_slice %arg14[%dma_wait3A_189, %dma_wait3A_190] : memref<10240x32xf32, #tpu.memory_space<vmem_shared>> -> memref<10240x32xf32, #tpu.memory_space<vmem_shared>>
    tpu.wait_indirect_dma semaphore(%arg16 : memref<!tpu.dma_semaphore, #tpu.memory_space<semaphore_mem>>) src(%dma_wait3A_185 : memref<100x32xf32, #tpu.memory_space<vmem>>) dst(%dma_wait3A_191 : memref<10240x32xf32, #tpu.memory_space<vmem_shared>>)
    %dma_wait3A_192 = arith.constant 5 : i32
    %dma_wait3A_193 = arith.constant 500 : i32
    %dma_wait3A_194 = arith.constant 0 : i32
    %dma_wait3A_195 = tpu.memref_slice %arg9[%dma_wait3A_193, %dma_wait3A_194] : memref<1000x32xf32, #tpu.memory_space<vmem>> -> memref<100x32xf32, #tpu.memory_space<vmem>>
    %dma_wait3A_196 = arith.constant 0 : i32
    %dma_wait3A_197 = tpu.memref_slice %arg13[%dma_wait3A_192, %dma_wait3A_196] : memref<100x100xi32, #tpu.memory_space<vmem>> -> memref<1x100xi32, #tpu.memory_space<vmem>>
    %dma_wait3A_198 = tpu.memref_squeeze %dma_wait3A_197 : memref<1x100xi32, #tpu.memory_space<vmem>> -> memref<100xi32, #tpu.memory_space<vmem>>
    %dma_wait3A_199 = arith.constant 0 : i32
    %dma_wait3A_200 = arith.constant 0 : i32
    %dma_wait3A_201 = tpu.memref_slice %arg14[%dma_wait3A_199, %dma_wait3A_200] : memref<10240x32xf32, #tpu.memory_space<vmem_shared>> -> memref<10240x32xf32, #tpu.memory_space<vmem_shared>>
    tpu.wait_indirect_dma semaphore(%arg16 : memref<!tpu.dma_semaphore, #tpu.memory_space<semaphore_mem>>) src(%dma_wait3A_195 : memref<100x32xf32, #tpu.memory_space<vmem>>) dst(%dma_wait3A_201 : memref<10240x32xf32, #tpu.memory_space<vmem_shared>>)
    %dma_wait3A_202 = arith.constant 6 : i32
    %dma_wait3A_203 = arith.constant 600 : i32
    %dma_wait3A_204 = arith.constant 0 : i32
    %dma_wait3A_205 = tpu.memref_slice %arg9[%dma_wait3A_203, %dma_wait3A_204] : memref<1000x32xf32, #tpu.memory_space<vmem>> -> memref<100x32xf32, #tpu.memory_space<vmem>>
    %dma_wait3A_206 = arith.constant 0 : i32
    %dma_wait3A_207 = tpu.memref_slice %arg13[%dma_wait3A_202, %dma_wait3A_206] : memref<100x100xi32, #tpu.memory_space<vmem>> -> memref<1x100xi32, #tpu.memory_space<vmem>>
    %dma_wait3A_208 = tpu.memref_squeeze %dma_wait3A_207 : memref<1x100xi32, #tpu.memory_space<vmem>> -> memref<100xi32, #tpu.memory_space<vmem>>
    %dma_wait3A_209 = arith.constant 0 : i32
    %dma_wait3A_210 = arith.constant 0 : i32
    %dma_wait3A_211 = tpu.memref_slice %arg14[%dma_wait3A_209, %dma_wait3A_210] : memref<10240x32xf32, #tpu.memory_space<vmem_shared>> -> memref<10240x32xf32, #tpu.memory_space<vmem_shared>>
    tpu.wait_indirect_dma semaphore(%arg16 : memref<!tpu.dma_semaphore, #tpu.memory_space<semaphore_mem>>) src(%dma_wait3A_205 : memref<100x32xf32, #tpu.memory_space<vmem>>) dst(%dma_wait3A_211 : memref<10240x32xf32, #tpu.memory_space<vmem_shared>>)
    %dma_wait3A_212 = arith.constant 7 : i32
    %dma_wait3A_213 = arith.constant 700 : i32
    %dma_wait3A_214 = arith.constant 0 : i32
    %dma_wait3A_215 = tpu.memref_slice %arg9[%dma_wait3A_213, %dma_wait3A_214] : memref<1000x32xf32, #tpu.memory_space<vmem>> -> memref<100x32xf32, #tpu.memory_space<vmem>>
    %dma_wait3A_216 = arith.constant 0 : i32
    %dma_wait3A_217 = tpu.memref_slice %arg13[%dma_wait3A_212, %dma_wait3A_216] : memref<100x100xi32, #tpu.memory_space<vmem>> -> memref<1x100xi32, #tpu.memory_space<vmem>>
    %dma_wait3A_218 = tpu.memref_squeeze %dma_wait3A_217 : memref<1x100xi32, #tpu.memory_space<vmem>> -> memref<100xi32, #tpu.memory_space<vmem>>
    %dma_wait3A_219 = arith.constant 0 : i32
    %dma_wait3A_220 = arith.constant 0 : i32
    %dma_wait3A_221 = tpu.memref_slice %arg14[%dma_wait3A_219, %dma_wait3A_220] : memref<10240x32xf32, #tpu.memory_space<vmem_shared>> -> memref<10240x32xf32, #tpu.memory_space<vmem_shared>>
    tpu.wait_indirect_dma semaphore(%arg16 : memref<!tpu.dma_semaphore, #tpu.memory_space<semaphore_mem>>) src(%dma_wait3A_215 : memref<100x32xf32, #tpu.memory_space<vmem>>) dst(%dma_wait3A_221 : memref<10240x32xf32, #tpu.memory_space<vmem_shared>>)
    %dma_wait3A_222 = arith.constant 8 : i32
    %dma_wait3A_223 = arith.constant 800 : i32
    %dma_wait3A_224 = arith.constant 0 : i32
    %dma_wait3A_225 = tpu.memref_slice %arg9[%dma_wait3A_223, %dma_wait3A_224] : memref<1000x32xf32, #tpu.memory_space<vmem>> -> memref<100x32xf32, #tpu.memory_space<vmem>>
    %dma_wait3A_226 = arith.constant 0 : i32
    %dma_wait3A_227 = tpu.memref_slice %arg13[%dma_wait3A_222, %dma_wait3A_226] : memref<100x100xi32, #tpu.memory_space<vmem>> -> memref<1x100xi32, #tpu.memory_space<vmem>>
    %dma_wait3A_228 = tpu.memref_squeeze %dma_wait3A_227 : memref<1x100xi32, #tpu.memory_space<vmem>> -> memref<100xi32, #tpu.memory_space<vmem>>
    %dma_wait3A_229 = arith.constant 0 : i32
    %dma_wait3A_230 = arith.constant 0 : i32
    %dma_wait3A_231 = tpu.memref_slice %arg14[%dma_wait3A_229, %dma_wait3A_230] : memref<10240x32xf32, #tpu.memory_space<vmem_shared>> -> memref<10240x32xf32, #tpu.memory_space<vmem_shared>>
    tpu.wait_indirect_dma semaphore(%arg16 : memref<!tpu.dma_semaphore, #tpu.memory_space<semaphore_mem>>) src(%dma_wait3A_225 : memref<100x32xf32, #tpu.memory_space<vmem>>) dst(%dma_wait3A_231 : memref<10240x32xf32, #tpu.memory_space<vmem_shared>>)
    %dma_wait3A_232 = arith.constant 9 : i32
    %dma_wait3A_233 = arith.constant 900 : i32
    %dma_wait3A_234 = arith.constant 0 : i32
    %dma_wait3A_235 = tpu.memref_slice %arg9[%dma_wait3A_233, %dma_wait3A_234] : memref<1000x32xf32, #tpu.memory_space<vmem>> -> memref<100x32xf32, #tpu.memory_space<vmem>>
    %dma_wait3A_236 = arith.constant 0 : i32
    %dma_wait3A_237 = tpu.memref_slice %arg13[%dma_wait3A_232, %dma_wait3A_236] : memref<100x100xi32, #tpu.memory_space<vmem>> -> memref<1x100xi32, #tpu.memory_space<vmem>>
    %dma_wait3A_238 = tpu.memref_squeeze %dma_wait3A_237 : memref<1x100xi32, #tpu.memory_space<vmem>> -> memref<100xi32, #tpu.memory_space<vmem>>
    %dma_wait3A_239 = arith.constant 0 : i32
    %dma_wait3A_240 = arith.constant 0 : i32
    %dma_wait3A_241 = tpu.memref_slice %arg14[%dma_wait3A_239, %dma_wait3A_240] : memref<10240x32xf32, #tpu.memory_space<vmem_shared>> -> memref<10240x32xf32, #tpu.memory_space<vmem_shared>>
    tpu.wait_indirect_dma semaphore(%arg16 : memref<!tpu.dma_semaphore, #tpu.memory_space<semaphore_mem>>) src(%dma_wait3A_235 : memref<100x32xf32, #tpu.memory_space<vmem>>) dst(%dma_wait3A_241 : memref<10240x32xf32, #tpu.memory_space<vmem_shared>>)
    %mul3A_242 = arith.constant 10000 : i32
    %mul3A_243 = arith.muli %add3A, %mul3A_242 : i32
    %add3A_244 = arith.constant 2000 : i32
    %add3A_245 = arith.addi %mul3A_243, %add3A_244 : i32
    %dma_start3A_246 = arith.constant 0 : i32
    %dma_start3A_247 = arith.constant 0 : i32
    %dma_start3A_248 = tpu.memref_slice %arg2[%add3A_245, %dma_start3A_246, %dma_start3A_247] : memref<320000x1x16xf32, #tpu.memory_space<hbm>> -> memref<1000x1x16xf32, #tpu.memory_space<hbm>>
    %dma_start3A_249 = arith.constant 0 : i32
    %dma_start3A_250 = arith.constant 0 : i32
    %dma_start3A_251 = tpu.memref_slice %arg2[%add3A_245, %dma_start3A_249, %dma_start3A_250] : memref<320000x1x16xf32, #tpu.memory_space<hbm>> -> memref<1000x1x16xf32, #tpu.memory_space<hbm>>
    tpu.enqueue_dma source(%dma_start3A_251 : memref<1000x1x16xf32, #tpu.memory_space<hbm>>) target(%arg7 : memref<1000x1x16xf32, #tpu.memory_space<vmem>>) target_semaphore(%arg15 : memref<!tpu.dma_semaphore, #tpu.memory_space<semaphore_mem>>)
    %dma_start3A_252 = tpu.memref_slice %arg3[%add3A_245] : memref<320000xf32, #tpu.memory_space<hbm>> -> memref<1000xf32, #tpu.memory_space<hbm>>
    %dma_start3A_253 = tpu.memref_slice %arg3[%add3A_245] : memref<320000xf32, #tpu.memory_space<hbm>> -> memref<1000xf32, #tpu.memory_space<hbm>>
    tpu.enqueue_dma source(%dma_start3A_253 : memref<1000xf32, #tpu.memory_space<hbm>>) target(%arg11 : memref<1000xf32, #tpu.memory_space<vmem>>) target_semaphore(%arg15 : memref<!tpu.dma_semaphore, #tpu.memory_space<semaphore_mem>>)
    %dma_wait3A_254 = arith.constant 0 : i32
    %dma_wait3A_255 = arith.constant 0 : i32
    %dma_wait3A_256 = tpu.memref_slice %arg2[%add3A_23, %dma_wait3A_254, %dma_wait3A_255] : memref<320000x1x16xf32, #tpu.memory_space<hbm>> -> memref<1000x1x16xf32, #tpu.memory_space<hbm>>
    %dma_wait3A_257 = arith.constant 0 : i32
    %dma_wait3A_258 = arith.constant 0 : i32
    %dma_wait3A_259 = tpu.memref_slice %arg2[%add3A_23, %dma_wait3A_257, %dma_wait3A_258] : memref<320000x1x16xf32, #tpu.memory_space<hbm>> -> memref<1000x1x16xf32, #tpu.memory_space<hbm>>
    tpu.wait_dma2 semaphore(%arg15 : memref<!tpu.dma_semaphore, #tpu.memory_space<semaphore_mem>>) src(%dma_wait3A_259 : memref<1000x1x16xf32, #tpu.memory_space<hbm>>) dst(%arg8 : memref<1000x1x16xf32, #tpu.memory_space<vmem>>)
    %dma_wait3A_260 = tpu.memref_slice %arg3[%add3A_23] : memref<320000xf32, #tpu.memory_space<hbm>> -> memref<1000xf32, #tpu.memory_space<hbm>>
    %dma_wait3A_261 = tpu.memref_slice %arg3[%add3A_23] : memref<320000xf32, #tpu.memory_space<hbm>> -> memref<1000xf32, #tpu.memory_space<hbm>>
    tpu.wait_dma2 semaphore(%arg15 : memref<!tpu.dma_semaphore, #tpu.memory_space<semaphore_mem>>) src(%dma_wait3A_261 : memref<1000xf32, #tpu.memory_space<hbm>>) dst(%arg12 : memref<1000xf32, #tpu.memory_space<vmem>>)
    %parallel_loop3A_262 = arith.constant 0 : i32
    %parallel_loop3A_263 = arith.constant 1000 : i32
    %parallel_loop3A_264 = arith.constant 1 : i32
    scf.for %parallel_loop3A_2238 = %parallel_loop3A_262 to %parallel_loop3A_263 step %parallel_loop3A_264  : i32 {
      %parallel_loop3A_2239 = vector.broadcast %parallel_loop3A_2238 : i32 to vector<16xi32>
      %parallel_loop3A_2240 = tpu.vector_load_idx %arg12[%parallel_loop3A_2239] : memref<1000xf32, #tpu.memory_space<vmem>>[vector<16xi32>], vector<16xf32>,
      %parallel_loop3A_2241 = arith.constant 0 : i32
      %parallel_loop3A_2242 = arith.index_cast %parallel_loop3A_2238 : i32 to index
      %parallel_loop3A_2243 = arith.index_cast %parallel_loop3A_2241 : i32 to index
      %parallel_loop3A_2244 = arith.constant 0 : index
      %parallel_loop3A_2245 = tpu.vector_load %arg8[%parallel_loop3A_2242, %parallel_loop3A_2243, %parallel_loop3A_2244] {strides = array<i32>} : memref<1000x1x16xf32, #tpu.memory_space<vmem>>, vector<16xf32>,
      %parallel_loop3A_2246 = arith.mulf %parallel_loop3A_2245, %parallel_loop3A_2240 : vector<16xf32>
      %parallel_loop3A_2247 = arith.index_cast %parallel_loop3A_2238 : i32 to index
      %parallel_loop3A_2248 = arith.constant 0 : index
      %parallel_loop3A_2249 = tpu.vector_load %arg10[%parallel_loop3A_2247, %parallel_loop3A_2248] {strides = array<i32>} : memref<1000x32xf32, #tpu.memory_space<vmem>>, vector<16xf32>,
      tpu.vector_store %arg10[%parallel_loop3A_2247, %parallel_loop3A_2248], %parallel_loop3A_2246 {strides = array<i32>} : memref<1000x32xf32, #tpu.memory_space<vmem>>, vector<16xf32>,
    } {sc.loop_unroll_factor = 8 : i64, sc.parallel_access}
    %dma_start3A_265 = arith.constant 10 : i32
    %dma_start3A_266 = arith.constant 0 : i32
    %dma_start3A_267 = arith.constant 0 : i32
    %dma_start3A_268 = tpu.memref_slice %arg10[%dma_start3A_266, %dma_start3A_267] : memref<1000x32xf32, #tpu.memory_space<vmem>> -> memref<100x32xf32, #tpu.memory_space<vmem>>
    %dma_start3A_269 = arith.constant 0 : i32
    %dma_start3A_270 = tpu.memref_slice %arg13[%dma_start3A_265, %dma_start3A_269] : memref<100x100xi32, #tpu.memory_space<vmem>> -> memref<1x100xi32, #tpu.memory_space<vmem>>
    %dma_start3A_271 = tpu.memref_squeeze %dma_start3A_270 : memref<1x100xi32, #tpu.memory_space<vmem>> -> memref<100xi32, #tpu.memory_space<vmem>>
    %dma_start3A_272 = arith.constant 0 : i32
    %dma_start3A_273 = arith.constant 0 : i32
    %dma_start3A_274 = tpu.memref_slice %arg14[%dma_start3A_272, %dma_start3A_273] : memref<10240x32xf32, #tpu.memory_space<vmem_shared>> -> memref<10240x32xf32, #tpu.memory_space<vmem_shared>>
    tpu.enqueue_indirect_dma source(%dma_start3A_268 : memref<100x32xf32, #tpu.memory_space<vmem>>) target(%dma_start3A_274 : memref<10240x32xf32, #tpu.memory_space<vmem_shared>>) offsets(%dma_start3A_271 : memref<100xi32, #tpu.memory_space<vmem>>) semaphore(%arg16 : memref<!tpu.dma_semaphore, #tpu.memory_space<semaphore_mem>>) {add = true}
    %dma_start3A_275 = arith.constant 11 : i32
    %dma_start3A_276 = arith.constant 100 : i32
    %dma_start3A_277 = arith.constant 0 : i32
    %dma_start3A_278 = tpu.memref_slice %arg10[%dma_start3A_276, %dma_start3A_277] : memref<1000x32xf32, #tpu.memory_space<vmem>> -> memref<100x32xf32, #tpu.memory_space<vmem>>
    %dma_start3A_279 = arith.constant 0 : i32
    %dma_start3A_280 = tpu.memref_slice %arg13[%dma_start3A_275, %dma_start3A_279] : memref<100x100xi32, #tpu.memory_space<vmem>> -> memref<1x100xi32, #tpu.memory_space<vmem>>
    %dma_start3A_281 = tpu.memref_squeeze %dma_start3A_280 : memref<1x100xi32, #tpu.memory_space<vmem>> -> memref<100xi32, #tpu.memory_space<vmem>>
    %dma_start3A_282 = arith.constant 0 : i32
    %dma_start3A_283 = arith.constant 0 : i32
    %dma_start3A_284 = tpu.memref_slice %arg14[%dma_start3A_282, %dma_start3A_283] : memref<10240x32xf32, #tpu.memory_space<vmem_shared>> -> memref<10240x32xf32, #tpu.memory_space<vmem_shared>>
    tpu.enqueue_indirect_dma source(%dma_start3A_278 : memref<100x32xf32, #tpu.memory_space<vmem>>) target(%dma_start3A_284 : memref<10240x32xf32, #tpu.memory_space<vmem_shared>>) offsets(%dma_start3A_281 : memref<100xi32, #tpu.memory_space<vmem>>) semaphore(%arg16 : memref<!tpu.dma_semaphore, #tpu.memory_space<semaphore_mem>>) {add = true}
    %dma_start3A_285 = arith.constant 12 : i32
    %dma_start3A_286 = arith.constant 200 : i32
    %dma_start3A_287 = arith.constant 0 : i32
    %dma_start3A_288 = tpu.memref_slice %arg10[%dma_start3A_286, %dma_start3A_287] : memref<1000x32xf32, #tpu.memory_space<vmem>> -> memref<100x32xf32, #tpu.memory_space<vmem>>
    %dma_start3A_289 = arith.constant 0 : i32
    %dma_start3A_290 = tpu.memref_slice %arg13[%dma_start3A_285, %dma_start3A_289] : memref<100x100xi32, #tpu.memory_space<vmem>> -> memref<1x100xi32, #tpu.memory_space<vmem>>
    %dma_start3A_291 = tpu.memref_squeeze %dma_start3A_290 : memref<1x100xi32, #tpu.memory_space<vmem>> -> memref<100xi32, #tpu.memory_space<vmem>>
    %dma_start3A_292 = arith.constant 0 : i32
    %dma_start3A_293 = arith.constant 0 : i32
    %dma_start3A_294 = tpu.memref_slice %arg14[%dma_start3A_292, %dma_start3A_293] : memref<10240x32xf32, #tpu.memory_space<vmem_shared>> -> memref<10240x32xf32, #tpu.memory_space<vmem_shared>>
    tpu.enqueue_indirect_dma source(%dma_start3A_288 : memref<100x32xf32, #tpu.memory_space<vmem>>) target(%dma_start3A_294 : memref<10240x32xf32, #tpu.memory_space<vmem_shared>>) offsets(%dma_start3A_291 : memref<100xi32, #tpu.memory_space<vmem>>) semaphore(%arg16 : memref<!tpu.dma_semaphore, #tpu.memory_space<semaphore_mem>>) {add = true}
    %dma_start3A_295 = arith.constant 13 : i32
    %dma_start3A_296 = arith.constant 300 : i32
    %dma_start3A_297 = arith.constant 0 : i32
    %dma_start3A_298 = tpu.memref_slice %arg10[%dma_start3A_296, %dma_start3A_297] : memref<1000x32xf32, #tpu.memory_space<vmem>> -> memref<100x32xf32, #tpu.memory_space<vmem>>
    %dma_start3A_299 = arith.constant 0 : i32
    %dma_start3A_300 = tpu.memref_slice %arg13[%dma_start3A_295, %dma_start3A_299] : memref<100x100xi32, #tpu.memory_space<vmem>> -> memref<1x100xi32, #tpu.memory_space<vmem>>
    %dma_start3A_301 = tpu.memref_squeeze %dma_start3A_300 : memref<1x100xi32, #tpu.memory_space<vmem>> -> memref<100xi32, #tpu.memory_space<vmem>>
    %dma_start3A_302 = arith.constant 0 : i32
    %dma_start3A_303 = arith.constant 0 : i32
    %dma_start3A_304 = tpu.memref_slice %arg14[%dma_start3A_302, %dma_start3A_303] : memref<10240x32xf32, #tpu.memory_space<vmem_shared>> -> memref<10240x32xf32, #tpu.memory_space<vmem_shared>>
    tpu.enqueue_indirect_dma source(%dma_start3A_298 : memref<100x32xf32, #tpu.memory_space<vmem>>) target(%dma_start3A_304 : memref<10240x32xf32, #tpu.memory_space<vmem_shared>>) offsets(%dma_start3A_301 : memref<100xi32, #tpu.memory_space<vmem>>) semaphore(%arg16 : memref<!tpu.dma_semaphore, #tpu.memory_space<semaphore_mem>>) {add = true}
    %dma_start3A_305 = arith.constant 14 : i32
    %dma_start3A_306 = arith.constant 400 : i32
    %dma_start3A_307 = arith.constant 0 : i32
    %dma_start3A_308 = tpu.memref_slice %arg10[%dma_start3A_306, %dma_start3A_307] : memref<1000x32xf32, #tpu.memory_space<vmem>> -> memref<100x32xf32, #tpu.memory_space<vmem>>
    %dma_start3A_309 = arith.constant 0 : i32
    %dma_start3A_310 = tpu.memref_slice %arg13[%dma_start3A_305, %dma_start3A_309] : memref<100x100xi32, #tpu.memory_space<vmem>> -> memref<1x100xi32, #tpu.memory_space<vmem>>
    %dma_start3A_311 = tpu.memref_squeeze %dma_start3A_310 : memref<1x100xi32, #tpu.memory_space<vmem>> -> memref<100xi32, #tpu.memory_space<vmem>>
    %dma_start3A_312 = arith.constant 0 : i32
    %dma_start3A_313 = arith.constant 0 : i32
    %dma_start3A_314 = tpu.memref_slice %arg14[%dma_start3A_312, %dma_start3A_313] : memref<10240x32xf32, #tpu.memory_space<vmem_shared>> -> memref<10240x32xf32, #tpu.memory_space<vmem_shared>>
    tpu.enqueue_indirect_dma source(%dma_start3A_308 : memref<100x32xf32, #tpu.memory_space<vmem>>) target(%dma_start3A_314 : memref<10240x32xf32, #tpu.memory_space<vmem_shared>>) offsets(%dma_start3A_311 : memref<100xi32, #tpu.memory_space<vmem>>) semaphore(%arg16 : memref<!tpu.dma_semaphore, #tpu.memory_space<semaphore_mem>>) {add = true}
    %dma_start3A_315 = arith.constant 15 : i32
    %dma_start3A_316 = arith.constant 500 : i32
    %dma_start3A_317 = arith.constant 0 : i32
    %dma_start3A_318 = tpu.memref_slice %arg10[%dma_start3A_316, %dma_start3A_317] : memref<1000x32xf32, #tpu.memory_space<vmem>> -> memref<100x32xf32, #tpu.memory_space<vmem>>
    %dma_start3A_319 = arith.constant 0 : i32
    %dma_start3A_320 = tpu.memref_slice %arg13[%dma_start3A_315, %dma_start3A_319] : memref<100x100xi32, #tpu.memory_space<vmem>> -> memref<1x100xi32, #tpu.memory_space<vmem>>
    %dma_start3A_321 = tpu.memref_squeeze %dma_start3A_320 : memref<1x100xi32, #tpu.memory_space<vmem>> -> memref<100xi32, #tpu.memory_space<vmem>>
    %dma_start3A_322 = arith.constant 0 : i32
    %dma_start3A_323 = arith.constant 0 : i32
    %dma_start3A_324 = tpu.memref_slice %arg14[%dma_start3A_322, %dma_start3A_323] : memref<10240x32xf32, #tpu.memory_space<vmem_shared>> -> memref<10240x32xf32, #tpu.memory_space<vmem_shared>>
    tpu.enqueue_indirect_dma source(%dma_start3A_318 : memref<100x32xf32, #tpu.memory_space<vmem>>) target(%dma_start3A_324 : memref<10240x32xf32, #tpu.memory_space<vmem_shared>>) offsets(%dma_start3A_321 : memref<100xi32, #tpu.memory_space<vmem>>) semaphore(%arg16 : memref<!tpu.dma_semaphore, #tpu.memory_space<semaphore_mem>>) {add = true}
    %dma_start3A_325 = arith.constant 16 : i32
    %dma_start3A_326 = arith.constant 600 : i32
    %dma_start3A_327 = arith.constant 0 : i32
    %dma_start3A_328 = tpu.memref_slice %arg10[%dma_start3A_326, %dma_start3A_327] : memref<1000x32xf32, #tpu.memory_space<vmem>> -> memref<100x32xf32, #tpu.memory_space<vmem>>
    %dma_start3A_329 = arith.constant 0 : i32
    %dma_start3A_330 = tpu.memref_slice %arg13[%dma_start3A_325, %dma_start3A_329] : memref<100x100xi32, #tpu.memory_space<vmem>> -> memref<1x100xi32, #tpu.memory_space<vmem>>
    %dma_start3A_331 = tpu.memref_squeeze %dma_start3A_330 : memref<1x100xi32, #tpu.memory_space<vmem>> -> memref<100xi32, #tpu.memory_space<vmem>>
    %dma_start3A_332 = arith.constant 0 : i32
    %dma_start3A_333 = arith.constant 0 : i32
    %dma_start3A_334 = tpu.memref_slice %arg14[%dma_start3A_332, %dma_start3A_333] : memref<10240x32xf32, #tpu.memory_space<vmem_shared>> -> memref<10240x32xf32, #tpu.memory_space<vmem_shared>>
    tpu.enqueue_indirect_dma source(%dma_start3A_328 : memref<100x32xf32, #tpu.memory_space<vmem>>) target(%dma_start3A_334 : memref<10240x32xf32, #tpu.memory_space<vmem_shared>>) offsets(%dma_start3A_331 : memref<100xi32, #tpu.memory_space<vmem>>) semaphore(%arg16 : memref<!tpu.dma_semaphore, #tpu.memory_space<semaphore_mem>>) {add = true}
    %dma_start3A_335 = arith.constant 17 : i32
    %dma_start3A_336 = arith.constant 700 : i32
    %dma_start3A_337 = arith.constant 0 : i32
    %dma_start3A_338 = tpu.memref_slice %arg10[%dma_start3A_336, %dma_start3A_337] : memref<1000x32xf32, #tpu.memory_space<vmem>> -> memref<100x32xf32, #tpu.memory_space<vmem>>
    %dma_start3A_339 = arith.constant 0 : i32
    %dma_start3A_340 = tpu.memref_slice %arg13[%dma_start3A_335, %dma_start3A_339] : memref<100x100xi32, #tpu.memory_space<vmem>> -> memref<1x100xi32, #tpu.memory_space<vmem>>
    %dma_start3A_341 = tpu.memref_squeeze %dma_start3A_340 : memref<1x100xi32, #tpu.memory_space<vmem>> -> memref<100xi32, #tpu.memory_space<vmem>>
    %dma_start3A_342 = arith.constant 0 : i32
    %dma_start3A_343 = arith.constant 0 : i32
    %dma_start3A_344 = tpu.memref_slice %arg14[%dma_start3A_342, %dma_start3A_343] : memref<10240x32xf32, #tpu.memory_space<vmem_shared>> -> memref<10240x32xf32, #tpu.memory_space<vmem_shared>>
    tpu.enqueue_indirect_dma source(%dma_start3A_338 : memref<100x32xf32, #tpu.memory_space<vmem>>) target(%dma_start3A_344 : memref<10240x32xf32, #tpu.memory_space<vmem_shared>>) offsets(%dma_start3A_341 : memref<100xi32, #tpu.memory_space<vmem>>) semaphore(%arg16 : memref<!tpu.dma_semaphore, #tpu.memory_space<semaphore_mem>>) {add = true}
    %dma_start3A_345 = arith.constant 18 : i32
    %dma_start3A_346 = arith.constant 800 : i32
    %dma_start3A_347 = arith.constant 0 : i32
    %dma_start3A_348 = tpu.memref_slice %arg10[%dma_start3A_346, %dma_start3A_347] : memref<1000x32xf32, #tpu.memory_space<vmem>> -> memref<100x32xf32, #tpu.memory_space<vmem>>
    %dma_start3A_349 = arith.constant 0 : i32
    %dma_start3A_350 = tpu.memref_slice %arg13[%dma_start3A_345, %dma_start3A_349] : memref<100x100xi32, #tpu.memory_space<vmem>> -> memref<1x100xi32, #tpu.memory_space<vmem>>
    %dma_start3A_351 = tpu.memref_squeeze %dma_start3A_350 : memref<1x100xi32, #tpu.memory_space<vmem>> -> memref<100xi32, #tpu.memory_space<vmem>>
    %dma_start3A_352 = arith.constant 0 : i32
    %dma_start3A_353 = arith.constant 0 : i32
    %dma_start3A_354 = tpu.memref_slice %arg14[%dma_start3A_352, %dma_start3A_353] : memref<10240x32xf32, #tpu.memory_space<vmem_shared>> -> memref<10240x32xf32, #tpu.memory_space<vmem_shared>>
    tpu.enqueue_indirect_dma source(%dma_start3A_348 : memref<100x32xf32, #tpu.memory_space<vmem>>) target(%dma_start3A_354 : memref<10240x32xf32, #tpu.memory_space<vmem_shared>>) offsets(%dma_start3A_351 : memref<100xi32, #tpu.memory_space<vmem>>) semaphore(%arg16 : memref<!tpu.dma_semaphore, #tpu.memory_space<semaphore_mem>>) {add = true}
    %dma_start3A_355 = arith.constant 19 : i32
    %dma_start3A_356 = arith.constant 900 : i32
    %dma_start3A_357 = arith.constant 0 : i32
    %dma_start3A_358 = tpu.memref_slice %arg10[%dma_start3A_356, %dma_start3A_357] : memref<1000x32xf32, #tpu.memory_space<vmem>> -> memref<100x32xf32, #tpu.memory_space<vmem>>
    %dma_start3A_359 = arith.constant 0 : i32
    %dma_start3A_360 = tpu.memref_slice %arg13[%dma_start3A_355, %dma_start3A_359] : memref<100x100xi32, #tpu.memory_space<vmem>> -> memref<1x100xi32, #tpu.memory_space<vmem>>
    %dma_start3A_361 = tpu.memref_squeeze %dma_start3A_360 : memref<1x100xi32, #tpu.memory_space<vmem>> -> memref<100xi32, #tpu.memory_space<vmem>>
    %dma_start3A_362 = arith.constant 0 : i32
    %dma_start3A_363 = arith.constant 0 : i32
    %dma_start3A_364 = tpu.memref_slice %arg14[%dma_start3A_362, %dma_start3A_363] : memref<10240x32xf32, #tpu.memory_space<vmem_shared>> -> memref<10240x32xf32, #tpu.memory_space<vmem_shared>>
    tpu.enqueue_indirect_dma source(%dma_start3A_358 : memref<100x32xf32, #tpu.memory_space<vmem>>) target(%dma_start3A_364 : memref<10240x32xf32, #tpu.memory_space<vmem_shared>>) offsets(%dma_start3A_361 : memref<100xi32, #tpu.memory_space<vmem>>) semaphore(%arg16 : memref<!tpu.dma_semaphore, #tpu.memory_space<semaphore_mem>>) {add = true}
    %dma_wait3A_365 = arith.constant 10 : i32
    %dma_wait3A_366 = arith.constant 0 : i32
    %dma_wait3A_367 = arith.constant 0 : i32
    %dma_wait3A_368 = tpu.memref_slice %arg10[%dma_wait3A_366, %dma_wait3A_367] : memref<1000x32xf32, #tpu.memory_space<vmem>> -> memref<100x32xf32, #tpu.memory_space<vmem>>
    %dma_wait3A_369 = arith.constant 0 : i32
    %dma_wait3A_370 = tpu.memref_slice %arg13[%dma_wait3A_365, %dma_wait3A_369] : memref<100x100xi32, #tpu.memory_space<vmem>> -> memref<1x100xi32, #tpu.memory_space<vmem>>
    %dma_wait3A_371 = tpu.memref_squeeze %dma_wait3A_370 : memref<1x100xi32, #tpu.memory_space<vmem>> -> memref<100xi32, #tpu.memory_space<vmem>>
    %dma_wait3A_372 = arith.constant 0 : i32
    %dma_wait3A_373 = arith.constant 0 : i32
    %dma_wait3A_374 = tpu.memref_slice %arg14[%dma_wait3A_372, %dma_wait3A_373] : memref<10240x32xf32, #tpu.memory_space<vmem_shared>> -> memref<10240x32xf32, #tpu.memory_space<vmem_shared>>
    tpu.wait_indirect_dma semaphore(%arg16 : memref<!tpu.dma_semaphore, #tpu.memory_space<semaphore_mem>>) src(%dma_wait3A_368 : memref<100x32xf32, #tpu.memory_space<vmem>>) dst(%dma_wait3A_374 : memref<10240x32xf32, #tpu.memory_space<vmem_shared>>)
    %dma_wait3A_375 = arith.constant 11 : i32
    %dma_wait3A_376 = arith.constant 100 : i32
    %dma_wait3A_377 = arith.constant 0 : i32
    %dma_wait3A_378 = tpu.memref_slice %arg10[%dma_wait3A_376, %dma_wait3A_377] : memref<1000x32xf32, #tpu.memory_space<vmem>> -> memref<100x32xf32, #tpu.memory_space<vmem>>
    %dma_wait3A_379 = arith.constant 0 : i32
    %dma_wait3A_380 = tpu.memref_slice %arg13[%dma_wait3A_375, %dma_wait3A_379] : memref<100x100xi32, #tpu.memory_space<vmem>> -> memref<1x100xi32, #tpu.memory_space<vmem>>
    %dma_wait3A_381 = tpu.memref_squeeze %dma_wait3A_380 : memref<1x100xi32, #tpu.memory_space<vmem>> -> memref<100xi32, #tpu.memory_space<vmem>>
    %dma_wait3A_382 = arith.constant 0 : i32
    %dma_wait3A_383 = arith.constant 0 : i32
    %dma_wait3A_384 = tpu.memref_slice %arg14[%dma_wait3A_382, %dma_wait3A_383] : memref<10240x32xf32, #tpu.memory_space<vmem_shared>> -> memref<10240x32xf32, #tpu.memory_space<vmem_shared>>
    tpu.wait_indirect_dma semaphore(%arg16 : memref<!tpu.dma_semaphore, #tpu.memory_space<semaphore_mem>>) src(%dma_wait3A_378 : memref<100x32xf32, #tpu.memory_space<vmem>>) dst(%dma_wait3A_384 : memref<10240x32xf32, #tpu.memory_space<vmem_shared>>)
    %dma_wait3A_385 = arith.constant 12 : i32
    %dma_wait3A_386 = arith.constant 200 : i32
    %dma_wait3A_387 = arith.constant 0 : i32
    %dma_wait3A_388 = tpu.memref_slice %arg10[%dma_wait3A_386, %dma_wait3A_387] : memref<1000x32xf32, #tpu.memory_space<vmem>> -> memref<100x32xf32, #tpu.memory_space<vmem>>
    %dma_wait3A_389 = arith.constant 0 : i32
    %dma_wait3A_390 = tpu.memref_slice %arg13[%dma_wait3A_385, %dma_wait3A_389] : memref<100x100xi32, #tpu.memory_space<vmem>> -> memref<1x100xi32, #tpu.memory_space<vmem>>
    %dma_wait3A_391 = tpu.memref_squeeze %dma_wait3A_390 : memref<1x100xi32, #tpu.memory_space<vmem>> -> memref<100xi32, #tpu.memory_space<vmem>>
    %dma_wait3A_392 = arith.constant 0 : i32
    %dma_wait3A_393 = arith.constant 0 : i32
    %dma_wait3A_394 = tpu.memref_slice %arg14[%dma_wait3A_392, %dma_wait3A_393] : memref<10240x32xf32, #tpu.memory_space<vmem_shared>> -> memref<10240x32xf32, #tpu.memory_space<vmem_shared>>
    tpu.wait_indirect_dma semaphore(%arg16 : memref<!tpu.dma_semaphore, #tpu.memory_space<semaphore_mem>>) src(%dma_wait3A_388 : memref<100x32xf32, #tpu.memory_space<vmem>>) dst(%dma_wait3A_394 : memref<10240x32xf32, #tpu.memory_space<vmem_shared>>)
    %dma_wait3A_395 = arith.constant 13 : i32
    %dma_wait3A_396 = arith.constant 300 : i32
    %dma_wait3A_397 = arith.constant 0 : i32
    %dma_wait3A_398 = tpu.memref_slice %arg10[%dma_wait3A_396, %dma_wait3A_397] : memref<1000x32xf32, #tpu.memory_space<vmem>> -> memref<100x32xf32, #tpu.memory_space<vmem>>
    %dma_wait3A_399 = arith.constant 0 : i32
    %dma_wait3A_400 = tpu.memref_slice %arg13[%dma_wait3A_395, %dma_wait3A_399] : memref<100x100xi32, #tpu.memory_space<vmem>> -> memref<1x100xi32, #tpu.memory_space<vmem>>
    %dma_wait3A_401 = tpu.memref_squeeze %dma_wait3A_400 : memref<1x100xi32, #tpu.memory_space<vmem>> -> memref<100xi32, #tpu.memory_space<vmem>>
    %dma_wait3A_402 = arith.constant 0 : i32
    %dma_wait3A_403 = arith.constant 0 : i32
    %dma_wait3A_404 = tpu.memref_slice %arg14[%dma_wait3A_402, %dma_wait3A_403] : memref<10240x32xf32, #tpu.memory_space<vmem_shared>> -> memref<10240x32xf32, #tpu.memory_space<vmem_shared>>
    tpu.wait_indirect_dma semaphore(%arg16 : memref<!tpu.dma_semaphore, #tpu.memory_space<semaphore_mem>>) src(%dma_wait3A_398 : memref<100x32xf32, #tpu.memory_space<vmem>>) dst(%dma_wait3A_404 : memref<10240x32xf32, #tpu.memory_space<vmem_shared>>)
    %dma_wait3A_405 = arith.constant 14 : i32
    %dma_wait3A_406 = arith.constant 400 : i32
    %dma_wait3A_407 = arith.constant 0 : i32
    %dma_wait3A_408 = tpu.memref_slice %arg10[%dma_wait3A_406, %dma_wait3A_407] : memref<1000x32xf32, #tpu.memory_space<vmem>> -> memref<100x32xf32, #tpu.memory_space<vmem>>
    %dma_wait3A_409 = arith.constant 0 : i32
    %dma_wait3A_410 = tpu.memref_slice %arg13[%dma_wait3A_405, %dma_wait3A_409] : memref<100x100xi32, #tpu.memory_space<vmem>> -> memref<1x100xi32, #tpu.memory_space<vmem>>
    %dma_wait3A_411 = tpu.memref_squeeze %dma_wait3A_410 : memref<1x100xi32, #tpu.memory_space<vmem>> -> memref<100xi32, #tpu.memory_space<vmem>>
    %dma_wait3A_412 = arith.constant 0 : i32
    %dma_wait3A_413 = arith.constant 0 : i32
    %dma_wait3A_414 = tpu.memref_slice %arg14[%dma_wait3A_412, %dma_wait3A_413] : memref<10240x32xf32, #tpu.memory_space<vmem_shared>> -> memref<10240x32xf32, #tpu.memory_space<vmem_shared>>
    tpu.wait_indirect_dma semaphore(%arg16 : memref<!tpu.dma_semaphore, #tpu.memory_space<semaphore_mem>>) src(%dma_wait3A_408 : memref<100x32xf32, #tpu.memory_space<vmem>>) dst(%dma_wait3A_414 : memref<10240x32xf32, #tpu.memory_space<vmem_shared>>)
    %dma_wait3A_415 = arith.constant 15 : i32
    %dma_wait3A_416 = arith.constant 500 : i32
    %dma_wait3A_417 = arith.constant 0 : i32
    %dma_wait3A_418 = tpu.memref_slice %arg10[%dma_wait3A_416, %dma_wait3A_417] : memref<1000x32xf32, #tpu.memory_space<vmem>> -> memref<100x32xf32, #tpu.memory_space<vmem>>
    %dma_wait3A_419 = arith.constant 0 : i32
    %dma_wait3A_420 = tpu.memref_slice %arg13[%dma_wait3A_415, %dma_wait3A_419] : memref<100x100xi32, #tpu.memory_space<vmem>> -> memref<1x100xi32, #tpu.memory_space<vmem>>
    %dma_wait3A_421 = tpu.memref_squeeze %dma_wait3A_420 : memref<1x100xi32, #tpu.memory_space<vmem>> -> memref<100xi32, #tpu.memory_space<vmem>>
    %dma_wait3A_422 = arith.constant 0 : i32
    %dma_wait3A_423 = arith.constant 0 : i32
    %dma_wait3A_424 = tpu.memref_slice %arg14[%dma_wait3A_422, %dma_wait3A_423] : memref<10240x32xf32, #tpu.memory_space<vmem_shared>> -> memref<10240x32xf32, #tpu.memory_space<vmem_shared>>
    tpu.wait_indirect_dma semaphore(%arg16 : memref<!tpu.dma_semaphore, #tpu.memory_space<semaphore_mem>>) src(%dma_wait3A_418 : memref<100x32xf32, #tpu.memory_space<vmem>>) dst(%dma_wait3A_424 : memref<10240x32xf32, #tpu.memory_space<vmem_shared>>)
    %dma_wait3A_425 = arith.constant 16 : i32
    %dma_wait3A_426 = arith.constant 600 : i32
    %dma_wait3A_427 = arith.constant 0 : i32
    %dma_wait3A_428 = tpu.memref_slice %arg10[%dma_wait3A_426, %dma_wait3A_427] : memref<1000x32xf32, #tpu.memory_space<vmem>> -> memref<100x32xf32, #tpu.memory_space<vmem>>
    %dma_wait3A_429 = arith.constant 0 : i32
    %dma_wait3A_430 = tpu.memref_slice %arg13[%dma_wait3A_425, %dma_wait3A_429] : memref<100x100xi32, #tpu.memory_space<vmem>> -> memref<1x100xi32, #tpu.memory_space<vmem>>
    %dma_wait3A_431 = tpu.memref_squeeze %dma_wait3A_430 : memref<1x100xi32, #tpu.memory_space<vmem>> -> memref<100xi32, #tpu.memory_space<vmem>>
    %dma_wait3A_432 = arith.constant 0 : i32
    %dma_wait3A_433 = arith.constant 0 : i32
    %dma_wait3A_434 = tpu.memref_slice %arg14[%dma_wait3A_432, %dma_wait3A_433] : memref<10240x32xf32, #tpu.memory_space<vmem_shared>> -> memref<10240x32xf32, #tpu.memory_space<vmem_shared>>
    tpu.wait_indirect_dma semaphore(%arg16 : memref<!tpu.dma_semaphore, #tpu.memory_space<semaphore_mem>>) src(%dma_wait3A_428 : memref<100x32xf32, #tpu.memory_space<vmem>>) dst(%dma_wait3A_434 : memref<10240x32xf32, #tpu.memory_space<vmem_shared>>)
    %dma_wait3A_435 = arith.constant 17 : i32
    %dma_wait3A_436 = arith.constant 700 : i32
    %dma_wait3A_437 = arith.constant 0 : i32
    %dma_wait3A_438 = tpu.memref_slice %arg10[%dma_wait3A_436, %dma_wait3A_437] : memref<1000x32xf32, #tpu.memory_space<vmem>> -> memref<100x32xf32, #tpu.memory_space<vmem>>
    %dma_wait3A_439 = arith.constant 0 : i32
    %dma_wait3A_440 = tpu.memref_slice %arg13[%dma_wait3A_435, %dma_wait3A_439] : memref<100x100xi32, #tpu.memory_space<vmem>> -> memref<1x100xi32, #tpu.memory_space<vmem>>
    %dma_wait3A_441 = tpu.memref_squeeze %dma_wait3A_440 : memref<1x100xi32, #tpu.memory_space<vmem>> -> memref<100xi32, #tpu.memory_space<vmem>>
    %dma_wait3A_442 = arith.constant 0 : i32
    %dma_wait3A_443 = arith.constant 0 : i32
    %dma_wait3A_444 = tpu.memref_slice %arg14[%dma_wait3A_442, %dma_wait3A_443] : memref<10240x32xf32, #tpu.memory_space<vmem_shared>> -> memref<10240x32xf32, #tpu.memory_space<vmem_shared>>
    tpu.wait_indirect_dma semaphore(%arg16 : memref<!tpu.dma_semaphore, #tpu.memory_space<semaphore_mem>>) src(%dma_wait3A_438 : memref<100x32xf32, #tpu.memory_space<vmem>>) dst(%dma_wait3A_444 : memref<10240x32xf32, #tpu.memory_space<vmem_shared>>)
    %dma_wait3A_445 = arith.constant 18 : i32
    %dma_wait3A_446 = arith.constant 800 : i32
    %dma_wait3A_447 = arith.constant 0 : i32
    %dma_wait3A_448 = tpu.memref_slice %arg10[%dma_wait3A_446, %dma_wait3A_447] : memref<1000x32xf32, #tpu.memory_space<vmem>> -> memref<100x32xf32, #tpu.memory_space<vmem>>
    %dma_wait3A_449 = arith.constant 0 : i32
    %dma_wait3A_450 = tpu.memref_slice %arg13[%dma_wait3A_445, %dma_wait3A_449] : memref<100x100xi32, #tpu.memory_space<vmem>> -> memref<1x100xi32, #tpu.memory_space<vmem>>
    %dma_wait3A_451 = tpu.memref_squeeze %dma_wait3A_450 : memref<1x100xi32, #tpu.memory_space<vmem>> -> memref<100xi32, #tpu.memory_space<vmem>>
    %dma_wait3A_452 = arith.constant 0 : i32
    %dma_wait3A_453 = arith.constant 0 : i32
    %dma_wait3A_454 = tpu.memref_slice %arg14[%dma_wait3A_452, %dma_wait3A_453] : memref<10240x32xf32, #tpu.memory_space<vmem_shared>> -> memref<10240x32xf32, #tpu.memory_space<vmem_shared>>
    tpu.wait_indirect_dma semaphore(%arg16 : memref<!tpu.dma_semaphore, #tpu.memory_space<semaphore_mem>>) src(%dma_wait3A_448 : memref<100x32xf32, #tpu.memory_space<vmem>>) dst(%dma_wait3A_454 : memref<10240x32xf32, #tpu.memory_space<vmem_shared>>)
    %dma_wait3A_455 = arith.constant 19 : i32
    %dma_wait3A_456 = arith.constant 900 : i32
    %dma_wait3A_457 = arith.constant 0 : i32
    %dma_wait3A_458 = tpu.memref_slice %arg10[%dma_wait3A_456, %dma_wait3A_457] : memref<1000x32xf32, #tpu.memory_space<vmem>> -> memref<100x32xf32, #tpu.memory_space<vmem>>
    %dma_wait3A_459 = arith.constant 0 : i32
    %dma_wait3A_460 = tpu.memref_slice %arg13[%dma_wait3A_455, %dma_wait3A_459] : memref<100x100xi32, #tpu.memory_space<vmem>> -> memref<1x100xi32, #tpu.memory_space<vmem>>
    %dma_wait3A_461 = tpu.memref_squeeze %dma_wait3A_460 : memref<1x100xi32, #tpu.memory_space<vmem>> -> memref<100xi32, #tpu.memory_space<vmem>>
    %dma_wait3A_462 = arith.constant 0 : i32
    %dma_wait3A_463 = arith.constant 0 : i32
    %dma_wait3A_464 = tpu.memref_slice %arg14[%dma_wait3A_462, %dma_wait3A_463] : memref<10240x32xf32, #tpu.memory_space<vmem_shared>> -> memref<10240x32xf32, #tpu.memory_space<vmem_shared>>
    tpu.wait_indirect_dma semaphore(%arg16 : memref<!tpu.dma_semaphore, #tpu.memory_space<semaphore_mem>>) src(%dma_wait3A_458 : memref<100x32xf32, #tpu.memory_space<vmem>>) dst(%dma_wait3A_464 : memref<10240x32xf32, #tpu.memory_space<vmem_shared>>)
    %mul3A_465 = arith.constant 10000 : i32
    %mul3A_466 = arith.muli %add3A, %mul3A_465 : i32
    %add3A_467 = arith.constant 3000 : i32
    %add3A_468 = arith.addi %mul3A_466, %add3A_467 : i32
    %dma_start3A_469 = arith.constant 0 : i32
    %dma_start3A_470 = arith.constant 0 : i32
    %dma_start3A_471 = tpu.memref_slice %arg2[%add3A_468, %dma_start3A_469, %dma_start3A_470] : memref<320000x1x16xf32, #tpu.memory_space<hbm>> -> memref<1000x1x16xf32, #tpu.memory_space<hbm>>
    %dma_start3A_472 = arith.constant 0 : i32
    %dma_start3A_473 = arith.constant 0 : i32
    %dma_start3A_474 = tpu.memref_slice %arg2[%add3A_468, %dma_start3A_472, %dma_start3A_473] : memref<320000x1x16xf32, #tpu.memory_space<hbm>> -> memref<1000x1x16xf32, #tpu.memory_space<hbm>>
    tpu.enqueue_dma source(%dma_start3A_474 : memref<1000x1x16xf32, #tpu.memory_space<hbm>>) target(%arg8 : memref<1000x1x16xf32, #tpu.memory_space<vmem>>) target_semaphore(%arg15 : memref<!tpu.dma_semaphore, #tpu.memory_space<semaphore_mem>>)
    %dma_start3A_475 = tpu.memref_slice %arg3[%add3A_468] : memref<320000xf32, #tpu.memory_space<hbm>> -> memref<1000xf32, #tpu.memory_space<hbm>>
    %dma_start3A_476 = tpu.memref_slice %arg3[%add3A_468] : memref<320000xf32, #tpu.memory_space<hbm>> -> memref<1000xf32, #tpu.memory_space<hbm>>
    tpu.enqueue_dma source(%dma_start3A_476 : memref<1000xf32, #tpu.memory_space<hbm>>) target(%arg12 : memref<1000xf32, #tpu.memory_space<vmem>>) target_semaphore(%arg15 : memref<!tpu.dma_semaphore, #tpu.memory_space<semaphore_mem>>)
    %dma_wait3A_477 = arith.constant 0 : i32
    %dma_wait3A_478 = arith.constant 0 : i32
    %dma_wait3A_479 = tpu.memref_slice %arg2[%add3A_245, %dma_wait3A_477, %dma_wait3A_478] : memref<320000x1x16xf32, #tpu.memory_space<hbm>> -> memref<1000x1x16xf32, #tpu.memory_space<hbm>>
    %dma_wait3A_480 = arith.constant 0 : i32
    %dma_wait3A_481 = arith.constant 0 : i32
    %dma_wait3A_482 = tpu.memref_slice %arg2[%add3A_245, %dma_wait3A_480, %dma_wait3A_481] : memref<320000x1x16xf32, #tpu.memory_space<hbm>> -> memref<1000x1x16xf32, #tpu.memory_space<hbm>>
    tpu.wait_dma2 semaphore(%arg15 : memref<!tpu.dma_semaphore, #tpu.memory_space<semaphore_mem>>) src(%dma_wait3A_482 : memref<1000x1x16xf32, #tpu.memory_space<hbm>>) dst(%arg7 : memref<1000x1x16xf32, #tpu.memory_space<vmem>>)
    %dma_wait3A_483 = tpu.memref_slice %arg3[%add3A_245] : memref<320000xf32, #tpu.memory_space<hbm>> -> memref<1000xf32, #tpu.memory_space<hbm>>
    %dma_wait3A_484 = tpu.memref_slice %arg3[%add3A_245] : memref<320000xf32, #tpu.memory_space<hbm>> -> memref<1000xf32, #tpu.memory_space<hbm>>
    tpu.wait_dma2 semaphore(%arg15 : memref<!tpu.dma_semaphore, #tpu.memory_space<semaphore_mem>>) src(%dma_wait3A_484 : memref<1000xf32, #tpu.memory_space<hbm>>) dst(%arg11 : memref<1000xf32, #tpu.memory_space<vmem>>)
    %parallel_loop3A_485 = arith.constant 0 : i32
    %parallel_loop3A_486 = arith.constant 1000 : i32
    %parallel_loop3A_487 = arith.constant 1 : i32
    scf.for %parallel_loop3A_2238 = %parallel_loop3A_485 to %parallel_loop3A_486 step %parallel_loop3A_487  : i32 {
      %parallel_loop3A_2239 = vector.broadcast %parallel_loop3A_2238 : i32 to vector<16xi32>
      %parallel_loop3A_2240 = tpu.vector_load_idx %arg11[%parallel_loop3A_2239] : memref<1000xf32, #tpu.memory_space<vmem>>[vector<16xi32>], vector<16xf32>,
      %parallel_loop3A_2241 = arith.constant 0 : i32
      %parallel_loop3A_2242 = arith.index_cast %parallel_loop3A_2238 : i32 to index
      %parallel_loop3A_2243 = arith.index_cast %parallel_loop3A_2241 : i32 to index
      %parallel_loop3A_2244 = arith.constant 0 : index
      %parallel_loop3A_2245 = tpu.vector_load %arg7[%parallel_loop3A_2242, %parallel_loop3A_2243, %parallel_loop3A_2244] {strides = array<i32>} : memref<1000x1x16xf32, #tpu.memory_space<vmem>>, vector<16xf32>,
      %parallel_loop3A_2246 = arith.mulf %parallel_loop3A_2245, %parallel_loop3A_2240 : vector<16xf32>
      %parallel_loop3A_2247 = arith.index_cast %parallel_loop3A_2238 : i32 to index
      %parallel_loop3A_2248 = arith.constant 0 : index
      %parallel_loop3A_2249 = tpu.vector_load %arg9[%parallel_loop3A_2247, %parallel_loop3A_2248] {strides = array<i32>} : memref<1000x32xf32, #tpu.memory_space<vmem>>, vector<16xf32>,
      tpu.vector_store %arg9[%parallel_loop3A_2247, %parallel_loop3A_2248], %parallel_loop3A_2246 {strides = array<i32>} : memref<1000x32xf32, #tpu.memory_space<vmem>>, vector<16xf32>,
    } {sc.loop_unroll_factor = 8 : i64, sc.parallel_access}
    %dma_start3A_488 = arith.constant 20 : i32
    %dma_start3A_489 = arith.constant 0 : i32
    %dma_start3A_490 = arith.constant 0 : i32
    %dma_start3A_491 = tpu.memref_slice %arg9[%dma_start3A_489, %dma_start3A_490] : memref<1000x32xf32, #tpu.memory_space<vmem>> -> memref<100x32xf32, #tpu.memory_space<vmem>>
    %dma_start3A_492 = arith.constant 0 : i32
    %dma_start3A_493 = tpu.memref_slice %arg13[%dma_start3A_488, %dma_start3A_492] : memref<100x100xi32, #tpu.memory_space<vmem>> -> memref<1x100xi32, #tpu.memory_space<vmem>>
    %dma_start3A_494 = tpu.memref_squeeze %dma_start3A_493 : memref<1x100xi32, #tpu.memory_space<vmem>> -> memref<100xi32, #tpu.memory_space<vmem>>
    %dma_start3A_495 = arith.constant 0 : i32
    %dma_start3A_496 = arith.constant 0 : i32
    %dma_start3A_497 = tpu.memref_slice %arg14[%dma_start3A_495, %dma_start3A_496] : memref<10240x32xf32, #tpu.memory_space<vmem_shared>> -> memref<10240x32xf32, #tpu.memory_space<vmem_shared>>
    tpu.enqueue_indirect_dma source(%dma_start3A_491 : memref<100x32xf32, #tpu.memory_space<vmem>>) target(%dma_start3A_497 : memref<10240x32xf32, #tpu.memory_space<vmem_shared>>) offsets(%dma_start3A_494 : memref<100xi32, #tpu.memory_space<vmem>>) semaphore(%arg16 : memref<!tpu.dma_semaphore, #tpu.memory_space<semaphore_mem>>) {add = true}
    %dma_start3A_498 = arith.constant 21 : i32
    %dma_start3A_499 = arith.constant 100 : i32
    %dma_start3A_500 = arith.constant 0 : i32
    %dma_start3A_501 = tpu.memref_slice %arg9[%dma_start3A_499, %dma_start3A_500] : memref<1000x32xf32, #tpu.memory_space<vmem>> -> memref<100x32xf32, #tpu.memory_space<vmem>>
    %dma_start3A_502 = arith.constant 0 : i32
    %dma_start3A_503 = tpu.memref_slice %arg13[%dma_start3A_498, %dma_start3A_502] : memref<100x100xi32, #tpu.memory_space<vmem>> -> memref<1x100xi32, #tpu.memory_space<vmem>>
    %dma_start3A_504 = tpu.memref_squeeze %dma_start3A_503 : memref<1x100xi32, #tpu.memory_space<vmem>> -> memref<100xi32, #tpu.memory_space<vmem>>
    %dma_start3A_505 = arith.constant 0 : i32
    %dma_start3A_506 = arith.constant 0 : i32
    %dma_start3A_507 = tpu.memref_slice %arg14[%dma_start3A_505, %dma_start3A_506] : memref<10240x32xf32, #tpu.memory_space<vmem_shared>> -> memref<10240x32xf32, #tpu.memory_space<vmem_shared>>
    tpu.enqueue_indirect_dma source(%dma_start3A_501 : memref<100x32xf32, #tpu.memory_space<vmem>>) target(%dma_start3A_507 : memref<10240x32xf32, #tpu.memory_space<vmem_shared>>) offsets(%dma_start3A_504 : memref<100xi32, #tpu.memory_space<vmem>>) semaphore(%arg16 : memref<!tpu.dma_semaphore, #tpu.memory_space<semaphore_mem>>) {add = true}
    %dma_start3A_508 = arith.constant 22 : i32
    %dma_start3A_509 = arith.constant 200 : i32
    %dma_start3A_510 = arith.constant 0 : i32
    %dma_start3A_511 = tpu.memref_slice %arg9[%dma_start3A_509, %dma_start3A_510] : memref<1000x32xf32, #tpu.memory_space<vmem>> -> memref<100x32xf32, #tpu.memory_space<vmem>>
    %dma_start3A_512 = arith.constant 0 : i32
    %dma_start3A_513 = tpu.memref_slice %arg13[%dma_start3A_508, %dma_start3A_512] : memref<100x100xi32, #tpu.memory_space<vmem>> -> memref<1x100xi32, #tpu.memory_space<vmem>>
    %dma_start3A_514 = tpu.memref_squeeze %dma_start3A_513 : memref<1x100xi32, #tpu.memory_space<vmem>> -> memref<100xi32, #tpu.memory_space<vmem>>
    %dma_start3A_515 = arith.constant 0 : i32
    %dma_start3A_516 = arith.constant 0 : i32
    %dma_start3A_517 = tpu.memref_slice %arg14[%dma_start3A_515, %dma_start3A_516] : memref<10240x32xf32, #tpu.memory_space<vmem_shared>> -> memref<10240x32xf32, #tpu.memory_space<vmem_shared>>
    tpu.enqueue_indirect_dma source(%dma_start3A_511 : memref<100x32xf32, #tpu.memory_space<vmem>>) target(%dma_start3A_517 : memref<10240x32xf32, #tpu.memory_space<vmem_shared>>) offsets(%dma_start3A_514 : memref<100xi32, #tpu.memory_space<vmem>>) semaphore(%arg16 : memref<!tpu.dma_semaphore, #tpu.memory_space<semaphore_mem>>) {add = true}
    %dma_start3A_518 = arith.constant 23 : i32
    %dma_start3A_519 = arith.constant 300 : i32
    %dma_start3A_520 = arith.constant 0 : i32
    %dma_start3A_521 = tpu.memref_slice %arg9[%dma_start3A_519, %dma_start3A_520] : memref<1000x32xf32, #tpu.memory_space<vmem>> -> memref<100x32xf32, #tpu.memory_space<vmem>>
    %dma_start3A_522 = arith.constant 0 : i32
    %dma_start3A_523 = tpu.memref_slice %arg13[%dma_start3A_518, %dma_start3A_522] : memref<100x100xi32, #tpu.memory_space<vmem>> -> memref<1x100xi32, #tpu.memory_space<vmem>>
    %dma_start3A_524 = tpu.memref_squeeze %dma_start3A_523 : memref<1x100xi32, #tpu.memory_space<vmem>> -> memref<100xi32, #tpu.memory_space<vmem>>
    %dma_start3A_525 = arith.constant 0 : i32
    %dma_start3A_526 = arith.constant 0 : i32
    %dma_start3A_527 = tpu.memref_slice %arg14[%dma_start3A_525, %dma_start3A_526] : memref<10240x32xf32, #tpu.memory_space<vmem_shared>> -> memref<10240x32xf32, #tpu.memory_space<vmem_shared>>
    tpu.enqueue_indirect_dma source(%dma_start3A_521 : memref<100x32xf32, #tpu.memory_space<vmem>>) target(%dma_start3A_527 : memref<10240x32xf32, #tpu.memory_space<vmem_shared>>) offsets(%dma_start3A_524 : memref<100xi32, #tpu.memory_space<vmem>>) semaphore(%arg16 : memref<!tpu.dma_semaphore, #tpu.memory_space<semaphore_mem>>) {add = true}
    %dma_start3A_528 = arith.constant 24 : i32
    %dma_start3A_529 = arith.constant 400 : i32
    %dma_start3A_530 = arith.constant 0 : i32
    %dma_start3A_531 = tpu.memref_slice %arg9[%dma_start3A_529, %dma_start3A_530] : memref<1000x32xf32, #tpu.memory_space<vmem>> -> memref<100x32xf32, #tpu.memory_space<vmem>>
    %dma_start3A_532 = arith.constant 0 : i32
    %dma_start3A_533 = tpu.memref_slice %arg13[%dma_start3A_528, %dma_start3A_532] : memref<100x100xi32, #tpu.memory_space<vmem>> -> memref<1x100xi32, #tpu.memory_space<vmem>>
    %dma_start3A_534 = tpu.memref_squeeze %dma_start3A_533 : memref<1x100xi32, #tpu.memory_space<vmem>> -> memref<100xi32, #tpu.memory_space<vmem>>
    %dma_start3A_535 = arith.constant 0 : i32
    %dma_start3A_536 = arith.constant 0 : i32
    %dma_start3A_537 = tpu.memref_slice %arg14[%dma_start3A_535, %dma_start3A_536] : memref<10240x32xf32, #tpu.memory_space<vmem_shared>> -> memref<10240x32xf32, #tpu.memory_space<vmem_shared>>
    tpu.enqueue_indirect_dma source(%dma_start3A_531 : memref<100x32xf32, #tpu.memory_space<vmem>>) target(%dma_start3A_537 : memref<10240x32xf32, #tpu.memory_space<vmem_shared>>) offsets(%dma_start3A_534 : memref<100xi32, #tpu.memory_space<vmem>>) semaphore(%arg16 : memref<!tpu.dma_semaphore, #tpu.memory_space<semaphore_mem>>) {add = true}
    %dma_start3A_538 = arith.constant 25 : i32
    %dma_start3A_539 = arith.constant 500 : i32
    %dma_start3A_540 = arith.constant 0 : i32
    %dma_start3A_541 = tpu.memref_slice %arg9[%dma_start3A_539, %dma_start3A_540] : memref<1000x32xf32, #tpu.memory_space<vmem>> -> memref<100x32xf32, #tpu.memory_space<vmem>>
    %dma_start3A_542 = arith.constant 0 : i32
    %dma_start3A_543 = tpu.memref_slice %arg13[%dma_start3A_538, %dma_start3A_542] : memref<100x100xi32, #tpu.memory_space<vmem>> -> memref<1x100xi32, #tpu.memory_space<vmem>>
    %dma_start3A_544 = tpu.memref_squeeze %dma_start3A_543 : memref<1x100xi32, #tpu.memory_space<vmem>> -> memref<100xi32, #tpu.memory_space<vmem>>
    %dma_start3A_545 = arith.constant 0 : i32
    %dma_start3A_546 = arith.constant 0 : i32
    %dma_start3A_547 = tpu.memref_slice %arg14[%dma_start3A_545, %dma_start3A_546] : memref<10240x32xf32, #tpu.memory_space<vmem_shared>> -> memref<10240x32xf32, #tpu.memory_space<vmem_shared>>
    tpu.enqueue_indirect_dma source(%dma_start3A_541 : memref<100x32xf32, #tpu.memory_space<vmem>>) target(%dma_start3A_547 : memref<10240x32xf32, #tpu.memory_space<vmem_shared>>) offsets(%dma_start3A_544 : memref<100xi32, #tpu.memory_space<vmem>>) semaphore(%arg16 : memref<!tpu.dma_semaphore, #tpu.memory_space<semaphore_mem>>) {add = true}
    %dma_start3A_548 = arith.constant 26 : i32
    %dma_start3A_549 = arith.constant 600 : i32
    %dma_start3A_550 = arith.constant 0 : i32
    %dma_start3A_551 = tpu.memref_slice %arg9[%dma_start3A_549, %dma_start3A_550] : memref<1000x32xf32, #tpu.memory_space<vmem>> -> memref<100x32xf32, #tpu.memory_space<vmem>>
    %dma_start3A_552 = arith.constant 0 : i32
    %dma_start3A_553 = tpu.memref_slice %arg13[%dma_start3A_548, %dma_start3A_552] : memref<100x100xi32, #tpu.memory_space<vmem>> -> memref<1x100xi32, #tpu.memory_space<vmem>>
    %dma_start3A_554 = tpu.memref_squeeze %dma_start3A_553 : memref<1x100xi32, #tpu.memory_space<vmem>> -> memref<100xi32, #tpu.memory_space<vmem>>
    %dma_start3A_555 = arith.constant 0 : i32
    %dma_start3A_556 = arith.constant 0 : i32
    %dma_start3A_557 = tpu.memref_slice %arg14[%dma_start3A_555, %dma_start3A_556] : memref<10240x32xf32, #tpu.memory_space<vmem_shared>> -> memref<10240x32xf32, #tpu.memory_space<vmem_shared>>
    tpu.enqueue_indirect_dma source(%dma_start3A_551 : memref<100x32xf32, #tpu.memory_space<vmem>>) target(%dma_start3A_557 : memref<10240x32xf32, #tpu.memory_space<vmem_shared>>) offsets(%dma_start3A_554 : memref<100xi32, #tpu.memory_space<vmem>>) semaphore(%arg16 : memref<!tpu.dma_semaphore, #tpu.memory_space<semaphore_mem>>) {add = true}
    %dma_start3A_558 = arith.constant 27 : i32
    %dma_start3A_559 = arith.constant 700 : i32
    %dma_start3A_560 = arith.constant 0 : i32
    %dma_start3A_561 = tpu.memref_slice %arg9[%dma_start3A_559, %dma_start3A_560] : memref<1000x32xf32, #tpu.memory_space<vmem>> -> memref<100x32xf32, #tpu.memory_space<vmem>>
    %dma_start3A_562 = arith.constant 0 : i32
    %dma_start3A_563 = tpu.memref_slice %arg13[%dma_start3A_558, %dma_start3A_562] : memref<100x100xi32, #tpu.memory_space<vmem>> -> memref<1x100xi32, #tpu.memory_space<vmem>>
    %dma_start3A_564 = tpu.memref_squeeze %dma_start3A_563 : memref<1x100xi32, #tpu.memory_space<vmem>> -> memref<100xi32, #tpu.memory_space<vmem>>
    %dma_start3A_565 = arith.constant 0 : i32
    %dma_start3A_566 = arith.constant 0 : i32
    %dma_start3A_567 = tpu.memref_slice %arg14[%dma_start3A_565, %dma_start3A_566] : memref<10240x32xf32, #tpu.memory_space<vmem_shared>> -> memref<10240x32xf32, #tpu.memory_space<vmem_shared>>
    tpu.enqueue_indirect_dma source(%dma_start3A_561 : memref<100x32xf32, #tpu.memory_space<vmem>>) target(%dma_start3A_567 : memref<10240x32xf32, #tpu.memory_space<vmem_shared>>) offsets(%dma_start3A_564 : memref<100xi32, #tpu.memory_space<vmem>>) semaphore(%arg16 : memref<!tpu.dma_semaphore, #tpu.memory_space<semaphore_mem>>) {add = true}
    %dma_start3A_568 = arith.constant 28 : i32
    %dma_start3A_569 = arith.constant 800 : i32
    %dma_start3A_570 = arith.constant 0 : i32
    %dma_start3A_571 = tpu.memref_slice %arg9[%dma_start3A_569, %dma_start3A_570] : memref<1000x32xf32, #tpu.memory_space<vmem>> -> memref<100x32xf32, #tpu.memory_space<vmem>>
    %dma_start3A_572 = arith.constant 0 : i32
    %dma_start3A_573 = tpu.memref_slice %arg13[%dma_start3A_568, %dma_start3A_572] : memref<100x100xi32, #tpu.memory_space<vmem>> -> memref<1x100xi32, #tpu.memory_space<vmem>>
    %dma_start3A_574 = tpu.memref_squeeze %dma_start3A_573 : memref<1x100xi32, #tpu.memory_space<vmem>> -> memref<100xi32, #tpu.memory_space<vmem>>
    %dma_start3A_575 = arith.constant 0 : i32
    %dma_start3A_576 = arith.constant 0 : i32
    %dma_start3A_577 = tpu.memref_slice %arg14[%dma_start3A_575, %dma_start3A_576] : memref<10240x32xf32, #tpu.memory_space<vmem_shared>> -> memref<10240x32xf32, #tpu.memory_space<vmem_shared>>
    tpu.enqueue_indirect_dma source(%dma_start3A_571 : memref<100x32xf32, #tpu.memory_space<vmem>>) target(%dma_start3A_577 : memref<10240x32xf32, #tpu.memory_space<vmem_shared>>) offsets(%dma_start3A_574 : memref<100xi32, #tpu.memory_space<vmem>>) semaphore(%arg16 : memref<!tpu.dma_semaphore, #tpu.memory_space<semaphore_mem>>) {add = true}
    %dma_start3A_578 = arith.constant 29 : i32
    %dma_start3A_579 = arith.constant 900 : i32
    %dma_start3A_580 = arith.constant 0 : i32
    %dma_start3A_581 = tpu.memref_slice %arg9[%dma_start3A_579, %dma_start3A_580] : memref<1000x32xf32, #tpu.memory_space<vmem>> -> memref<100x32xf32, #tpu.memory_space<vmem>>
    %dma_start3A_582 = arith.constant 0 : i32
    %dma_start3A_583 = tpu.memref_slice %arg13[%dma_start3A_578, %dma_start3A_582] : memref<100x100xi32, #tpu.memory_space<vmem>> -> memref<1x100xi32, #tpu.memory_space<vmem>>
    %dma_start3A_584 = tpu.memref_squeeze %dma_start3A_583 : memref<1x100xi32, #tpu.memory_space<vmem>> -> memref<100xi32, #tpu.memory_space<vmem>>
    %dma_start3A_585 = arith.constant 0 : i32
    %dma_start3A_586 = arith.constant 0 : i32
    %dma_start3A_587 = tpu.memref_slice %arg14[%dma_start3A_585, %dma_start3A_586] : memref<10240x32xf32, #tpu.memory_space<vmem_shared>> -> memref<10240x32xf32, #tpu.memory_space<vmem_shared>>
    tpu.enqueue_indirect_dma source(%dma_start3A_581 : memref<100x32xf32, #tpu.memory_space<vmem>>) target(%dma_start3A_587 : memref<10240x32xf32, #tpu.memory_space<vmem_shared>>) offsets(%dma_start3A_584 : memref<100xi32, #tpu.memory_space<vmem>>) semaphore(%arg16 : memref<!tpu.dma_semaphore, #tpu.memory_space<semaphore_mem>>) {add = true}
    %dma_wait3A_588 = arith.constant 20 : i32
    %dma_wait3A_589 = arith.constant 0 : i32
    %dma_wait3A_590 = arith.constant 0 : i32
    %dma_wait3A_591 = tpu.memref_slice %arg9[%dma_wait3A_589, %dma_wait3A_590] : memref<1000x32xf32, #tpu.memory_space<vmem>> -> memref<100x32xf32, #tpu.memory_space<vmem>>
    %dma_wait3A_592 = arith.constant 0 : i32
    %dma_wait3A_593 = tpu.memref_slice %arg13[%dma_wait3A_588, %dma_wait3A_592] : memref<100x100xi32, #tpu.memory_space<vmem>> -> memref<1x100xi32, #tpu.memory_space<vmem>>
    %dma_wait3A_594 = tpu.memref_squeeze %dma_wait3A_593 : memref<1x100xi32, #tpu.memory_space<vmem>> -> memref<100xi32, #tpu.memory_space<vmem>>
    %dma_wait3A_595 = arith.constant 0 : i32
    %dma_wait3A_596 = arith.constant 0 : i32
    %dma_wait3A_597 = tpu.memref_slice %arg14[%dma_wait3A_595, %dma_wait3A_596] : memref<10240x32xf32, #tpu.memory_space<vmem_shared>> -> memref<10240x32xf32, #tpu.memory_space<vmem_shared>>
    tpu.wait_indirect_dma semaphore(%arg16 : memref<!tpu.dma_semaphore, #tpu.memory_space<semaphore_mem>>) src(%dma_wait3A_591 : memref<100x32xf32, #tpu.memory_space<vmem>>) dst(%dma_wait3A_597 : memref<10240x32xf32, #tpu.memory_space<vmem_shared>>)
    %dma_wait3A_598 = arith.constant 21 : i32
    %dma_wait3A_599 = arith.constant 100 : i32
    %dma_wait3A_600 = arith.constant 0 : i32
    %dma_wait3A_601 = tpu.memref_slice %arg9[%dma_wait3A_599, %dma_wait3A_600] : memref<1000x32xf32, #tpu.memory_space<vmem>> -> memref<100x32xf32, #tpu.memory_space<vmem>>
    %dma_wait3A_602 = arith.constant 0 : i32
    %dma_wait3A_603 = tpu.memref_slice %arg13[%dma_wait3A_598, %dma_wait3A_602] : memref<100x100xi32, #tpu.memory_space<vmem>> -> memref<1x100xi32, #tpu.memory_space<vmem>>
    %dma_wait3A_604 = tpu.memref_squeeze %dma_wait3A_603 : memref<1x100xi32, #tpu.memory_space<vmem>> -> memref<100xi32, #tpu.memory_space<vmem>>
    %dma_wait3A_605 = arith.constant 0 : i32
    %dma_wait3A_606 = arith.constant 0 : i32
    %dma_wait3A_607 = tpu.memref_slice %arg14[%dma_wait3A_605, %dma_wait3A_606] : memref<10240x32xf32, #tpu.memory_space<vmem_shared>> -> memref<10240x32xf32, #tpu.memory_space<vmem_shared>>
    tpu.wait_indirect_dma semaphore(%arg16 : memref<!tpu.dma_semaphore, #tpu.memory_space<semaphore_mem>>) src(%dma_wait3A_601 : memref<100x32xf32, #tpu.memory_space<vmem>>) dst(%dma_wait3A_607 : memref<10240x32xf32, #tpu.memory_space<vmem_shared>>)
    %dma_wait3A_608 = arith.constant 22 : i32
    %dma_wait3A_609 = arith.constant 200 : i32
    %dma_wait3A_610 = arith.constant 0 : i32
    %dma_wait3A_611 = tpu.memref_slice %arg9[%dma_wait3A_609, %dma_wait3A_610] : memref<1000x32xf32, #tpu.memory_space<vmem>> -> memref<100x32xf32, #tpu.memory_space<vmem>>
    %dma_wait3A_612 = arith.constant 0 : i32
    %dma_wait3A_613 = tpu.memref_slice %arg13[%dma_wait3A_608, %dma_wait3A_612] : memref<100x100xi32, #tpu.memory_space<vmem>> -> memref<1x100xi32, #tpu.memory_space<vmem>>
    %dma_wait3A_614 = tpu.memref_squeeze %dma_wait3A_613 : memref<1x100xi32, #tpu.memory_space<vmem>> -> memref<100xi32, #tpu.memory_space<vmem>>
    %dma_wait3A_615 = arith.constant 0 : i32
    %dma_wait3A_616 = arith.constant 0 : i32
    %dma_wait3A_617 = tpu.memref_slice %arg14[%dma_wait3A_615, %dma_wait3A_616] : memref<10240x32xf32, #tpu.memory_space<vmem_shared>> -> memref<10240x32xf32, #tpu.memory_space<vmem_shared>>
    tpu.wait_indirect_dma semaphore(%arg16 : memref<!tpu.dma_semaphore, #tpu.memory_space<semaphore_mem>>) src(%dma_wait3A_611 : memref<100x32xf32, #tpu.memory_space<vmem>>) dst(%dma_wait3A_617 : memref<10240x32xf32, #tpu.memory_space<vmem_shared>>)
    %dma_wait3A_618 = arith.constant 23 : i32
    %dma_wait3A_619 = arith.constant 300 : i32
    %dma_wait3A_620 = arith.constant 0 : i32
    %dma_wait3A_621 = tpu.memref_slice %arg9[%dma_wait3A_619, %dma_wait3A_620] : memref<1000x32xf32, #tpu.memory_space<vmem>> -> memref<100x32xf32, #tpu.memory_space<vmem>>
    %dma_wait3A_622 = arith.constant 0 : i32
    %dma_wait3A_623 = tpu.memref_slice %arg13[%dma_wait3A_618, %dma_wait3A_622] : memref<100x100xi32, #tpu.memory_space<vmem>> -> memref<1x100xi32, #tpu.memory_space<vmem>>
    %dma_wait3A_624 = tpu.memref_squeeze %dma_wait3A_623 : memref<1x100xi32, #tpu.memory_space<vmem>> -> memref<100xi32, #tpu.memory_space<vmem>>
    %dma_wait3A_625 = arith.constant 0 : i32
    %dma_wait3A_626 = arith.constant 0 : i32
    %dma_wait3A_627 = tpu.memref_slice %arg14[%dma_wait3A_625, %dma_wait3A_626] : memref<10240x32xf32, #tpu.memory_space<vmem_shared>> -> memref<10240x32xf32, #tpu.memory_space<vmem_shared>>
    tpu.wait_indirect_dma semaphore(%arg16 : memref<!tpu.dma_semaphore, #tpu.memory_space<semaphore_mem>>) src(%dma_wait3A_621 : memref<100x32xf32, #tpu.memory_space<vmem>>) dst(%dma_wait3A_627 : memref<10240x32xf32, #tpu.memory_space<vmem_shared>>)
    %dma_wait3A_628 = arith.constant 24 : i32
    %dma_wait3A_629 = arith.constant 400 : i32
    %dma_wait3A_630 = arith.constant 0 : i32
    %dma_wait3A_631 = tpu.memref_slice %arg9[%dma_wait3A_629, %dma_wait3A_630] : memref<1000x32xf32, #tpu.memory_space<vmem>> -> memref<100x32xf32, #tpu.memory_space<vmem>>
    %dma_wait3A_632 = arith.constant 0 : i32
    %dma_wait3A_633 = tpu.memref_slice %arg13[%dma_wait3A_628, %dma_wait3A_632] : memref<100x100xi32, #tpu.memory_space<vmem>> -> memref<1x100xi32, #tpu.memory_space<vmem>>
    %dma_wait3A_634 = tpu.memref_squeeze %dma_wait3A_633 : memref<1x100xi32, #tpu.memory_space<vmem>> -> memref<100xi32, #tpu.memory_space<vmem>>
    %dma_wait3A_635 = arith.constant 0 : i32
    %dma_wait3A_636 = arith.constant 0 : i32
    %dma_wait3A_637 = tpu.memref_slice %arg14[%dma_wait3A_635, %dma_wait3A_636] : memref<10240x32xf32, #tpu.memory_space<vmem_shared>> -> memref<10240x32xf32, #tpu.memory_space<vmem_shared>>
    tpu.wait_indirect_dma semaphore(%arg16 : memref<!tpu.dma_semaphore, #tpu.memory_space<semaphore_mem>>) src(%dma_wait3A_631 : memref<100x32xf32, #tpu.memory_space<vmem>>) dst(%dma_wait3A_637 : memref<10240x32xf32, #tpu.memory_space<vmem_shared>>)
    %dma_wait3A_638 = arith.constant 25 : i32
    %dma_wait3A_639 = arith.constant 500 : i32
    %dma_wait3A_640 = arith.constant 0 : i32
    %dma_wait3A_641 = tpu.memref_slice %arg9[%dma_wait3A_639, %dma_wait3A_640] : memref<1000x32xf32, #tpu.memory_space<vmem>> -> memref<100x32xf32, #tpu.memory_space<vmem>>
    %dma_wait3A_642 = arith.constant 0 : i32
    %dma_wait3A_643 = tpu.memref_slice %arg13[%dma_wait3A_638, %dma_wait3A_642] : memref<100x100xi32, #tpu.memory_space<vmem>> -> memref<1x100xi32, #tpu.memory_space<vmem>>
    %dma_wait3A_644 = tpu.memref_squeeze %dma_wait3A_643 : memref<1x100xi32, #tpu.memory_space<vmem>> -> memref<100xi32, #tpu.memory_space<vmem>>
    %dma_wait3A_645 = arith.constant 0 : i32
    %dma_wait3A_646 = arith.constant 0 : i32
    %dma_wait3A_647 = tpu.memref_slice %arg14[%dma_wait3A_645, %dma_wait3A_646] : memref<10240x32xf32, #tpu.memory_space<vmem_shared>> -> memref<10240x32xf32, #tpu.memory_space<vmem_shared>>
    tpu.wait_indirect_dma semaphore(%arg16 : memref<!tpu.dma_semaphore, #tpu.memory_space<semaphore_mem>>) src(%dma_wait3A_641 : memref<100x32xf32, #tpu.memory_space<vmem>>) dst(%dma_wait3A_647 : memref<10240x32xf32, #tpu.memory_space<vmem_shared>>)
    %dma_wait3A_648 = arith.constant 26 : i32
    %dma_wait3A_649 = arith.constant 600 : i32
    %dma_wait3A_650 = arith.constant 0 : i32
    %dma_wait3A_651 = tpu.memref_slice %arg9[%dma_wait3A_649, %dma_wait3A_650] : memref<1000x32xf32, #tpu.memory_space<vmem>> -> memref<100x32xf32, #tpu.memory_space<vmem>>
    %dma_wait3A_652 = arith.constant 0 : i32
    %dma_wait3A_653 = tpu.memref_slice %arg13[%dma_wait3A_648, %dma_wait3A_652] : memref<100x100xi32, #tpu.memory_space<vmem>> -> memref<1x100xi32, #tpu.memory_space<vmem>>
    %dma_wait3A_654 = tpu.memref_squeeze %dma_wait3A_653 : memref<1x100xi32, #tpu.memory_space<vmem>> -> memref<100xi32, #tpu.memory_space<vmem>>
    %dma_wait3A_655 = arith.constant 0 : i32
    %dma_wait3A_656 = arith.constant 0 : i32
    %dma_wait3A_657 = tpu.memref_slice %arg14[%dma_wait3A_655, %dma_wait3A_656] : memref<10240x32xf32, #tpu.memory_space<vmem_shared>> -> memref<10240x32xf32, #tpu.memory_space<vmem_shared>>
    tpu.wait_indirect_dma semaphore(%arg16 : memref<!tpu.dma_semaphore, #tpu.memory_space<semaphore_mem>>) src(%dma_wait3A_651 : memref<100x32xf32, #tpu.memory_space<vmem>>) dst(%dma_wait3A_657 : memref<10240x32xf32, #tpu.memory_space<vmem_shared>>)
    %dma_wait3A_658 = arith.constant 27 : i32
    %dma_wait3A_659 = arith.constant 700 : i32
    %dma_wait3A_660 = arith.constant 0 : i32
    %dma_wait3A_661 = tpu.memref_slice %arg9[%dma_wait3A_659, %dma_wait3A_660] : memref<1000x32xf32, #tpu.memory_space<vmem>> -> memref<100x32xf32, #tpu.memory_space<vmem>>
    %dma_wait3A_662 = arith.constant 0 : i32
    %dma_wait3A_663 = tpu.memref_slice %arg13[%dma_wait3A_658, %dma_wait3A_662] : memref<100x100xi32, #tpu.memory_space<vmem>> -> memref<1x100xi32, #tpu.memory_space<vmem>>
    %dma_wait3A_664 = tpu.memref_squeeze %dma_wait3A_663 : memref<1x100xi32, #tpu.memory_space<vmem>> -> memref<100xi32, #tpu.memory_space<vmem>>
    %dma_wait3A_665 = arith.constant 0 : i32
    %dma_wait3A_666 = arith.constant 0 : i32
    %dma_wait3A_667 = tpu.memref_slice %arg14[%dma_wait3A_665, %dma_wait3A_666] : memref<10240x32xf32, #tpu.memory_space<vmem_shared>> -> memref<10240x32xf32, #tpu.memory_space<vmem_shared>>
    tpu.wait_indirect_dma semaphore(%arg16 : memref<!tpu.dma_semaphore, #tpu.memory_space<semaphore_mem>>) src(%dma_wait3A_661 : memref<100x32xf32, #tpu.memory_space<vmem>>) dst(%dma_wait3A_667 : memref<10240x32xf32, #tpu.memory_space<vmem_shared>>)
    %dma_wait3A_668 = arith.constant 28 : i32
    %dma_wait3A_669 = arith.constant 800 : i32
    %dma_wait3A_670 = arith.constant 0 : i32
    %dma_wait3A_671 = tpu.memref_slice %arg9[%dma_wait3A_669, %dma_wait3A_670] : memref<1000x32xf32, #tpu.memory_space<vmem>> -> memref<100x32xf32, #tpu.memory_space<vmem>>
    %dma_wait3A_672 = arith.constant 0 : i32
    %dma_wait3A_673 = tpu.memref_slice %arg13[%dma_wait3A_668, %dma_wait3A_672] : memref<100x100xi32, #tpu.memory_space<vmem>> -> memref<1x100xi32, #tpu.memory_space<vmem>>
    %dma_wait3A_674 = tpu.memref_squeeze %dma_wait3A_673 : memref<1x100xi32, #tpu.memory_space<vmem>> -> memref<100xi32, #tpu.memory_space<vmem>>
    %dma_wait3A_675 = arith.constant 0 : i32
    %dma_wait3A_676 = arith.constant 0 : i32
    %dma_wait3A_677 = tpu.memref_slice %arg14[%dma_wait3A_675, %dma_wait3A_676] : memref<10240x32xf32, #tpu.memory_space<vmem_shared>> -> memref<10240x32xf32, #tpu.memory_space<vmem_shared>>
    tpu.wait_indirect_dma semaphore(%arg16 : memref<!tpu.dma_semaphore, #tpu.memory_space<semaphore_mem>>) src(%dma_wait3A_671 : memref<100x32xf32, #tpu.memory_space<vmem>>) dst(%dma_wait3A_677 : memref<10240x32xf32, #tpu.memory_space<vmem_shared>>)
    %dma_wait3A_678 = arith.constant 29 : i32
    %dma_wait3A_679 = arith.constant 900 : i32
    %dma_wait3A_680 = arith.constant 0 : i32
    %dma_wait3A_681 = tpu.memref_slice %arg9[%dma_wait3A_679, %dma_wait3A_680] : memref<1000x32xf32, #tpu.memory_space<vmem>> -> memref<100x32xf32, #tpu.memory_space<vmem>>
    %dma_wait3A_682 = arith.constant 0 : i32
    %dma_wait3A_683 = tpu.memref_slice %arg13[%dma_wait3A_678, %dma_wait3A_682] : memref<100x100xi32, #tpu.memory_space<vmem>> -> memref<1x100xi32, #tpu.memory_space<vmem>>
    %dma_wait3A_684 = tpu.memref_squeeze %dma_wait3A_683 : memref<1x100xi32, #tpu.memory_space<vmem>> -> memref<100xi32, #tpu.memory_space<vmem>>
    %dma_wait3A_685 = arith.constant 0 : i32
    %dma_wait3A_686 = arith.constant 0 : i32
    %dma_wait3A_687 = tpu.memref_slice %arg14[%dma_wait3A_685, %dma_wait3A_686] : memref<10240x32xf32, #tpu.memory_space<vmem_shared>> -> memref<10240x32xf32, #tpu.memory_space<vmem_shared>>
    tpu.wait_indirect_dma semaphore(%arg16 : memref<!tpu.dma_semaphore, #tpu.memory_space<semaphore_mem>>) src(%dma_wait3A_681 : memref<100x32xf32, #tpu.memory_space<vmem>>) dst(%dma_wait3A_687 : memref<10240x32xf32, #tpu.memory_space<vmem_shared>>)
    %mul3A_688 = arith.constant 10000 : i32
    %mul3A_689 = arith.muli %add3A, %mul3A_688 : i32
    %add3A_690 = arith.constant 4000 : i32
    %add3A_691 = arith.addi %mul3A_689, %add3A_690 : i32
    %dma_start3A_692 = arith.constant 0 : i32
    %dma_start3A_693 = arith.constant 0 : i32
    %dma_start3A_694 = tpu.memref_slice %arg2[%add3A_691, %dma_start3A_692, %dma_start3A_693] : memref<320000x1x16xf32, #tpu.memory_space<hbm>> -> memref<1000x1x16xf32, #tpu.memory_space<hbm>>
    %dma_start3A_695 = arith.constant 0 : i32
    %dma_start3A_696 = arith.constant 0 : i32
    %dma_start3A_697 = tpu.memref_slice %arg2[%add3A_691, %dma_start3A_695, %dma_start3A_696] : memref<320000x1x16xf32, #tpu.memory_space<hbm>> -> memref<1000x1x16xf32, #tpu.memory_space<hbm>>
    tpu.enqueue_dma source(%dma_start3A_697 : memref<1000x1x16xf32, #tpu.memory_space<hbm>>) target(%arg7 : memref<1000x1x16xf32, #tpu.memory_space<vmem>>) target_semaphore(%arg15 : memref<!tpu.dma_semaphore, #tpu.memory_space<semaphore_mem>>)
    %dma_start3A_698 = tpu.memref_slice %arg3[%add3A_691] : memref<320000xf32, #tpu.memory_space<hbm>> -> memref<1000xf32, #tpu.memory_space<hbm>>
    %dma_start3A_699 = tpu.memref_slice %arg3[%add3A_691] : memref<320000xf32, #tpu.memory_space<hbm>> -> memref<1000xf32, #tpu.memory_space<hbm>>
    tpu.enqueue_dma source(%dma_start3A_699 : memref<1000xf32, #tpu.memory_space<hbm>>) target(%arg11 : memref<1000xf32, #tpu.memory_space<vmem>>) target_semaphore(%arg15 : memref<!tpu.dma_semaphore, #tpu.memory_space<semaphore_mem>>)
    %dma_wait3A_700 = arith.constant 0 : i32
    %dma_wait3A_701 = arith.constant 0 : i32
    %dma_wait3A_702 = tpu.memref_slice %arg2[%add3A_468, %dma_wait3A_700, %dma_wait3A_701] : memref<320000x1x16xf32, #tpu.memory_space<hbm>> -> memref<1000x1x16xf32, #tpu.memory_space<hbm>>
    %dma_wait3A_703 = arith.constant 0 : i32
    %dma_wait3A_704 = arith.constant 0 : i32
    %dma_wait3A_705 = tpu.memref_slice %arg2[%add3A_468, %dma_wait3A_703, %dma_wait3A_704] : memref<320000x1x16xf32, #tpu.memory_space<hbm>> -> memref<1000x1x16xf32, #tpu.memory_space<hbm>>
    tpu.wait_dma2 semaphore(%arg15 : memref<!tpu.dma_semaphore, #tpu.memory_space<semaphore_mem>>) src(%dma_wait3A_705 : memref<1000x1x16xf32, #tpu.memory_space<hbm>>) dst(%arg8 : memref<1000x1x16xf32, #tpu.memory_space<vmem>>)
    %dma_wait3A_706 = tpu.memref_slice %arg3[%add3A_468] : memref<320000xf32, #tpu.memory_space<hbm>> -> memref<1000xf32, #tpu.memory_space<hbm>>
    %dma_wait3A_707 = tpu.memref_slice %arg3[%add3A_468] : memref<320000xf32, #tpu.memory_space<hbm>> -> memref<1000xf32, #tpu.memory_space<hbm>>
    tpu.wait_dma2 semaphore(%arg15 : memref<!tpu.dma_semaphore, #tpu.memory_space<semaphore_mem>>) src(%dma_wait3A_707 : memref<1000xf32, #tpu.memory_space<hbm>>) dst(%arg12 : memref<1000xf32, #tpu.memory_space<vmem>>)
    %parallel_loop3A_708 = arith.constant 0 : i32
    %parallel_loop3A_709 = arith.constant 1000 : i32
    %parallel_loop3A_710 = arith.constant 1 : i32
    scf.for %parallel_loop3A_2238 = %parallel_loop3A_708 to %parallel_loop3A_709 step %parallel_loop3A_710  : i32 {
      %parallel_loop3A_2239 = vector.broadcast %parallel_loop3A_2238 : i32 to vector<16xi32>
      %parallel_loop3A_2240 = tpu.vector_load_idx %arg12[%parallel_loop3A_2239] : memref<1000xf32, #tpu.memory_space<vmem>>[vector<16xi32>], vector<16xf32>,
      %parallel_loop3A_2241 = arith.constant 0 : i32
      %parallel_loop3A_2242 = arith.index_cast %parallel_loop3A_2238 : i32 to index
      %parallel_loop3A_2243 = arith.index_cast %parallel_loop3A_2241 : i32 to index
      %parallel_loop3A_2244 = arith.constant 0 : index
      %parallel_loop3A_2245 = tpu.vector_load %arg8[%parallel_loop3A_2242, %parallel_loop3A_2243, %parallel_loop3A_2244] {strides = array<i32>} : memref<1000x1x16xf32, #tpu.memory_space<vmem>>, vector<16xf32>,
      %parallel_loop3A_2246 = arith.mulf %parallel_loop3A_2245, %parallel_loop3A_2240 : vector<16xf32>
      %parallel_loop3A_2247 = arith.index_cast %parallel_loop3A_2238 : i32 to index
      %parallel_loop3A_2248 = arith.constant 0 : index
      %parallel_loop3A_2249 = tpu.vector_load %arg10[%parallel_loop3A_2247, %parallel_loop3A_2248] {strides = array<i32>} : memref<1000x32xf32, #tpu.memory_space<vmem>>, vector<16xf32>,
      tpu.vector_store %arg10[%parallel_loop3A_2247, %parallel_loop3A_2248], %parallel_loop3A_2246 {strides = array<i32>} : memref<1000x32xf32, #tpu.memory_space<vmem>>, vector<16xf32>,
    } {sc.loop_unroll_factor = 8 : i64, sc.parallel_access}
    %dma_start3A_711 = arith.constant 30 : i32
    %dma_start3A_712 = arith.constant 0 : i32
    %dma_start3A_713 = arith.constant 0 : i32
    %dma_start3A_714 = tpu.memref_slice %arg10[%dma_start3A_712, %dma_start3A_713] : memref<1000x32xf32, #tpu.memory_space<vmem>> -> memref<100x32xf32, #tpu.memory_space<vmem>>
    %dma_start3A_715 = arith.constant 0 : i32
    %dma_start3A_716 = tpu.memref_slice %arg13[%dma_start3A_711, %dma_start3A_715] : memref<100x100xi32, #tpu.memory_space<vmem>> -> memref<1x100xi32, #tpu.memory_space<vmem>>
    %dma_start3A_717 = tpu.memref_squeeze %dma_start3A_716 : memref<1x100xi32, #tpu.memory_space<vmem>> -> memref<100xi32, #tpu.memory_space<vmem>>
    %dma_start3A_718 = arith.constant 0 : i32
    %dma_start3A_719 = arith.constant 0 : i32
    %dma_start3A_720 = tpu.memref_slice %arg14[%dma_start3A_718, %dma_start3A_719] : memref<10240x32xf32, #tpu.memory_space<vmem_shared>> -> memref<10240x32xf32, #tpu.memory_space<vmem_shared>>
    tpu.enqueue_indirect_dma source(%dma_start3A_714 : memref<100x32xf32, #tpu.memory_space<vmem>>) target(%dma_start3A_720 : memref<10240x32xf32, #tpu.memory_space<vmem_shared>>) offsets(%dma_start3A_717 : memref<100xi32, #tpu.memory_space<vmem>>) semaphore(%arg16 : memref<!tpu.dma_semaphore, #tpu.memory_space<semaphore_mem>>) {add = true}
    %dma_start3A_721 = arith.constant 31 : i32
    %dma_start3A_722 = arith.constant 100 : i32
    %dma_start3A_723 = arith.constant 0 : i32
    %dma_start3A_724 = tpu.memref_slice %arg10[%dma_start3A_722, %dma_start3A_723] : memref<1000x32xf32, #tpu.memory_space<vmem>> -> memref<100x32xf32, #tpu.memory_space<vmem>>
    %dma_start3A_725 = arith.constant 0 : i32
    %dma_start3A_726 = tpu.memref_slice %arg13[%dma_start3A_721, %dma_start3A_725] : memref<100x100xi32, #tpu.memory_space<vmem>> -> memref<1x100xi32, #tpu.memory_space<vmem>>
    %dma_start3A_727 = tpu.memref_squeeze %dma_start3A_726 : memref<1x100xi32, #tpu.memory_space<vmem>> -> memref<100xi32, #tpu.memory_space<vmem>>
    %dma_start3A_728 = arith.constant 0 : i32
    %dma_start3A_729 = arith.constant 0 : i32
    %dma_start3A_730 = tpu.memref_slice %arg14[%dma_start3A_728, %dma_start3A_729] : memref<10240x32xf32, #tpu.memory_space<vmem_shared>> -> memref<10240x32xf32, #tpu.memory_space<vmem_shared>>
    tpu.enqueue_indirect_dma source(%dma_start3A_724 : memref<100x32xf32, #tpu.memory_space<vmem>>) target(%dma_start3A_730 : memref<10240x32xf32, #tpu.memory_space<vmem_shared>>) offsets(%dma_start3A_727 : memref<100xi32, #tpu.memory_space<vmem>>) semaphore(%arg16 : memref<!tpu.dma_semaphore, #tpu.memory_space<semaphore_mem>>) {add = true}
    %dma_start3A_731 = arith.constant 32 : i32
    %dma_start3A_732 = arith.constant 200 : i32
    %dma_start3A_733 = arith.constant 0 : i32
    %dma_start3A_734 = tpu.memref_slice %arg10[%dma_start3A_732, %dma_start3A_733] : memref<1000x32xf32, #tpu.memory_space<vmem>> -> memref<100x32xf32, #tpu.memory_space<vmem>>
    %dma_start3A_735 = arith.constant 0 : i32
    %dma_start3A_736 = tpu.memref_slice %arg13[%dma_start3A_731, %dma_start3A_735] : memref<100x100xi32, #tpu.memory_space<vmem>> -> memref<1x100xi32, #tpu.memory_space<vmem>>
    %dma_start3A_737 = tpu.memref_squeeze %dma_start3A_736 : memref<1x100xi32, #tpu.memory_space<vmem>> -> memref<100xi32, #tpu.memory_space<vmem>>
    %dma_start3A_738 = arith.constant 0 : i32
    %dma_start3A_739 = arith.constant 0 : i32
    %dma_start3A_740 = tpu.memref_slice %arg14[%dma_start3A_738, %dma_start3A_739] : memref<10240x32xf32, #tpu.memory_space<vmem_shared>> -> memref<10240x32xf32, #tpu.memory_space<vmem_shared>>
    tpu.enqueue_indirect_dma source(%dma_start3A_734 : memref<100x32xf32, #tpu.memory_space<vmem>>) target(%dma_start3A_740 : memref<10240x32xf32, #tpu.memory_space<vmem_shared>>) offsets(%dma_start3A_737 : memref<100xi32, #tpu.memory_space<vmem>>) semaphore(%arg16 : memref<!tpu.dma_semaphore, #tpu.memory_space<semaphore_mem>>) {add = true}
    %dma_start3A_741 = arith.constant 33 : i32
    %dma_start3A_742 = arith.constant 300 : i32
    %dma_start3A_743 = arith.constant 0 : i32
    %dma_start3A_744 = tpu.memref_slice %arg10[%dma_start3A_742, %dma_start3A_743] : memref<1000x32xf32, #tpu.memory_space<vmem>> -> memref<100x32xf32, #tpu.memory_space<vmem>>
    %dma_start3A_745 = arith.constant 0 : i32
    %dma_start3A_746 = tpu.memref_slice %arg13[%dma_start3A_741, %dma_start3A_745] : memref<100x100xi32, #tpu.memory_space<vmem>> -> memref<1x100xi32, #tpu.memory_space<vmem>>
    %dma_start3A_747 = tpu.memref_squeeze %dma_start3A_746 : memref<1x100xi32, #tpu.memory_space<vmem>> -> memref<100xi32, #tpu.memory_space<vmem>>
    %dma_start3A_748 = arith.constant 0 : i32
    %dma_start3A_749 = arith.constant 0 : i32
    %dma_start3A_750 = tpu.memref_slice %arg14[%dma_start3A_748, %dma_start3A_749] : memref<10240x32xf32, #tpu.memory_space<vmem_shared>> -> memref<10240x32xf32, #tpu.memory_space<vmem_shared>>
    tpu.enqueue_indirect_dma source(%dma_start3A_744 : memref<100x32xf32, #tpu.memory_space<vmem>>) target(%dma_start3A_750 : memref<10240x32xf32, #tpu.memory_space<vmem_shared>>) offsets(%dma_start3A_747 : memref<100xi32, #tpu.memory_space<vmem>>) semaphore(%arg16 : memref<!tpu.dma_semaphore, #tpu.memory_space<semaphore_mem>>) {add = true}
    %dma_start3A_751 = arith.constant 34 : i32
    %dma_start3A_752 = arith.constant 400 : i32
    %dma_start3A_753 = arith.constant 0 : i32
    %dma_start3A_754 = tpu.memref_slice %arg10[%dma_start3A_752, %dma_start3A_753] : memref<1000x32xf32, #tpu.memory_space<vmem>> -> memref<100x32xf32, #tpu.memory_space<vmem>>
    %dma_start3A_755 = arith.constant 0 : i32
    %dma_start3A_756 = tpu.memref_slice %arg13[%dma_start3A_751, %dma_start3A_755] : memref<100x100xi32, #tpu.memory_space<vmem>> -> memref<1x100xi32, #tpu.memory_space<vmem>>
    %dma_start3A_757 = tpu.memref_squeeze %dma_start3A_756 : memref<1x100xi32, #tpu.memory_space<vmem>> -> memref<100xi32, #tpu.memory_space<vmem>>
    %dma_start3A_758 = arith.constant 0 : i32
    %dma_start3A_759 = arith.constant 0 : i32
    %dma_start3A_760 = tpu.memref_slice %arg14[%dma_start3A_758, %dma_start3A_759] : memref<10240x32xf32, #tpu.memory_space<vmem_shared>> -> memref<10240x32xf32, #tpu.memory_space<vmem_shared>>
    tpu.enqueue_indirect_dma source(%dma_start3A_754 : memref<100x32xf32, #tpu.memory_space<vmem>>) target(%dma_start3A_760 : memref<10240x32xf32, #tpu.memory_space<vmem_shared>>) offsets(%dma_start3A_757 : memref<100xi32, #tpu.memory_space<vmem>>) semaphore(%arg16 : memref<!tpu.dma_semaphore, #tpu.memory_space<semaphore_mem>>) {add = true}
    %dma_start3A_761 = arith.constant 35 : i32
    %dma_start3A_762 = arith.constant 500 : i32
    %dma_start3A_763 = arith.constant 0 : i32
    %dma_start3A_764 = tpu.memref_slice %arg10[%dma_start3A_762, %dma_start3A_763] : memref<1000x32xf32, #tpu.memory_space<vmem>> -> memref<100x32xf32, #tpu.memory_space<vmem>>
    %dma_start3A_765 = arith.constant 0 : i32
    %dma_start3A_766 = tpu.memref_slice %arg13[%dma_start3A_761, %dma_start3A_765] : memref<100x100xi32, #tpu.memory_space<vmem>> -> memref<1x100xi32, #tpu.memory_space<vmem>>
    %dma_start3A_767 = tpu.memref_squeeze %dma_start3A_766 : memref<1x100xi32, #tpu.memory_space<vmem>> -> memref<100xi32, #tpu.memory_space<vmem>>
    %dma_start3A_768 = arith.constant 0 : i32
    %dma_start3A_769 = arith.constant 0 : i32
    %dma_start3A_770 = tpu.memref_slice %arg14[%dma_start3A_768, %dma_start3A_769] : memref<10240x32xf32, #tpu.memory_space<vmem_shared>> -> memref<10240x32xf32, #tpu.memory_space<vmem_shared>>
    tpu.enqueue_indirect_dma source(%dma_start3A_764 : memref<100x32xf32, #tpu.memory_space<vmem>>) target(%dma_start3A_770 : memref<10240x32xf32, #tpu.memory_space<vmem_shared>>) offsets(%dma_start3A_767 : memref<100xi32, #tpu.memory_space<vmem>>) semaphore(%arg16 : memref<!tpu.dma_semaphore, #tpu.memory_space<semaphore_mem>>) {add = true}
    %dma_start3A_771 = arith.constant 36 : i32
    %dma_start3A_772 = arith.constant 600 : i32
    %dma_start3A_773 = arith.constant 0 : i32
    %dma_start3A_774 = tpu.memref_slice %arg10[%dma_start3A_772, %dma_start3A_773] : memref<1000x32xf32, #tpu.memory_space<vmem>> -> memref<100x32xf32, #tpu.memory_space<vmem>>
    %dma_start3A_775 = arith.constant 0 : i32
    %dma_start3A_776 = tpu.memref_slice %arg13[%dma_start3A_771, %dma_start3A_775] : memref<100x100xi32, #tpu.memory_space<vmem>> -> memref<1x100xi32, #tpu.memory_space<vmem>>
    %dma_start3A_777 = tpu.memref_squeeze %dma_start3A_776 : memref<1x100xi32, #tpu.memory_space<vmem>> -> memref<100xi32, #tpu.memory_space<vmem>>
    %dma_start3A_778 = arith.constant 0 : i32
    %dma_start3A_779 = arith.constant 0 : i32
    %dma_start3A_780 = tpu.memref_slice %arg14[%dma_start3A_778, %dma_start3A_779] : memref<10240x32xf32, #tpu.memory_space<vmem_shared>> -> memref<10240x32xf32, #tpu.memory_space<vmem_shared>>
    tpu.enqueue_indirect_dma source(%dma_start3A_774 : memref<100x32xf32, #tpu.memory_space<vmem>>) target(%dma_start3A_780 : memref<10240x32xf32, #tpu.memory_space<vmem_shared>>) offsets(%dma_start3A_777 : memref<100xi32, #tpu.memory_space<vmem>>) semaphore(%arg16 : memref<!tpu.dma_semaphore, #tpu.memory_space<semaphore_mem>>) {add = true}
    %dma_start3A_781 = arith.constant 37 : i32
    %dma_start3A_782 = arith.constant 700 : i32
    %dma_start3A_783 = arith.constant 0 : i32
    %dma_start3A_784 = tpu.memref_slice %arg10[%dma_start3A_782, %dma_start3A_783] : memref<1000x32xf32, #tpu.memory_space<vmem>> -> memref<100x32xf32, #tpu.memory_space<vmem>>
    %dma_start3A_785 = arith.constant 0 : i32
    %dma_start3A_786 = tpu.memref_slice %arg13[%dma_start3A_781, %dma_start3A_785] : memref<100x100xi32, #tpu.memory_space<vmem>> -> memref<1x100xi32, #tpu.memory_space<vmem>>
    %dma_start3A_787 = tpu.memref_squeeze %dma_start3A_786 : memref<1x100xi32, #tpu.memory_space<vmem>> -> memref<100xi32, #tpu.memory_space<vmem>>
    %dma_start3A_788 = arith.constant 0 : i32
    %dma_start3A_789 = arith.constant 0 : i32
    %dma_start3A_790 = tpu.memref_slice %arg14[%dma_start3A_788, %dma_start3A_789] : memref<10240x32xf32, #tpu.memory_space<vmem_shared>> -> memref<10240x32xf32, #tpu.memory_space<vmem_shared>>
    tpu.enqueue_indirect_dma source(%dma_start3A_784 : memref<100x32xf32, #tpu.memory_space<vmem>>) target(%dma_start3A_790 : memref<10240x32xf32, #tpu.memory_space<vmem_shared>>) offsets(%dma_start3A_787 : memref<100xi32, #tpu.memory_space<vmem>>) semaphore(%arg16 : memref<!tpu.dma_semaphore, #tpu.memory_space<semaphore_mem>>) {add = true}
    %dma_start3A_791 = arith.constant 38 : i32
    %dma_start3A_792 = arith.constant 800 : i32
    %dma_start3A_793 = arith.constant 0 : i32
    %dma_start3A_794 = tpu.memref_slice %arg10[%dma_start3A_792, %dma_start3A_793] : memref<1000x32xf32, #tpu.memory_space<vmem>> -> memref<100x32xf32, #tpu.memory_space<vmem>>
    %dma_start3A_795 = arith.constant 0 : i32
    %dma_start3A_796 = tpu.memref_slice %arg13[%dma_start3A_791, %dma_start3A_795] : memref<100x100xi32, #tpu.memory_space<vmem>> -> memref<1x100xi32, #tpu.memory_space<vmem>>
    %dma_start3A_797 = tpu.memref_squeeze %dma_start3A_796 : memref<1x100xi32, #tpu.memory_space<vmem>> -> memref<100xi32, #tpu.memory_space<vmem>>
    %dma_start3A_798 = arith.constant 0 : i32
    %dma_start3A_799 = arith.constant 0 : i32
    %dma_start3A_800 = tpu.memref_slice %arg14[%dma_start3A_798, %dma_start3A_799] : memref<10240x32xf32, #tpu.memory_space<vmem_shared>> -> memref<10240x32xf32, #tpu.memory_space<vmem_shared>>
    tpu.enqueue_indirect_dma source(%dma_start3A_794 : memref<100x32xf32, #tpu.memory_space<vmem>>) target(%dma_start3A_800 : memref<10240x32xf32, #tpu.memory_space<vmem_shared>>) offsets(%dma_start3A_797 : memref<100xi32, #tpu.memory_space<vmem>>) semaphore(%arg16 : memref<!tpu.dma_semaphore, #tpu.memory_space<semaphore_mem>>) {add = true}
    %dma_start3A_801 = arith.constant 39 : i32
    %dma_start3A_802 = arith.constant 900 : i32
    %dma_start3A_803 = arith.constant 0 : i32
    %dma_start3A_804 = tpu.memref_slice %arg10[%dma_start3A_802, %dma_start3A_803] : memref<1000x32xf32, #tpu.memory_space<vmem>> -> memref<100x32xf32, #tpu.memory_space<vmem>>
    %dma_start3A_805 = arith.constant 0 : i32
    %dma_start3A_806 = tpu.memref_slice %arg13[%dma_start3A_801, %dma_start3A_805] : memref<100x100xi32, #tpu.memory_space<vmem>> -> memref<1x100xi32, #tpu.memory_space<vmem>>
    %dma_start3A_807 = tpu.memref_squeeze %dma_start3A_806 : memref<1x100xi32, #tpu.memory_space<vmem>> -> memref<100xi32, #tpu.memory_space<vmem>>
    %dma_start3A_808 = arith.constant 0 : i32
    %dma_start3A_809 = arith.constant 0 : i32
    %dma_start3A_810 = tpu.memref_slice %arg14[%dma_start3A_808, %dma_start3A_809] : memref<10240x32xf32, #tpu.memory_space<vmem_shared>> -> memref<10240x32xf32, #tpu.memory_space<vmem_shared>>
    tpu.enqueue_indirect_dma source(%dma_start3A_804 : memref<100x32xf32, #tpu.memory_space<vmem>>) target(%dma_start3A_810 : memref<10240x32xf32, #tpu.memory_space<vmem_shared>>) offsets(%dma_start3A_807 : memref<100xi32, #tpu.memory_space<vmem>>) semaphore(%arg16 : memref<!tpu.dma_semaphore, #tpu.memory_space<semaphore_mem>>) {add = true}
    %dma_wait3A_811 = arith.constant 30 : i32
    %dma_wait3A_812 = arith.constant 0 : i32
    %dma_wait3A_813 = arith.constant 0 : i32
    %dma_wait3A_814 = tpu.memref_slice %arg10[%dma_wait3A_812, %dma_wait3A_813] : memref<1000x32xf32, #tpu.memory_space<vmem>> -> memref<100x32xf32, #tpu.memory_space<vmem>>
    %dma_wait3A_815 = arith.constant 0 : i32
    %dma_wait3A_816 = tpu.memref_slice %arg13[%dma_wait3A_811, %dma_wait3A_815] : memref<100x100xi32, #tpu.memory_space<vmem>> -> memref<1x100xi32, #tpu.memory_space<vmem>>
    %dma_wait3A_817 = tpu.memref_squeeze %dma_wait3A_816 : memref<1x100xi32, #tpu.memory_space<vmem>> -> memref<100xi32, #tpu.memory_space<vmem>>
    %dma_wait3A_818 = arith.constant 0 : i32
    %dma_wait3A_819 = arith.constant 0 : i32
    %dma_wait3A_820 = tpu.memref_slice %arg14[%dma_wait3A_818, %dma_wait3A_819] : memref<10240x32xf32, #tpu.memory_space<vmem_shared>> -> memref<10240x32xf32, #tpu.memory_space<vmem_shared>>
    tpu.wait_indirect_dma semaphore(%arg16 : memref<!tpu.dma_semaphore, #tpu.memory_space<semaphore_mem>>) src(%dma_wait3A_814 : memref<100x32xf32, #tpu.memory_space<vmem>>) dst(%dma_wait3A_820 : memref<10240x32xf32, #tpu.memory_space<vmem_shared>>)
    %dma_wait3A_821 = arith.constant 31 : i32
    %dma_wait3A_822 = arith.constant 100 : i32
    %dma_wait3A_823 = arith.constant 0 : i32
    %dma_wait3A_824 = tpu.memref_slice %arg10[%dma_wait3A_822, %dma_wait3A_823] : memref<1000x32xf32, #tpu.memory_space<vmem>> -> memref<100x32xf32, #tpu.memory_space<vmem>>
    %dma_wait3A_825 = arith.constant 0 : i32
    %dma_wait3A_826 = tpu.memref_slice %arg13[%dma_wait3A_821, %dma_wait3A_825] : memref<100x100xi32, #tpu.memory_space<vmem>> -> memref<1x100xi32, #tpu.memory_space<vmem>>
    %dma_wait3A_827 = tpu.memref_squeeze %dma_wait3A_826 : memref<1x100xi32, #tpu.memory_space<vmem>> -> memref<100xi32, #tpu.memory_space<vmem>>
    %dma_wait3A_828 = arith.constant 0 : i32
    %dma_wait3A_829 = arith.constant 0 : i32
    %dma_wait3A_830 = tpu.memref_slice %arg14[%dma_wait3A_828, %dma_wait3A_829] : memref<10240x32xf32, #tpu.memory_space<vmem_shared>> -> memref<10240x32xf32, #tpu.memory_space<vmem_shared>>
    tpu.wait_indirect_dma semaphore(%arg16 : memref<!tpu.dma_semaphore, #tpu.memory_space<semaphore_mem>>) src(%dma_wait3A_824 : memref<100x32xf32, #tpu.memory_space<vmem>>) dst(%dma_wait3A_830 : memref<10240x32xf32, #tpu.memory_space<vmem_shared>>)
    %dma_wait3A_831 = arith.constant 32 : i32
    %dma_wait3A_832 = arith.constant 200 : i32
    %dma_wait3A_833 = arith.constant 0 : i32
    %dma_wait3A_834 = tpu.memref_slice %arg10[%dma_wait3A_832, %dma_wait3A_833] : memref<1000x32xf32, #tpu.memory_space<vmem>> -> memref<100x32xf32, #tpu.memory_space<vmem>>
    %dma_wait3A_835 = arith.constant 0 : i32
    %dma_wait3A_836 = tpu.memref_slice %arg13[%dma_wait3A_831, %dma_wait3A_835] : memref<100x100xi32, #tpu.memory_space<vmem>> -> memref<1x100xi32, #tpu.memory_space<vmem>>
    %dma_wait3A_837 = tpu.memref_squeeze %dma_wait3A_836 : memref<1x100xi32, #tpu.memory_space<vmem>> -> memref<100xi32, #tpu.memory_space<vmem>>
    %dma_wait3A_838 = arith.constant 0 : i32
    %dma_wait3A_839 = arith.constant 0 : i32
    %dma_wait3A_840 = tpu.memref_slice %arg14[%dma_wait3A_838, %dma_wait3A_839] : memref<10240x32xf32, #tpu.memory_space<vmem_shared>> -> memref<10240x32xf32, #tpu.memory_space<vmem_shared>>
    tpu.wait_indirect_dma semaphore(%arg16 : memref<!tpu.dma_semaphore, #tpu.memory_space<semaphore_mem>>) src(%dma_wait3A_834 : memref<100x32xf32, #tpu.memory_space<vmem>>) dst(%dma_wait3A_840 : memref<10240x32xf32, #tpu.memory_space<vmem_shared>>)
    %dma_wait3A_841 = arith.constant 33 : i32
    %dma_wait3A_842 = arith.constant 300 : i32
    %dma_wait3A_843 = arith.constant 0 : i32
    %dma_wait3A_844 = tpu.memref_slice %arg10[%dma_wait3A_842, %dma_wait3A_843] : memref<1000x32xf32, #tpu.memory_space<vmem>> -> memref<100x32xf32, #tpu.memory_space<vmem>>
    %dma_wait3A_845 = arith.constant 0 : i32
    %dma_wait3A_846 = tpu.memref_slice %arg13[%dma_wait3A_841, %dma_wait3A_845] : memref<100x100xi32, #tpu.memory_space<vmem>> -> memref<1x100xi32, #tpu.memory_space<vmem>>
    %dma_wait3A_847 = tpu.memref_squeeze %dma_wait3A_846 : memref<1x100xi32, #tpu.memory_space<vmem>> -> memref<100xi32, #tpu.memory_space<vmem>>
    %dma_wait3A_848 = arith.constant 0 : i32
    %dma_wait3A_849 = arith.constant 0 : i32
    %dma_wait3A_850 = tpu.memref_slice %arg14[%dma_wait3A_848, %dma_wait3A_849] : memref<10240x32xf32, #tpu.memory_space<vmem_shared>> -> memref<10240x32xf32, #tpu.memory_space<vmem_shared>>
    tpu.wait_indirect_dma semaphore(%arg16 : memref<!tpu.dma_semaphore, #tpu.memory_space<semaphore_mem>>) src(%dma_wait3A_844 : memref<100x32xf32, #tpu.memory_space<vmem>>) dst(%dma_wait3A_850 : memref<10240x32xf32, #tpu.memory_space<vmem_shared>>)
    %dma_wait3A_851 = arith.constant 34 : i32
    %dma_wait3A_852 = arith.constant 400 : i32
    %dma_wait3A_853 = arith.constant 0 : i32
    %dma_wait3A_854 = tpu.memref_slice %arg10[%dma_wait3A_852, %dma_wait3A_853] : memref<1000x32xf32, #tpu.memory_space<vmem>> -> memref<100x32xf32, #tpu.memory_space<vmem>>
    %dma_wait3A_855 = arith.constant 0 : i32
    %dma_wait3A_856 = tpu.memref_slice %arg13[%dma_wait3A_851, %dma_wait3A_855] : memref<100x100xi32, #tpu.memory_space<vmem>> -> memref<1x100xi32, #tpu.memory_space<vmem>>
    %dma_wait3A_857 = tpu.memref_squeeze %dma_wait3A_856 : memref<1x100xi32, #tpu.memory_space<vmem>> -> memref<100xi32, #tpu.memory_space<vmem>>
    %dma_wait3A_858 = arith.constant 0 : i32
    %dma_wait3A_859 = arith.constant 0 : i32
    %dma_wait3A_860 = tpu.memref_slice %arg14[%dma_wait3A_858, %dma_wait3A_859] : memref<10240x32xf32, #tpu.memory_space<vmem_shared>> -> memref<10240x32xf32, #tpu.memory_space<vmem_shared>>
    tpu.wait_indirect_dma semaphore(%arg16 : memref<!tpu.dma_semaphore, #tpu.memory_space<semaphore_mem>>) src(%dma_wait3A_854 : memref<100x32xf32, #tpu.memory_space<vmem>>) dst(%dma_wait3A_860 : memref<10240x32xf32, #tpu.memory_space<vmem_shared>>)
    %dma_wait3A_861 = arith.constant 35 : i32
    %dma_wait3A_862 = arith.constant 500 : i32
    %dma_wait3A_863 = arith.constant 0 : i32
    %dma_wait3A_864 = tpu.memref_slice %arg10[%dma_wait3A_862, %dma_wait3A_863] : memref<1000x32xf32, #tpu.memory_space<vmem>> -> memref<100x32xf32, #tpu.memory_space<vmem>>
    %dma_wait3A_865 = arith.constant 0 : i32
    %dma_wait3A_866 = tpu.memref_slice %arg13[%dma_wait3A_861, %dma_wait3A_865] : memref<100x100xi32, #tpu.memory_space<vmem>> -> memref<1x100xi32, #tpu.memory_space<vmem>>
    %dma_wait3A_867 = tpu.memref_squeeze %dma_wait3A_866 : memref<1x100xi32, #tpu.memory_space<vmem>> -> memref<100xi32, #tpu.memory_space<vmem>>
    %dma_wait3A_868 = arith.constant 0 : i32
    %dma_wait3A_869 = arith.constant 0 : i32
    %dma_wait3A_870 = tpu.memref_slice %arg14[%dma_wait3A_868, %dma_wait3A_869] : memref<10240x32xf32, #tpu.memory_space<vmem_shared>> -> memref<10240x32xf32, #tpu.memory_space<vmem_shared>>
    tpu.wait_indirect_dma semaphore(%arg16 : memref<!tpu.dma_semaphore, #tpu.memory_space<semaphore_mem>>) src(%dma_wait3A_864 : memref<100x32xf32, #tpu.memory_space<vmem>>) dst(%dma_wait3A_870 : memref<10240x32xf32, #tpu.memory_space<vmem_shared>>)
    %dma_wait3A_871 = arith.constant 36 : i32
    %dma_wait3A_872 = arith.constant 600 : i32
    %dma_wait3A_873 = arith.constant 0 : i32
    %dma_wait3A_874 = tpu.memref_slice %arg10[%dma_wait3A_872, %dma_wait3A_873] : memref<1000x32xf32, #tpu.memory_space<vmem>> -> memref<100x32xf32, #tpu.memory_space<vmem>>
    %dma_wait3A_875 = arith.constant 0 : i32
    %dma_wait3A_876 = tpu.memref_slice %arg13[%dma_wait3A_871, %dma_wait3A_875] : memref<100x100xi32, #tpu.memory_space<vmem>> -> memref<1x100xi32, #tpu.memory_space<vmem>>
    %dma_wait3A_877 = tpu.memref_squeeze %dma_wait3A_876 : memref<1x100xi32, #tpu.memory_space<vmem>> -> memref<100xi32, #tpu.memory_space<vmem>>
    %dma_wait3A_878 = arith.constant 0 : i32
    %dma_wait3A_879 = arith.constant 0 : i32
    %dma_wait3A_880 = tpu.memref_slice %arg14[%dma_wait3A_878, %dma_wait3A_879] : memref<10240x32xf32, #tpu.memory_space<vmem_shared>> -> memref<10240x32xf32, #tpu.memory_space<vmem_shared>>
    tpu.wait_indirect_dma semaphore(%arg16 : memref<!tpu.dma_semaphore, #tpu.memory_space<semaphore_mem>>) src(%dma_wait3A_874 : memref<100x32xf32, #tpu.memory_space<vmem>>) dst(%dma_wait3A_880 : memref<10240x32xf32, #tpu.memory_space<vmem_shared>>)
    %dma_wait3A_881 = arith.constant 37 : i32
    %dma_wait3A_882 = arith.constant 700 : i32
    %dma_wait3A_883 = arith.constant 0 : i32
    %dma_wait3A_884 = tpu.memref_slice %arg10[%dma_wait3A_882, %dma_wait3A_883] : memref<1000x32xf32, #tpu.memory_space<vmem>> -> memref<100x32xf32, #tpu.memory_space<vmem>>
    %dma_wait3A_885 = arith.constant 0 : i32
    %dma_wait3A_886 = tpu.memref_slice %arg13[%dma_wait3A_881, %dma_wait3A_885] : memref<100x100xi32, #tpu.memory_space<vmem>> -> memref<1x100xi32, #tpu.memory_space<vmem>>
    %dma_wait3A_887 = tpu.memref_squeeze %dma_wait3A_886 : memref<1x100xi32, #tpu.memory_space<vmem>> -> memref<100xi32, #tpu.memory_space<vmem>>
    %dma_wait3A_888 = arith.constant 0 : i32
    %dma_wait3A_889 = arith.constant 0 : i32
    %dma_wait3A_890 = tpu.memref_slice %arg14[%dma_wait3A_888, %dma_wait3A_889] : memref<10240x32xf32, #tpu.memory_space<vmem_shared>> -> memref<10240x32xf32, #tpu.memory_space<vmem_shared>>
    tpu.wait_indirect_dma semaphore(%arg16 : memref<!tpu.dma_semaphore, #tpu.memory_space<semaphore_mem>>) src(%dma_wait3A_884 : memref<100x32xf32, #tpu.memory_space<vmem>>) dst(%dma_wait3A_890 : memref<10240x32xf32, #tpu.memory_space<vmem_shared>>)
    %dma_wait3A_891 = arith.constant 38 : i32
    %dma_wait3A_892 = arith.constant 800 : i32
    %dma_wait3A_893 = arith.constant 0 : i32
    %dma_wait3A_894 = tpu.memref_slice %arg10[%dma_wait3A_892, %dma_wait3A_893] : memref<1000x32xf32, #tpu.memory_space<vmem>> -> memref<100x32xf32, #tpu.memory_space<vmem>>
    %dma_wait3A_895 = arith.constant 0 : i32
    %dma_wait3A_896 = tpu.memref_slice %arg13[%dma_wait3A_891, %dma_wait3A_895] : memref<100x100xi32, #tpu.memory_space<vmem>> -> memref<1x100xi32, #tpu.memory_space<vmem>>
    %dma_wait3A_897 = tpu.memref_squeeze %dma_wait3A_896 : memref<1x100xi32, #tpu.memory_space<vmem>> -> memref<100xi32, #tpu.memory_space<vmem>>
    %dma_wait3A_898 = arith.constant 0 : i32
    %dma_wait3A_899 = arith.constant 0 : i32
    %dma_wait3A_900 = tpu.memref_slice %arg14[%dma_wait3A_898, %dma_wait3A_899] : memref<10240x32xf32, #tpu.memory_space<vmem_shared>> -> memref<10240x32xf32, #tpu.memory_space<vmem_shared>>
    tpu.wait_indirect_dma semaphore(%arg16 : memref<!tpu.dma_semaphore, #tpu.memory_space<semaphore_mem>>) src(%dma_wait3A_894 : memref<100x32xf32, #tpu.memory_space<vmem>>) dst(%dma_wait3A_900 : memref<10240x32xf32, #tpu.memory_space<vmem_shared>>)
    %dma_wait3A_901 = arith.constant 39 : i32
    %dma_wait3A_902 = arith.constant 900 : i32
    %dma_wait3A_903 = arith.constant 0 : i32
    %dma_wait3A_904 = tpu.memref_slice %arg10[%dma_wait3A_902, %dma_wait3A_903] : memref<1000x32xf32, #tpu.memory_space<vmem>> -> memref<100x32xf32, #tpu.memory_space<vmem>>
    %dma_wait3A_905 = arith.constant 0 : i32
    %dma_wait3A_906 = tpu.memref_slice %arg13[%dma_wait3A_901, %dma_wait3A_905] : memref<100x100xi32, #tpu.memory_space<vmem>> -> memref<1x100xi32, #tpu.memory_space<vmem>>
    %dma_wait3A_907 = tpu.memref_squeeze %dma_wait3A_906 : memref<1x100xi32, #tpu.memory_space<vmem>> -> memref<100xi32, #tpu.memory_space<vmem>>
    %dma_wait3A_908 = arith.constant 0 : i32
    %dma_wait3A_909 = arith.constant 0 : i32
    %dma_wait3A_910 = tpu.memref_slice %arg14[%dma_wait3A_908, %dma_wait3A_909] : memref<10240x32xf32, #tpu.memory_space<vmem_shared>> -> memref<10240x32xf32, #tpu.memory_space<vmem_shared>>
    tpu.wait_indirect_dma semaphore(%arg16 : memref<!tpu.dma_semaphore, #tpu.memory_space<semaphore_mem>>) src(%dma_wait3A_904 : memref<100x32xf32, #tpu.memory_space<vmem>>) dst(%dma_wait3A_910 : memref<10240x32xf32, #tpu.memory_space<vmem_shared>>)
    %mul3A_911 = arith.constant 10000 : i32
    %mul3A_912 = arith.muli %add3A, %mul3A_911 : i32
    %add3A_913 = arith.constant 5000 : i32
    %add3A_914 = arith.addi %mul3A_912, %add3A_913 : i32
    %dma_start3A_915 = arith.constant 0 : i32
    %dma_start3A_916 = arith.constant 0 : i32
    %dma_start3A_917 = tpu.memref_slice %arg2[%add3A_914, %dma_start3A_915, %dma_start3A_916] : memref<320000x1x16xf32, #tpu.memory_space<hbm>> -> memref<1000x1x16xf32, #tpu.memory_space<hbm>>
    %dma_start3A_918 = arith.constant 0 : i32
    %dma_start3A_919 = arith.constant 0 : i32
    %dma_start3A_920 = tpu.memref_slice %arg2[%add3A_914, %dma_start3A_918, %dma_start3A_919] : memref<320000x1x16xf32, #tpu.memory_space<hbm>> -> memref<1000x1x16xf32, #tpu.memory_space<hbm>>
    tpu.enqueue_dma source(%dma_start3A_920 : memref<1000x1x16xf32, #tpu.memory_space<hbm>>) target(%arg8 : memref<1000x1x16xf32, #tpu.memory_space<vmem>>) target_semaphore(%arg15 : memref<!tpu.dma_semaphore, #tpu.memory_space<semaphore_mem>>)
    %dma_start3A_921 = tpu.memref_slice %arg3[%add3A_914] : memref<320000xf32, #tpu.memory_space<hbm>> -> memref<1000xf32, #tpu.memory_space<hbm>>
    %dma_start3A_922 = tpu.memref_slice %arg3[%add3A_914] : memref<320000xf32, #tpu.memory_space<hbm>> -> memref<1000xf32, #tpu.memory_space<hbm>>
    tpu.enqueue_dma source(%dma_start3A_922 : memref<1000xf32, #tpu.memory_space<hbm>>) target(%arg12 : memref<1000xf32, #tpu.memory_space<vmem>>) target_semaphore(%arg15 : memref<!tpu.dma_semaphore, #tpu.memory_space<semaphore_mem>>)
    %dma_wait3A_923 = arith.constant 0 : i32
    %dma_wait3A_924 = arith.constant 0 : i32
    %dma_wait3A_925 = tpu.memref_slice %arg2[%add3A_691, %dma_wait3A_923, %dma_wait3A_924] : memref<320000x1x16xf32, #tpu.memory_space<hbm>> -> memref<1000x1x16xf32, #tpu.memory_space<hbm>>
    %dma_wait3A_926 = arith.constant 0 : i32
    %dma_wait3A_927 = arith.constant 0 : i32
    %dma_wait3A_928 = tpu.memref_slice %arg2[%add3A_691, %dma_wait3A_926, %dma_wait3A_927] : memref<320000x1x16xf32, #tpu.memory_space<hbm>> -> memref<1000x1x16xf32, #tpu.memory_space<hbm>>
    tpu.wait_dma2 semaphore(%arg15 : memref<!tpu.dma_semaphore, #tpu.memory_space<semaphore_mem>>) src(%dma_wait3A_928 : memref<1000x1x16xf32, #tpu.memory_space<hbm>>) dst(%arg7 : memref<1000x1x16xf32, #tpu.memory_space<vmem>>)
    %dma_wait3A_929 = tpu.memref_slice %arg3[%add3A_691] : memref<320000xf32, #tpu.memory_space<hbm>> -> memref<1000xf32, #tpu.memory_space<hbm>>
    %dma_wait3A_930 = tpu.memref_slice %arg3[%add3A_691] : memref<320000xf32, #tpu.memory_space<hbm>> -> memref<1000xf32, #tpu.memory_space<hbm>>
    tpu.wait_dma2 semaphore(%arg15 : memref<!tpu.dma_semaphore, #tpu.memory_space<semaphore_mem>>) src(%dma_wait3A_930 : memref<1000xf32, #tpu.memory_space<hbm>>) dst(%arg11 : memref<1000xf32, #tpu.memory_space<vmem>>)
    %parallel_loop3A_931 = arith.constant 0 : i32
    %parallel_loop3A_932 = arith.constant 1000 : i32
    %parallel_loop3A_933 = arith.constant 1 : i32
    scf.for %parallel_loop3A_2238 = %parallel_loop3A_931 to %parallel_loop3A_932 step %parallel_loop3A_933  : i32 {
      %parallel_loop3A_2239 = vector.broadcast %parallel_loop3A_2238 : i32 to vector<16xi32>
      %parallel_loop3A_2240 = tpu.vector_load_idx %arg11[%parallel_loop3A_2239] : memref<1000xf32, #tpu.memory_space<vmem>>[vector<16xi32>], vector<16xf32>,
      %parallel_loop3A_2241 = arith.constant 0 : i32
      %parallel_loop3A_2242 = arith.index_cast %parallel_loop3A_2238 : i32 to index
      %parallel_loop3A_2243 = arith.index_cast %parallel_loop3A_2241 : i32 to index
      %parallel_loop3A_2244 = arith.constant 0 : index
      %parallel_loop3A_2245 = tpu.vector_load %arg7[%parallel_loop3A_2242, %parallel_loop3A_2243, %parallel_loop3A_2244] {strides = array<i32>} : memref<1000x1x16xf32, #tpu.memory_space<vmem>>, vector<16xf32>,
      %parallel_loop3A_2246 = arith.mulf %parallel_loop3A_2245, %parallel_loop3A_2240 : vector<16xf32>
      %parallel_loop3A_2247 = arith.index_cast %parallel_loop3A_2238 : i32 to index
      %parallel_loop3A_2248 = arith.constant 0 : index
      %parallel_loop3A_2249 = tpu.vector_load %arg9[%parallel_loop3A_2247, %parallel_loop3A_2248] {strides = array<i32>} : memref<1000x32xf32, #tpu.memory_space<vmem>>, vector<16xf32>,
      tpu.vector_store %arg9[%parallel_loop3A_2247, %parallel_loop3A_2248], %parallel_loop3A_2246 {strides = array<i32>} : memref<1000x32xf32, #tpu.memory_space<vmem>>, vector<16xf32>,
    } {sc.loop_unroll_factor = 8 : i64, sc.parallel_access}
    %dma_start3A_934 = arith.constant 40 : i32
    %dma_start3A_935 = arith.constant 0 : i32
    %dma_start3A_936 = arith.constant 0 : i32
    %dma_start3A_937 = tpu.memref_slice %arg9[%dma_start3A_935, %dma_start3A_936] : memref<1000x32xf32, #tpu.memory_space<vmem>> -> memref<100x32xf32, #tpu.memory_space<vmem>>
    %dma_start3A_938 = arith.constant 0 : i32
    %dma_start3A_939 = tpu.memref_slice %arg13[%dma_start3A_934, %dma_start3A_938] : memref<100x100xi32, #tpu.memory_space<vmem>> -> memref<1x100xi32, #tpu.memory_space<vmem>>
    %dma_start3A_940 = tpu.memref_squeeze %dma_start3A_939 : memref<1x100xi32, #tpu.memory_space<vmem>> -> memref<100xi32, #tpu.memory_space<vmem>>
    %dma_start3A_941 = arith.constant 0 : i32
    %dma_start3A_942 = arith.constant 0 : i32
    %dma_start3A_943 = tpu.memref_slice %arg14[%dma_start3A_941, %dma_start3A_942] : memref<10240x32xf32, #tpu.memory_space<vmem_shared>> -> memref<10240x32xf32, #tpu.memory_space<vmem_shared>>
    tpu.enqueue_indirect_dma source(%dma_start3A_937 : memref<100x32xf32, #tpu.memory_space<vmem>>) target(%dma_start3A_943 : memref<10240x32xf32, #tpu.memory_space<vmem_shared>>) offsets(%dma_start3A_940 : memref<100xi32, #tpu.memory_space<vmem>>) semaphore(%arg16 : memref<!tpu.dma_semaphore, #tpu.memory_space<semaphore_mem>>) {add = true}
    %dma_start3A_944 = arith.constant 41 : i32
    %dma_start3A_945 = arith.constant 100 : i32
    %dma_start3A_946 = arith.constant 0 : i32
    %dma_start3A_947 = tpu.memref_slice %arg9[%dma_start3A_945, %dma_start3A_946] : memref<1000x32xf32, #tpu.memory_space<vmem>> -> memref<100x32xf32, #tpu.memory_space<vmem>>
    %dma_start3A_948 = arith.constant 0 : i32
    %dma_start3A_949 = tpu.memref_slice %arg13[%dma_start3A_944, %dma_start3A_948] : memref<100x100xi32, #tpu.memory_space<vmem>> -> memref<1x100xi32, #tpu.memory_space<vmem>>
    %dma_start3A_950 = tpu.memref_squeeze %dma_start3A_949 : memref<1x100xi32, #tpu.memory_space<vmem>> -> memref<100xi32, #tpu.memory_space<vmem>>
    %dma_start3A_951 = arith.constant 0 : i32
    %dma_start3A_952 = arith.constant 0 : i32
    %dma_start3A_953 = tpu.memref_slice %arg14[%dma_start3A_951, %dma_start3A_952] : memref<10240x32xf32, #tpu.memory_space<vmem_shared>> -> memref<10240x32xf32, #tpu.memory_space<vmem_shared>>
    tpu.enqueue_indirect_dma source(%dma_start3A_947 : memref<100x32xf32, #tpu.memory_space<vmem>>) target(%dma_start3A_953 : memref<10240x32xf32, #tpu.memory_space<vmem_shared>>) offsets(%dma_start3A_950 : memref<100xi32, #tpu.memory_space<vmem>>) semaphore(%arg16 : memref<!tpu.dma_semaphore, #tpu.memory_space<semaphore_mem>>) {add = true}
    %dma_start3A_954 = arith.constant 42 : i32
    %dma_start3A_955 = arith.constant 200 : i32
    %dma_start3A_956 = arith.constant 0 : i32
    %dma_start3A_957 = tpu.memref_slice %arg9[%dma_start3A_955, %dma_start3A_956] : memref<1000x32xf32, #tpu.memory_space<vmem>> -> memref<100x32xf32, #tpu.memory_space<vmem>>
    %dma_start3A_958 = arith.constant 0 : i32
    %dma_start3A_959 = tpu.memref_slice %arg13[%dma_start3A_954, %dma_start3A_958] : memref<100x100xi32, #tpu.memory_space<vmem>> -> memref<1x100xi32, #tpu.memory_space<vmem>>
    %dma_start3A_960 = tpu.memref_squeeze %dma_start3A_959 : memref<1x100xi32, #tpu.memory_space<vmem>> -> memref<100xi32, #tpu.memory_space<vmem>>
    %dma_start3A_961 = arith.constant 0 : i32
    %dma_start3A_962 = arith.constant 0 : i32
    %dma_start3A_963 = tpu.memref_slice %arg14[%dma_start3A_961, %dma_start3A_962] : memref<10240x32xf32, #tpu.memory_space<vmem_shared>> -> memref<10240x32xf32, #tpu.memory_space<vmem_shared>>
    tpu.enqueue_indirect_dma source(%dma_start3A_957 : memref<100x32xf32, #tpu.memory_space<vmem>>) target(%dma_start3A_963 : memref<10240x32xf32, #tpu.memory_space<vmem_shared>>) offsets(%dma_start3A_960 : memref<100xi32, #tpu.memory_space<vmem>>) semaphore(%arg16 : memref<!tpu.dma_semaphore, #tpu.memory_space<semaphore_mem>>) {add = true}
    %dma_start3A_964 = arith.constant 43 : i32
    %dma_start3A_965 = arith.constant 300 : i32
    %dma_start3A_966 = arith.constant 0 : i32
    %dma_start3A_967 = tpu.memref_slice %arg9[%dma_start3A_965, %dma_start3A_966] : memref<1000x32xf32, #tpu.memory_space<vmem>> -> memref<100x32xf32, #tpu.memory_space<vmem>>
    %dma_start3A_968 = arith.constant 0 : i32
    %dma_start3A_969 = tpu.memref_slice %arg13[%dma_start3A_964, %dma_start3A_968] : memref<100x100xi32, #tpu.memory_space<vmem>> -> memref<1x100xi32, #tpu.memory_space<vmem>>
    %dma_start3A_970 = tpu.memref_squeeze %dma_start3A_969 : memref<1x100xi32, #tpu.memory_space<vmem>> -> memref<100xi32, #tpu.memory_space<vmem>>
    %dma_start3A_971 = arith.constant 0 : i32
    %dma_start3A_972 = arith.constant 0 : i32
    %dma_start3A_973 = tpu.memref_slice %arg14[%dma_start3A_971, %dma_start3A_972] : memref<10240x32xf32, #tpu.memory_space<vmem_shared>> -> memref<10240x32xf32, #tpu.memory_space<vmem_shared>>
    tpu.enqueue_indirect_dma source(%dma_start3A_967 : memref<100x32xf32, #tpu.memory_space<vmem>>) target(%dma_start3A_973 : memref<10240x32xf32, #tpu.memory_space<vmem_shared>>) offsets(%dma_start3A_970 : memref<100xi32, #tpu.memory_space<vmem>>) semaphore(%arg16 : memref<!tpu.dma_semaphore, #tpu.memory_space<semaphore_mem>>) {add = true}
    %dma_start3A_974 = arith.constant 44 : i32
    %dma_start3A_975 = arith.constant 400 : i32
    %dma_start3A_976 = arith.constant 0 : i32
    %dma_start3A_977 = tpu.memref_slice %arg9[%dma_start3A_975, %dma_start3A_976] : memref<1000x32xf32, #tpu.memory_space<vmem>> -> memref<100x32xf32, #tpu.memory_space<vmem>>
    %dma_start3A_978 = arith.constant 0 : i32
    %dma_start3A_979 = tpu.memref_slice %arg13[%dma_start3A_974, %dma_start3A_978] : memref<100x100xi32, #tpu.memory_space<vmem>> -> memref<1x100xi32, #tpu.memory_space<vmem>>
    %dma_start3A_980 = tpu.memref_squeeze %dma_start3A_979 : memref<1x100xi32, #tpu.memory_space<vmem>> -> memref<100xi32, #tpu.memory_space<vmem>>
    %dma_start3A_981 = arith.constant 0 : i32
    %dma_start3A_982 = arith.constant 0 : i32
    %dma_start3A_983 = tpu.memref_slice %arg14[%dma_start3A_981, %dma_start3A_982] : memref<10240x32xf32, #tpu.memory_space<vmem_shared>> -> memref<10240x32xf32, #tpu.memory_space<vmem_shared>>
    tpu.enqueue_indirect_dma source(%dma_start3A_977 : memref<100x32xf32, #tpu.memory_space<vmem>>) target(%dma_start3A_983 : memref<10240x32xf32, #tpu.memory_space<vmem_shared>>) offsets(%dma_start3A_980 : memref<100xi32, #tpu.memory_space<vmem>>) semaphore(%arg16 : memref<!tpu.dma_semaphore, #tpu.memory_space<semaphore_mem>>) {add = true}
    %dma_start3A_984 = arith.constant 45 : i32
    %dma_start3A_985 = arith.constant 500 : i32
    %dma_start3A_986 = arith.constant 0 : i32
    %dma_start3A_987 = tpu.memref_slice %arg9[%dma_start3A_985, %dma_start3A_986] : memref<1000x32xf32, #tpu.memory_space<vmem>> -> memref<100x32xf32, #tpu.memory_space<vmem>>
    %dma_start3A_988 = arith.constant 0 : i32
    %dma_start3A_989 = tpu.memref_slice %arg13[%dma_start3A_984, %dma_start3A_988] : memref<100x100xi32, #tpu.memory_space<vmem>> -> memref<1x100xi32, #tpu.memory_space<vmem>>
    %dma_start3A_990 = tpu.memref_squeeze %dma_start3A_989 : memref<1x100xi32, #tpu.memory_space<vmem>> -> memref<100xi32, #tpu.memory_space<vmem>>
    %dma_start3A_991 = arith.constant 0 : i32
    %dma_start3A_992 = arith.constant 0 : i32
    %dma_start3A_993 = tpu.memref_slice %arg14[%dma_start3A_991, %dma_start3A_992] : memref<10240x32xf32, #tpu.memory_space<vmem_shared>> -> memref<10240x32xf32, #tpu.memory_space<vmem_shared>>
    tpu.enqueue_indirect_dma source(%dma_start3A_987 : memref<100x32xf32, #tpu.memory_space<vmem>>) target(%dma_start3A_993 : memref<10240x32xf32, #tpu.memory_space<vmem_shared>>) offsets(%dma_start3A_990 : memref<100xi32, #tpu.memory_space<vmem>>) semaphore(%arg16 : memref<!tpu.dma_semaphore, #tpu.memory_space<semaphore_mem>>) {add = true}
    %dma_start3A_994 = arith.constant 46 : i32
    %dma_start3A_995 = arith.constant 600 : i32
    %dma_start3A_996 = arith.constant 0 : i32
    %dma_start3A_997 = tpu.memref_slice %arg9[%dma_start3A_995, %dma_start3A_996] : memref<1000x32xf32, #tpu.memory_space<vmem>> -> memref<100x32xf32, #tpu.memory_space<vmem>>
    %dma_start3A_998 = arith.constant 0 : i32
    %dma_start3A_999 = tpu.memref_slice %arg13[%dma_start3A_994, %dma_start3A_998] : memref<100x100xi32, #tpu.memory_space<vmem>> -> memref<1x100xi32, #tpu.memory_space<vmem>>
    %dma_start3A_1000 = tpu.memref_squeeze %dma_start3A_999 : memref<1x100xi32, #tpu.memory_space<vmem>> -> memref<100xi32, #tpu.memory_space<vmem>>
    %dma_start3A_1001 = arith.constant 0 : i32
    %dma_start3A_1002 = arith.constant 0 : i32
    %dma_start3A_1003 = tpu.memref_slice %arg14[%dma_start3A_1001, %dma_start3A_1002] : memref<10240x32xf32, #tpu.memory_space<vmem_shared>> -> memref<10240x32xf32, #tpu.memory_space<vmem_shared>>
    tpu.enqueue_indirect_dma source(%dma_start3A_997 : memref<100x32xf32, #tpu.memory_space<vmem>>) target(%dma_start3A_1003 : memref<10240x32xf32, #tpu.memory_space<vmem_shared>>) offsets(%dma_start3A_1000 : memref<100xi32, #tpu.memory_space<vmem>>) semaphore(%arg16 : memref<!tpu.dma_semaphore, #tpu.memory_space<semaphore_mem>>) {add = true}
    %dma_start3A_1004 = arith.constant 47 : i32
    %dma_start3A_1005 = arith.constant 700 : i32
    %dma_start3A_1006 = arith.constant 0 : i32
    %dma_start3A_1007 = tpu.memref_slice %arg9[%dma_start3A_1005, %dma_start3A_1006] : memref<1000x32xf32, #tpu.memory_space<vmem>> -> memref<100x32xf32, #tpu.memory_space<vmem>>
    %dma_start3A_1008 = arith.constant 0 : i32
    %dma_start3A_1009 = tpu.memref_slice %arg13[%dma_start3A_1004, %dma_start3A_1008] : memref<100x100xi32, #tpu.memory_space<vmem>> -> memref<1x100xi32, #tpu.memory_space<vmem>>
    %dma_start3A_1010 = tpu.memref_squeeze %dma_start3A_1009 : memref<1x100xi32, #tpu.memory_space<vmem>> -> memref<100xi32, #tpu.memory_space<vmem>>
    %dma_start3A_1011 = arith.constant 0 : i32
    %dma_start3A_1012 = arith.constant 0 : i32
    %dma_start3A_1013 = tpu.memref_slice %arg14[%dma_start3A_1011, %dma_start3A_1012] : memref<10240x32xf32, #tpu.memory_space<vmem_shared>> -> memref<10240x32xf32, #tpu.memory_space<vmem_shared>>
    tpu.enqueue_indirect_dma source(%dma_start3A_1007 : memref<100x32xf32, #tpu.memory_space<vmem>>) target(%dma_start3A_1013 : memref<10240x32xf32, #tpu.memory_space<vmem_shared>>) offsets(%dma_start3A_1010 : memref<100xi32, #tpu.memory_space<vmem>>) semaphore(%arg16 : memref<!tpu.dma_semaphore, #tpu.memory_space<semaphore_mem>>) {add = true}
    %dma_start3A_1014 = arith.constant 48 : i32
    %dma_start3A_1015 = arith.constant 800 : i32
    %dma_start3A_1016 = arith.constant 0 : i32
    %dma_start3A_1017 = tpu.memref_slice %arg9[%dma_start3A_1015, %dma_start3A_1016] : memref<1000x32xf32, #tpu.memory_space<vmem>> -> memref<100x32xf32, #tpu.memory_space<vmem>>
    %dma_start3A_1018 = arith.constant 0 : i32
    %dma_start3A_1019 = tpu.memref_slice %arg13[%dma_start3A_1014, %dma_start3A_1018] : memref<100x100xi32, #tpu.memory_space<vmem>> -> memref<1x100xi32, #tpu.memory_space<vmem>>
    %dma_start3A_1020 = tpu.memref_squeeze %dma_start3A_1019 : memref<1x100xi32, #tpu.memory_space<vmem>> -> memref<100xi32, #tpu.memory_space<vmem>>
    %dma_start3A_1021 = arith.constant 0 : i32
    %dma_start3A_1022 = arith.constant 0 : i32
    %dma_start3A_1023 = tpu.memref_slice %arg14[%dma_start3A_1021, %dma_start3A_1022] : memref<10240x32xf32, #tpu.memory_space<vmem_shared>> -> memref<10240x32xf32, #tpu.memory_space<vmem_shared>>
    tpu.enqueue_indirect_dma source(%dma_start3A_1017 : memref<100x32xf32, #tpu.memory_space<vmem>>) target(%dma_start3A_1023 : memref<10240x32xf32, #tpu.memory_space<vmem_shared>>) offsets(%dma_start3A_1020 : memref<100xi32, #tpu.memory_space<vmem>>) semaphore(%arg16 : memref<!tpu.dma_semaphore, #tpu.memory_space<semaphore_mem>>) {add = true}
    %dma_start3A_1024 = arith.constant 49 : i32
    %dma_start3A_1025 = arith.constant 900 : i32
    %dma_start3A_1026 = arith.constant 0 : i32
    %dma_start3A_1027 = tpu.memref_slice %arg9[%dma_start3A_1025, %dma_start3A_1026] : memref<1000x32xf32, #tpu.memory_space<vmem>> -> memref<100x32xf32, #tpu.memory_space<vmem>>
    %dma_start3A_1028 = arith.constant 0 : i32
    %dma_start3A_1029 = tpu.memref_slice %arg13[%dma_start3A_1024, %dma_start3A_1028] : memref<100x100xi32, #tpu.memory_space<vmem>> -> memref<1x100xi32, #tpu.memory_space<vmem>>
    %dma_start3A_1030 = tpu.memref_squeeze %dma_start3A_1029 : memref<1x100xi32, #tpu.memory_space<vmem>> -> memref<100xi32, #tpu.memory_space<vmem>>
    %dma_start3A_1031 = arith.constant 0 : i32
    %dma_start3A_1032 = arith.constant 0 : i32
    %dma_start3A_1033 = tpu.memref_slice %arg14[%dma_start3A_1031, %dma_start3A_1032] : memref<10240x32xf32, #tpu.memory_space<vmem_shared>> -> memref<10240x32xf32, #tpu.memory_space<vmem_shared>>
    tpu.enqueue_indirect_dma source(%dma_start3A_1027 : memref<100x32xf32, #tpu.memory_space<vmem>>) target(%dma_start3A_1033 : memref<10240x32xf32, #tpu.memory_space<vmem_shared>>) offsets(%dma_start3A_1030 : memref<100xi32, #tpu.memory_space<vmem>>) semaphore(%arg16 : memref<!tpu.dma_semaphore, #tpu.memory_space<semaphore_mem>>) {add = true}
    %dma_wait3A_1034 = arith.constant 40 : i32
    %dma_wait3A_1035 = arith.constant 0 : i32
    %dma_wait3A_1036 = arith.constant 0 : i32
    %dma_wait3A_1037 = tpu.memref_slice %arg9[%dma_wait3A_1035, %dma_wait3A_1036] : memref<1000x32xf32, #tpu.memory_space<vmem>> -> memref<100x32xf32, #tpu.memory_space<vmem>>
    %dma_wait3A_1038 = arith.constant 0 : i32
    %dma_wait3A_1039 = tpu.memref_slice %arg13[%dma_wait3A_1034, %dma_wait3A_1038] : memref<100x100xi32, #tpu.memory_space<vmem>> -> memref<1x100xi32, #tpu.memory_space<vmem>>
    %dma_wait3A_1040 = tpu.memref_squeeze %dma_wait3A_1039 : memref<1x100xi32, #tpu.memory_space<vmem>> -> memref<100xi32, #tpu.memory_space<vmem>>
    %dma_wait3A_1041 = arith.constant 0 : i32
    %dma_wait3A_1042 = arith.constant 0 : i32
    %dma_wait3A_1043 = tpu.memref_slice %arg14[%dma_wait3A_1041, %dma_wait3A_1042] : memref<10240x32xf32, #tpu.memory_space<vmem_shared>> -> memref<10240x32xf32, #tpu.memory_space<vmem_shared>>
    tpu.wait_indirect_dma semaphore(%arg16 : memref<!tpu.dma_semaphore, #tpu.memory_space<semaphore_mem>>) src(%dma_wait3A_1037 : memref<100x32xf32, #tpu.memory_space<vmem>>) dst(%dma_wait3A_1043 : memref<10240x32xf32, #tpu.memory_space<vmem_shared>>)
    %dma_wait3A_1044 = arith.constant 41 : i32
    %dma_wait3A_1045 = arith.constant 100 : i32
    %dma_wait3A_1046 = arith.constant 0 : i32
    %dma_wait3A_1047 = tpu.memref_slice %arg9[%dma_wait3A_1045, %dma_wait3A_1046] : memref<1000x32xf32, #tpu.memory_space<vmem>> -> memref<100x32xf32, #tpu.memory_space<vmem>>
    %dma_wait3A_1048 = arith.constant 0 : i32
    %dma_wait3A_1049 = tpu.memref_slice %arg13[%dma_wait3A_1044, %dma_wait3A_1048] : memref<100x100xi32, #tpu.memory_space<vmem>> -> memref<1x100xi32, #tpu.memory_space<vmem>>
    %dma_wait3A_1050 = tpu.memref_squeeze %dma_wait3A_1049 : memref<1x100xi32, #tpu.memory_space<vmem>> -> memref<100xi32, #tpu.memory_space<vmem>>
    %dma_wait3A_1051 = arith.constant 0 : i32
    %dma_wait3A_1052 = arith.constant 0 : i32
    %dma_wait3A_1053 = tpu.memref_slice %arg14[%dma_wait3A_1051, %dma_wait3A_1052] : memref<10240x32xf32, #tpu.memory_space<vmem_shared>> -> memref<10240x32xf32, #tpu.memory_space<vmem_shared>>
    tpu.wait_indirect_dma semaphore(%arg16 : memref<!tpu.dma_semaphore, #tpu.memory_space<semaphore_mem>>) src(%dma_wait3A_1047 : memref<100x32xf32, #tpu.memory_space<vmem>>) dst(%dma_wait3A_1053 : memref<10240x32xf32, #tpu.memory_space<vmem_shared>>)
    %dma_wait3A_1054 = arith.constant 42 : i32
    %dma_wait3A_1055 = arith.constant 200 : i32
    %dma_wait3A_1056 = arith.constant 0 : i32
    %dma_wait3A_1057 = tpu.memref_slice %arg9[%dma_wait3A_1055, %dma_wait3A_1056] : memref<1000x32xf32, #tpu.memory_space<vmem>> -> memref<100x32xf32, #tpu.memory_space<vmem>>
    %dma_wait3A_1058 = arith.constant 0 : i32
    %dma_wait3A_1059 = tpu.memref_slice %arg13[%dma_wait3A_1054, %dma_wait3A_1058] : memref<100x100xi32, #tpu.memory_space<vmem>> -> memref<1x100xi32, #tpu.memory_space<vmem>>
    %dma_wait3A_1060 = tpu.memref_squeeze %dma_wait3A_1059 : memref<1x100xi32, #tpu.memory_space<vmem>> -> memref<100xi32, #tpu.memory_space<vmem>>
    %dma_wait3A_1061 = arith.constant 0 : i32
    %dma_wait3A_1062 = arith.constant 0 : i32
    %dma_wait3A_1063 = tpu.memref_slice %arg14[%dma_wait3A_1061, %dma_wait3A_1062] : memref<10240x32xf32, #tpu.memory_space<vmem_shared>> -> memref<10240x32xf32, #tpu.memory_space<vmem_shared>>
    tpu.wait_indirect_dma semaphore(%arg16 : memref<!tpu.dma_semaphore, #tpu.memory_space<semaphore_mem>>) src(%dma_wait3A_1057 : memref<100x32xf32, #tpu.memory_space<vmem>>) dst(%dma_wait3A_1063 : memref<10240x32xf32, #tpu.memory_space<vmem_shared>>)
    %dma_wait3A_1064 = arith.constant 43 : i32
    %dma_wait3A_1065 = arith.constant 300 : i32
    %dma_wait3A_1066 = arith.constant 0 : i32
    %dma_wait3A_1067 = tpu.memref_slice %arg9[%dma_wait3A_1065, %dma_wait3A_1066] : memref<1000x32xf32, #tpu.memory_space<vmem>> -> memref<100x32xf32, #tpu.memory_space<vmem>>
    %dma_wait3A_1068 = arith.constant 0 : i32
    %dma_wait3A_1069 = tpu.memref_slice %arg13[%dma_wait3A_1064, %dma_wait3A_1068] : memref<100x100xi32, #tpu.memory_space<vmem>> -> memref<1x100xi32, #tpu.memory_space<vmem>>
    %dma_wait3A_1070 = tpu.memref_squeeze %dma_wait3A_1069 : memref<1x100xi32, #tpu.memory_space<vmem>> -> memref<100xi32, #tpu.memory_space<vmem>>
    %dma_wait3A_1071 = arith.constant 0 : i32
    %dma_wait3A_1072 = arith.constant 0 : i32
    %dma_wait3A_1073 = tpu.memref_slice %arg14[%dma_wait3A_1071, %dma_wait3A_1072] : memref<10240x32xf32, #tpu.memory_space<vmem_shared>> -> memref<10240x32xf32, #tpu.memory_space<vmem_shared>>
    tpu.wait_indirect_dma semaphore(%arg16 : memref<!tpu.dma_semaphore, #tpu.memory_space<semaphore_mem>>) src(%dma_wait3A_1067 : memref<100x32xf32, #tpu.memory_space<vmem>>) dst(%dma_wait3A_1073 : memref<10240x32xf32, #tpu.memory_space<vmem_shared>>)
    %dma_wait3A_1074 = arith.constant 44 : i32
    %dma_wait3A_1075 = arith.constant 400 : i32
    %dma_wait3A_1076 = arith.constant 0 : i32
    %dma_wait3A_1077 = tpu.memref_slice %arg9[%dma_wait3A_1075, %dma_wait3A_1076] : memref<1000x32xf32, #tpu.memory_space<vmem>> -> memref<100x32xf32, #tpu.memory_space<vmem>>
    %dma_wait3A_1078 = arith.constant 0 : i32
    %dma_wait3A_1079 = tpu.memref_slice %arg13[%dma_wait3A_1074, %dma_wait3A_1078] : memref<100x100xi32, #tpu.memory_space<vmem>> -> memref<1x100xi32, #tpu.memory_space<vmem>>
    %dma_wait3A_1080 = tpu.memref_squeeze %dma_wait3A_1079 : memref<1x100xi32, #tpu.memory_space<vmem>> -> memref<100xi32, #tpu.memory_space<vmem>>
    %dma_wait3A_1081 = arith.constant 0 : i32
    %dma_wait3A_1082 = arith.constant 0 : i32
    %dma_wait3A_1083 = tpu.memref_slice %arg14[%dma_wait3A_1081, %dma_wait3A_1082] : memref<10240x32xf32, #tpu.memory_space<vmem_shared>> -> memref<10240x32xf32, #tpu.memory_space<vmem_shared>>
    tpu.wait_indirect_dma semaphore(%arg16 : memref<!tpu.dma_semaphore, #tpu.memory_space<semaphore_mem>>) src(%dma_wait3A_1077 : memref<100x32xf32, #tpu.memory_space<vmem>>) dst(%dma_wait3A_1083 : memref<10240x32xf32, #tpu.memory_space<vmem_shared>>)
    %dma_wait3A_1084 = arith.constant 45 : i32
    %dma_wait3A_1085 = arith.constant 500 : i32
    %dma_wait3A_1086 = arith.constant 0 : i32
    %dma_wait3A_1087 = tpu.memref_slice %arg9[%dma_wait3A_1085, %dma_wait3A_1086] : memref<1000x32xf32, #tpu.memory_space<vmem>> -> memref<100x32xf32, #tpu.memory_space<vmem>>
    %dma_wait3A_1088 = arith.constant 0 : i32
    %dma_wait3A_1089 = tpu.memref_slice %arg13[%dma_wait3A_1084, %dma_wait3A_1088] : memref<100x100xi32, #tpu.memory_space<vmem>> -> memref<1x100xi32, #tpu.memory_space<vmem>>
    %dma_wait3A_1090 = tpu.memref_squeeze %dma_wait3A_1089 : memref<1x100xi32, #tpu.memory_space<vmem>> -> memref<100xi32, #tpu.memory_space<vmem>>
    %dma_wait3A_1091 = arith.constant 0 : i32
    %dma_wait3A_1092 = arith.constant 0 : i32
    %dma_wait3A_1093 = tpu.memref_slice %arg14[%dma_wait3A_1091, %dma_wait3A_1092] : memref<10240x32xf32, #tpu.memory_space<vmem_shared>> -> memref<10240x32xf32, #tpu.memory_space<vmem_shared>>
    tpu.wait_indirect_dma semaphore(%arg16 : memref<!tpu.dma_semaphore, #tpu.memory_space<semaphore_mem>>) src(%dma_wait3A_1087 : memref<100x32xf32, #tpu.memory_space<vmem>>) dst(%dma_wait3A_1093 : memref<10240x32xf32, #tpu.memory_space<vmem_shared>>)
    %dma_wait3A_1094 = arith.constant 46 : i32
    %dma_wait3A_1095 = arith.constant 600 : i32
    %dma_wait3A_1096 = arith.constant 0 : i32
    %dma_wait3A_1097 = tpu.memref_slice %arg9[%dma_wait3A_1095, %dma_wait3A_1096] : memref<1000x32xf32, #tpu.memory_space<vmem>> -> memref<100x32xf32, #tpu.memory_space<vmem>>
    %dma_wait3A_1098 = arith.constant 0 : i32
    %dma_wait3A_1099 = tpu.memref_slice %arg13[%dma_wait3A_1094, %dma_wait3A_1098] : memref<100x100xi32, #tpu.memory_space<vmem>> -> memref<1x100xi32, #tpu.memory_space<vmem>>
    %dma_wait3A_1100 = tpu.memref_squeeze %dma_wait3A_1099 : memref<1x100xi32, #tpu.memory_space<vmem>> -> memref<100xi32, #tpu.memory_space<vmem>>
    %dma_wait3A_1101 = arith.constant 0 : i32
    %dma_wait3A_1102 = arith.constant 0 : i32
    %dma_wait3A_1103 = tpu.memref_slice %arg14[%dma_wait3A_1101, %dma_wait3A_1102] : memref<10240x32xf32, #tpu.memory_space<vmem_shared>> -> memref<10240x32xf32, #tpu.memory_space<vmem_shared>>
    tpu.wait_indirect_dma semaphore(%arg16 : memref<!tpu.dma_semaphore, #tpu.memory_space<semaphore_mem>>) src(%dma_wait3A_1097 : memref<100x32xf32, #tpu.memory_space<vmem>>) dst(%dma_wait3A_1103 : memref<10240x32xf32, #tpu.memory_space<vmem_shared>>)
    %dma_wait3A_1104 = arith.constant 47 : i32
    %dma_wait3A_1105 = arith.constant 700 : i32
    %dma_wait3A_1106 = arith.constant 0 : i32
    %dma_wait3A_1107 = tpu.memref_slice %arg9[%dma_wait3A_1105, %dma_wait3A_1106] : memref<1000x32xf32, #tpu.memory_space<vmem>> -> memref<100x32xf32, #tpu.memory_space<vmem>>
    %dma_wait3A_1108 = arith.constant 0 : i32
    %dma_wait3A_1109 = tpu.memref_slice %arg13[%dma_wait3A_1104, %dma_wait3A_1108] : memref<100x100xi32, #tpu.memory_space<vmem>> -> memref<1x100xi32, #tpu.memory_space<vmem>>
    %dma_wait3A_1110 = tpu.memref_squeeze %dma_wait3A_1109 : memref<1x100xi32, #tpu.memory_space<vmem>> -> memref<100xi32, #tpu.memory_space<vmem>>
    %dma_wait3A_1111 = arith.constant 0 : i32
    %dma_wait3A_1112 = arith.constant 0 : i32
    %dma_wait3A_1113 = tpu.memref_slice %arg14[%dma_wait3A_1111, %dma_wait3A_1112] : memref<10240x32xf32, #tpu.memory_space<vmem_shared>> -> memref<10240x32xf32, #tpu.memory_space<vmem_shared>>
    tpu.wait_indirect_dma semaphore(%arg16 : memref<!tpu.dma_semaphore, #tpu.memory_space<semaphore_mem>>) src(%dma_wait3A_1107 : memref<100x32xf32, #tpu.memory_space<vmem>>) dst(%dma_wait3A_1113 : memref<10240x32xf32, #tpu.memory_space<vmem_shared>>)
    %dma_wait3A_1114 = arith.constant 48 : i32
    %dma_wait3A_1115 = arith.constant 800 : i32
    %dma_wait3A_1116 = arith.constant 0 : i32
    %dma_wait3A_1117 = tpu.memref_slice %arg9[%dma_wait3A_1115, %dma_wait3A_1116] : memref<1000x32xf32, #tpu.memory_space<vmem>> -> memref<100x32xf32, #tpu.memory_space<vmem>>
    %dma_wait3A_1118 = arith.constant 0 : i32
    %dma_wait3A_1119 = tpu.memref_slice %arg13[%dma_wait3A_1114, %dma_wait3A_1118] : memref<100x100xi32, #tpu.memory_space<vmem>> -> memref<1x100xi32, #tpu.memory_space<vmem>>
    %dma_wait3A_1120 = tpu.memref_squeeze %dma_wait3A_1119 : memref<1x100xi32, #tpu.memory_space<vmem>> -> memref<100xi32, #tpu.memory_space<vmem>>
    %dma_wait3A_1121 = arith.constant 0 : i32
    %dma_wait3A_1122 = arith.constant 0 : i32
    %dma_wait3A_1123 = tpu.memref_slice %arg14[%dma_wait3A_1121, %dma_wait3A_1122] : memref<10240x32xf32, #tpu.memory_space<vmem_shared>> -> memref<10240x32xf32, #tpu.memory_space<vmem_shared>>
    tpu.wait_indirect_dma semaphore(%arg16 : memref<!tpu.dma_semaphore, #tpu.memory_space<semaphore_mem>>) src(%dma_wait3A_1117 : memref<100x32xf32, #tpu.memory_space<vmem>>) dst(%dma_wait3A_1123 : memref<10240x32xf32, #tpu.memory_space<vmem_shared>>)
    %dma_wait3A_1124 = arith.constant 49 : i32
    %dma_wait3A_1125 = arith.constant 900 : i32
    %dma_wait3A_1126 = arith.constant 0 : i32
    %dma_wait3A_1127 = tpu.memref_slice %arg9[%dma_wait3A_1125, %dma_wait3A_1126] : memref<1000x32xf32, #tpu.memory_space<vmem>> -> memref<100x32xf32, #tpu.memory_space<vmem>>
    %dma_wait3A_1128 = arith.constant 0 : i32
    %dma_wait3A_1129 = tpu.memref_slice %arg13[%dma_wait3A_1124, %dma_wait3A_1128] : memref<100x100xi32, #tpu.memory_space<vmem>> -> memref<1x100xi32, #tpu.memory_space<vmem>>
    %dma_wait3A_1130 = tpu.memref_squeeze %dma_wait3A_1129 : memref<1x100xi32, #tpu.memory_space<vmem>> -> memref<100xi32, #tpu.memory_space<vmem>>
    %dma_wait3A_1131 = arith.constant 0 : i32
    %dma_wait3A_1132 = arith.constant 0 : i32
    %dma_wait3A_1133 = tpu.memref_slice %arg14[%dma_wait3A_1131, %dma_wait3A_1132] : memref<10240x32xf32, #tpu.memory_space<vmem_shared>> -> memref<10240x32xf32, #tpu.memory_space<vmem_shared>>
    tpu.wait_indirect_dma semaphore(%arg16 : memref<!tpu.dma_semaphore, #tpu.memory_space<semaphore_mem>>) src(%dma_wait3A_1127 : memref<100x32xf32, #tpu.memory_space<vmem>>) dst(%dma_wait3A_1133 : memref<10240x32xf32, #tpu.memory_space<vmem_shared>>)
    %mul3A_1134 = arith.constant 10000 : i32
    %mul3A_1135 = arith.muli %add3A, %mul3A_1134 : i32
    %add3A_1136 = arith.constant 6000 : i32
    %add3A_1137 = arith.addi %mul3A_1135, %add3A_1136 : i32
    %dma_start3A_1138 = arith.constant 0 : i32
    %dma_start3A_1139 = arith.constant 0 : i32
    %dma_start3A_1140 = tpu.memref_slice %arg2[%add3A_1137, %dma_start3A_1138, %dma_start3A_1139] : memref<320000x1x16xf32, #tpu.memory_space<hbm>> -> memref<1000x1x16xf32, #tpu.memory_space<hbm>>
    %dma_start3A_1141 = arith.constant 0 : i32
    %dma_start3A_1142 = arith.constant 0 : i32
    %dma_start3A_1143 = tpu.memref_slice %arg2[%add3A_1137, %dma_start3A_1141, %dma_start3A_1142] : memref<320000x1x16xf32, #tpu.memory_space<hbm>> -> memref<1000x1x16xf32, #tpu.memory_space<hbm>>
    tpu.enqueue_dma source(%dma_start3A_1143 : memref<1000x1x16xf32, #tpu.memory_space<hbm>>) target(%arg7 : memref<1000x1x16xf32, #tpu.memory_space<vmem>>) target_semaphore(%arg15 : memref<!tpu.dma_semaphore, #tpu.memory_space<semaphore_mem>>)
    %dma_start3A_1144 = tpu.memref_slice %arg3[%add3A_1137] : memref<320000xf32, #tpu.memory_space<hbm>> -> memref<1000xf32, #tpu.memory_space<hbm>>
    %dma_start3A_1145 = tpu.memref_slice %arg3[%add3A_1137] : memref<320000xf32, #tpu.memory_space<hbm>> -> memref<1000xf32, #tpu.memory_space<hbm>>
    tpu.enqueue_dma source(%dma_start3A_1145 : memref<1000xf32, #tpu.memory_space<hbm>>) target(%arg11 : memref<1000xf32, #tpu.memory_space<vmem>>) target_semaphore(%arg15 : memref<!tpu.dma_semaphore, #tpu.memory_space<semaphore_mem>>)
    %dma_wait3A_1146 = arith.constant 0 : i32
    %dma_wait3A_1147 = arith.constant 0 : i32
    %dma_wait3A_1148 = tpu.memref_slice %arg2[%add3A_914, %dma_wait3A_1146, %dma_wait3A_1147] : memref<320000x1x16xf32, #tpu.memory_space<hbm>> -> memref<1000x1x16xf32, #tpu.memory_space<hbm>>
    %dma_wait3A_1149 = arith.constant 0 : i32
    %dma_wait3A_1150 = arith.constant 0 : i32
    %dma_wait3A_1151 = tpu.memref_slice %arg2[%add3A_914, %dma_wait3A_1149, %dma_wait3A_1150] : memref<320000x1x16xf32, #tpu.memory_space<hbm>> -> memref<1000x1x16xf32, #tpu.memory_space<hbm>>
    tpu.wait_dma2 semaphore(%arg15 : memref<!tpu.dma_semaphore, #tpu.memory_space<semaphore_mem>>) src(%dma_wait3A_1151 : memref<1000x1x16xf32, #tpu.memory_space<hbm>>) dst(%arg8 : memref<1000x1x16xf32, #tpu.memory_space<vmem>>)
    %dma_wait3A_1152 = tpu.memref_slice %arg3[%add3A_914] : memref<320000xf32, #tpu.memory_space<hbm>> -> memref<1000xf32, #tpu.memory_space<hbm>>
    %dma_wait3A_1153 = tpu.memref_slice %arg3[%add3A_914] : memref<320000xf32, #tpu.memory_space<hbm>> -> memref<1000xf32, #tpu.memory_space<hbm>>
    tpu.wait_dma2 semaphore(%arg15 : memref<!tpu.dma_semaphore, #tpu.memory_space<semaphore_mem>>) src(%dma_wait3A_1153 : memref<1000xf32, #tpu.memory_space<hbm>>) dst(%arg12 : memref<1000xf32, #tpu.memory_space<vmem>>)
    %parallel_loop3A_1154 = arith.constant 0 : i32
    %parallel_loop3A_1155 = arith.constant 1000 : i32
    %parallel_loop3A_1156 = arith.constant 1 : i32
    scf.for %parallel_loop3A_2238 = %parallel_loop3A_1154 to %parallel_loop3A_1155 step %parallel_loop3A_1156  : i32 {
      %parallel_loop3A_2239 = vector.broadcast %parallel_loop3A_2238 : i32 to vector<16xi32>
      %parallel_loop3A_2240 = tpu.vector_load_idx %arg12[%parallel_loop3A_2239] : memref<1000xf32, #tpu.memory_space<vmem>>[vector<16xi32>], vector<16xf32>,
      %parallel_loop3A_2241 = arith.constant 0 : i32
      %parallel_loop3A_2242 = arith.index_cast %parallel_loop3A_2238 : i32 to index
      %parallel_loop3A_2243 = arith.index_cast %parallel_loop3A_2241 : i32 to index
      %parallel_loop3A_2244 = arith.constant 0 : index
      %parallel_loop3A_2245 = tpu.vector_load %arg8[%parallel_loop3A_2242, %parallel_loop3A_2243, %parallel_loop3A_2244] {strides = array<i32>} : memref<1000x1x16xf32, #tpu.memory_space<vmem>>, vector<16xf32>,
      %parallel_loop3A_2246 = arith.mulf %parallel_loop3A_2245, %parallel_loop3A_2240 : vector<16xf32>
      %parallel_loop3A_2247 = arith.index_cast %parallel_loop3A_2238 : i32 to index
      %parallel_loop3A_2248 = arith.constant 0 : index
      %parallel_loop3A_2249 = tpu.vector_load %arg10[%parallel_loop3A_2247, %parallel_loop3A_2248] {strides = array<i32>} : memref<1000x32xf32, #tpu.memory_space<vmem>>, vector<16xf32>,
      tpu.vector_store %arg10[%parallel_loop3A_2247, %parallel_loop3A_2248], %parallel_loop3A_2246 {strides = array<i32>} : memref<1000x32xf32, #tpu.memory_space<vmem>>, vector<16xf32>,
    } {sc.loop_unroll_factor = 8 : i64, sc.parallel_access}
    %dma_start3A_1157 = arith.constant 50 : i32
    %dma_start3A_1158 = arith.constant 0 : i32
    %dma_start3A_1159 = arith.constant 0 : i32
    %dma_start3A_1160 = tpu.memref_slice %arg10[%dma_start3A_1158, %dma_start3A_1159] : memref<1000x32xf32, #tpu.memory_space<vmem>> -> memref<100x32xf32, #tpu.memory_space<vmem>>
    %dma_start3A_1161 = arith.constant 0 : i32
    %dma_start3A_1162 = tpu.memref_slice %arg13[%dma_start3A_1157, %dma_start3A_1161] : memref<100x100xi32, #tpu.memory_space<vmem>> -> memref<1x100xi32, #tpu.memory_space<vmem>>
    %dma_start3A_1163 = tpu.memref_squeeze %dma_start3A_1162 : memref<1x100xi32, #tpu.memory_space<vmem>> -> memref<100xi32, #tpu.memory_space<vmem>>
    %dma_start3A_1164 = arith.constant 0 : i32
    %dma_start3A_1165 = arith.constant 0 : i32
    %dma_start3A_1166 = tpu.memref_slice %arg14[%dma_start3A_1164, %dma_start3A_1165] : memref<10240x32xf32, #tpu.memory_space<vmem_shared>> -> memref<10240x32xf32, #tpu.memory_space<vmem_shared>>
    tpu.enqueue_indirect_dma source(%dma_start3A_1160 : memref<100x32xf32, #tpu.memory_space<vmem>>) target(%dma_start3A_1166 : memref<10240x32xf32, #tpu.memory_space<vmem_shared>>) offsets(%dma_start3A_1163 : memref<100xi32, #tpu.memory_space<vmem>>) semaphore(%arg16 : memref<!tpu.dma_semaphore, #tpu.memory_space<semaphore_mem>>) {add = true}
    %dma_start3A_1167 = arith.constant 51 : i32
    %dma_start3A_1168 = arith.constant 100 : i32
    %dma_start3A_1169 = arith.constant 0 : i32
    %dma_start3A_1170 = tpu.memref_slice %arg10[%dma_start3A_1168, %dma_start3A_1169] : memref<1000x32xf32, #tpu.memory_space<vmem>> -> memref<100x32xf32, #tpu.memory_space<vmem>>
    %dma_start3A_1171 = arith.constant 0 : i32
    %dma_start3A_1172 = tpu.memref_slice %arg13[%dma_start3A_1167, %dma_start3A_1171] : memref<100x100xi32, #tpu.memory_space<vmem>> -> memref<1x100xi32, #tpu.memory_space<vmem>>
    %dma_start3A_1173 = tpu.memref_squeeze %dma_start3A_1172 : memref<1x100xi32, #tpu.memory_space<vmem>> -> memref<100xi32, #tpu.memory_space<vmem>>
    %dma_start3A_1174 = arith.constant 0 : i32
    %dma_start3A_1175 = arith.constant 0 : i32
    %dma_start3A_1176 = tpu.memref_slice %arg14[%dma_start3A_1174, %dma_start3A_1175] : memref<10240x32xf32, #tpu.memory_space<vmem_shared>> -> memref<10240x32xf32, #tpu.memory_space<vmem_shared>>
    tpu.enqueue_indirect_dma source(%dma_start3A_1170 : memref<100x32xf32, #tpu.memory_space<vmem>>) target(%dma_start3A_1176 : memref<10240x32xf32, #tpu.memory_space<vmem_shared>>) offsets(%dma_start3A_1173 : memref<100xi32, #tpu.memory_space<vmem>>) semaphore(%arg16 : memref<!tpu.dma_semaphore, #tpu.memory_space<semaphore_mem>>) {add = true}
    %dma_start3A_1177 = arith.constant 52 : i32
    %dma_start3A_1178 = arith.constant 200 : i32
    %dma_start3A_1179 = arith.constant 0 : i32
    %dma_start3A_1180 = tpu.memref_slice %arg10[%dma_start3A_1178, %dma_start3A_1179] : memref<1000x32xf32, #tpu.memory_space<vmem>> -> memref<100x32xf32, #tpu.memory_space<vmem>>
    %dma_start3A_1181 = arith.constant 0 : i32
    %dma_start3A_1182 = tpu.memref_slice %arg13[%dma_start3A_1177, %dma_start3A_1181] : memref<100x100xi32, #tpu.memory_space<vmem>> -> memref<1x100xi32, #tpu.memory_space<vmem>>
    %dma_start3A_1183 = tpu.memref_squeeze %dma_start3A_1182 : memref<1x100xi32, #tpu.memory_space<vmem>> -> memref<100xi32, #tpu.memory_space<vmem>>
    %dma_start3A_1184 = arith.constant 0 : i32
    %dma_start3A_1185 = arith.constant 0 : i32
    %dma_start3A_1186 = tpu.memref_slice %arg14[%dma_start3A_1184, %dma_start3A_1185] : memref<10240x32xf32, #tpu.memory_space<vmem_shared>> -> memref<10240x32xf32, #tpu.memory_space<vmem_shared>>
    tpu.enqueue_indirect_dma source(%dma_start3A_1180 : memref<100x32xf32, #tpu.memory_space<vmem>>) target(%dma_start3A_1186 : memref<10240x32xf32, #tpu.memory_space<vmem_shared>>) offsets(%dma_start3A_1183 : memref<100xi32, #tpu.memory_space<vmem>>) semaphore(%arg16 : memref<!tpu.dma_semaphore, #tpu.memory_space<semaphore_mem>>) {add = true}
    %dma_start3A_1187 = arith.constant 53 : i32
    %dma_start3A_1188 = arith.constant 300 : i32
    %dma_start3A_1189 = arith.constant 0 : i32
    %dma_start3A_1190 = tpu.memref_slice %arg10[%dma_start3A_1188, %dma_start3A_1189] : memref<1000x32xf32, #tpu.memory_space<vmem>> -> memref<100x32xf32, #tpu.memory_space<vmem>>
    %dma_start3A_1191 = arith.constant 0 : i32
    %dma_start3A_1192 = tpu.memref_slice %arg13[%dma_start3A_1187, %dma_start3A_1191] : memref<100x100xi32, #tpu.memory_space<vmem>> -> memref<1x100xi32, #tpu.memory_space<vmem>>
    %dma_start3A_1193 = tpu.memref_squeeze %dma_start3A_1192 : memref<1x100xi32, #tpu.memory_space<vmem>> -> memref<100xi32, #tpu.memory_space<vmem>>
    %dma_start3A_1194 = arith.constant 0 : i32
    %dma_start3A_1195 = arith.constant 0 : i32
    %dma_start3A_1196 = tpu.memref_slice %arg14[%dma_start3A_1194, %dma_start3A_1195] : memref<10240x32xf32, #tpu.memory_space<vmem_shared>> -> memref<10240x32xf32, #tpu.memory_space<vmem_shared>>
    tpu.enqueue_indirect_dma source(%dma_start3A_1190 : memref<100x32xf32, #tpu.memory_space<vmem>>) target(%dma_start3A_1196 : memref<10240x32xf32, #tpu.memory_space<vmem_shared>>) offsets(%dma_start3A_1193 : memref<100xi32, #tpu.memory_space<vmem>>) semaphore(%arg16 : memref<!tpu.dma_semaphore, #tpu.memory_space<semaphore_mem>>) {add = true}
    %dma_start3A_1197 = arith.constant 54 : i32
    %dma_start3A_1198 = arith.constant 400 : i32
    %dma_start3A_1199 = arith.constant 0 : i32
    %dma_start3A_1200 = tpu.memref_slice %arg10[%dma_start3A_1198, %dma_start3A_1199] : memref<1000x32xf32, #tpu.memory_space<vmem>> -> memref<100x32xf32, #tpu.memory_space<vmem>>
    %dma_start3A_1201 = arith.constant 0 : i32
    %dma_start3A_1202 = tpu.memref_slice %arg13[%dma_start3A_1197, %dma_start3A_1201] : memref<100x100xi32, #tpu.memory_space<vmem>> -> memref<1x100xi32, #tpu.memory_space<vmem>>
    %dma_start3A_1203 = tpu.memref_squeeze %dma_start3A_1202 : memref<1x100xi32, #tpu.memory_space<vmem>> -> memref<100xi32, #tpu.memory_space<vmem>>
    %dma_start3A_1204 = arith.constant 0 : i32
    %dma_start3A_1205 = arith.constant 0 : i32
    %dma_start3A_1206 = tpu.memref_slice %arg14[%dma_start3A_1204, %dma_start3A_1205] : memref<10240x32xf32, #tpu.memory_space<vmem_shared>> -> memref<10240x32xf32, #tpu.memory_space<vmem_shared>>
    tpu.enqueue_indirect_dma source(%dma_start3A_1200 : memref<100x32xf32, #tpu.memory_space<vmem>>) target(%dma_start3A_1206 : memref<10240x32xf32, #tpu.memory_space<vmem_shared>>) offsets(%dma_start3A_1203 : memref<100xi32, #tpu.memory_space<vmem>>) semaphore(%arg16 : memref<!tpu.dma_semaphore, #tpu.memory_space<semaphore_mem>>) {add = true}
    %dma_start3A_1207 = arith.constant 55 : i32
    %dma_start3A_1208 = arith.constant 500 : i32
    %dma_start3A_1209 = arith.constant 0 : i32
    %dma_start3A_1210 = tpu.memref_slice %arg10[%dma_start3A_1208, %dma_start3A_1209] : memref<1000x32xf32, #tpu.memory_space<vmem>> -> memref<100x32xf32, #tpu.memory_space<vmem>>
    %dma_start3A_1211 = arith.constant 0 : i32
    %dma_start3A_1212 = tpu.memref_slice %arg13[%dma_start3A_1207, %dma_start3A_1211] : memref<100x100xi32, #tpu.memory_space<vmem>> -> memref<1x100xi32, #tpu.memory_space<vmem>>
    %dma_start3A_1213 = tpu.memref_squeeze %dma_start3A_1212 : memref<1x100xi32, #tpu.memory_space<vmem>> -> memref<100xi32, #tpu.memory_space<vmem>>
    %dma_start3A_1214 = arith.constant 0 : i32
    %dma_start3A_1215 = arith.constant 0 : i32
    %dma_start3A_1216 = tpu.memref_slice %arg14[%dma_start3A_1214, %dma_start3A_1215] : memref<10240x32xf32, #tpu.memory_space<vmem_shared>> -> memref<10240x32xf32, #tpu.memory_space<vmem_shared>>
    tpu.enqueue_indirect_dma source(%dma_start3A_1210 : memref<100x32xf32, #tpu.memory_space<vmem>>) target(%dma_start3A_1216 : memref<10240x32xf32, #tpu.memory_space<vmem_shared>>) offsets(%dma_start3A_1213 : memref<100xi32, #tpu.memory_space<vmem>>) semaphore(%arg16 : memref<!tpu.dma_semaphore, #tpu.memory_space<semaphore_mem>>) {add = true}
    %dma_start3A_1217 = arith.constant 56 : i32
    %dma_start3A_1218 = arith.constant 600 : i32
    %dma_start3A_1219 = arith.constant 0 : i32
    %dma_start3A_1220 = tpu.memref_slice %arg10[%dma_start3A_1218, %dma_start3A_1219] : memref<1000x32xf32, #tpu.memory_space<vmem>> -> memref<100x32xf32, #tpu.memory_space<vmem>>
    %dma_start3A_1221 = arith.constant 0 : i32
    %dma_start3A_1222 = tpu.memref_slice %arg13[%dma_start3A_1217, %dma_start3A_1221] : memref<100x100xi32, #tpu.memory_space<vmem>> -> memref<1x100xi32, #tpu.memory_space<vmem>>
    %dma_start3A_1223 = tpu.memref_squeeze %dma_start3A_1222 : memref<1x100xi32, #tpu.memory_space<vmem>> -> memref<100xi32, #tpu.memory_space<vmem>>
    %dma_start3A_1224 = arith.constant 0 : i32
    %dma_start3A_1225 = arith.constant 0 : i32
    %dma_start3A_1226 = tpu.memref_slice %arg14[%dma_start3A_1224, %dma_start3A_1225] : memref<10240x32xf32, #tpu.memory_space<vmem_shared>> -> memref<10240x32xf32, #tpu.memory_space<vmem_shared>>
    tpu.enqueue_indirect_dma source(%dma_start3A_1220 : memref<100x32xf32, #tpu.memory_space<vmem>>) target(%dma_start3A_1226 : memref<10240x32xf32, #tpu.memory_space<vmem_shared>>) offsets(%dma_start3A_1223 : memref<100xi32, #tpu.memory_space<vmem>>) semaphore(%arg16 : memref<!tpu.dma_semaphore, #tpu.memory_space<semaphore_mem>>) {add = true}
    %dma_start3A_1227 = arith.constant 57 : i32
    %dma_start3A_1228 = arith.constant 700 : i32
    %dma_start3A_1229 = arith.constant 0 : i32
    %dma_start3A_1230 = tpu.memref_slice %arg10[%dma_start3A_1228, %dma_start3A_1229] : memref<1000x32xf32, #tpu.memory_space<vmem>> -> memref<100x32xf32, #tpu.memory_space<vmem>>
    %dma_start3A_1231 = arith.constant 0 : i32
    %dma_start3A_1232 = tpu.memref_slice %arg13[%dma_start3A_1227, %dma_start3A_1231] : memref<100x100xi32, #tpu.memory_space<vmem>> -> memref<1x100xi32, #tpu.memory_space<vmem>>
    %dma_start3A_1233 = tpu.memref_squeeze %dma_start3A_1232 : memref<1x100xi32, #tpu.memory_space<vmem>> -> memref<100xi32, #tpu.memory_space<vmem>>
    %dma_start3A_1234 = arith.constant 0 : i32
    %dma_start3A_1235 = arith.constant 0 : i32
    %dma_start3A_1236 = tpu.memref_slice %arg14[%dma_start3A_1234, %dma_start3A_1235] : memref<10240x32xf32, #tpu.memory_space<vmem_shared>> -> memref<10240x32xf32, #tpu.memory_space<vmem_shared>>
    tpu.enqueue_indirect_dma source(%dma_start3A_1230 : memref<100x32xf32, #tpu.memory_space<vmem>>) target(%dma_start3A_1236 : memref<10240x32xf32, #tpu.memory_space<vmem_shared>>) offsets(%dma_start3A_1233 : memref<100xi32, #tpu.memory_space<vmem>>) semaphore(%arg16 : memref<!tpu.dma_semaphore, #tpu.memory_space<semaphore_mem>>) {add = true}
    %dma_start3A_1237 = arith.constant 58 : i32
    %dma_start3A_1238 = arith.constant 800 : i32
    %dma_start3A_1239 = arith.constant 0 : i32
    %dma_start3A_1240 = tpu.memref_slice %arg10[%dma_start3A_1238, %dma_start3A_1239] : memref<1000x32xf32, #tpu.memory_space<vmem>> -> memref<100x32xf32, #tpu.memory_space<vmem>>
    %dma_start3A_1241 = arith.constant 0 : i32
    %dma_start3A_1242 = tpu.memref_slice %arg13[%dma_start3A_1237, %dma_start3A_1241] : memref<100x100xi32, #tpu.memory_space<vmem>> -> memref<1x100xi32, #tpu.memory_space<vmem>>
    %dma_start3A_1243 = tpu.memref_squeeze %dma_start3A_1242 : memref<1x100xi32, #tpu.memory_space<vmem>> -> memref<100xi32, #tpu.memory_space<vmem>>
    %dma_start3A_1244 = arith.constant 0 : i32
    %dma_start3A_1245 = arith.constant 0 : i32
    %dma_start3A_1246 = tpu.memref_slice %arg14[%dma_start3A_1244, %dma_start3A_1245] : memref<10240x32xf32, #tpu.memory_space<vmem_shared>> -> memref<10240x32xf32, #tpu.memory_space<vmem_shared>>
    tpu.enqueue_indirect_dma source(%dma_start3A_1240 : memref<100x32xf32, #tpu.memory_space<vmem>>) target(%dma_start3A_1246 : memref<10240x32xf32, #tpu.memory_space<vmem_shared>>) offsets(%dma_start3A_1243 : memref<100xi32, #tpu.memory_space<vmem>>) semaphore(%arg16 : memref<!tpu.dma_semaphore, #tpu.memory_space<semaphore_mem>>) {add = true}
    %dma_start3A_1247 = arith.constant 59 : i32
    %dma_start3A_1248 = arith.constant 900 : i32
    %dma_start3A_1249 = arith.constant 0 : i32
    %dma_start3A_1250 = tpu.memref_slice %arg10[%dma_start3A_1248, %dma_start3A_1249] : memref<1000x32xf32, #tpu.memory_space<vmem>> -> memref<100x32xf32, #tpu.memory_space<vmem>>
    %dma_start3A_1251 = arith.constant 0 : i32
    %dma_start3A_1252 = tpu.memref_slice %arg13[%dma_start3A_1247, %dma_start3A_1251] : memref<100x100xi32, #tpu.memory_space<vmem>> -> memref<1x100xi32, #tpu.memory_space<vmem>>
    %dma_start3A_1253 = tpu.memref_squeeze %dma_start3A_1252 : memref<1x100xi32, #tpu.memory_space<vmem>> -> memref<100xi32, #tpu.memory_space<vmem>>
    %dma_start3A_1254 = arith.constant 0 : i32
    %dma_start3A_1255 = arith.constant 0 : i32
    %dma_start3A_1256 = tpu.memref_slice %arg14[%dma_start3A_1254, %dma_start3A_1255] : memref<10240x32xf32, #tpu.memory_space<vmem_shared>> -> memref<10240x32xf32, #tpu.memory_space<vmem_shared>>
    tpu.enqueue_indirect_dma source(%dma_start3A_1250 : memref<100x32xf32, #tpu.memory_space<vmem>>) target(%dma_start3A_1256 : memref<10240x32xf32, #tpu.memory_space<vmem_shared>>) offsets(%dma_start3A_1253 : memref<100xi32, #tpu.memory_space<vmem>>) semaphore(%arg16 : memref<!tpu.dma_semaphore, #tpu.memory_space<semaphore_mem>>) {add = true}
    %dma_wait3A_1257 = arith.constant 50 : i32
    %dma_wait3A_1258 = arith.constant 0 : i32
    %dma_wait3A_1259 = arith.constant 0 : i32
    %dma_wait3A_1260 = tpu.memref_slice %arg10[%dma_wait3A_1258, %dma_wait3A_1259] : memref<1000x32xf32, #tpu.memory_space<vmem>> -> memref<100x32xf32, #tpu.memory_space<vmem>>
    %dma_wait3A_1261 = arith.constant 0 : i32
    %dma_wait3A_1262 = tpu.memref_slice %arg13[%dma_wait3A_1257, %dma_wait3A_1261] : memref<100x100xi32, #tpu.memory_space<vmem>> -> memref<1x100xi32, #tpu.memory_space<vmem>>
    %dma_wait3A_1263 = tpu.memref_squeeze %dma_wait3A_1262 : memref<1x100xi32, #tpu.memory_space<vmem>> -> memref<100xi32, #tpu.memory_space<vmem>>
    %dma_wait3A_1264 = arith.constant 0 : i32
    %dma_wait3A_1265 = arith.constant 0 : i32
    %dma_wait3A_1266 = tpu.memref_slice %arg14[%dma_wait3A_1264, %dma_wait3A_1265] : memref<10240x32xf32, #tpu.memory_space<vmem_shared>> -> memref<10240x32xf32, #tpu.memory_space<vmem_shared>>
    tpu.wait_indirect_dma semaphore(%arg16 : memref<!tpu.dma_semaphore, #tpu.memory_space<semaphore_mem>>) src(%dma_wait3A_1260 : memref<100x32xf32, #tpu.memory_space<vmem>>) dst(%dma_wait3A_1266 : memref<10240x32xf32, #tpu.memory_space<vmem_shared>>)
    %dma_wait3A_1267 = arith.constant 51 : i32
    %dma_wait3A_1268 = arith.constant 100 : i32
    %dma_wait3A_1269 = arith.constant 0 : i32
    %dma_wait3A_1270 = tpu.memref_slice %arg10[%dma_wait3A_1268, %dma_wait3A_1269] : memref<1000x32xf32, #tpu.memory_space<vmem>> -> memref<100x32xf32, #tpu.memory_space<vmem>>
    %dma_wait3A_1271 = arith.constant 0 : i32
    %dma_wait3A_1272 = tpu.memref_slice %arg13[%dma_wait3A_1267, %dma_wait3A_1271] : memref<100x100xi32, #tpu.memory_space<vmem>> -> memref<1x100xi32, #tpu.memory_space<vmem>>
    %dma_wait3A_1273 = tpu.memref_squeeze %dma_wait3A_1272 : memref<1x100xi32, #tpu.memory_space<vmem>> -> memref<100xi32, #tpu.memory_space<vmem>>
    %dma_wait3A_1274 = arith.constant 0 : i32
    %dma_wait3A_1275 = arith.constant 0 : i32
    %dma_wait3A_1276 = tpu.memref_slice %arg14[%dma_wait3A_1274, %dma_wait3A_1275] : memref<10240x32xf32, #tpu.memory_space<vmem_shared>> -> memref<10240x32xf32, #tpu.memory_space<vmem_shared>>
    tpu.wait_indirect_dma semaphore(%arg16 : memref<!tpu.dma_semaphore, #tpu.memory_space<semaphore_mem>>) src(%dma_wait3A_1270 : memref<100x32xf32, #tpu.memory_space<vmem>>) dst(%dma_wait3A_1276 : memref<10240x32xf32, #tpu.memory_space<vmem_shared>>)
    %dma_wait3A_1277 = arith.constant 52 : i32
    %dma_wait3A_1278 = arith.constant 200 : i32
    %dma_wait3A_1279 = arith.constant 0 : i32
    %dma_wait3A_1280 = tpu.memref_slice %arg10[%dma_wait3A_1278, %dma_wait3A_1279] : memref<1000x32xf32, #tpu.memory_space<vmem>> -> memref<100x32xf32, #tpu.memory_space<vmem>>
    %dma_wait3A_1281 = arith.constant 0 : i32
    %dma_wait3A_1282 = tpu.memref_slice %arg13[%dma_wait3A_1277, %dma_wait3A_1281] : memref<100x100xi32, #tpu.memory_space<vmem>> -> memref<1x100xi32, #tpu.memory_space<vmem>>
    %dma_wait3A_1283 = tpu.memref_squeeze %dma_wait3A_1282 : memref<1x100xi32, #tpu.memory_space<vmem>> -> memref<100xi32, #tpu.memory_space<vmem>>
    %dma_wait3A_1284 = arith.constant 0 : i32
    %dma_wait3A_1285 = arith.constant 0 : i32
    %dma_wait3A_1286 = tpu.memref_slice %arg14[%dma_wait3A_1284, %dma_wait3A_1285] : memref<10240x32xf32, #tpu.memory_space<vmem_shared>> -> memref<10240x32xf32, #tpu.memory_space<vmem_shared>>
    tpu.wait_indirect_dma semaphore(%arg16 : memref<!tpu.dma_semaphore, #tpu.memory_space<semaphore_mem>>) src(%dma_wait3A_1280 : memref<100x32xf32, #tpu.memory_space<vmem>>) dst(%dma_wait3A_1286 : memref<10240x32xf32, #tpu.memory_space<vmem_shared>>)
    %dma_wait3A_1287 = arith.constant 53 : i32
    %dma_wait3A_1288 = arith.constant 300 : i32
    %dma_wait3A_1289 = arith.constant 0 : i32
    %dma_wait3A_1290 = tpu.memref_slice %arg10[%dma_wait3A_1288, %dma_wait3A_1289] : memref<1000x32xf32, #tpu.memory_space<vmem>> -> memref<100x32xf32, #tpu.memory_space<vmem>>
    %dma_wait3A_1291 = arith.constant 0 : i32
    %dma_wait3A_1292 = tpu.memref_slice %arg13[%dma_wait3A_1287, %dma_wait3A_1291] : memref<100x100xi32, #tpu.memory_space<vmem>> -> memref<1x100xi32, #tpu.memory_space<vmem>>
    %dma_wait3A_1293 = tpu.memref_squeeze %dma_wait3A_1292 : memref<1x100xi32, #tpu.memory_space<vmem>> -> memref<100xi32, #tpu.memory_space<vmem>>
    %dma_wait3A_1294 = arith.constant 0 : i32
    %dma_wait3A_1295 = arith.constant 0 : i32
    %dma_wait3A_1296 = tpu.memref_slice %arg14[%dma_wait3A_1294, %dma_wait3A_1295] : memref<10240x32xf32, #tpu.memory_space<vmem_shared>> -> memref<10240x32xf32, #tpu.memory_space<vmem_shared>>
    tpu.wait_indirect_dma semaphore(%arg16 : memref<!tpu.dma_semaphore, #tpu.memory_space<semaphore_mem>>) src(%dma_wait3A_1290 : memref<100x32xf32, #tpu.memory_space<vmem>>) dst(%dma_wait3A_1296 : memref<10240x32xf32, #tpu.memory_space<vmem_shared>>)
    %dma_wait3A_1297 = arith.constant 54 : i32
    %dma_wait3A_1298 = arith.constant 400 : i32
    %dma_wait3A_1299 = arith.constant 0 : i32
    %dma_wait3A_1300 = tpu.memref_slice %arg10[%dma_wait3A_1298, %dma_wait3A_1299] : memref<1000x32xf32, #tpu.memory_space<vmem>> -> memref<100x32xf32, #tpu.memory_space<vmem>>
    %dma_wait3A_1301 = arith.constant 0 : i32
    %dma_wait3A_1302 = tpu.memref_slice %arg13[%dma_wait3A_1297, %dma_wait3A_1301] : memref<100x100xi32, #tpu.memory_space<vmem>> -> memref<1x100xi32, #tpu.memory_space<vmem>>
    %dma_wait3A_1303 = tpu.memref_squeeze %dma_wait3A_1302 : memref<1x100xi32, #tpu.memory_space<vmem>> -> memref<100xi32, #tpu.memory_space<vmem>>
    %dma_wait3A_1304 = arith.constant 0 : i32
    %dma_wait3A_1305 = arith.constant 0 : i32
    %dma_wait3A_1306 = tpu.memref_slice %arg14[%dma_wait3A_1304, %dma_wait3A_1305] : memref<10240x32xf32, #tpu.memory_space<vmem_shared>> -> memref<10240x32xf32, #tpu.memory_space<vmem_shared>>
    tpu.wait_indirect_dma semaphore(%arg16 : memref<!tpu.dma_semaphore, #tpu.memory_space<semaphore_mem>>) src(%dma_wait3A_1300 : memref<100x32xf32, #tpu.memory_space<vmem>>) dst(%dma_wait3A_1306 : memref<10240x32xf32, #tpu.memory_space<vmem_shared>>)
    %dma_wait3A_1307 = arith.constant 55 : i32
    %dma_wait3A_1308 = arith.constant 500 : i32
    %dma_wait3A_1309 = arith.constant 0 : i32
    %dma_wait3A_1310 = tpu.memref_slice %arg10[%dma_wait3A_1308, %dma_wait3A_1309] : memref<1000x32xf32, #tpu.memory_space<vmem>> -> memref<100x32xf32, #tpu.memory_space<vmem>>
    %dma_wait3A_1311 = arith.constant 0 : i32
    %dma_wait3A_1312 = tpu.memref_slice %arg13[%dma_wait3A_1307, %dma_wait3A_1311] : memref<100x100xi32, #tpu.memory_space<vmem>> -> memref<1x100xi32, #tpu.memory_space<vmem>>
    %dma_wait3A_1313 = tpu.memref_squeeze %dma_wait3A_1312 : memref<1x100xi32, #tpu.memory_space<vmem>> -> memref<100xi32, #tpu.memory_space<vmem>>
    %dma_wait3A_1314 = arith.constant 0 : i32
    %dma_wait3A_1315 = arith.constant 0 : i32
    %dma_wait3A_1316 = tpu.memref_slice %arg14[%dma_wait3A_1314, %dma_wait3A_1315] : memref<10240x32xf32, #tpu.memory_space<vmem_shared>> -> memref<10240x32xf32, #tpu.memory_space<vmem_shared>>
    tpu.wait_indirect_dma semaphore(%arg16 : memref<!tpu.dma_semaphore, #tpu.memory_space<semaphore_mem>>) src(%dma_wait3A_1310 : memref<100x32xf32, #tpu.memory_space<vmem>>) dst(%dma_wait3A_1316 : memref<10240x32xf32, #tpu.memory_space<vmem_shared>>)
    %dma_wait3A_1317 = arith.constant 56 : i32
    %dma_wait3A_1318 = arith.constant 600 : i32
    %dma_wait3A_1319 = arith.constant 0 : i32
    %dma_wait3A_1320 = tpu.memref_slice %arg10[%dma_wait3A_1318, %dma_wait3A_1319] : memref<1000x32xf32, #tpu.memory_space<vmem>> -> memref<100x32xf32, #tpu.memory_space<vmem>>
    %dma_wait3A_1321 = arith.constant 0 : i32
    %dma_wait3A_1322 = tpu.memref_slice %arg13[%dma_wait3A_1317, %dma_wait3A_1321] : memref<100x100xi32, #tpu.memory_space<vmem>> -> memref<1x100xi32, #tpu.memory_space<vmem>>
    %dma_wait3A_1323 = tpu.memref_squeeze %dma_wait3A_1322 : memref<1x100xi32, #tpu.memory_space<vmem>> -> memref<100xi32, #tpu.memory_space<vmem>>
    %dma_wait3A_1324 = arith.constant 0 : i32
    %dma_wait3A_1325 = arith.constant 0 : i32
    %dma_wait3A_1326 = tpu.memref_slice %arg14[%dma_wait3A_1324, %dma_wait3A_1325] : memref<10240x32xf32, #tpu.memory_space<vmem_shared>> -> memref<10240x32xf32, #tpu.memory_space<vmem_shared>>
    tpu.wait_indirect_dma semaphore(%arg16 : memref<!tpu.dma_semaphore, #tpu.memory_space<semaphore_mem>>) src(%dma_wait3A_1320 : memref<100x32xf32, #tpu.memory_space<vmem>>) dst(%dma_wait3A_1326 : memref<10240x32xf32, #tpu.memory_space<vmem_shared>>)
    %dma_wait3A_1327 = arith.constant 57 : i32
    %dma_wait3A_1328 = arith.constant 700 : i32
    %dma_wait3A_1329 = arith.constant 0 : i32
    %dma_wait3A_1330 = tpu.memref_slice %arg10[%dma_wait3A_1328, %dma_wait3A_1329] : memref<1000x32xf32, #tpu.memory_space<vmem>> -> memref<100x32xf32, #tpu.memory_space<vmem>>
    %dma_wait3A_1331 = arith.constant 0 : i32
    %dma_wait3A_1332 = tpu.memref_slice %arg13[%dma_wait3A_1327, %dma_wait3A_1331] : memref<100x100xi32, #tpu.memory_space<vmem>> -> memref<1x100xi32, #tpu.memory_space<vmem>>
    %dma_wait3A_1333 = tpu.memref_squeeze %dma_wait3A_1332 : memref<1x100xi32, #tpu.memory_space<vmem>> -> memref<100xi32, #tpu.memory_space<vmem>>
    %dma_wait3A_1334 = arith.constant 0 : i32
    %dma_wait3A_1335 = arith.constant 0 : i32
    %dma_wait3A_1336 = tpu.memref_slice %arg14[%dma_wait3A_1334, %dma_wait3A_1335] : memref<10240x32xf32, #tpu.memory_space<vmem_shared>> -> memref<10240x32xf32, #tpu.memory_space<vmem_shared>>
    tpu.wait_indirect_dma semaphore(%arg16 : memref<!tpu.dma_semaphore, #tpu.memory_space<semaphore_mem>>) src(%dma_wait3A_1330 : memref<100x32xf32, #tpu.memory_space<vmem>>) dst(%dma_wait3A_1336 : memref<10240x32xf32, #tpu.memory_space<vmem_shared>>)
    %dma_wait3A_1337 = arith.constant 58 : i32
    %dma_wait3A_1338 = arith.constant 800 : i32
    %dma_wait3A_1339 = arith.constant 0 : i32
    %dma_wait3A_1340 = tpu.memref_slice %arg10[%dma_wait3A_1338, %dma_wait3A_1339] : memref<1000x32xf32, #tpu.memory_space<vmem>> -> memref<100x32xf32, #tpu.memory_space<vmem>>
    %dma_wait3A_1341 = arith.constant 0 : i32
    %dma_wait3A_1342 = tpu.memref_slice %arg13[%dma_wait3A_1337, %dma_wait3A_1341] : memref<100x100xi32, #tpu.memory_space<vmem>> -> memref<1x100xi32, #tpu.memory_space<vmem>>
    %dma_wait3A_1343 = tpu.memref_squeeze %dma_wait3A_1342 : memref<1x100xi32, #tpu.memory_space<vmem>> -> memref<100xi32, #tpu.memory_space<vmem>>
    %dma_wait3A_1344 = arith.constant 0 : i32
    %dma_wait3A_1345 = arith.constant 0 : i32
    %dma_wait3A_1346 = tpu.memref_slice %arg14[%dma_wait3A_1344, %dma_wait3A_1345] : memref<10240x32xf32, #tpu.memory_space<vmem_shared>> -> memref<10240x32xf32, #tpu.memory_space<vmem_shared>>
    tpu.wait_indirect_dma semaphore(%arg16 : memref<!tpu.dma_semaphore, #tpu.memory_space<semaphore_mem>>) src(%dma_wait3A_1340 : memref<100x32xf32, #tpu.memory_space<vmem>>) dst(%dma_wait3A_1346 : memref<10240x32xf32, #tpu.memory_space<vmem_shared>>)
    %dma_wait3A_1347 = arith.constant 59 : i32
    %dma_wait3A_1348 = arith.constant 900 : i32
    %dma_wait3A_1349 = arith.constant 0 : i32
    %dma_wait3A_1350 = tpu.memref_slice %arg10[%dma_wait3A_1348, %dma_wait3A_1349] : memref<1000x32xf32, #tpu.memory_space<vmem>> -> memref<100x32xf32, #tpu.memory_space<vmem>>
    %dma_wait3A_1351 = arith.constant 0 : i32
    %dma_wait3A_1352 = tpu.memref_slice %arg13[%dma_wait3A_1347, %dma_wait3A_1351] : memref<100x100xi32, #tpu.memory_space<vmem>> -> memref<1x100xi32, #tpu.memory_space<vmem>>
    %dma_wait3A_1353 = tpu.memref_squeeze %dma_wait3A_1352 : memref<1x100xi32, #tpu.memory_space<vmem>> -> memref<100xi32, #tpu.memory_space<vmem>>
    %dma_wait3A_1354 = arith.constant 0 : i32
    %dma_wait3A_1355 = arith.constant 0 : i32
    %dma_wait3A_1356 = tpu.memref_slice %arg14[%dma_wait3A_1354, %dma_wait3A_1355] : memref<10240x32xf32, #tpu.memory_space<vmem_shared>> -> memref<10240x32xf32, #tpu.memory_space<vmem_shared>>
    tpu.wait_indirect_dma semaphore(%arg16 : memref<!tpu.dma_semaphore, #tpu.memory_space<semaphore_mem>>) src(%dma_wait3A_1350 : memref<100x32xf32, #tpu.memory_space<vmem>>) dst(%dma_wait3A_1356 : memref<10240x32xf32, #tpu.memory_space<vmem_shared>>)
    %mul3A_1357 = arith.constant 10000 : i32
    %mul3A_1358 = arith.muli %add3A, %mul3A_1357 : i32
    %add3A_1359 = arith.constant 7000 : i32
    %add3A_1360 = arith.addi %mul3A_1358, %add3A_1359 : i32
    %dma_start3A_1361 = arith.constant 0 : i32
    %dma_start3A_1362 = arith.constant 0 : i32
    %dma_start3A_1363 = tpu.memref_slice %arg2[%add3A_1360, %dma_start3A_1361, %dma_start3A_1362] : memref<320000x1x16xf32, #tpu.memory_space<hbm>> -> memref<1000x1x16xf32, #tpu.memory_space<hbm>>
    %dma_start3A_1364 = arith.constant 0 : i32
    %dma_start3A_1365 = arith.constant 0 : i32
    %dma_start3A_1366 = tpu.memref_slice %arg2[%add3A_1360, %dma_start3A_1364, %dma_start3A_1365] : memref<320000x1x16xf32, #tpu.memory_space<hbm>> -> memref<1000x1x16xf32, #tpu.memory_space<hbm>>
    tpu.enqueue_dma source(%dma_start3A_1366 : memref<1000x1x16xf32, #tpu.memory_space<hbm>>) target(%arg8 : memref<1000x1x16xf32, #tpu.memory_space<vmem>>) target_semaphore(%arg15 : memref<!tpu.dma_semaphore, #tpu.memory_space<semaphore_mem>>)
    %dma_start3A_1367 = tpu.memref_slice %arg3[%add3A_1360] : memref<320000xf32, #tpu.memory_space<hbm>> -> memref<1000xf32, #tpu.memory_space<hbm>>
    %dma_start3A_1368 = tpu.memref_slice %arg3[%add3A_1360] : memref<320000xf32, #tpu.memory_space<hbm>> -> memref<1000xf32, #tpu.memory_space<hbm>>
    tpu.enqueue_dma source(%dma_start3A_1368 : memref<1000xf32, #tpu.memory_space<hbm>>) target(%arg12 : memref<1000xf32, #tpu.memory_space<vmem>>) target_semaphore(%arg15 : memref<!tpu.dma_semaphore, #tpu.memory_space<semaphore_mem>>)
    %dma_wait3A_1369 = arith.constant 0 : i32
    %dma_wait3A_1370 = arith.constant 0 : i32
    %dma_wait3A_1371 = tpu.memref_slice %arg2[%add3A_1137, %dma_wait3A_1369, %dma_wait3A_1370] : memref<320000x1x16xf32, #tpu.memory_space<hbm>> -> memref<1000x1x16xf32, #tpu.memory_space<hbm>>
    %dma_wait3A_1372 = arith.constant 0 : i32
    %dma_wait3A_1373 = arith.constant 0 : i32
    %dma_wait3A_1374 = tpu.memref_slice %arg2[%add3A_1137, %dma_wait3A_1372, %dma_wait3A_1373] : memref<320000x1x16xf32, #tpu.memory_space<hbm>> -> memref<1000x1x16xf32, #tpu.memory_space<hbm>>
    tpu.wait_dma2 semaphore(%arg15 : memref<!tpu.dma_semaphore, #tpu.memory_space<semaphore_mem>>) src(%dma_wait3A_1374 : memref<1000x1x16xf32, #tpu.memory_space<hbm>>) dst(%arg7 : memref<1000x1x16xf32, #tpu.memory_space<vmem>>)
    %dma_wait3A_1375 = tpu.memref_slice %arg3[%add3A_1137] : memref<320000xf32, #tpu.memory_space<hbm>> -> memref<1000xf32, #tpu.memory_space<hbm>>
    %dma_wait3A_1376 = tpu.memref_slice %arg3[%add3A_1137] : memref<320000xf32, #tpu.memory_space<hbm>> -> memref<1000xf32, #tpu.memory_space<hbm>>
    tpu.wait_dma2 semaphore(%arg15 : memref<!tpu.dma_semaphore, #tpu.memory_space<semaphore_mem>>) src(%dma_wait3A_1376 : memref<1000xf32, #tpu.memory_space<hbm>>) dst(%arg11 : memref<1000xf32, #tpu.memory_space<vmem>>)
    %parallel_loop3A_1377 = arith.constant 0 : i32
    %parallel_loop3A_1378 = arith.constant 1000 : i32
    %parallel_loop3A_1379 = arith.constant 1 : i32
    scf.for %parallel_loop3A_2238 = %parallel_loop3A_1377 to %parallel_loop3A_1378 step %parallel_loop3A_1379  : i32 {
      %parallel_loop3A_2239 = vector.broadcast %parallel_loop3A_2238 : i32 to vector<16xi32>
      %parallel_loop3A_2240 = tpu.vector_load_idx %arg11[%parallel_loop3A_2239] : memref<1000xf32, #tpu.memory_space<vmem>>[vector<16xi32>], vector<16xf32>,
      %parallel_loop3A_2241 = arith.constant 0 : i32
      %parallel_loop3A_2242 = arith.index_cast %parallel_loop3A_2238 : i32 to index
      %parallel_loop3A_2243 = arith.index_cast %parallel_loop3A_2241 : i32 to index
      %parallel_loop3A_2244 = arith.constant 0 : index
      %parallel_loop3A_2245 = tpu.vector_load %arg7[%parallel_loop3A_2242, %parallel_loop3A_2243, %parallel_loop3A_2244] {strides = array<i32>} : memref<1000x1x16xf32, #tpu.memory_space<vmem>>, vector<16xf32>,
      %parallel_loop3A_2246 = arith.mulf %parallel_loop3A_2245, %parallel_loop3A_2240 : vector<16xf32>
      %parallel_loop3A_2247 = arith.index_cast %parallel_loop3A_2238 : i32 to index
      %parallel_loop3A_2248 = arith.constant 0 : index
      %parallel_loop3A_2249 = tpu.vector_load %arg9[%parallel_loop3A_2247, %parallel_loop3A_2248] {strides = array<i32>} : memref<1000x32xf32, #tpu.memory_space<vmem>>, vector<16xf32>,
      tpu.vector_store %arg9[%parallel_loop3A_2247, %parallel_loop3A_2248], %parallel_loop3A_2246 {strides = array<i32>} : memref<1000x32xf32, #tpu.memory_space<vmem>>, vector<16xf32>,
    } {sc.loop_unroll_factor = 8 : i64, sc.parallel_access}
    %dma_start3A_1380 = arith.constant 60 : i32
    %dma_start3A_1381 = arith.constant 0 : i32
    %dma_start3A_1382 = arith.constant 0 : i32
    %dma_start3A_1383 = tpu.memref_slice %arg9[%dma_start3A_1381, %dma_start3A_1382] : memref<1000x32xf32, #tpu.memory_space<vmem>> -> memref<100x32xf32, #tpu.memory_space<vmem>>
    %dma_start3A_1384 = arith.constant 0 : i32
    %dma_start3A_1385 = tpu.memref_slice %arg13[%dma_start3A_1380, %dma_start3A_1384] : memref<100x100xi32, #tpu.memory_space<vmem>> -> memref<1x100xi32, #tpu.memory_space<vmem>>
    %dma_start3A_1386 = tpu.memref_squeeze %dma_start3A_1385 : memref<1x100xi32, #tpu.memory_space<vmem>> -> memref<100xi32, #tpu.memory_space<vmem>>
    %dma_start3A_1387 = arith.constant 0 : i32
    %dma_start3A_1388 = arith.constant 0 : i32
    %dma_start3A_1389 = tpu.memref_slice %arg14[%dma_start3A_1387, %dma_start3A_1388] : memref<10240x32xf32, #tpu.memory_space<vmem_shared>> -> memref<10240x32xf32, #tpu.memory_space<vmem_shared>>
    tpu.enqueue_indirect_dma source(%dma_start3A_1383 : memref<100x32xf32, #tpu.memory_space<vmem>>) target(%dma_start3A_1389 : memref<10240x32xf32, #tpu.memory_space<vmem_shared>>) offsets(%dma_start3A_1386 : memref<100xi32, #tpu.memory_space<vmem>>) semaphore(%arg16 : memref<!tpu.dma_semaphore, #tpu.memory_space<semaphore_mem>>) {add = true}
    %dma_start3A_1390 = arith.constant 61 : i32
    %dma_start3A_1391 = arith.constant 100 : i32
    %dma_start3A_1392 = arith.constant 0 : i32
    %dma_start3A_1393 = tpu.memref_slice %arg9[%dma_start3A_1391, %dma_start3A_1392] : memref<1000x32xf32, #tpu.memory_space<vmem>> -> memref<100x32xf32, #tpu.memory_space<vmem>>
    %dma_start3A_1394 = arith.constant 0 : i32
    %dma_start3A_1395 = tpu.memref_slice %arg13[%dma_start3A_1390, %dma_start3A_1394] : memref<100x100xi32, #tpu.memory_space<vmem>> -> memref<1x100xi32, #tpu.memory_space<vmem>>
    %dma_start3A_1396 = tpu.memref_squeeze %dma_start3A_1395 : memref<1x100xi32, #tpu.memory_space<vmem>> -> memref<100xi32, #tpu.memory_space<vmem>>
    %dma_start3A_1397 = arith.constant 0 : i32
    %dma_start3A_1398 = arith.constant 0 : i32
    %dma_start3A_1399 = tpu.memref_slice %arg14[%dma_start3A_1397, %dma_start3A_1398] : memref<10240x32xf32, #tpu.memory_space<vmem_shared>> -> memref<10240x32xf32, #tpu.memory_space<vmem_shared>>
    tpu.enqueue_indirect_dma source(%dma_start3A_1393 : memref<100x32xf32, #tpu.memory_space<vmem>>) target(%dma_start3A_1399 : memref<10240x32xf32, #tpu.memory_space<vmem_shared>>) offsets(%dma_start3A_1396 : memref<100xi32, #tpu.memory_space<vmem>>) semaphore(%arg16 : memref<!tpu.dma_semaphore, #tpu.memory_space<semaphore_mem>>) {add = true}
    %dma_start3A_1400 = arith.constant 62 : i32
    %dma_start3A_1401 = arith.constant 200 : i32
    %dma_start3A_1402 = arith.constant 0 : i32
    %dma_start3A_1403 = tpu.memref_slice %arg9[%dma_start3A_1401, %dma_start3A_1402] : memref<1000x32xf32, #tpu.memory_space<vmem>> -> memref<100x32xf32, #tpu.memory_space<vmem>>
    %dma_start3A_1404 = arith.constant 0 : i32
    %dma_start3A_1405 = tpu.memref_slice %arg13[%dma_start3A_1400, %dma_start3A_1404] : memref<100x100xi32, #tpu.memory_space<vmem>> -> memref<1x100xi32, #tpu.memory_space<vmem>>
    %dma_start3A_1406 = tpu.memref_squeeze %dma_start3A_1405 : memref<1x100xi32, #tpu.memory_space<vmem>> -> memref<100xi32, #tpu.memory_space<vmem>>
    %dma_start3A_1407 = arith.constant 0 : i32
    %dma_start3A_1408 = arith.constant 0 : i32
    %dma_start3A_1409 = tpu.memref_slice %arg14[%dma_start3A_1407, %dma_start3A_1408] : memref<10240x32xf32, #tpu.memory_space<vmem_shared>> -> memref<10240x32xf32, #tpu.memory_space<vmem_shared>>
    tpu.enqueue_indirect_dma source(%dma_start3A_1403 : memref<100x32xf32, #tpu.memory_space<vmem>>) target(%dma_start3A_1409 : memref<10240x32xf32, #tpu.memory_space<vmem_shared>>) offsets(%dma_start3A_1406 : memref<100xi32, #tpu.memory_space<vmem>>) semaphore(%arg16 : memref<!tpu.dma_semaphore, #tpu.memory_space<semaphore_mem>>) {add = true}
    %dma_start3A_1410 = arith.constant 63 : i32
    %dma_start3A_1411 = arith.constant 300 : i32
    %dma_start3A_1412 = arith.constant 0 : i32
    %dma_start3A_1413 = tpu.memref_slice %arg9[%dma_start3A_1411, %dma_start3A_1412] : memref<1000x32xf32, #tpu.memory_space<vmem>> -> memref<100x32xf32, #tpu.memory_space<vmem>>
    %dma_start3A_1414 = arith.constant 0 : i32
    %dma_start3A_1415 = tpu.memref_slice %arg13[%dma_start3A_1410, %dma_start3A_1414] : memref<100x100xi32, #tpu.memory_space<vmem>> -> memref<1x100xi32, #tpu.memory_space<vmem>>
    %dma_start3A_1416 = tpu.memref_squeeze %dma_start3A_1415 : memref<1x100xi32, #tpu.memory_space<vmem>> -> memref<100xi32, #tpu.memory_space<vmem>>
    %dma_start3A_1417 = arith.constant 0 : i32
    %dma_start3A_1418 = arith.constant 0 : i32
    %dma_start3A_1419 = tpu.memref_slice %arg14[%dma_start3A_1417, %dma_start3A_1418] : memref<10240x32xf32, #tpu.memory_space<vmem_shared>> -> memref<10240x32xf32, #tpu.memory_space<vmem_shared>>
    tpu.enqueue_indirect_dma source(%dma_start3A_1413 : memref<100x32xf32, #tpu.memory_space<vmem>>) target(%dma_start3A_1419 : memref<10240x32xf32, #tpu.memory_space<vmem_shared>>) offsets(%dma_start3A_1416 : memref<100xi32, #tpu.memory_space<vmem>>) semaphore(%arg16 : memref<!tpu.dma_semaphore, #tpu.memory_space<semaphore_mem>>) {add = true}
    %dma_start3A_1420 = arith.constant 64 : i32
    %dma_start3A_1421 = arith.constant 400 : i32
    %dma_start3A_1422 = arith.constant 0 : i32
    %dma_start3A_1423 = tpu.memref_slice %arg9[%dma_start3A_1421, %dma_start3A_1422] : memref<1000x32xf32, #tpu.memory_space<vmem>> -> memref<100x32xf32, #tpu.memory_space<vmem>>
    %dma_start3A_1424 = arith.constant 0 : i32
    %dma_start3A_1425 = tpu.memref_slice %arg13[%dma_start3A_1420, %dma_start3A_1424] : memref<100x100xi32, #tpu.memory_space<vmem>> -> memref<1x100xi32, #tpu.memory_space<vmem>>
    %dma_start3A_1426 = tpu.memref_squeeze %dma_start3A_1425 : memref<1x100xi32, #tpu.memory_space<vmem>> -> memref<100xi32, #tpu.memory_space<vmem>>
    %dma_start3A_1427 = arith.constant 0 : i32
    %dma_start3A_1428 = arith.constant 0 : i32
    %dma_start3A_1429 = tpu.memref_slice %arg14[%dma_start3A_1427, %dma_start3A_1428] : memref<10240x32xf32, #tpu.memory_space<vmem_shared>> -> memref<10240x32xf32, #tpu.memory_space<vmem_shared>>
    tpu.enqueue_indirect_dma source(%dma_start3A_1423 : memref<100x32xf32, #tpu.memory_space<vmem>>) target(%dma_start3A_1429 : memref<10240x32xf32, #tpu.memory_space<vmem_shared>>) offsets(%dma_start3A_1426 : memref<100xi32, #tpu.memory_space<vmem>>) semaphore(%arg16 : memref<!tpu.dma_semaphore, #tpu.memory_space<semaphore_mem>>) {add = true}
    %dma_start3A_1430 = arith.constant 65 : i32
    %dma_start3A_1431 = arith.constant 500 : i32
    %dma_start3A_1432 = arith.constant 0 : i32
    %dma_start3A_1433 = tpu.memref_slice %arg9[%dma_start3A_1431, %dma_start3A_1432] : memref<1000x32xf32, #tpu.memory_space<vmem>> -> memref<100x32xf32, #tpu.memory_space<vmem>>
    %dma_start3A_1434 = arith.constant 0 : i32
    %dma_start3A_1435 = tpu.memref_slice %arg13[%dma_start3A_1430, %dma_start3A_1434] : memref<100x100xi32, #tpu.memory_space<vmem>> -> memref<1x100xi32, #tpu.memory_space<vmem>>
    %dma_start3A_1436 = tpu.memref_squeeze %dma_start3A_1435 : memref<1x100xi32, #tpu.memory_space<vmem>> -> memref<100xi32, #tpu.memory_space<vmem>>
    %dma_start3A_1437 = arith.constant 0 : i32
    %dma_start3A_1438 = arith.constant 0 : i32
    %dma_start3A_1439 = tpu.memref_slice %arg14[%dma_start3A_1437, %dma_start3A_1438] : memref<10240x32xf32, #tpu.memory_space<vmem_shared>> -> memref<10240x32xf32, #tpu.memory_space<vmem_shared>>
    tpu.enqueue_indirect_dma source(%dma_start3A_1433 : memref<100x32xf32, #tpu.memory_space<vmem>>) target(%dma_start3A_1439 : memref<10240x32xf32, #tpu.memory_space<vmem_shared>>) offsets(%dma_start3A_1436 : memref<100xi32, #tpu.memory_space<vmem>>) semaphore(%arg16 : memref<!tpu.dma_semaphore, #tpu.memory_space<semaphore_mem>>) {add = true}
    %dma_start3A_1440 = arith.constant 66 : i32
    %dma_start3A_1441 = arith.constant 600 : i32
    %dma_start3A_1442 = arith.constant 0 : i32
    %dma_start3A_1443 = tpu.memref_slice %arg9[%dma_start3A_1441, %dma_start3A_1442] : memref<1000x32xf32, #tpu.memory_space<vmem>> -> memref<100x32xf32, #tpu.memory_space<vmem>>
    %dma_start3A_1444 = arith.constant 0 : i32
    %dma_start3A_1445 = tpu.memref_slice %arg13[%dma_start3A_1440, %dma_start3A_1444] : memref<100x100xi32, #tpu.memory_space<vmem>> -> memref<1x100xi32, #tpu.memory_space<vmem>>
    %dma_start3A_1446 = tpu.memref_squeeze %dma_start3A_1445 : memref<1x100xi32, #tpu.memory_space<vmem>> -> memref<100xi32, #tpu.memory_space<vmem>>
    %dma_start3A_1447 = arith.constant 0 : i32
    %dma_start3A_1448 = arith.constant 0 : i32
    %dma_start3A_1449 = tpu.memref_slice %arg14[%dma_start3A_1447, %dma_start3A_1448] : memref<10240x32xf32, #tpu.memory_space<vmem_shared>> -> memref<10240x32xf32, #tpu.memory_space<vmem_shared>>
    tpu.enqueue_indirect_dma source(%dma_start3A_1443 : memref<100x32xf32, #tpu.memory_space<vmem>>) target(%dma_start3A_1449 : memref<10240x32xf32, #tpu.memory_space<vmem_shared>>) offsets(%dma_start3A_1446 : memref<100xi32, #tpu.memory_space<vmem>>) semaphore(%arg16 : memref<!tpu.dma_semaphore, #tpu.memory_space<semaphore_mem>>) {add = true}
    %dma_start3A_1450 = arith.constant 67 : i32
    %dma_start3A_1451 = arith.constant 700 : i32
    %dma_start3A_1452 = arith.constant 0 : i32
    %dma_start3A_1453 = tpu.memref_slice %arg9[%dma_start3A_1451, %dma_start3A_1452] : memref<1000x32xf32, #tpu.memory_space<vmem>> -> memref<100x32xf32, #tpu.memory_space<vmem>>
    %dma_start3A_1454 = arith.constant 0 : i32
    %dma_start3A_1455 = tpu.memref_slice %arg13[%dma_start3A_1450, %dma_start3A_1454] : memref<100x100xi32, #tpu.memory_space<vmem>> -> memref<1x100xi32, #tpu.memory_space<vmem>>
    %dma_start3A_1456 = tpu.memref_squeeze %dma_start3A_1455 : memref<1x100xi32, #tpu.memory_space<vmem>> -> memref<100xi32, #tpu.memory_space<vmem>>
    %dma_start3A_1457 = arith.constant 0 : i32
    %dma_start3A_1458 = arith.constant 0 : i32
    %dma_start3A_1459 = tpu.memref_slice %arg14[%dma_start3A_1457, %dma_start3A_1458] : memref<10240x32xf32, #tpu.memory_space<vmem_shared>> -> memref<10240x32xf32, #tpu.memory_space<vmem_shared>>
    tpu.enqueue_indirect_dma source(%dma_start3A_1453 : memref<100x32xf32, #tpu.memory_space<vmem>>) target(%dma_start3A_1459 : memref<10240x32xf32, #tpu.memory_space<vmem_shared>>) offsets(%dma_start3A_1456 : memref<100xi32, #tpu.memory_space<vmem>>) semaphore(%arg16 : memref<!tpu.dma_semaphore, #tpu.memory_space<semaphore_mem>>) {add = true}
    %dma_start3A_1460 = arith.constant 68 : i32
    %dma_start3A_1461 = arith.constant 800 : i32
    %dma_start3A_1462 = arith.constant 0 : i32
    %dma_start3A_1463 = tpu.memref_slice %arg9[%dma_start3A_1461, %dma_start3A_1462] : memref<1000x32xf32, #tpu.memory_space<vmem>> -> memref<100x32xf32, #tpu.memory_space<vmem>>
    %dma_start3A_1464 = arith.constant 0 : i32
    %dma_start3A_1465 = tpu.memref_slice %arg13[%dma_start3A_1460, %dma_start3A_1464] : memref<100x100xi32, #tpu.memory_space<vmem>> -> memref<1x100xi32, #tpu.memory_space<vmem>>
    %dma_start3A_1466 = tpu.memref_squeeze %dma_start3A_1465 : memref<1x100xi32, #tpu.memory_space<vmem>> -> memref<100xi32, #tpu.memory_space<vmem>>
    %dma_start3A_1467 = arith.constant 0 : i32
    %dma_start3A_1468 = arith.constant 0 : i32
    %dma_start3A_1469 = tpu.memref_slice %arg14[%dma_start3A_1467, %dma_start3A_1468] : memref<10240x32xf32, #tpu.memory_space<vmem_shared>> -> memref<10240x32xf32, #tpu.memory_space<vmem_shared>>
    tpu.enqueue_indirect_dma source(%dma_start3A_1463 : memref<100x32xf32, #tpu.memory_space<vmem>>) target(%dma_start3A_1469 : memref<10240x32xf32, #tpu.memory_space<vmem_shared>>) offsets(%dma_start3A_1466 : memref<100xi32, #tpu.memory_space<vmem>>) semaphore(%arg16 : memref<!tpu.dma_semaphore, #tpu.memory_space<semaphore_mem>>) {add = true}
    %dma_start3A_1470 = arith.constant 69 : i32
    %dma_start3A_1471 = arith.constant 900 : i32
    %dma_start3A_1472 = arith.constant 0 : i32
    %dma_start3A_1473 = tpu.memref_slice %arg9[%dma_start3A_1471, %dma_start3A_1472] : memref<1000x32xf32, #tpu.memory_space<vmem>> -> memref<100x32xf32, #tpu.memory_space<vmem>>
    %dma_start3A_1474 = arith.constant 0 : i32
    %dma_start3A_1475 = tpu.memref_slice %arg13[%dma_start3A_1470, %dma_start3A_1474] : memref<100x100xi32, #tpu.memory_space<vmem>> -> memref<1x100xi32, #tpu.memory_space<vmem>>
    %dma_start3A_1476 = tpu.memref_squeeze %dma_start3A_1475 : memref<1x100xi32, #tpu.memory_space<vmem>> -> memref<100xi32, #tpu.memory_space<vmem>>
    %dma_start3A_1477 = arith.constant 0 : i32
    %dma_start3A_1478 = arith.constant 0 : i32
    %dma_start3A_1479 = tpu.memref_slice %arg14[%dma_start3A_1477, %dma_start3A_1478] : memref<10240x32xf32, #tpu.memory_space<vmem_shared>> -> memref<10240x32xf32, #tpu.memory_space<vmem_shared>>
    tpu.enqueue_indirect_dma source(%dma_start3A_1473 : memref<100x32xf32, #tpu.memory_space<vmem>>) target(%dma_start3A_1479 : memref<10240x32xf32, #tpu.memory_space<vmem_shared>>) offsets(%dma_start3A_1476 : memref<100xi32, #tpu.memory_space<vmem>>) semaphore(%arg16 : memref<!tpu.dma_semaphore, #tpu.memory_space<semaphore_mem>>) {add = true}
    %dma_wait3A_1480 = arith.constant 60 : i32
    %dma_wait3A_1481 = arith.constant 0 : i32
    %dma_wait3A_1482 = arith.constant 0 : i32
    %dma_wait3A_1483 = tpu.memref_slice %arg9[%dma_wait3A_1481, %dma_wait3A_1482] : memref<1000x32xf32, #tpu.memory_space<vmem>> -> memref<100x32xf32, #tpu.memory_space<vmem>>
    %dma_wait3A_1484 = arith.constant 0 : i32
    %dma_wait3A_1485 = tpu.memref_slice %arg13[%dma_wait3A_1480, %dma_wait3A_1484] : memref<100x100xi32, #tpu.memory_space<vmem>> -> memref<1x100xi32, #tpu.memory_space<vmem>>
    %dma_wait3A_1486 = tpu.memref_squeeze %dma_wait3A_1485 : memref<1x100xi32, #tpu.memory_space<vmem>> -> memref<100xi32, #tpu.memory_space<vmem>>
    %dma_wait3A_1487 = arith.constant 0 : i32
    %dma_wait3A_1488 = arith.constant 0 : i32
    %dma_wait3A_1489 = tpu.memref_slice %arg14[%dma_wait3A_1487, %dma_wait3A_1488] : memref<10240x32xf32, #tpu.memory_space<vmem_shared>> -> memref<10240x32xf32, #tpu.memory_space<vmem_shared>>
    tpu.wait_indirect_dma semaphore(%arg16 : memref<!tpu.dma_semaphore, #tpu.memory_space<semaphore_mem>>) src(%dma_wait3A_1483 : memref<100x32xf32, #tpu.memory_space<vmem>>) dst(%dma_wait3A_1489 : memref<10240x32xf32, #tpu.memory_space<vmem_shared>>)
    %dma_wait3A_1490 = arith.constant 61 : i32
    %dma_wait3A_1491 = arith.constant 100 : i32
    %dma_wait3A_1492 = arith.constant 0 : i32
    %dma_wait3A_1493 = tpu.memref_slice %arg9[%dma_wait3A_1491, %dma_wait3A_1492] : memref<1000x32xf32, #tpu.memory_space<vmem>> -> memref<100x32xf32, #tpu.memory_space<vmem>>
    %dma_wait3A_1494 = arith.constant 0 : i32
    %dma_wait3A_1495 = tpu.memref_slice %arg13[%dma_wait3A_1490, %dma_wait3A_1494] : memref<100x100xi32, #tpu.memory_space<vmem>> -> memref<1x100xi32, #tpu.memory_space<vmem>>
    %dma_wait3A_1496 = tpu.memref_squeeze %dma_wait3A_1495 : memref<1x100xi32, #tpu.memory_space<vmem>> -> memref<100xi32, #tpu.memory_space<vmem>>
    %dma_wait3A_1497 = arith.constant 0 : i32
    %dma_wait3A_1498 = arith.constant 0 : i32
    %dma_wait3A_1499 = tpu.memref_slice %arg14[%dma_wait3A_1497, %dma_wait3A_1498] : memref<10240x32xf32, #tpu.memory_space<vmem_shared>> -> memref<10240x32xf32, #tpu.memory_space<vmem_shared>>
    tpu.wait_indirect_dma semaphore(%arg16 : memref<!tpu.dma_semaphore, #tpu.memory_space<semaphore_mem>>) src(%dma_wait3A_1493 : memref<100x32xf32, #tpu.memory_space<vmem>>) dst(%dma_wait3A_1499 : memref<10240x32xf32, #tpu.memory_space<vmem_shared>>)
    %dma_wait3A_1500 = arith.constant 62 : i32
    %dma_wait3A_1501 = arith.constant 200 : i32
    %dma_wait3A_1502 = arith.constant 0 : i32
    %dma_wait3A_1503 = tpu.memref_slice %arg9[%dma_wait3A_1501, %dma_wait3A_1502] : memref<1000x32xf32, #tpu.memory_space<vmem>> -> memref<100x32xf32, #tpu.memory_space<vmem>>
    %dma_wait3A_1504 = arith.constant 0 : i32
    %dma_wait3A_1505 = tpu.memref_slice %arg13[%dma_wait3A_1500, %dma_wait3A_1504] : memref<100x100xi32, #tpu.memory_space<vmem>> -> memref<1x100xi32, #tpu.memory_space<vmem>>
    %dma_wait3A_1506 = tpu.memref_squeeze %dma_wait3A_1505 : memref<1x100xi32, #tpu.memory_space<vmem>> -> memref<100xi32, #tpu.memory_space<vmem>>
    %dma_wait3A_1507 = arith.constant 0 : i32
    %dma_wait3A_1508 = arith.constant 0 : i32
    %dma_wait3A_1509 = tpu.memref_slice %arg14[%dma_wait3A_1507, %dma_wait3A_1508] : memref<10240x32xf32, #tpu.memory_space<vmem_shared>> -> memref<10240x32xf32, #tpu.memory_space<vmem_shared>>
    tpu.wait_indirect_dma semaphore(%arg16 : memref<!tpu.dma_semaphore, #tpu.memory_space<semaphore_mem>>) src(%dma_wait3A_1503 : memref<100x32xf32, #tpu.memory_space<vmem>>) dst(%dma_wait3A_1509 : memref<10240x32xf32, #tpu.memory_space<vmem_shared>>)
    %dma_wait3A_1510 = arith.constant 63 : i32
    %dma_wait3A_1511 = arith.constant 300 : i32
    %dma_wait3A_1512 = arith.constant 0 : i32
    %dma_wait3A_1513 = tpu.memref_slice %arg9[%dma_wait3A_1511, %dma_wait3A_1512] : memref<1000x32xf32, #tpu.memory_space<vmem>> -> memref<100x32xf32, #tpu.memory_space<vmem>>
    %dma_wait3A_1514 = arith.constant 0 : i32
    %dma_wait3A_1515 = tpu.memref_slice %arg13[%dma_wait3A_1510, %dma_wait3A_1514] : memref<100x100xi32, #tpu.memory_space<vmem>> -> memref<1x100xi32, #tpu.memory_space<vmem>>
    %dma_wait3A_1516 = tpu.memref_squeeze %dma_wait3A_1515 : memref<1x100xi32, #tpu.memory_space<vmem>> -> memref<100xi32, #tpu.memory_space<vmem>>
    %dma_wait3A_1517 = arith.constant 0 : i32
    %dma_wait3A_1518 = arith.constant 0 : i32
    %dma_wait3A_1519 = tpu.memref_slice %arg14[%dma_wait3A_1517, %dma_wait3A_1518] : memref<10240x32xf32, #tpu.memory_space<vmem_shared>> -> memref<10240x32xf32, #tpu.memory_space<vmem_shared>>
    tpu.wait_indirect_dma semaphore(%arg16 : memref<!tpu.dma_semaphore, #tpu.memory_space<semaphore_mem>>) src(%dma_wait3A_1513 : memref<100x32xf32, #tpu.memory_space<vmem>>) dst(%dma_wait3A_1519 : memref<10240x32xf32, #tpu.memory_space<vmem_shared>>)
    %dma_wait3A_1520 = arith.constant 64 : i32
    %dma_wait3A_1521 = arith.constant 400 : i32
    %dma_wait3A_1522 = arith.constant 0 : i32
    %dma_wait3A_1523 = tpu.memref_slice %arg9[%dma_wait3A_1521, %dma_wait3A_1522] : memref<1000x32xf32, #tpu.memory_space<vmem>> -> memref<100x32xf32, #tpu.memory_space<vmem>>
    %dma_wait3A_1524 = arith.constant 0 : i32
    %dma_wait3A_1525 = tpu.memref_slice %arg13[%dma_wait3A_1520, %dma_wait3A_1524] : memref<100x100xi32, #tpu.memory_space<vmem>> -> memref<1x100xi32, #tpu.memory_space<vmem>>
    %dma_wait3A_1526 = tpu.memref_squeeze %dma_wait3A_1525 : memref<1x100xi32, #tpu.memory_space<vmem>> -> memref<100xi32, #tpu.memory_space<vmem>>
    %dma_wait3A_1527 = arith.constant 0 : i32
    %dma_wait3A_1528 = arith.constant 0 : i32
    %dma_wait3A_1529 = tpu.memref_slice %arg14[%dma_wait3A_1527, %dma_wait3A_1528] : memref<10240x32xf32, #tpu.memory_space<vmem_shared>> -> memref<10240x32xf32, #tpu.memory_space<vmem_shared>>
    tpu.wait_indirect_dma semaphore(%arg16 : memref<!tpu.dma_semaphore, #tpu.memory_space<semaphore_mem>>) src(%dma_wait3A_1523 : memref<100x32xf32, #tpu.memory_space<vmem>>) dst(%dma_wait3A_1529 : memref<10240x32xf32, #tpu.memory_space<vmem_shared>>)
    %dma_wait3A_1530 = arith.constant 65 : i32
    %dma_wait3A_1531 = arith.constant 500 : i32
    %dma_wait3A_1532 = arith.constant 0 : i32
    %dma_wait3A_1533 = tpu.memref_slice %arg9[%dma_wait3A_1531, %dma_wait3A_1532] : memref<1000x32xf32, #tpu.memory_space<vmem>> -> memref<100x32xf32, #tpu.memory_space<vmem>>
    %dma_wait3A_1534 = arith.constant 0 : i32
    %dma_wait3A_1535 = tpu.memref_slice %arg13[%dma_wait3A_1530, %dma_wait3A_1534] : memref<100x100xi32, #tpu.memory_space<vmem>> -> memref<1x100xi32, #tpu.memory_space<vmem>>
    %dma_wait3A_1536 = tpu.memref_squeeze %dma_wait3A_1535 : memref<1x100xi32, #tpu.memory_space<vmem>> -> memref<100xi32, #tpu.memory_space<vmem>>
    %dma_wait3A_1537 = arith.constant 0 : i32
    %dma_wait3A_1538 = arith.constant 0 : i32
    %dma_wait3A_1539 = tpu.memref_slice %arg14[%dma_wait3A_1537, %dma_wait3A_1538] : memref<10240x32xf32, #tpu.memory_space<vmem_shared>> -> memref<10240x32xf32, #tpu.memory_space<vmem_shared>>
    tpu.wait_indirect_dma semaphore(%arg16 : memref<!tpu.dma_semaphore, #tpu.memory_space<semaphore_mem>>) src(%dma_wait3A_1533 : memref<100x32xf32, #tpu.memory_space<vmem>>) dst(%dma_wait3A_1539 : memref<10240x32xf32, #tpu.memory_space<vmem_shared>>)
    %dma_wait3A_1540 = arith.constant 66 : i32
    %dma_wait3A_1541 = arith.constant 600 : i32
    %dma_wait3A_1542 = arith.constant 0 : i32
    %dma_wait3A_1543 = tpu.memref_slice %arg9[%dma_wait3A_1541, %dma_wait3A_1542] : memref<1000x32xf32, #tpu.memory_space<vmem>> -> memref<100x32xf32, #tpu.memory_space<vmem>>
    %dma_wait3A_1544 = arith.constant 0 : i32
    %dma_wait3A_1545 = tpu.memref_slice %arg13[%dma_wait3A_1540, %dma_wait3A_1544] : memref<100x100xi32, #tpu.memory_space<vmem>> -> memref<1x100xi32, #tpu.memory_space<vmem>>
    %dma_wait3A_1546 = tpu.memref_squeeze %dma_wait3A_1545 : memref<1x100xi32, #tpu.memory_space<vmem>> -> memref<100xi32, #tpu.memory_space<vmem>>
    %dma_wait3A_1547 = arith.constant 0 : i32
    %dma_wait3A_1548 = arith.constant 0 : i32
    %dma_wait3A_1549 = tpu.memref_slice %arg14[%dma_wait3A_1547, %dma_wait3A_1548] : memref<10240x32xf32, #tpu.memory_space<vmem_shared>> -> memref<10240x32xf32, #tpu.memory_space<vmem_shared>>
    tpu.wait_indirect_dma semaphore(%arg16 : memref<!tpu.dma_semaphore, #tpu.memory_space<semaphore_mem>>) src(%dma_wait3A_1543 : memref<100x32xf32, #tpu.memory_space<vmem>>) dst(%dma_wait3A_1549 : memref<10240x32xf32, #tpu.memory_space<vmem_shared>>)
    %dma_wait3A_1550 = arith.constant 67 : i32
    %dma_wait3A_1551 = arith.constant 700 : i32
    %dma_wait3A_1552 = arith.constant 0 : i32
    %dma_wait3A_1553 = tpu.memref_slice %arg9[%dma_wait3A_1551, %dma_wait3A_1552] : memref<1000x32xf32, #tpu.memory_space<vmem>> -> memref<100x32xf32, #tpu.memory_space<vmem>>
    %dma_wait3A_1554 = arith.constant 0 : i32
    %dma_wait3A_1555 = tpu.memref_slice %arg13[%dma_wait3A_1550, %dma_wait3A_1554] : memref<100x100xi32, #tpu.memory_space<vmem>> -> memref<1x100xi32, #tpu.memory_space<vmem>>
    %dma_wait3A_1556 = tpu.memref_squeeze %dma_wait3A_1555 : memref<1x100xi32, #tpu.memory_space<vmem>> -> memref<100xi32, #tpu.memory_space<vmem>>
    %dma_wait3A_1557 = arith.constant 0 : i32
    %dma_wait3A_1558 = arith.constant 0 : i32
    %dma_wait3A_1559 = tpu.memref_slice %arg14[%dma_wait3A_1557, %dma_wait3A_1558] : memref<10240x32xf32, #tpu.memory_space<vmem_shared>> -> memref<10240x32xf32, #tpu.memory_space<vmem_shared>>
    tpu.wait_indirect_dma semaphore(%arg16 : memref<!tpu.dma_semaphore, #tpu.memory_space<semaphore_mem>>) src(%dma_wait3A_1553 : memref<100x32xf32, #tpu.memory_space<vmem>>) dst(%dma_wait3A_1559 : memref<10240x32xf32, #tpu.memory_space<vmem_shared>>)
    %dma_wait3A_1560 = arith.constant 68 : i32
    %dma_wait3A_1561 = arith.constant 800 : i32
    %dma_wait3A_1562 = arith.constant 0 : i32
    %dma_wait3A_1563 = tpu.memref_slice %arg9[%dma_wait3A_1561, %dma_wait3A_1562] : memref<1000x32xf32, #tpu.memory_space<vmem>> -> memref<100x32xf32, #tpu.memory_space<vmem>>
    %dma_wait3A_1564 = arith.constant 0 : i32
    %dma_wait3A_1565 = tpu.memref_slice %arg13[%dma_wait3A_1560, %dma_wait3A_1564] : memref<100x100xi32, #tpu.memory_space<vmem>> -> memref<1x100xi32, #tpu.memory_space<vmem>>
    %dma_wait3A_1566 = tpu.memref_squeeze %dma_wait3A_1565 : memref<1x100xi32, #tpu.memory_space<vmem>> -> memref<100xi32, #tpu.memory_space<vmem>>
    %dma_wait3A_1567 = arith.constant 0 : i32
    %dma_wait3A_1568 = arith.constant 0 : i32
    %dma_wait3A_1569 = tpu.memref_slice %arg14[%dma_wait3A_1567, %dma_wait3A_1568] : memref<10240x32xf32, #tpu.memory_space<vmem_shared>> -> memref<10240x32xf32, #tpu.memory_space<vmem_shared>>
    tpu.wait_indirect_dma semaphore(%arg16 : memref<!tpu.dma_semaphore, #tpu.memory_space<semaphore_mem>>) src(%dma_wait3A_1563 : memref<100x32xf32, #tpu.memory_space<vmem>>) dst(%dma_wait3A_1569 : memref<10240x32xf32, #tpu.memory_space<vmem_shared>>)
    %dma_wait3A_1570 = arith.constant 69 : i32
    %dma_wait3A_1571 = arith.constant 900 : i32
    %dma_wait3A_1572 = arith.constant 0 : i32
    %dma_wait3A_1573 = tpu.memref_slice %arg9[%dma_wait3A_1571, %dma_wait3A_1572] : memref<1000x32xf32, #tpu.memory_space<vmem>> -> memref<100x32xf32, #tpu.memory_space<vmem>>
    %dma_wait3A_1574 = arith.constant 0 : i32
    %dma_wait3A_1575 = tpu.memref_slice %arg13[%dma_wait3A_1570, %dma_wait3A_1574] : memref<100x100xi32, #tpu.memory_space<vmem>> -> memref<1x100xi32, #tpu.memory_space<vmem>>
    %dma_wait3A_1576 = tpu.memref_squeeze %dma_wait3A_1575 : memref<1x100xi32, #tpu.memory_space<vmem>> -> memref<100xi32, #tpu.memory_space<vmem>>
    %dma_wait3A_1577 = arith.constant 0 : i32
    %dma_wait3A_1578 = arith.constant 0 : i32
    %dma_wait3A_1579 = tpu.memref_slice %arg14[%dma_wait3A_1577, %dma_wait3A_1578] : memref<10240x32xf32, #tpu.memory_space<vmem_shared>> -> memref<10240x32xf32, #tpu.memory_space<vmem_shared>>
    tpu.wait_indirect_dma semaphore(%arg16 : memref<!tpu.dma_semaphore, #tpu.memory_space<semaphore_mem>>) src(%dma_wait3A_1573 : memref<100x32xf32, #tpu.memory_space<vmem>>) dst(%dma_wait3A_1579 : memref<10240x32xf32, #tpu.memory_space<vmem_shared>>)
    %mul3A_1580 = arith.constant 10000 : i32
    %mul3A_1581 = arith.muli %add3A, %mul3A_1580 : i32
    %add3A_1582 = arith.constant 8000 : i32
    %add3A_1583 = arith.addi %mul3A_1581, %add3A_1582 : i32
    %dma_start3A_1584 = arith.constant 0 : i32
    %dma_start3A_1585 = arith.constant 0 : i32
    %dma_start3A_1586 = tpu.memref_slice %arg2[%add3A_1583, %dma_start3A_1584, %dma_start3A_1585] : memref<320000x1x16xf32, #tpu.memory_space<hbm>> -> memref<1000x1x16xf32, #tpu.memory_space<hbm>>
    %dma_start3A_1587 = arith.constant 0 : i32
    %dma_start3A_1588 = arith.constant 0 : i32
    %dma_start3A_1589 = tpu.memref_slice %arg2[%add3A_1583, %dma_start3A_1587, %dma_start3A_1588] : memref<320000x1x16xf32, #tpu.memory_space<hbm>> -> memref<1000x1x16xf32, #tpu.memory_space<hbm>>
    tpu.enqueue_dma source(%dma_start3A_1589 : memref<1000x1x16xf32, #tpu.memory_space<hbm>>) target(%arg7 : memref<1000x1x16xf32, #tpu.memory_space<vmem>>) target_semaphore(%arg15 : memref<!tpu.dma_semaphore, #tpu.memory_space<semaphore_mem>>)
    %dma_start3A_1590 = tpu.memref_slice %arg3[%add3A_1583] : memref<320000xf32, #tpu.memory_space<hbm>> -> memref<1000xf32, #tpu.memory_space<hbm>>
    %dma_start3A_1591 = tpu.memref_slice %arg3[%add3A_1583] : memref<320000xf32, #tpu.memory_space<hbm>> -> memref<1000xf32, #tpu.memory_space<hbm>>
    tpu.enqueue_dma source(%dma_start3A_1591 : memref<1000xf32, #tpu.memory_space<hbm>>) target(%arg11 : memref<1000xf32, #tpu.memory_space<vmem>>) target_semaphore(%arg15 : memref<!tpu.dma_semaphore, #tpu.memory_space<semaphore_mem>>)
    %dma_wait3A_1592 = arith.constant 0 : i32
    %dma_wait3A_1593 = arith.constant 0 : i32
    %dma_wait3A_1594 = tpu.memref_slice %arg2[%add3A_1360, %dma_wait3A_1592, %dma_wait3A_1593] : memref<320000x1x16xf32, #tpu.memory_space<hbm>> -> memref<1000x1x16xf32, #tpu.memory_space<hbm>>
    %dma_wait3A_1595 = arith.constant 0 : i32
    %dma_wait3A_1596 = arith.constant 0 : i32
    %dma_wait3A_1597 = tpu.memref_slice %arg2[%add3A_1360, %dma_wait3A_1595, %dma_wait3A_1596] : memref<320000x1x16xf32, #tpu.memory_space<hbm>> -> memref<1000x1x16xf32, #tpu.memory_space<hbm>>
    tpu.wait_dma2 semaphore(%arg15 : memref<!tpu.dma_semaphore, #tpu.memory_space<semaphore_mem>>) src(%dma_wait3A_1597 : memref<1000x1x16xf32, #tpu.memory_space<hbm>>) dst(%arg8 : memref<1000x1x16xf32, #tpu.memory_space<vmem>>)
    %dma_wait3A_1598 = tpu.memref_slice %arg3[%add3A_1360] : memref<320000xf32, #tpu.memory_space<hbm>> -> memref<1000xf32, #tpu.memory_space<hbm>>
    %dma_wait3A_1599 = tpu.memref_slice %arg3[%add3A_1360] : memref<320000xf32, #tpu.memory_space<hbm>> -> memref<1000xf32, #tpu.memory_space<hbm>>
    tpu.wait_dma2 semaphore(%arg15 : memref<!tpu.dma_semaphore, #tpu.memory_space<semaphore_mem>>) src(%dma_wait3A_1599 : memref<1000xf32, #tpu.memory_space<hbm>>) dst(%arg12 : memref<1000xf32, #tpu.memory_space<vmem>>)
    %parallel_loop3A_1600 = arith.constant 0 : i32
    %parallel_loop3A_1601 = arith.constant 1000 : i32
    %parallel_loop3A_1602 = arith.constant 1 : i32
    scf.for %parallel_loop3A_2238 = %parallel_loop3A_1600 to %parallel_loop3A_1601 step %parallel_loop3A_1602  : i32 {
      %parallel_loop3A_2239 = vector.broadcast %parallel_loop3A_2238 : i32 to vector<16xi32>
      %parallel_loop3A_2240 = tpu.vector_load_idx %arg12[%parallel_loop3A_2239] : memref<1000xf32, #tpu.memory_space<vmem>>[vector<16xi32>], vector<16xf32>,
      %parallel_loop3A_2241 = arith.constant 0 : i32
      %parallel_loop3A_2242 = arith.index_cast %parallel_loop3A_2238 : i32 to index
      %parallel_loop3A_2243 = arith.index_cast %parallel_loop3A_2241 : i32 to index
      %parallel_loop3A_2244 = arith.constant 0 : index
      %parallel_loop3A_2245 = tpu.vector_load %arg8[%parallel_loop3A_2242, %parallel_loop3A_2243, %parallel_loop3A_2244] {strides = array<i32>} : memref<1000x1x16xf32, #tpu.memory_space<vmem>>, vector<16xf32>,
      %parallel_loop3A_2246 = arith.mulf %parallel_loop3A_2245, %parallel_loop3A_2240 : vector<16xf32>
      %parallel_loop3A_2247 = arith.index_cast %parallel_loop3A_2238 : i32 to index
      %parallel_loop3A_2248 = arith.constant 0 : index
      %parallel_loop3A_2249 = tpu.vector_load %arg10[%parallel_loop3A_2247, %parallel_loop3A_2248] {strides = array<i32>} : memref<1000x32xf32, #tpu.memory_space<vmem>>, vector<16xf32>,
      tpu.vector_store %arg10[%parallel_loop3A_2247, %parallel_loop3A_2248], %parallel_loop3A_2246 {strides = array<i32>} : memref<1000x32xf32, #tpu.memory_space<vmem>>, vector<16xf32>,
    } {sc.loop_unroll_factor = 8 : i64, sc.parallel_access}
    %dma_start3A_1603 = arith.constant 70 : i32
    %dma_start3A_1604 = arith.constant 0 : i32
    %dma_start3A_1605 = arith.constant 0 : i32
    %dma_start3A_1606 = tpu.memref_slice %arg10[%dma_start3A_1604, %dma_start3A_1605] : memref<1000x32xf32, #tpu.memory_space<vmem>> -> memref<100x32xf32, #tpu.memory_space<vmem>>
    %dma_start3A_1607 = arith.constant 0 : i32
    %dma_start3A_1608 = tpu.memref_slice %arg13[%dma_start3A_1603, %dma_start3A_1607] : memref<100x100xi32, #tpu.memory_space<vmem>> -> memref<1x100xi32, #tpu.memory_space<vmem>>
    %dma_start3A_1609 = tpu.memref_squeeze %dma_start3A_1608 : memref<1x100xi32, #tpu.memory_space<vmem>> -> memref<100xi32, #tpu.memory_space<vmem>>
    %dma_start3A_1610 = arith.constant 0 : i32
    %dma_start3A_1611 = arith.constant 0 : i32
    %dma_start3A_1612 = tpu.memref_slice %arg14[%dma_start3A_1610, %dma_start3A_1611] : memref<10240x32xf32, #tpu.memory_space<vmem_shared>> -> memref<10240x32xf32, #tpu.memory_space<vmem_shared>>
    tpu.enqueue_indirect_dma source(%dma_start3A_1606 : memref<100x32xf32, #tpu.memory_space<vmem>>) target(%dma_start3A_1612 : memref<10240x32xf32, #tpu.memory_space<vmem_shared>>) offsets(%dma_start3A_1609 : memref<100xi32, #tpu.memory_space<vmem>>) semaphore(%arg16 : memref<!tpu.dma_semaphore, #tpu.memory_space<semaphore_mem>>) {add = true}
    %dma_start3A_1613 = arith.constant 71 : i32
    %dma_start3A_1614 = arith.constant 100 : i32
    %dma_start3A_1615 = arith.constant 0 : i32
    %dma_start3A_1616 = tpu.memref_slice %arg10[%dma_start3A_1614, %dma_start3A_1615] : memref<1000x32xf32, #tpu.memory_space<vmem>> -> memref<100x32xf32, #tpu.memory_space<vmem>>
    %dma_start3A_1617 = arith.constant 0 : i32
    %dma_start3A_1618 = tpu.memref_slice %arg13[%dma_start3A_1613, %dma_start3A_1617] : memref<100x100xi32, #tpu.memory_space<vmem>> -> memref<1x100xi32, #tpu.memory_space<vmem>>
    %dma_start3A_1619 = tpu.memref_squeeze %dma_start3A_1618 : memref<1x100xi32, #tpu.memory_space<vmem>> -> memref<100xi32, #tpu.memory_space<vmem>>
    %dma_start3A_1620 = arith.constant 0 : i32
    %dma_start3A_1621 = arith.constant 0 : i32
    %dma_start3A_1622 = tpu.memref_slice %arg14[%dma_start3A_1620, %dma_start3A_1621] : memref<10240x32xf32, #tpu.memory_space<vmem_shared>> -> memref<10240x32xf32, #tpu.memory_space<vmem_shared>>
    tpu.enqueue_indirect_dma source(%dma_start3A_1616 : memref<100x32xf32, #tpu.memory_space<vmem>>) target(%dma_start3A_1622 : memref<10240x32xf32, #tpu.memory_space<vmem_shared>>) offsets(%dma_start3A_1619 : memref<100xi32, #tpu.memory_space<vmem>>) semaphore(%arg16 : memref<!tpu.dma_semaphore, #tpu.memory_space<semaphore_mem>>) {add = true}
    %dma_start3A_1623 = arith.constant 72 : i32
    %dma_start3A_1624 = arith.constant 200 : i32
    %dma_start3A_1625 = arith.constant 0 : i32
    %dma_start3A_1626 = tpu.memref_slice %arg10[%dma_start3A_1624, %dma_start3A_1625] : memref<1000x32xf32, #tpu.memory_space<vmem>> -> memref<100x32xf32, #tpu.memory_space<vmem>>
    %dma_start3A_1627 = arith.constant 0 : i32
    %dma_start3A_1628 = tpu.memref_slice %arg13[%dma_start3A_1623, %dma_start3A_1627] : memref<100x100xi32, #tpu.memory_space<vmem>> -> memref<1x100xi32, #tpu.memory_space<vmem>>
    %dma_start3A_1629 = tpu.memref_squeeze %dma_start3A_1628 : memref<1x100xi32, #tpu.memory_space<vmem>> -> memref<100xi32, #tpu.memory_space<vmem>>
    %dma_start3A_1630 = arith.constant 0 : i32
    %dma_start3A_1631 = arith.constant 0 : i32
    %dma_start3A_1632 = tpu.memref_slice %arg14[%dma_start3A_1630, %dma_start3A_1631] : memref<10240x32xf32, #tpu.memory_space<vmem_shared>> -> memref<10240x32xf32, #tpu.memory_space<vmem_shared>>
    tpu.enqueue_indirect_dma source(%dma_start3A_1626 : memref<100x32xf32, #tpu.memory_space<vmem>>) target(%dma_start3A_1632 : memref<10240x32xf32, #tpu.memory_space<vmem_shared>>) offsets(%dma_start3A_1629 : memref<100xi32, #tpu.memory_space<vmem>>) semaphore(%arg16 : memref<!tpu.dma_semaphore, #tpu.memory_space<semaphore_mem>>) {add = true}
    %dma_start3A_1633 = arith.constant 73 : i32
    %dma_start3A_1634 = arith.constant 300 : i32
    %dma_start3A_1635 = arith.constant 0 : i32
    %dma_start3A_1636 = tpu.memref_slice %arg10[%dma_start3A_1634, %dma_start3A_1635] : memref<1000x32xf32, #tpu.memory_space<vmem>> -> memref<100x32xf32, #tpu.memory_space<vmem>>
    %dma_start3A_1637 = arith.constant 0 : i32
    %dma_start3A_1638 = tpu.memref_slice %arg13[%dma_start3A_1633, %dma_start3A_1637] : memref<100x100xi32, #tpu.memory_space<vmem>> -> memref<1x100xi32, #tpu.memory_space<vmem>>
    %dma_start3A_1639 = tpu.memref_squeeze %dma_start3A_1638 : memref<1x100xi32, #tpu.memory_space<vmem>> -> memref<100xi32, #tpu.memory_space<vmem>>
    %dma_start3A_1640 = arith.constant 0 : i32
    %dma_start3A_1641 = arith.constant 0 : i32
    %dma_start3A_1642 = tpu.memref_slice %arg14[%dma_start3A_1640, %dma_start3A_1641] : memref<10240x32xf32, #tpu.memory_space<vmem_shared>> -> memref<10240x32xf32, #tpu.memory_space<vmem_shared>>
    tpu.enqueue_indirect_dma source(%dma_start3A_1636 : memref<100x32xf32, #tpu.memory_space<vmem>>) target(%dma_start3A_1642 : memref<10240x32xf32, #tpu.memory_space<vmem_shared>>) offsets(%dma_start3A_1639 : memref<100xi32, #tpu.memory_space<vmem>>) semaphore(%arg16 : memref<!tpu.dma_semaphore, #tpu.memory_space<semaphore_mem>>) {add = true}
    %dma_start3A_1643 = arith.constant 74 : i32
    %dma_start3A_1644 = arith.constant 400 : i32
    %dma_start3A_1645 = arith.constant 0 : i32
    %dma_start3A_1646 = tpu.memref_slice %arg10[%dma_start3A_1644, %dma_start3A_1645] : memref<1000x32xf32, #tpu.memory_space<vmem>> -> memref<100x32xf32, #tpu.memory_space<vmem>>
    %dma_start3A_1647 = arith.constant 0 : i32
    %dma_start3A_1648 = tpu.memref_slice %arg13[%dma_start3A_1643, %dma_start3A_1647] : memref<100x100xi32, #tpu.memory_space<vmem>> -> memref<1x100xi32, #tpu.memory_space<vmem>>
    %dma_start3A_1649 = tpu.memref_squeeze %dma_start3A_1648 : memref<1x100xi32, #tpu.memory_space<vmem>> -> memref<100xi32, #tpu.memory_space<vmem>>
    %dma_start3A_1650 = arith.constant 0 : i32
    %dma_start3A_1651 = arith.constant 0 : i32
    %dma_start3A_1652 = tpu.memref_slice %arg14[%dma_start3A_1650, %dma_start3A_1651] : memref<10240x32xf32, #tpu.memory_space<vmem_shared>> -> memref<10240x32xf32, #tpu.memory_space<vmem_shared>>
    tpu.enqueue_indirect_dma source(%dma_start3A_1646 : memref<100x32xf32, #tpu.memory_space<vmem>>) target(%dma_start3A_1652 : memref<10240x32xf32, #tpu.memory_space<vmem_shared>>) offsets(%dma_start3A_1649 : memref<100xi32, #tpu.memory_space<vmem>>) semaphore(%arg16 : memref<!tpu.dma_semaphore, #tpu.memory_space<semaphore_mem>>) {add = true}
    %dma_start3A_1653 = arith.constant 75 : i32
    %dma_start3A_1654 = arith.constant 500 : i32
    %dma_start3A_1655 = arith.constant 0 : i32
    %dma_start3A_1656 = tpu.memref_slice %arg10[%dma_start3A_1654, %dma_start3A_1655] : memref<1000x32xf32, #tpu.memory_space<vmem>> -> memref<100x32xf32, #tpu.memory_space<vmem>>
    %dma_start3A_1657 = arith.constant 0 : i32
    %dma_start3A_1658 = tpu.memref_slice %arg13[%dma_start3A_1653, %dma_start3A_1657] : memref<100x100xi32, #tpu.memory_space<vmem>> -> memref<1x100xi32, #tpu.memory_space<vmem>>
    %dma_start3A_1659 = tpu.memref_squeeze %dma_start3A_1658 : memref<1x100xi32, #tpu.memory_space<vmem>> -> memref<100xi32, #tpu.memory_space<vmem>>
    %dma_start3A_1660 = arith.constant 0 : i32
    %dma_start3A_1661 = arith.constant 0 : i32
    %dma_start3A_1662 = tpu.memref_slice %arg14[%dma_start3A_1660, %dma_start3A_1661] : memref<10240x32xf32, #tpu.memory_space<vmem_shared>> -> memref<10240x32xf32, #tpu.memory_space<vmem_shared>>
    tpu.enqueue_indirect_dma source(%dma_start3A_1656 : memref<100x32xf32, #tpu.memory_space<vmem>>) target(%dma_start3A_1662 : memref<10240x32xf32, #tpu.memory_space<vmem_shared>>) offsets(%dma_start3A_1659 : memref<100xi32, #tpu.memory_space<vmem>>) semaphore(%arg16 : memref<!tpu.dma_semaphore, #tpu.memory_space<semaphore_mem>>) {add = true}
    %dma_start3A_1663 = arith.constant 76 : i32
    %dma_start3A_1664 = arith.constant 600 : i32
    %dma_start3A_1665 = arith.constant 0 : i32
    %dma_start3A_1666 = tpu.memref_slice %arg10[%dma_start3A_1664, %dma_start3A_1665] : memref<1000x32xf32, #tpu.memory_space<vmem>> -> memref<100x32xf32, #tpu.memory_space<vmem>>
    %dma_start3A_1667 = arith.constant 0 : i32
    %dma_start3A_1668 = tpu.memref_slice %arg13[%dma_start3A_1663, %dma_start3A_1667] : memref<100x100xi32, #tpu.memory_space<vmem>> -> memref<1x100xi32, #tpu.memory_space<vmem>>
    %dma_start3A_1669 = tpu.memref_squeeze %dma_start3A_1668 : memref<1x100xi32, #tpu.memory_space<vmem>> -> memref<100xi32, #tpu.memory_space<vmem>>
    %dma_start3A_1670 = arith.constant 0 : i32
    %dma_start3A_1671 = arith.constant 0 : i32
    %dma_start3A_1672 = tpu.memref_slice %arg14[%dma_start3A_1670, %dma_start3A_1671] : memref<10240x32xf32, #tpu.memory_space<vmem_shared>> -> memref<10240x32xf32, #tpu.memory_space<vmem_shared>>
    tpu.enqueue_indirect_dma source(%dma_start3A_1666 : memref<100x32xf32, #tpu.memory_space<vmem>>) target(%dma_start3A_1672 : memref<10240x32xf32, #tpu.memory_space<vmem_shared>>) offsets(%dma_start3A_1669 : memref<100xi32, #tpu.memory_space<vmem>>) semaphore(%arg16 : memref<!tpu.dma_semaphore, #tpu.memory_space<semaphore_mem>>) {add = true}
    %dma_start3A_1673 = arith.constant 77 : i32
    %dma_start3A_1674 = arith.constant 700 : i32
    %dma_start3A_1675 = arith.constant 0 : i32
    %dma_start3A_1676 = tpu.memref_slice %arg10[%dma_start3A_1674, %dma_start3A_1675] : memref<1000x32xf32, #tpu.memory_space<vmem>> -> memref<100x32xf32, #tpu.memory_space<vmem>>
    %dma_start3A_1677 = arith.constant 0 : i32
    %dma_start3A_1678 = tpu.memref_slice %arg13[%dma_start3A_1673, %dma_start3A_1677] : memref<100x100xi32, #tpu.memory_space<vmem>> -> memref<1x100xi32, #tpu.memory_space<vmem>>
    %dma_start3A_1679 = tpu.memref_squeeze %dma_start3A_1678 : memref<1x100xi32, #tpu.memory_space<vmem>> -> memref<100xi32, #tpu.memory_space<vmem>>
    %dma_start3A_1680 = arith.constant 0 : i32
    %dma_start3A_1681 = arith.constant 0 : i32
    %dma_start3A_1682 = tpu.memref_slice %arg14[%dma_start3A_1680, %dma_start3A_1681] : memref<10240x32xf32, #tpu.memory_space<vmem_shared>> -> memref<10240x32xf32, #tpu.memory_space<vmem_shared>>
    tpu.enqueue_indirect_dma source(%dma_start3A_1676 : memref<100x32xf32, #tpu.memory_space<vmem>>) target(%dma_start3A_1682 : memref<10240x32xf32, #tpu.memory_space<vmem_shared>>) offsets(%dma_start3A_1679 : memref<100xi32, #tpu.memory_space<vmem>>) semaphore(%arg16 : memref<!tpu.dma_semaphore, #tpu.memory_space<semaphore_mem>>) {add = true}
    %dma_start3A_1683 = arith.constant 78 : i32
    %dma_start3A_1684 = arith.constant 800 : i32
    %dma_start3A_1685 = arith.constant 0 : i32
    %dma_start3A_1686 = tpu.memref_slice %arg10[%dma_start3A_1684, %dma_start3A_1685] : memref<1000x32xf32, #tpu.memory_space<vmem>> -> memref<100x32xf32, #tpu.memory_space<vmem>>
    %dma_start3A_1687 = arith.constant 0 : i32
    %dma_start3A_1688 = tpu.memref_slice %arg13[%dma_start3A_1683, %dma_start3A_1687] : memref<100x100xi32, #tpu.memory_space<vmem>> -> memref<1x100xi32, #tpu.memory_space<vmem>>
    %dma_start3A_1689 = tpu.memref_squeeze %dma_start3A_1688 : memref<1x100xi32, #tpu.memory_space<vmem>> -> memref<100xi32, #tpu.memory_space<vmem>>
    %dma_start3A_1690 = arith.constant 0 : i32
    %dma_start3A_1691 = arith.constant 0 : i32
    %dma_start3A_1692 = tpu.memref_slice %arg14[%dma_start3A_1690, %dma_start3A_1691] : memref<10240x32xf32, #tpu.memory_space<vmem_shared>> -> memref<10240x32xf32, #tpu.memory_space<vmem_shared>>
    tpu.enqueue_indirect_dma source(%dma_start3A_1686 : memref<100x32xf32, #tpu.memory_space<vmem>>) target(%dma_start3A_1692 : memref<10240x32xf32, #tpu.memory_space<vmem_shared>>) offsets(%dma_start3A_1689 : memref<100xi32, #tpu.memory_space<vmem>>) semaphore(%arg16 : memref<!tpu.dma_semaphore, #tpu.memory_space<semaphore_mem>>) {add = true}
    %dma_start3A_1693 = arith.constant 79 : i32
    %dma_start3A_1694 = arith.constant 900 : i32
    %dma_start3A_1695 = arith.constant 0 : i32
    %dma_start3A_1696 = tpu.memref_slice %arg10[%dma_start3A_1694, %dma_start3A_1695] : memref<1000x32xf32, #tpu.memory_space<vmem>> -> memref<100x32xf32, #tpu.memory_space<vmem>>
    %dma_start3A_1697 = arith.constant 0 : i32
    %dma_start3A_1698 = tpu.memref_slice %arg13[%dma_start3A_1693, %dma_start3A_1697] : memref<100x100xi32, #tpu.memory_space<vmem>> -> memref<1x100xi32, #tpu.memory_space<vmem>>
    %dma_start3A_1699 = tpu.memref_squeeze %dma_start3A_1698 : memref<1x100xi32, #tpu.memory_space<vmem>> -> memref<100xi32, #tpu.memory_space<vmem>>
    %dma_start3A_1700 = arith.constant 0 : i32
    %dma_start3A_1701 = arith.constant 0 : i32
    %dma_start3A_1702 = tpu.memref_slice %arg14[%dma_start3A_1700, %dma_start3A_1701] : memref<10240x32xf32, #tpu.memory_space<vmem_shared>> -> memref<10240x32xf32, #tpu.memory_space<vmem_shared>>
    tpu.enqueue_indirect_dma source(%dma_start3A_1696 : memref<100x32xf32, #tpu.memory_space<vmem>>) target(%dma_start3A_1702 : memref<10240x32xf32, #tpu.memory_space<vmem_shared>>) offsets(%dma_start3A_1699 : memref<100xi32, #tpu.memory_space<vmem>>) semaphore(%arg16 : memref<!tpu.dma_semaphore, #tpu.memory_space<semaphore_mem>>) {add = true}
    %dma_wait3A_1703 = arith.constant 70 : i32
    %dma_wait3A_1704 = arith.constant 0 : i32
    %dma_wait3A_1705 = arith.constant 0 : i32
    %dma_wait3A_1706 = tpu.memref_slice %arg10[%dma_wait3A_1704, %dma_wait3A_1705] : memref<1000x32xf32, #tpu.memory_space<vmem>> -> memref<100x32xf32, #tpu.memory_space<vmem>>
    %dma_wait3A_1707 = arith.constant 0 : i32
    %dma_wait3A_1708 = tpu.memref_slice %arg13[%dma_wait3A_1703, %dma_wait3A_1707] : memref<100x100xi32, #tpu.memory_space<vmem>> -> memref<1x100xi32, #tpu.memory_space<vmem>>
    %dma_wait3A_1709 = tpu.memref_squeeze %dma_wait3A_1708 : memref<1x100xi32, #tpu.memory_space<vmem>> -> memref<100xi32, #tpu.memory_space<vmem>>
    %dma_wait3A_1710 = arith.constant 0 : i32
    %dma_wait3A_1711 = arith.constant 0 : i32
    %dma_wait3A_1712 = tpu.memref_slice %arg14[%dma_wait3A_1710, %dma_wait3A_1711] : memref<10240x32xf32, #tpu.memory_space<vmem_shared>> -> memref<10240x32xf32, #tpu.memory_space<vmem_shared>>
    tpu.wait_indirect_dma semaphore(%arg16 : memref<!tpu.dma_semaphore, #tpu.memory_space<semaphore_mem>>) src(%dma_wait3A_1706 : memref<100x32xf32, #tpu.memory_space<vmem>>) dst(%dma_wait3A_1712 : memref<10240x32xf32, #tpu.memory_space<vmem_shared>>)
    %dma_wait3A_1713 = arith.constant 71 : i32
    %dma_wait3A_1714 = arith.constant 100 : i32
    %dma_wait3A_1715 = arith.constant 0 : i32
    %dma_wait3A_1716 = tpu.memref_slice %arg10[%dma_wait3A_1714, %dma_wait3A_1715] : memref<1000x32xf32, #tpu.memory_space<vmem>> -> memref<100x32xf32, #tpu.memory_space<vmem>>
    %dma_wait3A_1717 = arith.constant 0 : i32
    %dma_wait3A_1718 = tpu.memref_slice %arg13[%dma_wait3A_1713, %dma_wait3A_1717] : memref<100x100xi32, #tpu.memory_space<vmem>> -> memref<1x100xi32, #tpu.memory_space<vmem>>
    %dma_wait3A_1719 = tpu.memref_squeeze %dma_wait3A_1718 : memref<1x100xi32, #tpu.memory_space<vmem>> -> memref<100xi32, #tpu.memory_space<vmem>>
    %dma_wait3A_1720 = arith.constant 0 : i32
    %dma_wait3A_1721 = arith.constant 0 : i32
    %dma_wait3A_1722 = tpu.memref_slice %arg14[%dma_wait3A_1720, %dma_wait3A_1721] : memref<10240x32xf32, #tpu.memory_space<vmem_shared>> -> memref<10240x32xf32, #tpu.memory_space<vmem_shared>>
    tpu.wait_indirect_dma semaphore(%arg16 : memref<!tpu.dma_semaphore, #tpu.memory_space<semaphore_mem>>) src(%dma_wait3A_1716 : memref<100x32xf32, #tpu.memory_space<vmem>>) dst(%dma_wait3A_1722 : memref<10240x32xf32, #tpu.memory_space<vmem_shared>>)
    %dma_wait3A_1723 = arith.constant 72 : i32
    %dma_wait3A_1724 = arith.constant 200 : i32
    %dma_wait3A_1725 = arith.constant 0 : i32
    %dma_wait3A_1726 = tpu.memref_slice %arg10[%dma_wait3A_1724, %dma_wait3A_1725] : memref<1000x32xf32, #tpu.memory_space<vmem>> -> memref<100x32xf32, #tpu.memory_space<vmem>>
    %dma_wait3A_1727 = arith.constant 0 : i32
    %dma_wait3A_1728 = tpu.memref_slice %arg13[%dma_wait3A_1723, %dma_wait3A_1727] : memref<100x100xi32, #tpu.memory_space<vmem>> -> memref<1x100xi32, #tpu.memory_space<vmem>>
    %dma_wait3A_1729 = tpu.memref_squeeze %dma_wait3A_1728 : memref<1x100xi32, #tpu.memory_space<vmem>> -> memref<100xi32, #tpu.memory_space<vmem>>
    %dma_wait3A_1730 = arith.constant 0 : i32
    %dma_wait3A_1731 = arith.constant 0 : i32
    %dma_wait3A_1732 = tpu.memref_slice %arg14[%dma_wait3A_1730, %dma_wait3A_1731] : memref<10240x32xf32, #tpu.memory_space<vmem_shared>> -> memref<10240x32xf32, #tpu.memory_space<vmem_shared>>
    tpu.wait_indirect_dma semaphore(%arg16 : memref<!tpu.dma_semaphore, #tpu.memory_space<semaphore_mem>>) src(%dma_wait3A_1726 : memref<100x32xf32, #tpu.memory_space<vmem>>) dst(%dma_wait3A_1732 : memref<10240x32xf32, #tpu.memory_space<vmem_shared>>)
    %dma_wait3A_1733 = arith.constant 73 : i32
    %dma_wait3A_1734 = arith.constant 300 : i32
    %dma_wait3A_1735 = arith.constant 0 : i32
    %dma_wait3A_1736 = tpu.memref_slice %arg10[%dma_wait3A_1734, %dma_wait3A_1735] : memref<1000x32xf32, #tpu.memory_space<vmem>> -> memref<100x32xf32, #tpu.memory_space<vmem>>
    %dma_wait3A_1737 = arith.constant 0 : i32
    %dma_wait3A_1738 = tpu.memref_slice %arg13[%dma_wait3A_1733, %dma_wait3A_1737] : memref<100x100xi32, #tpu.memory_space<vmem>> -> memref<1x100xi32, #tpu.memory_space<vmem>>
    %dma_wait3A_1739 = tpu.memref_squeeze %dma_wait3A_1738 : memref<1x100xi32, #tpu.memory_space<vmem>> -> memref<100xi32, #tpu.memory_space<vmem>>
    %dma_wait3A_1740 = arith.constant 0 : i32
    %dma_wait3A_1741 = arith.constant 0 : i32
    %dma_wait3A_1742 = tpu.memref_slice %arg14[%dma_wait3A_1740, %dma_wait3A_1741] : memref<10240x32xf32, #tpu.memory_space<vmem_shared>> -> memref<10240x32xf32, #tpu.memory_space<vmem_shared>>
    tpu.wait_indirect_dma semaphore(%arg16 : memref<!tpu.dma_semaphore, #tpu.memory_space<semaphore_mem>>) src(%dma_wait3A_1736 : memref<100x32xf32, #tpu.memory_space<vmem>>) dst(%dma_wait3A_1742 : memref<10240x32xf32, #tpu.memory_space<vmem_shared>>)
    %dma_wait3A_1743 = arith.constant 74 : i32
    %dma_wait3A_1744 = arith.constant 400 : i32
    %dma_wait3A_1745 = arith.constant 0 : i32
    %dma_wait3A_1746 = tpu.memref_slice %arg10[%dma_wait3A_1744, %dma_wait3A_1745] : memref<1000x32xf32, #tpu.memory_space<vmem>> -> memref<100x32xf32, #tpu.memory_space<vmem>>
    %dma_wait3A_1747 = arith.constant 0 : i32
    %dma_wait3A_1748 = tpu.memref_slice %arg13[%dma_wait3A_1743, %dma_wait3A_1747] : memref<100x100xi32, #tpu.memory_space<vmem>> -> memref<1x100xi32, #tpu.memory_space<vmem>>
    %dma_wait3A_1749 = tpu.memref_squeeze %dma_wait3A_1748 : memref<1x100xi32, #tpu.memory_space<vmem>> -> memref<100xi32, #tpu.memory_space<vmem>>
    %dma_wait3A_1750 = arith.constant 0 : i32
    %dma_wait3A_1751 = arith.constant 0 : i32
    %dma_wait3A_1752 = tpu.memref_slice %arg14[%dma_wait3A_1750, %dma_wait3A_1751] : memref<10240x32xf32, #tpu.memory_space<vmem_shared>> -> memref<10240x32xf32, #tpu.memory_space<vmem_shared>>
    tpu.wait_indirect_dma semaphore(%arg16 : memref<!tpu.dma_semaphore, #tpu.memory_space<semaphore_mem>>) src(%dma_wait3A_1746 : memref<100x32xf32, #tpu.memory_space<vmem>>) dst(%dma_wait3A_1752 : memref<10240x32xf32, #tpu.memory_space<vmem_shared>>)
    %dma_wait3A_1753 = arith.constant 75 : i32
    %dma_wait3A_1754 = arith.constant 500 : i32
    %dma_wait3A_1755 = arith.constant 0 : i32
    %dma_wait3A_1756 = tpu.memref_slice %arg10[%dma_wait3A_1754, %dma_wait3A_1755] : memref<1000x32xf32, #tpu.memory_space<vmem>> -> memref<100x32xf32, #tpu.memory_space<vmem>>
    %dma_wait3A_1757 = arith.constant 0 : i32
    %dma_wait3A_1758 = tpu.memref_slice %arg13[%dma_wait3A_1753, %dma_wait3A_1757] : memref<100x100xi32, #tpu.memory_space<vmem>> -> memref<1x100xi32, #tpu.memory_space<vmem>>
    %dma_wait3A_1759 = tpu.memref_squeeze %dma_wait3A_1758 : memref<1x100xi32, #tpu.memory_space<vmem>> -> memref<100xi32, #tpu.memory_space<vmem>>
    %dma_wait3A_1760 = arith.constant 0 : i32
    %dma_wait3A_1761 = arith.constant 0 : i32
    %dma_wait3A_1762 = tpu.memref_slice %arg14[%dma_wait3A_1760, %dma_wait3A_1761] : memref<10240x32xf32, #tpu.memory_space<vmem_shared>> -> memref<10240x32xf32, #tpu.memory_space<vmem_shared>>
    tpu.wait_indirect_dma semaphore(%arg16 : memref<!tpu.dma_semaphore, #tpu.memory_space<semaphore_mem>>) src(%dma_wait3A_1756 : memref<100x32xf32, #tpu.memory_space<vmem>>) dst(%dma_wait3A_1762 : memref<10240x32xf32, #tpu.memory_space<vmem_shared>>)
    %dma_wait3A_1763 = arith.constant 76 : i32
    %dma_wait3A_1764 = arith.constant 600 : i32
    %dma_wait3A_1765 = arith.constant 0 : i32
    %dma_wait3A_1766 = tpu.memref_slice %arg10[%dma_wait3A_1764, %dma_wait3A_1765] : memref<1000x32xf32, #tpu.memory_space<vmem>> -> memref<100x32xf32, #tpu.memory_space<vmem>>
    %dma_wait3A_1767 = arith.constant 0 : i32
    %dma_wait3A_1768 = tpu.memref_slice %arg13[%dma_wait3A_1763, %dma_wait3A_1767] : memref<100x100xi32, #tpu.memory_space<vmem>> -> memref<1x100xi32, #tpu.memory_space<vmem>>
    %dma_wait3A_1769 = tpu.memref_squeeze %dma_wait3A_1768 : memref<1x100xi32, #tpu.memory_space<vmem>> -> memref<100xi32, #tpu.memory_space<vmem>>
    %dma_wait3A_1770 = arith.constant 0 : i32
    %dma_wait3A_1771 = arith.constant 0 : i32
    %dma_wait3A_1772 = tpu.memref_slice %arg14[%dma_wait3A_1770, %dma_wait3A_1771] : memref<10240x32xf32, #tpu.memory_space<vmem_shared>> -> memref<10240x32xf32, #tpu.memory_space<vmem_shared>>
    tpu.wait_indirect_dma semaphore(%arg16 : memref<!tpu.dma_semaphore, #tpu.memory_space<semaphore_mem>>) src(%dma_wait3A_1766 : memref<100x32xf32, #tpu.memory_space<vmem>>) dst(%dma_wait3A_1772 : memref<10240x32xf32, #tpu.memory_space<vmem_shared>>)
    %dma_wait3A_1773 = arith.constant 77 : i32
    %dma_wait3A_1774 = arith.constant 700 : i32
    %dma_wait3A_1775 = arith.constant 0 : i32
    %dma_wait3A_1776 = tpu.memref_slice %arg10[%dma_wait3A_1774, %dma_wait3A_1775] : memref<1000x32xf32, #tpu.memory_space<vmem>> -> memref<100x32xf32, #tpu.memory_space<vmem>>
    %dma_wait3A_1777 = arith.constant 0 : i32
    %dma_wait3A_1778 = tpu.memref_slice %arg13[%dma_wait3A_1773, %dma_wait3A_1777] : memref<100x100xi32, #tpu.memory_space<vmem>> -> memref<1x100xi32, #tpu.memory_space<vmem>>
    %dma_wait3A_1779 = tpu.memref_squeeze %dma_wait3A_1778 : memref<1x100xi32, #tpu.memory_space<vmem>> -> memref<100xi32, #tpu.memory_space<vmem>>
    %dma_wait3A_1780 = arith.constant 0 : i32
    %dma_wait3A_1781 = arith.constant 0 : i32
    %dma_wait3A_1782 = tpu.memref_slice %arg14[%dma_wait3A_1780, %dma_wait3A_1781] : memref<10240x32xf32, #tpu.memory_space<vmem_shared>> -> memref<10240x32xf32, #tpu.memory_space<vmem_shared>>
    tpu.wait_indirect_dma semaphore(%arg16 : memref<!tpu.dma_semaphore, #tpu.memory_space<semaphore_mem>>) src(%dma_wait3A_1776 : memref<100x32xf32, #tpu.memory_space<vmem>>) dst(%dma_wait3A_1782 : memref<10240x32xf32, #tpu.memory_space<vmem_shared>>)
    %dma_wait3A_1783 = arith.constant 78 : i32
    %dma_wait3A_1784 = arith.constant 800 : i32
    %dma_wait3A_1785 = arith.constant 0 : i32
    %dma_wait3A_1786 = tpu.memref_slice %arg10[%dma_wait3A_1784, %dma_wait3A_1785] : memref<1000x32xf32, #tpu.memory_space<vmem>> -> memref<100x32xf32, #tpu.memory_space<vmem>>
    %dma_wait3A_1787 = arith.constant 0 : i32
    %dma_wait3A_1788 = tpu.memref_slice %arg13[%dma_wait3A_1783, %dma_wait3A_1787] : memref<100x100xi32, #tpu.memory_space<vmem>> -> memref<1x100xi32, #tpu.memory_space<vmem>>
    %dma_wait3A_1789 = tpu.memref_squeeze %dma_wait3A_1788 : memref<1x100xi32, #tpu.memory_space<vmem>> -> memref<100xi32, #tpu.memory_space<vmem>>
    %dma_wait3A_1790 = arith.constant 0 : i32
    %dma_wait3A_1791 = arith.constant 0 : i32
    %dma_wait3A_1792 = tpu.memref_slice %arg14[%dma_wait3A_1790, %dma_wait3A_1791] : memref<10240x32xf32, #tpu.memory_space<vmem_shared>> -> memref<10240x32xf32, #tpu.memory_space<vmem_shared>>
    tpu.wait_indirect_dma semaphore(%arg16 : memref<!tpu.dma_semaphore, #tpu.memory_space<semaphore_mem>>) src(%dma_wait3A_1786 : memref<100x32xf32, #tpu.memory_space<vmem>>) dst(%dma_wait3A_1792 : memref<10240x32xf32, #tpu.memory_space<vmem_shared>>)
    %dma_wait3A_1793 = arith.constant 79 : i32
    %dma_wait3A_1794 = arith.constant 900 : i32
    %dma_wait3A_1795 = arith.constant 0 : i32
    %dma_wait3A_1796 = tpu.memref_slice %arg10[%dma_wait3A_1794, %dma_wait3A_1795] : memref<1000x32xf32, #tpu.memory_space<vmem>> -> memref<100x32xf32, #tpu.memory_space<vmem>>
    %dma_wait3A_1797 = arith.constant 0 : i32
    %dma_wait3A_1798 = tpu.memref_slice %arg13[%dma_wait3A_1793, %dma_wait3A_1797] : memref<100x100xi32, #tpu.memory_space<vmem>> -> memref<1x100xi32, #tpu.memory_space<vmem>>
    %dma_wait3A_1799 = tpu.memref_squeeze %dma_wait3A_1798 : memref<1x100xi32, #tpu.memory_space<vmem>> -> memref<100xi32, #tpu.memory_space<vmem>>
    %dma_wait3A_1800 = arith.constant 0 : i32
    %dma_wait3A_1801 = arith.constant 0 : i32
    %dma_wait3A_1802 = tpu.memref_slice %arg14[%dma_wait3A_1800, %dma_wait3A_1801] : memref<10240x32xf32, #tpu.memory_space<vmem_shared>> -> memref<10240x32xf32, #tpu.memory_space<vmem_shared>>
    tpu.wait_indirect_dma semaphore(%arg16 : memref<!tpu.dma_semaphore, #tpu.memory_space<semaphore_mem>>) src(%dma_wait3A_1796 : memref<100x32xf32, #tpu.memory_space<vmem>>) dst(%dma_wait3A_1802 : memref<10240x32xf32, #tpu.memory_space<vmem_shared>>)
    %mul3A_1803 = arith.constant 10000 : i32
    %mul3A_1804 = arith.muli %add3A, %mul3A_1803 : i32
    %add3A_1805 = arith.constant 9000 : i32
    %add3A_1806 = arith.addi %mul3A_1804, %add3A_1805 : i32
    %dma_start3A_1807 = arith.constant 0 : i32
    %dma_start3A_1808 = arith.constant 0 : i32
    %dma_start3A_1809 = tpu.memref_slice %arg2[%add3A_1806, %dma_start3A_1807, %dma_start3A_1808] : memref<320000x1x16xf32, #tpu.memory_space<hbm>> -> memref<1000x1x16xf32, #tpu.memory_space<hbm>>
    %dma_start3A_1810 = arith.constant 0 : i32
    %dma_start3A_1811 = arith.constant 0 : i32
    %dma_start3A_1812 = tpu.memref_slice %arg2[%add3A_1806, %dma_start3A_1810, %dma_start3A_1811] : memref<320000x1x16xf32, #tpu.memory_space<hbm>> -> memref<1000x1x16xf32, #tpu.memory_space<hbm>>
    tpu.enqueue_dma source(%dma_start3A_1812 : memref<1000x1x16xf32, #tpu.memory_space<hbm>>) target(%arg8 : memref<1000x1x16xf32, #tpu.memory_space<vmem>>) target_semaphore(%arg15 : memref<!tpu.dma_semaphore, #tpu.memory_space<semaphore_mem>>)
    %dma_start3A_1813 = tpu.memref_slice %arg3[%add3A_1806] : memref<320000xf32, #tpu.memory_space<hbm>> -> memref<1000xf32, #tpu.memory_space<hbm>>
    %dma_start3A_1814 = tpu.memref_slice %arg3[%add3A_1806] : memref<320000xf32, #tpu.memory_space<hbm>> -> memref<1000xf32, #tpu.memory_space<hbm>>
    tpu.enqueue_dma source(%dma_start3A_1814 : memref<1000xf32, #tpu.memory_space<hbm>>) target(%arg12 : memref<1000xf32, #tpu.memory_space<vmem>>) target_semaphore(%arg15 : memref<!tpu.dma_semaphore, #tpu.memory_space<semaphore_mem>>)
    %dma_wait3A_1815 = arith.constant 0 : i32
    %dma_wait3A_1816 = arith.constant 0 : i32
    %dma_wait3A_1817 = tpu.memref_slice %arg2[%add3A_1583, %dma_wait3A_1815, %dma_wait3A_1816] : memref<320000x1x16xf32, #tpu.memory_space<hbm>> -> memref<1000x1x16xf32, #tpu.memory_space<hbm>>
    %dma_wait3A_1818 = arith.constant 0 : i32
    %dma_wait3A_1819 = arith.constant 0 : i32
    %dma_wait3A_1820 = tpu.memref_slice %arg2[%add3A_1583, %dma_wait3A_1818, %dma_wait3A_1819] : memref<320000x1x16xf32, #tpu.memory_space<hbm>> -> memref<1000x1x16xf32, #tpu.memory_space<hbm>>
    tpu.wait_dma2 semaphore(%arg15 : memref<!tpu.dma_semaphore, #tpu.memory_space<semaphore_mem>>) src(%dma_wait3A_1820 : memref<1000x1x16xf32, #tpu.memory_space<hbm>>) dst(%arg7 : memref<1000x1x16xf32, #tpu.memory_space<vmem>>)
    %dma_wait3A_1821 = tpu.memref_slice %arg3[%add3A_1583] : memref<320000xf32, #tpu.memory_space<hbm>> -> memref<1000xf32, #tpu.memory_space<hbm>>
    %dma_wait3A_1822 = tpu.memref_slice %arg3[%add3A_1583] : memref<320000xf32, #tpu.memory_space<hbm>> -> memref<1000xf32, #tpu.memory_space<hbm>>
    tpu.wait_dma2 semaphore(%arg15 : memref<!tpu.dma_semaphore, #tpu.memory_space<semaphore_mem>>) src(%dma_wait3A_1822 : memref<1000xf32, #tpu.memory_space<hbm>>) dst(%arg11 : memref<1000xf32, #tpu.memory_space<vmem>>)
    %parallel_loop3A_1823 = arith.constant 0 : i32
    %parallel_loop3A_1824 = arith.constant 1000 : i32
    %parallel_loop3A_1825 = arith.constant 1 : i32
    scf.for %parallel_loop3A_2238 = %parallel_loop3A_1823 to %parallel_loop3A_1824 step %parallel_loop3A_1825  : i32 {
      %parallel_loop3A_2239 = vector.broadcast %parallel_loop3A_2238 : i32 to vector<16xi32>
      %parallel_loop3A_2240 = tpu.vector_load_idx %arg11[%parallel_loop3A_2239] : memref<1000xf32, #tpu.memory_space<vmem>>[vector<16xi32>], vector<16xf32>,
      %parallel_loop3A_2241 = arith.constant 0 : i32
      %parallel_loop3A_2242 = arith.index_cast %parallel_loop3A_2238 : i32 to index
      %parallel_loop3A_2243 = arith.index_cast %parallel_loop3A_2241 : i32 to index
      %parallel_loop3A_2244 = arith.constant 0 : index
      %parallel_loop3A_2245 = tpu.vector_load %arg7[%parallel_loop3A_2242, %parallel_loop3A_2243, %parallel_loop3A_2244] {strides = array<i32>} : memref<1000x1x16xf32, #tpu.memory_space<vmem>>, vector<16xf32>,
      %parallel_loop3A_2246 = arith.mulf %parallel_loop3A_2245, %parallel_loop3A_2240 : vector<16xf32>
      %parallel_loop3A_2247 = arith.index_cast %parallel_loop3A_2238 : i32 to index
      %parallel_loop3A_2248 = arith.constant 0 : index
      %parallel_loop3A_2249 = tpu.vector_load %arg9[%parallel_loop3A_2247, %parallel_loop3A_2248] {strides = array<i32>} : memref<1000x32xf32, #tpu.memory_space<vmem>>, vector<16xf32>,
      tpu.vector_store %arg9[%parallel_loop3A_2247, %parallel_loop3A_2248], %parallel_loop3A_2246 {strides = array<i32>} : memref<1000x32xf32, #tpu.memory_space<vmem>>, vector<16xf32>,
    } {sc.loop_unroll_factor = 8 : i64, sc.parallel_access}
    %dma_start3A_1826 = arith.constant 80 : i32
    %dma_start3A_1827 = arith.constant 0 : i32
    %dma_start3A_1828 = arith.constant 0 : i32
    %dma_start3A_1829 = tpu.memref_slice %arg9[%dma_start3A_1827, %dma_start3A_1828] : memref<1000x32xf32, #tpu.memory_space<vmem>> -> memref<100x32xf32, #tpu.memory_space<vmem>>
    %dma_start3A_1830 = arith.constant 0 : i32
    %dma_start3A_1831 = tpu.memref_slice %arg13[%dma_start3A_1826, %dma_start3A_1830] : memref<100x100xi32, #tpu.memory_space<vmem>> -> memref<1x100xi32, #tpu.memory_space<vmem>>
    %dma_start3A_1832 = tpu.memref_squeeze %dma_start3A_1831 : memref<1x100xi32, #tpu.memory_space<vmem>> -> memref<100xi32, #tpu.memory_space<vmem>>
    %dma_start3A_1833 = arith.constant 0 : i32
    %dma_start3A_1834 = arith.constant 0 : i32
    %dma_start3A_1835 = tpu.memref_slice %arg14[%dma_start3A_1833, %dma_start3A_1834] : memref<10240x32xf32, #tpu.memory_space<vmem_shared>> -> memref<10240x32xf32, #tpu.memory_space<vmem_shared>>
    tpu.enqueue_indirect_dma source(%dma_start3A_1829 : memref<100x32xf32, #tpu.memory_space<vmem>>) target(%dma_start3A_1835 : memref<10240x32xf32, #tpu.memory_space<vmem_shared>>) offsets(%dma_start3A_1832 : memref<100xi32, #tpu.memory_space<vmem>>) semaphore(%arg16 : memref<!tpu.dma_semaphore, #tpu.memory_space<semaphore_mem>>) {add = true}
    %dma_start3A_1836 = arith.constant 81 : i32
    %dma_start3A_1837 = arith.constant 100 : i32
    %dma_start3A_1838 = arith.constant 0 : i32
    %dma_start3A_1839 = tpu.memref_slice %arg9[%dma_start3A_1837, %dma_start3A_1838] : memref<1000x32xf32, #tpu.memory_space<vmem>> -> memref<100x32xf32, #tpu.memory_space<vmem>>
    %dma_start3A_1840 = arith.constant 0 : i32
    %dma_start3A_1841 = tpu.memref_slice %arg13[%dma_start3A_1836, %dma_start3A_1840] : memref<100x100xi32, #tpu.memory_space<vmem>> -> memref<1x100xi32, #tpu.memory_space<vmem>>
    %dma_start3A_1842 = tpu.memref_squeeze %dma_start3A_1841 : memref<1x100xi32, #tpu.memory_space<vmem>> -> memref<100xi32, #tpu.memory_space<vmem>>
    %dma_start3A_1843 = arith.constant 0 : i32
    %dma_start3A_1844 = arith.constant 0 : i32
    %dma_start3A_1845 = tpu.memref_slice %arg14[%dma_start3A_1843, %dma_start3A_1844] : memref<10240x32xf32, #tpu.memory_space<vmem_shared>> -> memref<10240x32xf32, #tpu.memory_space<vmem_shared>>
    tpu.enqueue_indirect_dma source(%dma_start3A_1839 : memref<100x32xf32, #tpu.memory_space<vmem>>) target(%dma_start3A_1845 : memref<10240x32xf32, #tpu.memory_space<vmem_shared>>) offsets(%dma_start3A_1842 : memref<100xi32, #tpu.memory_space<vmem>>) semaphore(%arg16 : memref<!tpu.dma_semaphore, #tpu.memory_space<semaphore_mem>>) {add = true}
    %dma_start3A_1846 = arith.constant 82 : i32
    %dma_start3A_1847 = arith.constant 200 : i32
    %dma_start3A_1848 = arith.constant 0 : i32
    %dma_start3A_1849 = tpu.memref_slice %arg9[%dma_start3A_1847, %dma_start3A_1848] : memref<1000x32xf32, #tpu.memory_space<vmem>> -> memref<100x32xf32, #tpu.memory_space<vmem>>
    %dma_start3A_1850 = arith.constant 0 : i32
    %dma_start3A_1851 = tpu.memref_slice %arg13[%dma_start3A_1846, %dma_start3A_1850] : memref<100x100xi32, #tpu.memory_space<vmem>> -> memref<1x100xi32, #tpu.memory_space<vmem>>
    %dma_start3A_1852 = tpu.memref_squeeze %dma_start3A_1851 : memref<1x100xi32, #tpu.memory_space<vmem>> -> memref<100xi32, #tpu.memory_space<vmem>>
    %dma_start3A_1853 = arith.constant 0 : i32
    %dma_start3A_1854 = arith.constant 0 : i32
    %dma_start3A_1855 = tpu.memref_slice %arg14[%dma_start3A_1853, %dma_start3A_1854] : memref<10240x32xf32, #tpu.memory_space<vmem_shared>> -> memref<10240x32xf32, #tpu.memory_space<vmem_shared>>
    tpu.enqueue_indirect_dma source(%dma_start3A_1849 : memref<100x32xf32, #tpu.memory_space<vmem>>) target(%dma_start3A_1855 : memref<10240x32xf32, #tpu.memory_space<vmem_shared>>) offsets(%dma_start3A_1852 : memref<100xi32, #tpu.memory_space<vmem>>) semaphore(%arg16 : memref<!tpu.dma_semaphore, #tpu.memory_space<semaphore_mem>>) {add = true}
    %dma_start3A_1856 = arith.constant 83 : i32
    %dma_start3A_1857 = arith.constant 300 : i32
    %dma_start3A_1858 = arith.constant 0 : i32
    %dma_start3A_1859 = tpu.memref_slice %arg9[%dma_start3A_1857, %dma_start3A_1858] : memref<1000x32xf32, #tpu.memory_space<vmem>> -> memref<100x32xf32, #tpu.memory_space<vmem>>
    %dma_start3A_1860 = arith.constant 0 : i32
    %dma_start3A_1861 = tpu.memref_slice %arg13[%dma_start3A_1856, %dma_start3A_1860] : memref<100x100xi32, #tpu.memory_space<vmem>> -> memref<1x100xi32, #tpu.memory_space<vmem>>
    %dma_start3A_1862 = tpu.memref_squeeze %dma_start3A_1861 : memref<1x100xi32, #tpu.memory_space<vmem>> -> memref<100xi32, #tpu.memory_space<vmem>>
    %dma_start3A_1863 = arith.constant 0 : i32
    %dma_start3A_1864 = arith.constant 0 : i32
    %dma_start3A_1865 = tpu.memref_slice %arg14[%dma_start3A_1863, %dma_start3A_1864] : memref<10240x32xf32, #tpu.memory_space<vmem_shared>> -> memref<10240x32xf32, #tpu.memory_space<vmem_shared>>
    tpu.enqueue_indirect_dma source(%dma_start3A_1859 : memref<100x32xf32, #tpu.memory_space<vmem>>) target(%dma_start3A_1865 : memref<10240x32xf32, #tpu.memory_space<vmem_shared>>) offsets(%dma_start3A_1862 : memref<100xi32, #tpu.memory_space<vmem>>) semaphore(%arg16 : memref<!tpu.dma_semaphore, #tpu.memory_space<semaphore_mem>>) {add = true}
    %dma_start3A_1866 = arith.constant 84 : i32
    %dma_start3A_1867 = arith.constant 400 : i32
    %dma_start3A_1868 = arith.constant 0 : i32
    %dma_start3A_1869 = tpu.memref_slice %arg9[%dma_start3A_1867, %dma_start3A_1868] : memref<1000x32xf32, #tpu.memory_space<vmem>> -> memref<100x32xf32, #tpu.memory_space<vmem>>
    %dma_start3A_1870 = arith.constant 0 : i32
    %dma_start3A_1871 = tpu.memref_slice %arg13[%dma_start3A_1866, %dma_start3A_1870] : memref<100x100xi32, #tpu.memory_space<vmem>> -> memref<1x100xi32, #tpu.memory_space<vmem>>
    %dma_start3A_1872 = tpu.memref_squeeze %dma_start3A_1871 : memref<1x100xi32, #tpu.memory_space<vmem>> -> memref<100xi32, #tpu.memory_space<vmem>>
    %dma_start3A_1873 = arith.constant 0 : i32
    %dma_start3A_1874 = arith.constant 0 : i32
    %dma_start3A_1875 = tpu.memref_slice %arg14[%dma_start3A_1873, %dma_start3A_1874] : memref<10240x32xf32, #tpu.memory_space<vmem_shared>> -> memref<10240x32xf32, #tpu.memory_space<vmem_shared>>
    tpu.enqueue_indirect_dma source(%dma_start3A_1869 : memref<100x32xf32, #tpu.memory_space<vmem>>) target(%dma_start3A_1875 : memref<10240x32xf32, #tpu.memory_space<vmem_shared>>) offsets(%dma_start3A_1872 : memref<100xi32, #tpu.memory_space<vmem>>) semaphore(%arg16 : memref<!tpu.dma_semaphore, #tpu.memory_space<semaphore_mem>>) {add = true}
    %dma_start3A_1876 = arith.constant 85 : i32
    %dma_start3A_1877 = arith.constant 500 : i32
    %dma_start3A_1878 = arith.constant 0 : i32
    %dma_start3A_1879 = tpu.memref_slice %arg9[%dma_start3A_1877, %dma_start3A_1878] : memref<1000x32xf32, #tpu.memory_space<vmem>> -> memref<100x32xf32, #tpu.memory_space<vmem>>
    %dma_start3A_1880 = arith.constant 0 : i32
    %dma_start3A_1881 = tpu.memref_slice %arg13[%dma_start3A_1876, %dma_start3A_1880] : memref<100x100xi32, #tpu.memory_space<vmem>> -> memref<1x100xi32, #tpu.memory_space<vmem>>
    %dma_start3A_1882 = tpu.memref_squeeze %dma_start3A_1881 : memref<1x100xi32, #tpu.memory_space<vmem>> -> memref<100xi32, #tpu.memory_space<vmem>>
    %dma_start3A_1883 = arith.constant 0 : i32
    %dma_start3A_1884 = arith.constant 0 : i32
    %dma_start3A_1885 = tpu.memref_slice %arg14[%dma_start3A_1883, %dma_start3A_1884] : memref<10240x32xf32, #tpu.memory_space<vmem_shared>> -> memref<10240x32xf32, #tpu.memory_space<vmem_shared>>
    tpu.enqueue_indirect_dma source(%dma_start3A_1879 : memref<100x32xf32, #tpu.memory_space<vmem>>) target(%dma_start3A_1885 : memref<10240x32xf32, #tpu.memory_space<vmem_shared>>) offsets(%dma_start3A_1882 : memref<100xi32, #tpu.memory_space<vmem>>) semaphore(%arg16 : memref<!tpu.dma_semaphore, #tpu.memory_space<semaphore_mem>>) {add = true}
    %dma_start3A_1886 = arith.constant 86 : i32
    %dma_start3A_1887 = arith.constant 600 : i32
    %dma_start3A_1888 = arith.constant 0 : i32
    %dma_start3A_1889 = tpu.memref_slice %arg9[%dma_start3A_1887, %dma_start3A_1888] : memref<1000x32xf32, #tpu.memory_space<vmem>> -> memref<100x32xf32, #tpu.memory_space<vmem>>
    %dma_start3A_1890 = arith.constant 0 : i32
    %dma_start3A_1891 = tpu.memref_slice %arg13[%dma_start3A_1886, %dma_start3A_1890] : memref<100x100xi32, #tpu.memory_space<vmem>> -> memref<1x100xi32, #tpu.memory_space<vmem>>
    %dma_start3A_1892 = tpu.memref_squeeze %dma_start3A_1891 : memref<1x100xi32, #tpu.memory_space<vmem>> -> memref<100xi32, #tpu.memory_space<vmem>>
    %dma_start3A_1893 = arith.constant 0 : i32
    %dma_start3A_1894 = arith.constant 0 : i32
    %dma_start3A_1895 = tpu.memref_slice %arg14[%dma_start3A_1893, %dma_start3A_1894] : memref<10240x32xf32, #tpu.memory_space<vmem_shared>> -> memref<10240x32xf32, #tpu.memory_space<vmem_shared>>
    tpu.enqueue_indirect_dma source(%dma_start3A_1889 : memref<100x32xf32, #tpu.memory_space<vmem>>) target(%dma_start3A_1895 : memref<10240x32xf32, #tpu.memory_space<vmem_shared>>) offsets(%dma_start3A_1892 : memref<100xi32, #tpu.memory_space<vmem>>) semaphore(%arg16 : memref<!tpu.dma_semaphore, #tpu.memory_space<semaphore_mem>>) {add = true}
    %dma_start3A_1896 = arith.constant 87 : i32
    %dma_start3A_1897 = arith.constant 700 : i32
    %dma_start3A_1898 = arith.constant 0 : i32
    %dma_start3A_1899 = tpu.memref_slice %arg9[%dma_start3A_1897, %dma_start3A_1898] : memref<1000x32xf32, #tpu.memory_space<vmem>> -> memref<100x32xf32, #tpu.memory_space<vmem>>
    %dma_start3A_1900 = arith.constant 0 : i32
    %dma_start3A_1901 = tpu.memref_slice %arg13[%dma_start3A_1896, %dma_start3A_1900] : memref<100x100xi32, #tpu.memory_space<vmem>> -> memref<1x100xi32, #tpu.memory_space<vmem>>
    %dma_start3A_1902 = tpu.memref_squeeze %dma_start3A_1901 : memref<1x100xi32, #tpu.memory_space<vmem>> -> memref<100xi32, #tpu.memory_space<vmem>>
    %dma_start3A_1903 = arith.constant 0 : i32
    %dma_start3A_1904 = arith.constant 0 : i32
    %dma_start3A_1905 = tpu.memref_slice %arg14[%dma_start3A_1903, %dma_start3A_1904] : memref<10240x32xf32, #tpu.memory_space<vmem_shared>> -> memref<10240x32xf32, #tpu.memory_space<vmem_shared>>
    tpu.enqueue_indirect_dma source(%dma_start3A_1899 : memref<100x32xf32, #tpu.memory_space<vmem>>) target(%dma_start3A_1905 : memref<10240x32xf32, #tpu.memory_space<vmem_shared>>) offsets(%dma_start3A_1902 : memref<100xi32, #tpu.memory_space<vmem>>) semaphore(%arg16 : memref<!tpu.dma_semaphore, #tpu.memory_space<semaphore_mem>>) {add = true}
    %dma_start3A_1906 = arith.constant 88 : i32
    %dma_start3A_1907 = arith.constant 800 : i32
    %dma_start3A_1908 = arith.constant 0 : i32
    %dma_start3A_1909 = tpu.memref_slice %arg9[%dma_start3A_1907, %dma_start3A_1908] : memref<1000x32xf32, #tpu.memory_space<vmem>> -> memref<100x32xf32, #tpu.memory_space<vmem>>
    %dma_start3A_1910 = arith.constant 0 : i32
    %dma_start3A_1911 = tpu.memref_slice %arg13[%dma_start3A_1906, %dma_start3A_1910] : memref<100x100xi32, #tpu.memory_space<vmem>> -> memref<1x100xi32, #tpu.memory_space<vmem>>
    %dma_start3A_1912 = tpu.memref_squeeze %dma_start3A_1911 : memref<1x100xi32, #tpu.memory_space<vmem>> -> memref<100xi32, #tpu.memory_space<vmem>>
    %dma_start3A_1913 = arith.constant 0 : i32
    %dma_start3A_1914 = arith.constant 0 : i32
    %dma_start3A_1915 = tpu.memref_slice %arg14[%dma_start3A_1913, %dma_start3A_1914] : memref<10240x32xf32, #tpu.memory_space<vmem_shared>> -> memref<10240x32xf32, #tpu.memory_space<vmem_shared>>
    tpu.enqueue_indirect_dma source(%dma_start3A_1909 : memref<100x32xf32, #tpu.memory_space<vmem>>) target(%dma_start3A_1915 : memref<10240x32xf32, #tpu.memory_space<vmem_shared>>) offsets(%dma_start3A_1912 : memref<100xi32, #tpu.memory_space<vmem>>) semaphore(%arg16 : memref<!tpu.dma_semaphore, #tpu.memory_space<semaphore_mem>>) {add = true}
    %dma_start3A_1916 = arith.constant 89 : i32
    %dma_start3A_1917 = arith.constant 900 : i32
    %dma_start3A_1918 = arith.constant 0 : i32
    %dma_start3A_1919 = tpu.memref_slice %arg9[%dma_start3A_1917, %dma_start3A_1918] : memref<1000x32xf32, #tpu.memory_space<vmem>> -> memref<100x32xf32, #tpu.memory_space<vmem>>
    %dma_start3A_1920 = arith.constant 0 : i32
    %dma_start3A_1921 = tpu.memref_slice %arg13[%dma_start3A_1916, %dma_start3A_1920] : memref<100x100xi32, #tpu.memory_space<vmem>> -> memref<1x100xi32, #tpu.memory_space<vmem>>
    %dma_start3A_1922 = tpu.memref_squeeze %dma_start3A_1921 : memref<1x100xi32, #tpu.memory_space<vmem>> -> memref<100xi32, #tpu.memory_space<vmem>>
    %dma_start3A_1923 = arith.constant 0 : i32
    %dma_start3A_1924 = arith.constant 0 : i32
    %dma_start3A_1925 = tpu.memref_slice %arg14[%dma_start3A_1923, %dma_start3A_1924] : memref<10240x32xf32, #tpu.memory_space<vmem_shared>> -> memref<10240x32xf32, #tpu.memory_space<vmem_shared>>
    tpu.enqueue_indirect_dma source(%dma_start3A_1919 : memref<100x32xf32, #tpu.memory_space<vmem>>) target(%dma_start3A_1925 : memref<10240x32xf32, #tpu.memory_space<vmem_shared>>) offsets(%dma_start3A_1922 : memref<100xi32, #tpu.memory_space<vmem>>) semaphore(%arg16 : memref<!tpu.dma_semaphore, #tpu.memory_space<semaphore_mem>>) {add = true}
    %dma_wait3A_1926 = arith.constant 0 : i32
    %dma_wait3A_1927 = arith.constant 0 : i32
    %dma_wait3A_1928 = tpu.memref_slice %arg2[%add3A_1806, %dma_wait3A_1926, %dma_wait3A_1927] : memref<320000x1x16xf32, #tpu.memory_space<hbm>> -> memref<1000x1x16xf32, #tpu.memory_space<hbm>>
    %dma_wait3A_1929 = arith.constant 0 : i32
    %dma_wait3A_1930 = arith.constant 0 : i32
    %dma_wait3A_1931 = tpu.memref_slice %arg2[%add3A_1806, %dma_wait3A_1929, %dma_wait3A_1930] : memref<320000x1x16xf32, #tpu.memory_space<hbm>> -> memref<1000x1x16xf32, #tpu.memory_space<hbm>>
    tpu.wait_dma2 semaphore(%arg15 : memref<!tpu.dma_semaphore, #tpu.memory_space<semaphore_mem>>) src(%dma_wait3A_1931 : memref<1000x1x16xf32, #tpu.memory_space<hbm>>) dst(%arg8 : memref<1000x1x16xf32, #tpu.memory_space<vmem>>)
    %dma_wait3A_1932 = tpu.memref_slice %arg3[%add3A_1806] : memref<320000xf32, #tpu.memory_space<hbm>> -> memref<1000xf32, #tpu.memory_space<hbm>>
    %dma_wait3A_1933 = tpu.memref_slice %arg3[%add3A_1806] : memref<320000xf32, #tpu.memory_space<hbm>> -> memref<1000xf32, #tpu.memory_space<hbm>>
    tpu.wait_dma2 semaphore(%arg15 : memref<!tpu.dma_semaphore, #tpu.memory_space<semaphore_mem>>) src(%dma_wait3A_1933 : memref<1000xf32, #tpu.memory_space<hbm>>) dst(%arg12 : memref<1000xf32, #tpu.memory_space<vmem>>)
    %parallel_loop3A_1934 = arith.constant 0 : i32
    %parallel_loop3A_1935 = arith.constant 1000 : i32
    %parallel_loop3A_1936 = arith.constant 1 : i32
    scf.for %parallel_loop3A_2238 = %parallel_loop3A_1934 to %parallel_loop3A_1935 step %parallel_loop3A_1936  : i32 {
      %parallel_loop3A_2239 = vector.broadcast %parallel_loop3A_2238 : i32 to vector<16xi32>
      %parallel_loop3A_2240 = tpu.vector_load_idx %arg12[%parallel_loop3A_2239] : memref<1000xf32, #tpu.memory_space<vmem>>[vector<16xi32>], vector<16xf32>,
      %parallel_loop3A_2241 = arith.constant 0 : i32
      %parallel_loop3A_2242 = arith.index_cast %parallel_loop3A_2238 : i32 to index
      %parallel_loop3A_2243 = arith.index_cast %parallel_loop3A_2241 : i32 to index
      %parallel_loop3A_2244 = arith.constant 0 : index
      %parallel_loop3A_2245 = tpu.vector_load %arg8[%parallel_loop3A_2242, %parallel_loop3A_2243, %parallel_loop3A_2244] {strides = array<i32>} : memref<1000x1x16xf32, #tpu.memory_space<vmem>>, vector<16xf32>,
      %parallel_loop3A_2246 = arith.mulf %parallel_loop3A_2245, %parallel_loop3A_2240 : vector<16xf32>
      %parallel_loop3A_2247 = arith.index_cast %parallel_loop3A_2238 : i32 to index
      %parallel_loop3A_2248 = arith.constant 0 : index
      %parallel_loop3A_2249 = tpu.vector_load %arg10[%parallel_loop3A_2247, %parallel_loop3A_2248] {strides = array<i32>} : memref<1000x32xf32, #tpu.memory_space<vmem>>, vector<16xf32>,
      tpu.vector_store %arg10[%parallel_loop3A_2247, %parallel_loop3A_2248], %parallel_loop3A_2246 {strides = array<i32>} : memref<1000x32xf32, #tpu.memory_space<vmem>>, vector<16xf32>,
    } {sc.loop_unroll_factor = 8 : i64, sc.parallel_access}
    %dma_start3A_1937 = arith.constant 90 : i32
    %dma_start3A_1938 = arith.constant 0 : i32
    %dma_start3A_1939 = arith.constant 0 : i32
    %dma_start3A_1940 = tpu.memref_slice %arg10[%dma_start3A_1938, %dma_start3A_1939] : memref<1000x32xf32, #tpu.memory_space<vmem>> -> memref<100x32xf32, #tpu.memory_space<vmem>>
    %dma_start3A_1941 = arith.constant 0 : i32
    %dma_start3A_1942 = tpu.memref_slice %arg13[%dma_start3A_1937, %dma_start3A_1941] : memref<100x100xi32, #tpu.memory_space<vmem>> -> memref<1x100xi32, #tpu.memory_space<vmem>>
    %dma_start3A_1943 = tpu.memref_squeeze %dma_start3A_1942 : memref<1x100xi32, #tpu.memory_space<vmem>> -> memref<100xi32, #tpu.memory_space<vmem>>
    %dma_start3A_1944 = arith.constant 0 : i32
    %dma_start3A_1945 = arith.constant 0 : i32
    %dma_start3A_1946 = tpu.memref_slice %arg14[%dma_start3A_1944, %dma_start3A_1945] : memref<10240x32xf32, #tpu.memory_space<vmem_shared>> -> memref<10240x32xf32, #tpu.memory_space<vmem_shared>>
    tpu.enqueue_indirect_dma source(%dma_start3A_1940 : memref<100x32xf32, #tpu.memory_space<vmem>>) target(%dma_start3A_1946 : memref<10240x32xf32, #tpu.memory_space<vmem_shared>>) offsets(%dma_start3A_1943 : memref<100xi32, #tpu.memory_space<vmem>>) semaphore(%arg16 : memref<!tpu.dma_semaphore, #tpu.memory_space<semaphore_mem>>) {add = true}
    %dma_start3A_1947 = arith.constant 91 : i32
    %dma_start3A_1948 = arith.constant 100 : i32
    %dma_start3A_1949 = arith.constant 0 : i32
    %dma_start3A_1950 = tpu.memref_slice %arg10[%dma_start3A_1948, %dma_start3A_1949] : memref<1000x32xf32, #tpu.memory_space<vmem>> -> memref<100x32xf32, #tpu.memory_space<vmem>>
    %dma_start3A_1951 = arith.constant 0 : i32
    %dma_start3A_1952 = tpu.memref_slice %arg13[%dma_start3A_1947, %dma_start3A_1951] : memref<100x100xi32, #tpu.memory_space<vmem>> -> memref<1x100xi32, #tpu.memory_space<vmem>>
    %dma_start3A_1953 = tpu.memref_squeeze %dma_start3A_1952 : memref<1x100xi32, #tpu.memory_space<vmem>> -> memref<100xi32, #tpu.memory_space<vmem>>
    %dma_start3A_1954 = arith.constant 0 : i32
    %dma_start3A_1955 = arith.constant 0 : i32
    %dma_start3A_1956 = tpu.memref_slice %arg14[%dma_start3A_1954, %dma_start3A_1955] : memref<10240x32xf32, #tpu.memory_space<vmem_shared>> -> memref<10240x32xf32, #tpu.memory_space<vmem_shared>>
    tpu.enqueue_indirect_dma source(%dma_start3A_1950 : memref<100x32xf32, #tpu.memory_space<vmem>>) target(%dma_start3A_1956 : memref<10240x32xf32, #tpu.memory_space<vmem_shared>>) offsets(%dma_start3A_1953 : memref<100xi32, #tpu.memory_space<vmem>>) semaphore(%arg16 : memref<!tpu.dma_semaphore, #tpu.memory_space<semaphore_mem>>) {add = true}
    %dma_start3A_1957 = arith.constant 92 : i32
    %dma_start3A_1958 = arith.constant 200 : i32
    %dma_start3A_1959 = arith.constant 0 : i32
    %dma_start3A_1960 = tpu.memref_slice %arg10[%dma_start3A_1958, %dma_start3A_1959] : memref<1000x32xf32, #tpu.memory_space<vmem>> -> memref<100x32xf32, #tpu.memory_space<vmem>>
    %dma_start3A_1961 = arith.constant 0 : i32
    %dma_start3A_1962 = tpu.memref_slice %arg13[%dma_start3A_1957, %dma_start3A_1961] : memref<100x100xi32, #tpu.memory_space<vmem>> -> memref<1x100xi32, #tpu.memory_space<vmem>>
    %dma_start3A_1963 = tpu.memref_squeeze %dma_start3A_1962 : memref<1x100xi32, #tpu.memory_space<vmem>> -> memref<100xi32, #tpu.memory_space<vmem>>
    %dma_start3A_1964 = arith.constant 0 : i32
    %dma_start3A_1965 = arith.constant 0 : i32
    %dma_start3A_1966 = tpu.memref_slice %arg14[%dma_start3A_1964, %dma_start3A_1965] : memref<10240x32xf32, #tpu.memory_space<vmem_shared>> -> memref<10240x32xf32, #tpu.memory_space<vmem_shared>>
    tpu.enqueue_indirect_dma source(%dma_start3A_1960 : memref<100x32xf32, #tpu.memory_space<vmem>>) target(%dma_start3A_1966 : memref<10240x32xf32, #tpu.memory_space<vmem_shared>>) offsets(%dma_start3A_1963 : memref<100xi32, #tpu.memory_space<vmem>>) semaphore(%arg16 : memref<!tpu.dma_semaphore, #tpu.memory_space<semaphore_mem>>) {add = true}
    %dma_start3A_1967 = arith.constant 93 : i32
    %dma_start3A_1968 = arith.constant 300 : i32
    %dma_start3A_1969 = arith.constant 0 : i32
    %dma_start3A_1970 = tpu.memref_slice %arg10[%dma_start3A_1968, %dma_start3A_1969] : memref<1000x32xf32, #tpu.memory_space<vmem>> -> memref<100x32xf32, #tpu.memory_space<vmem>>
    %dma_start3A_1971 = arith.constant 0 : i32
    %dma_start3A_1972 = tpu.memref_slice %arg13[%dma_start3A_1967, %dma_start3A_1971] : memref<100x100xi32, #tpu.memory_space<vmem>> -> memref<1x100xi32, #tpu.memory_space<vmem>>
    %dma_start3A_1973 = tpu.memref_squeeze %dma_start3A_1972 : memref<1x100xi32, #tpu.memory_space<vmem>> -> memref<100xi32, #tpu.memory_space<vmem>>
    %dma_start3A_1974 = arith.constant 0 : i32
    %dma_start3A_1975 = arith.constant 0 : i32
    %dma_start3A_1976 = tpu.memref_slice %arg14[%dma_start3A_1974, %dma_start3A_1975] : memref<10240x32xf32, #tpu.memory_space<vmem_shared>> -> memref<10240x32xf32, #tpu.memory_space<vmem_shared>>
    tpu.enqueue_indirect_dma source(%dma_start3A_1970 : memref<100x32xf32, #tpu.memory_space<vmem>>) target(%dma_start3A_1976 : memref<10240x32xf32, #tpu.memory_space<vmem_shared>>) offsets(%dma_start3A_1973 : memref<100xi32, #tpu.memory_space<vmem>>) semaphore(%arg16 : memref<!tpu.dma_semaphore, #tpu.memory_space<semaphore_mem>>) {add = true}
    %dma_start3A_1977 = arith.constant 94 : i32
    %dma_start3A_1978 = arith.constant 400 : i32
    %dma_start3A_1979 = arith.constant 0 : i32
    %dma_start3A_1980 = tpu.memref_slice %arg10[%dma_start3A_1978, %dma_start3A_1979] : memref<1000x32xf32, #tpu.memory_space<vmem>> -> memref<100x32xf32, #tpu.memory_space<vmem>>
    %dma_start3A_1981 = arith.constant 0 : i32
    %dma_start3A_1982 = tpu.memref_slice %arg13[%dma_start3A_1977, %dma_start3A_1981] : memref<100x100xi32, #tpu.memory_space<vmem>> -> memref<1x100xi32, #tpu.memory_space<vmem>>
    %dma_start3A_1983 = tpu.memref_squeeze %dma_start3A_1982 : memref<1x100xi32, #tpu.memory_space<vmem>> -> memref<100xi32, #tpu.memory_space<vmem>>
    %dma_start3A_1984 = arith.constant 0 : i32
    %dma_start3A_1985 = arith.constant 0 : i32
    %dma_start3A_1986 = tpu.memref_slice %arg14[%dma_start3A_1984, %dma_start3A_1985] : memref<10240x32xf32, #tpu.memory_space<vmem_shared>> -> memref<10240x32xf32, #tpu.memory_space<vmem_shared>>
    tpu.enqueue_indirect_dma source(%dma_start3A_1980 : memref<100x32xf32, #tpu.memory_space<vmem>>) target(%dma_start3A_1986 : memref<10240x32xf32, #tpu.memory_space<vmem_shared>>) offsets(%dma_start3A_1983 : memref<100xi32, #tpu.memory_space<vmem>>) semaphore(%arg16 : memref<!tpu.dma_semaphore, #tpu.memory_space<semaphore_mem>>) {add = true}
    %dma_start3A_1987 = arith.constant 95 : i32
    %dma_start3A_1988 = arith.constant 500 : i32
    %dma_start3A_1989 = arith.constant 0 : i32
    %dma_start3A_1990 = tpu.memref_slice %arg10[%dma_start3A_1988, %dma_start3A_1989] : memref<1000x32xf32, #tpu.memory_space<vmem>> -> memref<100x32xf32, #tpu.memory_space<vmem>>
    %dma_start3A_1991 = arith.constant 0 : i32
    %dma_start3A_1992 = tpu.memref_slice %arg13[%dma_start3A_1987, %dma_start3A_1991] : memref<100x100xi32, #tpu.memory_space<vmem>> -> memref<1x100xi32, #tpu.memory_space<vmem>>
    %dma_start3A_1993 = tpu.memref_squeeze %dma_start3A_1992 : memref<1x100xi32, #tpu.memory_space<vmem>> -> memref<100xi32, #tpu.memory_space<vmem>>
    %dma_start3A_1994 = arith.constant 0 : i32
    %dma_start3A_1995 = arith.constant 0 : i32
    %dma_start3A_1996 = tpu.memref_slice %arg14[%dma_start3A_1994, %dma_start3A_1995] : memref<10240x32xf32, #tpu.memory_space<vmem_shared>> -> memref<10240x32xf32, #tpu.memory_space<vmem_shared>>
    tpu.enqueue_indirect_dma source(%dma_start3A_1990 : memref<100x32xf32, #tpu.memory_space<vmem>>) target(%dma_start3A_1996 : memref<10240x32xf32, #tpu.memory_space<vmem_shared>>) offsets(%dma_start3A_1993 : memref<100xi32, #tpu.memory_space<vmem>>) semaphore(%arg16 : memref<!tpu.dma_semaphore, #tpu.memory_space<semaphore_mem>>) {add = true}
    %dma_start3A_1997 = arith.constant 96 : i32
    %dma_start3A_1998 = arith.constant 600 : i32
    %dma_start3A_1999 = arith.constant 0 : i32
    %dma_start3A_2000 = tpu.memref_slice %arg10[%dma_start3A_1998, %dma_start3A_1999] : memref<1000x32xf32, #tpu.memory_space<vmem>> -> memref<100x32xf32, #tpu.memory_space<vmem>>
    %dma_start3A_2001 = arith.constant 0 : i32
    %dma_start3A_2002 = tpu.memref_slice %arg13[%dma_start3A_1997, %dma_start3A_2001] : memref<100x100xi32, #tpu.memory_space<vmem>> -> memref<1x100xi32, #tpu.memory_space<vmem>>
    %dma_start3A_2003 = tpu.memref_squeeze %dma_start3A_2002 : memref<1x100xi32, #tpu.memory_space<vmem>> -> memref<100xi32, #tpu.memory_space<vmem>>
    %dma_start3A_2004 = arith.constant 0 : i32
    %dma_start3A_2005 = arith.constant 0 : i32
    %dma_start3A_2006 = tpu.memref_slice %arg14[%dma_start3A_2004, %dma_start3A_2005] : memref<10240x32xf32, #tpu.memory_space<vmem_shared>> -> memref<10240x32xf32, #tpu.memory_space<vmem_shared>>
    tpu.enqueue_indirect_dma source(%dma_start3A_2000 : memref<100x32xf32, #tpu.memory_space<vmem>>) target(%dma_start3A_2006 : memref<10240x32xf32, #tpu.memory_space<vmem_shared>>) offsets(%dma_start3A_2003 : memref<100xi32, #tpu.memory_space<vmem>>) semaphore(%arg16 : memref<!tpu.dma_semaphore, #tpu.memory_space<semaphore_mem>>) {add = true}
    %dma_start3A_2007 = arith.constant 97 : i32
    %dma_start3A_2008 = arith.constant 700 : i32
    %dma_start3A_2009 = arith.constant 0 : i32
    %dma_start3A_2010 = tpu.memref_slice %arg10[%dma_start3A_2008, %dma_start3A_2009] : memref<1000x32xf32, #tpu.memory_space<vmem>> -> memref<100x32xf32, #tpu.memory_space<vmem>>
    %dma_start3A_2011 = arith.constant 0 : i32
    %dma_start3A_2012 = tpu.memref_slice %arg13[%dma_start3A_2007, %dma_start3A_2011] : memref<100x100xi32, #tpu.memory_space<vmem>> -> memref<1x100xi32, #tpu.memory_space<vmem>>
    %dma_start3A_2013 = tpu.memref_squeeze %dma_start3A_2012 : memref<1x100xi32, #tpu.memory_space<vmem>> -> memref<100xi32, #tpu.memory_space<vmem>>
    %dma_start3A_2014 = arith.constant 0 : i32
    %dma_start3A_2015 = arith.constant 0 : i32
    %dma_start3A_2016 = tpu.memref_slice %arg14[%dma_start3A_2014, %dma_start3A_2015] : memref<10240x32xf32, #tpu.memory_space<vmem_shared>> -> memref<10240x32xf32, #tpu.memory_space<vmem_shared>>
    tpu.enqueue_indirect_dma source(%dma_start3A_2010 : memref<100x32xf32, #tpu.memory_space<vmem>>) target(%dma_start3A_2016 : memref<10240x32xf32, #tpu.memory_space<vmem_shared>>) offsets(%dma_start3A_2013 : memref<100xi32, #tpu.memory_space<vmem>>) semaphore(%arg16 : memref<!tpu.dma_semaphore, #tpu.memory_space<semaphore_mem>>) {add = true}
    %dma_start3A_2017 = arith.constant 98 : i32
    %dma_start3A_2018 = arith.constant 800 : i32
    %dma_start3A_2019 = arith.constant 0 : i32
    %dma_start3A_2020 = tpu.memref_slice %arg10[%dma_start3A_2018, %dma_start3A_2019] : memref<1000x32xf32, #tpu.memory_space<vmem>> -> memref<100x32xf32, #tpu.memory_space<vmem>>
    %dma_start3A_2021 = arith.constant 0 : i32
    %dma_start3A_2022 = tpu.memref_slice %arg13[%dma_start3A_2017, %dma_start3A_2021] : memref<100x100xi32, #tpu.memory_space<vmem>> -> memref<1x100xi32, #tpu.memory_space<vmem>>
    %dma_start3A_2023 = tpu.memref_squeeze %dma_start3A_2022 : memref<1x100xi32, #tpu.memory_space<vmem>> -> memref<100xi32, #tpu.memory_space<vmem>>
    %dma_start3A_2024 = arith.constant 0 : i32
    %dma_start3A_2025 = arith.constant 0 : i32
    %dma_start3A_2026 = tpu.memref_slice %arg14[%dma_start3A_2024, %dma_start3A_2025] : memref<10240x32xf32, #tpu.memory_space<vmem_shared>> -> memref<10240x32xf32, #tpu.memory_space<vmem_shared>>
    tpu.enqueue_indirect_dma source(%dma_start3A_2020 : memref<100x32xf32, #tpu.memory_space<vmem>>) target(%dma_start3A_2026 : memref<10240x32xf32, #tpu.memory_space<vmem_shared>>) offsets(%dma_start3A_2023 : memref<100xi32, #tpu.memory_space<vmem>>) semaphore(%arg16 : memref<!tpu.dma_semaphore, #tpu.memory_space<semaphore_mem>>) {add = true}
    %dma_start3A_2027 = arith.constant 99 : i32
    %dma_start3A_2028 = arith.constant 900 : i32
    %dma_start3A_2029 = arith.constant 0 : i32
    %dma_start3A_2030 = tpu.memref_slice %arg10[%dma_start3A_2028, %dma_start3A_2029] : memref<1000x32xf32, #tpu.memory_space<vmem>> -> memref<100x32xf32, #tpu.memory_space<vmem>>
    %dma_start3A_2031 = arith.constant 0 : i32
    %dma_start3A_2032 = tpu.memref_slice %arg13[%dma_start3A_2027, %dma_start3A_2031] : memref<100x100xi32, #tpu.memory_space<vmem>> -> memref<1x100xi32, #tpu.memory_space<vmem>>
    %dma_start3A_2033 = tpu.memref_squeeze %dma_start3A_2032 : memref<1x100xi32, #tpu.memory_space<vmem>> -> memref<100xi32, #tpu.memory_space<vmem>>
    %dma_start3A_2034 = arith.constant 0 : i32
    %dma_start3A_2035 = arith.constant 0 : i32
    %dma_start3A_2036 = tpu.memref_slice %arg14[%dma_start3A_2034, %dma_start3A_2035] : memref<10240x32xf32, #tpu.memory_space<vmem_shared>> -> memref<10240x32xf32, #tpu.memory_space<vmem_shared>>
    tpu.enqueue_indirect_dma source(%dma_start3A_2030 : memref<100x32xf32, #tpu.memory_space<vmem>>) target(%dma_start3A_2036 : memref<10240x32xf32, #tpu.memory_space<vmem_shared>>) offsets(%dma_start3A_2033 : memref<100xi32, #tpu.memory_space<vmem>>) semaphore(%arg16 : memref<!tpu.dma_semaphore, #tpu.memory_space<semaphore_mem>>) {add = true}
    %dma_wait3A_2037 = arith.constant 80 : i32
    %dma_wait3A_2038 = arith.constant 0 : i32
    %dma_wait3A_2039 = arith.constant 0 : i32
    %dma_wait3A_2040 = tpu.memref_slice %arg9[%dma_wait3A_2038, %dma_wait3A_2039] : memref<1000x32xf32, #tpu.memory_space<vmem>> -> memref<100x32xf32, #tpu.memory_space<vmem>>
    %dma_wait3A_2041 = arith.constant 0 : i32
    %dma_wait3A_2042 = tpu.memref_slice %arg13[%dma_wait3A_2037, %dma_wait3A_2041] : memref<100x100xi32, #tpu.memory_space<vmem>> -> memref<1x100xi32, #tpu.memory_space<vmem>>
    %dma_wait3A_2043 = tpu.memref_squeeze %dma_wait3A_2042 : memref<1x100xi32, #tpu.memory_space<vmem>> -> memref<100xi32, #tpu.memory_space<vmem>>
    %dma_wait3A_2044 = arith.constant 0 : i32
    %dma_wait3A_2045 = arith.constant 0 : i32
    %dma_wait3A_2046 = tpu.memref_slice %arg14[%dma_wait3A_2044, %dma_wait3A_2045] : memref<10240x32xf32, #tpu.memory_space<vmem_shared>> -> memref<10240x32xf32, #tpu.memory_space<vmem_shared>>
    tpu.wait_indirect_dma semaphore(%arg16 : memref<!tpu.dma_semaphore, #tpu.memory_space<semaphore_mem>>) src(%dma_wait3A_2040 : memref<100x32xf32, #tpu.memory_space<vmem>>) dst(%dma_wait3A_2046 : memref<10240x32xf32, #tpu.memory_space<vmem_shared>>)
    %dma_wait3A_2047 = arith.constant 81 : i32
    %dma_wait3A_2048 = arith.constant 100 : i32
    %dma_wait3A_2049 = arith.constant 0 : i32
    %dma_wait3A_2050 = tpu.memref_slice %arg9[%dma_wait3A_2048, %dma_wait3A_2049] : memref<1000x32xf32, #tpu.memory_space<vmem>> -> memref<100x32xf32, #tpu.memory_space<vmem>>
    %dma_wait3A_2051 = arith.constant 0 : i32
    %dma_wait3A_2052 = tpu.memref_slice %arg13[%dma_wait3A_2047, %dma_wait3A_2051] : memref<100x100xi32, #tpu.memory_space<vmem>> -> memref<1x100xi32, #tpu.memory_space<vmem>>
    %dma_wait3A_2053 = tpu.memref_squeeze %dma_wait3A_2052 : memref<1x100xi32, #tpu.memory_space<vmem>> -> memref<100xi32, #tpu.memory_space<vmem>>
    %dma_wait3A_2054 = arith.constant 0 : i32
    %dma_wait3A_2055 = arith.constant 0 : i32
    %dma_wait3A_2056 = tpu.memref_slice %arg14[%dma_wait3A_2054, %dma_wait3A_2055] : memref<10240x32xf32, #tpu.memory_space<vmem_shared>> -> memref<10240x32xf32, #tpu.memory_space<vmem_shared>>
    tpu.wait_indirect_dma semaphore(%arg16 : memref<!tpu.dma_semaphore, #tpu.memory_space<semaphore_mem>>) src(%dma_wait3A_2050 : memref<100x32xf32, #tpu.memory_space<vmem>>) dst(%dma_wait3A_2056 : memref<10240x32xf32, #tpu.memory_space<vmem_shared>>)
    %dma_wait3A_2057 = arith.constant 82 : i32
    %dma_wait3A_2058 = arith.constant 200 : i32
    %dma_wait3A_2059 = arith.constant 0 : i32
    %dma_wait3A_2060 = tpu.memref_slice %arg9[%dma_wait3A_2058, %dma_wait3A_2059] : memref<1000x32xf32, #tpu.memory_space<vmem>> -> memref<100x32xf32, #tpu.memory_space<vmem>>
    %dma_wait3A_2061 = arith.constant 0 : i32
    %dma_wait3A_2062 = tpu.memref_slice %arg13[%dma_wait3A_2057, %dma_wait3A_2061] : memref<100x100xi32, #tpu.memory_space<vmem>> -> memref<1x100xi32, #tpu.memory_space<vmem>>
    %dma_wait3A_2063 = tpu.memref_squeeze %dma_wait3A_2062 : memref<1x100xi32, #tpu.memory_space<vmem>> -> memref<100xi32, #tpu.memory_space<vmem>>
    %dma_wait3A_2064 = arith.constant 0 : i32
    %dma_wait3A_2065 = arith.constant 0 : i32
    %dma_wait3A_2066 = tpu.memref_slice %arg14[%dma_wait3A_2064, %dma_wait3A_2065] : memref<10240x32xf32, #tpu.memory_space<vmem_shared>> -> memref<10240x32xf32, #tpu.memory_space<vmem_shared>>
    tpu.wait_indirect_dma semaphore(%arg16 : memref<!tpu.dma_semaphore, #tpu.memory_space<semaphore_mem>>) src(%dma_wait3A_2060 : memref<100x32xf32, #tpu.memory_space<vmem>>) dst(%dma_wait3A_2066 : memref<10240x32xf32, #tpu.memory_space<vmem_shared>>)
    %dma_wait3A_2067 = arith.constant 83 : i32
    %dma_wait3A_2068 = arith.constant 300 : i32
    %dma_wait3A_2069 = arith.constant 0 : i32
    %dma_wait3A_2070 = tpu.memref_slice %arg9[%dma_wait3A_2068, %dma_wait3A_2069] : memref<1000x32xf32, #tpu.memory_space<vmem>> -> memref<100x32xf32, #tpu.memory_space<vmem>>
    %dma_wait3A_2071 = arith.constant 0 : i32
    %dma_wait3A_2072 = tpu.memref_slice %arg13[%dma_wait3A_2067, %dma_wait3A_2071] : memref<100x100xi32, #tpu.memory_space<vmem>> -> memref<1x100xi32, #tpu.memory_space<vmem>>
    %dma_wait3A_2073 = tpu.memref_squeeze %dma_wait3A_2072 : memref<1x100xi32, #tpu.memory_space<vmem>> -> memref<100xi32, #tpu.memory_space<vmem>>
    %dma_wait3A_2074 = arith.constant 0 : i32
    %dma_wait3A_2075 = arith.constant 0 : i32
    %dma_wait3A_2076 = tpu.memref_slice %arg14[%dma_wait3A_2074, %dma_wait3A_2075] : memref<10240x32xf32, #tpu.memory_space<vmem_shared>> -> memref<10240x32xf32, #tpu.memory_space<vmem_shared>>
    tpu.wait_indirect_dma semaphore(%arg16 : memref<!tpu.dma_semaphore, #tpu.memory_space<semaphore_mem>>) src(%dma_wait3A_2070 : memref<100x32xf32, #tpu.memory_space<vmem>>) dst(%dma_wait3A_2076 : memref<10240x32xf32, #tpu.memory_space<vmem_shared>>)
    %dma_wait3A_2077 = arith.constant 84 : i32
    %dma_wait3A_2078 = arith.constant 400 : i32
    %dma_wait3A_2079 = arith.constant 0 : i32
    %dma_wait3A_2080 = tpu.memref_slice %arg9[%dma_wait3A_2078, %dma_wait3A_2079] : memref<1000x32xf32, #tpu.memory_space<vmem>> -> memref<100x32xf32, #tpu.memory_space<vmem>>
    %dma_wait3A_2081 = arith.constant 0 : i32
    %dma_wait3A_2082 = tpu.memref_slice %arg13[%dma_wait3A_2077, %dma_wait3A_2081] : memref<100x100xi32, #tpu.memory_space<vmem>> -> memref<1x100xi32, #tpu.memory_space<vmem>>
    %dma_wait3A_2083 = tpu.memref_squeeze %dma_wait3A_2082 : memref<1x100xi32, #tpu.memory_space<vmem>> -> memref<100xi32, #tpu.memory_space<vmem>>
    %dma_wait3A_2084 = arith.constant 0 : i32
    %dma_wait3A_2085 = arith.constant 0 : i32
    %dma_wait3A_2086 = tpu.memref_slice %arg14[%dma_wait3A_2084, %dma_wait3A_2085] : memref<10240x32xf32, #tpu.memory_space<vmem_shared>> -> memref<10240x32xf32, #tpu.memory_space<vmem_shared>>
    tpu.wait_indirect_dma semaphore(%arg16 : memref<!tpu.dma_semaphore, #tpu.memory_space<semaphore_mem>>) src(%dma_wait3A_2080 : memref<100x32xf32, #tpu.memory_space<vmem>>) dst(%dma_wait3A_2086 : memref<10240x32xf32, #tpu.memory_space<vmem_shared>>)
    %dma_wait3A_2087 = arith.constant 85 : i32
    %dma_wait3A_2088 = arith.constant 500 : i32
    %dma_wait3A_2089 = arith.constant 0 : i32
    %dma_wait3A_2090 = tpu.memref_slice %arg9[%dma_wait3A_2088, %dma_wait3A_2089] : memref<1000x32xf32, #tpu.memory_space<vmem>> -> memref<100x32xf32, #tpu.memory_space<vmem>>
    %dma_wait3A_2091 = arith.constant 0 : i32
    %dma_wait3A_2092 = tpu.memref_slice %arg13[%dma_wait3A_2087, %dma_wait3A_2091] : memref<100x100xi32, #tpu.memory_space<vmem>> -> memref<1x100xi32, #tpu.memory_space<vmem>>
    %dma_wait3A_2093 = tpu.memref_squeeze %dma_wait3A_2092 : memref<1x100xi32, #tpu.memory_space<vmem>> -> memref<100xi32, #tpu.memory_space<vmem>>
    %dma_wait3A_2094 = arith.constant 0 : i32
    %dma_wait3A_2095 = arith.constant 0 : i32
    %dma_wait3A_2096 = tpu.memref_slice %arg14[%dma_wait3A_2094, %dma_wait3A_2095] : memref<10240x32xf32, #tpu.memory_space<vmem_shared>> -> memref<10240x32xf32, #tpu.memory_space<vmem_shared>>
    tpu.wait_indirect_dma semaphore(%arg16 : memref<!tpu.dma_semaphore, #tpu.memory_space<semaphore_mem>>) src(%dma_wait3A_2090 : memref<100x32xf32, #tpu.memory_space<vmem>>) dst(%dma_wait3A_2096 : memref<10240x32xf32, #tpu.memory_space<vmem_shared>>)
    %dma_wait3A_2097 = arith.constant 86 : i32
    %dma_wait3A_2098 = arith.constant 600 : i32
    %dma_wait3A_2099 = arith.constant 0 : i32
    %dma_wait3A_2100 = tpu.memref_slice %arg9[%dma_wait3A_2098, %dma_wait3A_2099] : memref<1000x32xf32, #tpu.memory_space<vmem>> -> memref<100x32xf32, #tpu.memory_space<vmem>>
    %dma_wait3A_2101 = arith.constant 0 : i32
    %dma_wait3A_2102 = tpu.memref_slice %arg13[%dma_wait3A_2097, %dma_wait3A_2101] : memref<100x100xi32, #tpu.memory_space<vmem>> -> memref<1x100xi32, #tpu.memory_space<vmem>>
    %dma_wait3A_2103 = tpu.memref_squeeze %dma_wait3A_2102 : memref<1x100xi32, #tpu.memory_space<vmem>> -> memref<100xi32, #tpu.memory_space<vmem>>
    %dma_wait3A_2104 = arith.constant 0 : i32
    %dma_wait3A_2105 = arith.constant 0 : i32
    %dma_wait3A_2106 = tpu.memref_slice %arg14[%dma_wait3A_2104, %dma_wait3A_2105] : memref<10240x32xf32, #tpu.memory_space<vmem_shared>> -> memref<10240x32xf32, #tpu.memory_space<vmem_shared>>
    tpu.wait_indirect_dma semaphore(%arg16 : memref<!tpu.dma_semaphore, #tpu.memory_space<semaphore_mem>>) src(%dma_wait3A_2100 : memref<100x32xf32, #tpu.memory_space<vmem>>) dst(%dma_wait3A_2106 : memref<10240x32xf32, #tpu.memory_space<vmem_shared>>)
    %dma_wait3A_2107 = arith.constant 87 : i32
    %dma_wait3A_2108 = arith.constant 700 : i32
    %dma_wait3A_2109 = arith.constant 0 : i32
    %dma_wait3A_2110 = tpu.memref_slice %arg9[%dma_wait3A_2108, %dma_wait3A_2109] : memref<1000x32xf32, #tpu.memory_space<vmem>> -> memref<100x32xf32, #tpu.memory_space<vmem>>
    %dma_wait3A_2111 = arith.constant 0 : i32
    %dma_wait3A_2112 = tpu.memref_slice %arg13[%dma_wait3A_2107, %dma_wait3A_2111] : memref<100x100xi32, #tpu.memory_space<vmem>> -> memref<1x100xi32, #tpu.memory_space<vmem>>
    %dma_wait3A_2113 = tpu.memref_squeeze %dma_wait3A_2112 : memref<1x100xi32, #tpu.memory_space<vmem>> -> memref<100xi32, #tpu.memory_space<vmem>>
    %dma_wait3A_2114 = arith.constant 0 : i32
    %dma_wait3A_2115 = arith.constant 0 : i32
    %dma_wait3A_2116 = tpu.memref_slice %arg14[%dma_wait3A_2114, %dma_wait3A_2115] : memref<10240x32xf32, #tpu.memory_space<vmem_shared>> -> memref<10240x32xf32, #tpu.memory_space<vmem_shared>>
    tpu.wait_indirect_dma semaphore(%arg16 : memref<!tpu.dma_semaphore, #tpu.memory_space<semaphore_mem>>) src(%dma_wait3A_2110 : memref<100x32xf32, #tpu.memory_space<vmem>>) dst(%dma_wait3A_2116 : memref<10240x32xf32, #tpu.memory_space<vmem_shared>>)
    %dma_wait3A_2117 = arith.constant 88 : i32
    %dma_wait3A_2118 = arith.constant 800 : i32
    %dma_wait3A_2119 = arith.constant 0 : i32
    %dma_wait3A_2120 = tpu.memref_slice %arg9[%dma_wait3A_2118, %dma_wait3A_2119] : memref<1000x32xf32, #tpu.memory_space<vmem>> -> memref<100x32xf32, #tpu.memory_space<vmem>>
    %dma_wait3A_2121 = arith.constant 0 : i32
    %dma_wait3A_2122 = tpu.memref_slice %arg13[%dma_wait3A_2117, %dma_wait3A_2121] : memref<100x100xi32, #tpu.memory_space<vmem>> -> memref<1x100xi32, #tpu.memory_space<vmem>>
    %dma_wait3A_2123 = tpu.memref_squeeze %dma_wait3A_2122 : memref<1x100xi32, #tpu.memory_space<vmem>> -> memref<100xi32, #tpu.memory_space<vmem>>
    %dma_wait3A_2124 = arith.constant 0 : i32
    %dma_wait3A_2125 = arith.constant 0 : i32
    %dma_wait3A_2126 = tpu.memref_slice %arg14[%dma_wait3A_2124, %dma_wait3A_2125] : memref<10240x32xf32, #tpu.memory_space<vmem_shared>> -> memref<10240x32xf32, #tpu.memory_space<vmem_shared>>
    tpu.wait_indirect_dma semaphore(%arg16 : memref<!tpu.dma_semaphore, #tpu.memory_space<semaphore_mem>>) src(%dma_wait3A_2120 : memref<100x32xf32, #tpu.memory_space<vmem>>) dst(%dma_wait3A_2126 : memref<10240x32xf32, #tpu.memory_space<vmem_shared>>)
    %dma_wait3A_2127 = arith.constant 89 : i32
    %dma_wait3A_2128 = arith.constant 900 : i32
    %dma_wait3A_2129 = arith.constant 0 : i32
    %dma_wait3A_2130 = tpu.memref_slice %arg9[%dma_wait3A_2128, %dma_wait3A_2129] : memref<1000x32xf32, #tpu.memory_space<vmem>> -> memref<100x32xf32, #tpu.memory_space<vmem>>
    %dma_wait3A_2131 = arith.constant 0 : i32
    %dma_wait3A_2132 = tpu.memref_slice %arg13[%dma_wait3A_2127, %dma_wait3A_2131] : memref<100x100xi32, #tpu.memory_space<vmem>> -> memref<1x100xi32, #tpu.memory_space<vmem>>
    %dma_wait3A_2133 = tpu.memref_squeeze %dma_wait3A_2132 : memref<1x100xi32, #tpu.memory_space<vmem>> -> memref<100xi32, #tpu.memory_space<vmem>>
    %dma_wait3A_2134 = arith.constant 0 : i32
    %dma_wait3A_2135 = arith.constant 0 : i32
    %dma_wait3A_2136 = tpu.memref_slice %arg14[%dma_wait3A_2134, %dma_wait3A_2135] : memref<10240x32xf32, #tpu.memory_space<vmem_shared>> -> memref<10240x32xf32, #tpu.memory_space<vmem_shared>>
    tpu.wait_indirect_dma semaphore(%arg16 : memref<!tpu.dma_semaphore, #tpu.memory_space<semaphore_mem>>) src(%dma_wait3A_2130 : memref<100x32xf32, #tpu.memory_space<vmem>>) dst(%dma_wait3A_2136 : memref<10240x32xf32, #tpu.memory_space<vmem_shared>>)
    %dma_wait3A_2137 = arith.constant 90 : i32
    %dma_wait3A_2138 = arith.constant 0 : i32
    %dma_wait3A_2139 = arith.constant 0 : i32
    %dma_wait3A_2140 = tpu.memref_slice %arg10[%dma_wait3A_2138, %dma_wait3A_2139] : memref<1000x32xf32, #tpu.memory_space<vmem>> -> memref<100x32xf32, #tpu.memory_space<vmem>>
    %dma_wait3A_2141 = arith.constant 0 : i32
    %dma_wait3A_2142 = tpu.memref_slice %arg13[%dma_wait3A_2137, %dma_wait3A_2141] : memref<100x100xi32, #tpu.memory_space<vmem>> -> memref<1x100xi32, #tpu.memory_space<vmem>>
    %dma_wait3A_2143 = tpu.memref_squeeze %dma_wait3A_2142 : memref<1x100xi32, #tpu.memory_space<vmem>> -> memref<100xi32, #tpu.memory_space<vmem>>
    %dma_wait3A_2144 = arith.constant 0 : i32
    %dma_wait3A_2145 = arith.constant 0 : i32
    %dma_wait3A_2146 = tpu.memref_slice %arg14[%dma_wait3A_2144, %dma_wait3A_2145] : memref<10240x32xf32, #tpu.memory_space<vmem_shared>> -> memref<10240x32xf32, #tpu.memory_space<vmem_shared>>
    tpu.wait_indirect_dma semaphore(%arg16 : memref<!tpu.dma_semaphore, #tpu.memory_space<semaphore_mem>>) src(%dma_wait3A_2140 : memref<100x32xf32, #tpu.memory_space<vmem>>) dst(%dma_wait3A_2146 : memref<10240x32xf32, #tpu.memory_space<vmem_shared>>)
    %dma_wait3A_2147 = arith.constant 91 : i32
    %dma_wait3A_2148 = arith.constant 100 : i32
    %dma_wait3A_2149 = arith.constant 0 : i32
    %dma_wait3A_2150 = tpu.memref_slice %arg10[%dma_wait3A_2148, %dma_wait3A_2149] : memref<1000x32xf32, #tpu.memory_space<vmem>> -> memref<100x32xf32, #tpu.memory_space<vmem>>
    %dma_wait3A_2151 = arith.constant 0 : i32
    %dma_wait3A_2152 = tpu.memref_slice %arg13[%dma_wait3A_2147, %dma_wait3A_2151] : memref<100x100xi32, #tpu.memory_space<vmem>> -> memref<1x100xi32, #tpu.memory_space<vmem>>
    %dma_wait3A_2153 = tpu.memref_squeeze %dma_wait3A_2152 : memref<1x100xi32, #tpu.memory_space<vmem>> -> memref<100xi32, #tpu.memory_space<vmem>>
    %dma_wait3A_2154 = arith.constant 0 : i32
    %dma_wait3A_2155 = arith.constant 0 : i32
    %dma_wait3A_2156 = tpu.memref_slice %arg14[%dma_wait3A_2154, %dma_wait3A_2155] : memref<10240x32xf32, #tpu.memory_space<vmem_shared>> -> memref<10240x32xf32, #tpu.memory_space<vmem_shared>>
    tpu.wait_indirect_dma semaphore(%arg16 : memref<!tpu.dma_semaphore, #tpu.memory_space<semaphore_mem>>) src(%dma_wait3A_2150 : memref<100x32xf32, #tpu.memory_space<vmem>>) dst(%dma_wait3A_2156 : memref<10240x32xf32, #tpu.memory_space<vmem_shared>>)
    %dma_wait3A_2157 = arith.constant 92 : i32
    %dma_wait3A_2158 = arith.constant 200 : i32
    %dma_wait3A_2159 = arith.constant 0 : i32
    %dma_wait3A_2160 = tpu.memref_slice %arg10[%dma_wait3A_2158, %dma_wait3A_2159] : memref<1000x32xf32, #tpu.memory_space<vmem>> -> memref<100x32xf32, #tpu.memory_space<vmem>>
    %dma_wait3A_2161 = arith.constant 0 : i32
    %dma_wait3A_2162 = tpu.memref_slice %arg13[%dma_wait3A_2157, %dma_wait3A_2161] : memref<100x100xi32, #tpu.memory_space<vmem>> -> memref<1x100xi32, #tpu.memory_space<vmem>>
    %dma_wait3A_2163 = tpu.memref_squeeze %dma_wait3A_2162 : memref<1x100xi32, #tpu.memory_space<vmem>> -> memref<100xi32, #tpu.memory_space<vmem>>
    %dma_wait3A_2164 = arith.constant 0 : i32
    %dma_wait3A_2165 = arith.constant 0 : i32
    %dma_wait3A_2166 = tpu.memref_slice %arg14[%dma_wait3A_2164, %dma_wait3A_2165] : memref<10240x32xf32, #tpu.memory_space<vmem_shared>> -> memref<10240x32xf32, #tpu.memory_space<vmem_shared>>
    tpu.wait_indirect_dma semaphore(%arg16 : memref<!tpu.dma_semaphore, #tpu.memory_space<semaphore_mem>>) src(%dma_wait3A_2160 : memref<100x32xf32, #tpu.memory_space<vmem>>) dst(%dma_wait3A_2166 : memref<10240x32xf32, #tpu.memory_space<vmem_shared>>)
    %dma_wait3A_2167 = arith.constant 93 : i32
    %dma_wait3A_2168 = arith.constant 300 : i32
    %dma_wait3A_2169 = arith.constant 0 : i32
    %dma_wait3A_2170 = tpu.memref_slice %arg10[%dma_wait3A_2168, %dma_wait3A_2169] : memref<1000x32xf32, #tpu.memory_space<vmem>> -> memref<100x32xf32, #tpu.memory_space<vmem>>
    %dma_wait3A_2171 = arith.constant 0 : i32
    %dma_wait3A_2172 = tpu.memref_slice %arg13[%dma_wait3A_2167, %dma_wait3A_2171] : memref<100x100xi32, #tpu.memory_space<vmem>> -> memref<1x100xi32, #tpu.memory_space<vmem>>
    %dma_wait3A_2173 = tpu.memref_squeeze %dma_wait3A_2172 : memref<1x100xi32, #tpu.memory_space<vmem>> -> memref<100xi32, #tpu.memory_space<vmem>>
    %dma_wait3A_2174 = arith.constant 0 : i32
    %dma_wait3A_2175 = arith.constant 0 : i32
    %dma_wait3A_2176 = tpu.memref_slice %arg14[%dma_wait3A_2174, %dma_wait3A_2175] : memref<10240x32xf32, #tpu.memory_space<vmem_shared>> -> memref<10240x32xf32, #tpu.memory_space<vmem_shared>>
    tpu.wait_indirect_dma semaphore(%arg16 : memref<!tpu.dma_semaphore, #tpu.memory_space<semaphore_mem>>) src(%dma_wait3A_2170 : memref<100x32xf32, #tpu.memory_space<vmem>>) dst(%dma_wait3A_2176 : memref<10240x32xf32, #tpu.memory_space<vmem_shared>>)
    %dma_wait3A_2177 = arith.constant 94 : i32
    %dma_wait3A_2178 = arith.constant 400 : i32
    %dma_wait3A_2179 = arith.constant 0 : i32
    %dma_wait3A_2180 = tpu.memref_slice %arg10[%dma_wait3A_2178, %dma_wait3A_2179] : memref<1000x32xf32, #tpu.memory_space<vmem>> -> memref<100x32xf32, #tpu.memory_space<vmem>>
    %dma_wait3A_2181 = arith.constant 0 : i32
    %dma_wait3A_2182 = tpu.memref_slice %arg13[%dma_wait3A_2177, %dma_wait3A_2181] : memref<100x100xi32, #tpu.memory_space<vmem>> -> memref<1x100xi32, #tpu.memory_space<vmem>>
    %dma_wait3A_2183 = tpu.memref_squeeze %dma_wait3A_2182 : memref<1x100xi32, #tpu.memory_space<vmem>> -> memref<100xi32, #tpu.memory_space<vmem>>
    %dma_wait3A_2184 = arith.constant 0 : i32
    %dma_wait3A_2185 = arith.constant 0 : i32
    %dma_wait3A_2186 = tpu.memref_slice %arg14[%dma_wait3A_2184, %dma_wait3A_2185] : memref<10240x32xf32, #tpu.memory_space<vmem_shared>> -> memref<10240x32xf32, #tpu.memory_space<vmem_shared>>
    tpu.wait_indirect_dma semaphore(%arg16 : memref<!tpu.dma_semaphore, #tpu.memory_space<semaphore_mem>>) src(%dma_wait3A_2180 : memref<100x32xf32, #tpu.memory_space<vmem>>) dst(%dma_wait3A_2186 : memref<10240x32xf32, #tpu.memory_space<vmem_shared>>)
    %dma_wait3A_2187 = arith.constant 95 : i32
    %dma_wait3A_2188 = arith.constant 500 : i32
    %dma_wait3A_2189 = arith.constant 0 : i32
    %dma_wait3A_2190 = tpu.memref_slice %arg10[%dma_wait3A_2188, %dma_wait3A_2189] : memref<1000x32xf32, #tpu.memory_space<vmem>> -> memref<100x32xf32, #tpu.memory_space<vmem>>
    %dma_wait3A_2191 = arith.constant 0 : i32
    %dma_wait3A_2192 = tpu.memref_slice %arg13[%dma_wait3A_2187, %dma_wait3A_2191] : memref<100x100xi32, #tpu.memory_space<vmem>> -> memref<1x100xi32, #tpu.memory_space<vmem>>
    %dma_wait3A_2193 = tpu.memref_squeeze %dma_wait3A_2192 : memref<1x100xi32, #tpu.memory_space<vmem>> -> memref<100xi32, #tpu.memory_space<vmem>>
    %dma_wait3A_2194 = arith.constant 0 : i32
    %dma_wait3A_2195 = arith.constant 0 : i32
    %dma_wait3A_2196 = tpu.memref_slice %arg14[%dma_wait3A_2194, %dma_wait3A_2195] : memref<10240x32xf32, #tpu.memory_space<vmem_shared>> -> memref<10240x32xf32, #tpu.memory_space<vmem_shared>>
    tpu.wait_indirect_dma semaphore(%arg16 : memref<!tpu.dma_semaphore, #tpu.memory_space<semaphore_mem>>) src(%dma_wait3A_2190 : memref<100x32xf32, #tpu.memory_space<vmem>>) dst(%dma_wait3A_2196 : memref<10240x32xf32, #tpu.memory_space<vmem_shared>>)
    %dma_wait3A_2197 = arith.constant 96 : i32
    %dma_wait3A_2198 = arith.constant 600 : i32
    %dma_wait3A_2199 = arith.constant 0 : i32
    %dma_wait3A_2200 = tpu.memref_slice %arg10[%dma_wait3A_2198, %dma_wait3A_2199] : memref<1000x32xf32, #tpu.memory_space<vmem>> -> memref<100x32xf32, #tpu.memory_space<vmem>>
    %dma_wait3A_2201 = arith.constant 0 : i32
    %dma_wait3A_2202 = tpu.memref_slice %arg13[%dma_wait3A_2197, %dma_wait3A_2201] : memref<100x100xi32, #tpu.memory_space<vmem>> -> memref<1x100xi32, #tpu.memory_space<vmem>>
    %dma_wait3A_2203 = tpu.memref_squeeze %dma_wait3A_2202 : memref<1x100xi32, #tpu.memory_space<vmem>> -> memref<100xi32, #tpu.memory_space<vmem>>
    %dma_wait3A_2204 = arith.constant 0 : i32
    %dma_wait3A_2205 = arith.constant 0 : i32
    %dma_wait3A_2206 = tpu.memref_slice %arg14[%dma_wait3A_2204, %dma_wait3A_2205] : memref<10240x32xf32, #tpu.memory_space<vmem_shared>> -> memref<10240x32xf32, #tpu.memory_space<vmem_shared>>
    tpu.wait_indirect_dma semaphore(%arg16 : memref<!tpu.dma_semaphore, #tpu.memory_space<semaphore_mem>>) src(%dma_wait3A_2200 : memref<100x32xf32, #tpu.memory_space<vmem>>) dst(%dma_wait3A_2206 : memref<10240x32xf32, #tpu.memory_space<vmem_shared>>)
    %dma_wait3A_2207 = arith.constant 97 : i32
    %dma_wait3A_2208 = arith.constant 700 : i32
    %dma_wait3A_2209 = arith.constant 0 : i32
    %dma_wait3A_2210 = tpu.memref_slice %arg10[%dma_wait3A_2208, %dma_wait3A_2209] : memref<1000x32xf32, #tpu.memory_space<vmem>> -> memref<100x32xf32, #tpu.memory_space<vmem>>
    %dma_wait3A_2211 = arith.constant 0 : i32
    %dma_wait3A_2212 = tpu.memref_slice %arg13[%dma_wait3A_2207, %dma_wait3A_2211] : memref<100x100xi32, #tpu.memory_space<vmem>> -> memref<1x100xi32, #tpu.memory_space<vmem>>
    %dma_wait3A_2213 = tpu.memref_squeeze %dma_wait3A_2212 : memref<1x100xi32, #tpu.memory_space<vmem>> -> memref<100xi32, #tpu.memory_space<vmem>>
    %dma_wait3A_2214 = arith.constant 0 : i32
    %dma_wait3A_2215 = arith.constant 0 : i32
    %dma_wait3A_2216 = tpu.memref_slice %arg14[%dma_wait3A_2214, %dma_wait3A_2215] : memref<10240x32xf32, #tpu.memory_space<vmem_shared>> -> memref<10240x32xf32, #tpu.memory_space<vmem_shared>>
    tpu.wait_indirect_dma semaphore(%arg16 : memref<!tpu.dma_semaphore, #tpu.memory_space<semaphore_mem>>) src(%dma_wait3A_2210 : memref<100x32xf32, #tpu.memory_space<vmem>>) dst(%dma_wait3A_2216 : memref<10240x32xf32, #tpu.memory_space<vmem_shared>>)
    %dma_wait3A_2217 = arith.constant 98 : i32
    %dma_wait3A_2218 = arith.constant 800 : i32
    %dma_wait3A_2219 = arith.constant 0 : i32
    %dma_wait3A_2220 = tpu.memref_slice %arg10[%dma_wait3A_2218, %dma_wait3A_2219] : memref<1000x32xf32, #tpu.memory_space<vmem>> -> memref<100x32xf32, #tpu.memory_space<vmem>>
    %dma_wait3A_2221 = arith.constant 0 : i32
    %dma_wait3A_2222 = tpu.memref_slice %arg13[%dma_wait3A_2217, %dma_wait3A_2221] : memref<100x100xi32, #tpu.memory_space<vmem>> -> memref<1x100xi32, #tpu.memory_space<vmem>>
    %dma_wait3A_2223 = tpu.memref_squeeze %dma_wait3A_2222 : memref<1x100xi32, #tpu.memory_space<vmem>> -> memref<100xi32, #tpu.memory_space<vmem>>
    %dma_wait3A_2224 = arith.constant 0 : i32
    %dma_wait3A_2225 = arith.constant 0 : i32
    %dma_wait3A_2226 = tpu.memref_slice %arg14[%dma_wait3A_2224, %dma_wait3A_2225] : memref<10240x32xf32, #tpu.memory_space<vmem_shared>> -> memref<10240x32xf32, #tpu.memory_space<vmem_shared>>
    tpu.wait_indirect_dma semaphore(%arg16 : memref<!tpu.dma_semaphore, #tpu.memory_space<semaphore_mem>>) src(%dma_wait3A_2220 : memref<100x32xf32, #tpu.memory_space<vmem>>) dst(%dma_wait3A_2226 : memref<10240x32xf32, #tpu.memory_space<vmem_shared>>)
    %dma_wait3A_2227 = arith.constant 99 : i32
    %dma_wait3A_2228 = arith.constant 900 : i32
    %dma_wait3A_2229 = arith.constant 0 : i32
    %dma_wait3A_2230 = tpu.memref_slice %arg10[%dma_wait3A_2228, %dma_wait3A_2229] : memref<1000x32xf32, #tpu.memory_space<vmem>> -> memref<100x32xf32, #tpu.memory_space<vmem>>
    %dma_wait3A_2231 = arith.constant 0 : i32
    %dma_wait3A_2232 = tpu.memref_slice %arg13[%dma_wait3A_2227, %dma_wait3A_2231] : memref<100x100xi32, #tpu.memory_space<vmem>> -> memref<1x100xi32, #tpu.memory_space<vmem>>
    %dma_wait3A_2233 = tpu.memref_squeeze %dma_wait3A_2232 : memref<1x100xi32, #tpu.memory_space<vmem>> -> memref<100xi32, #tpu.memory_space<vmem>>
    %dma_wait3A_2234 = arith.constant 0 : i32
    %dma_wait3A_2235 = arith.constant 0 : i32
    %dma_wait3A_2236 = tpu.memref_slice %arg14[%dma_wait3A_2234, %dma_wait3A_2235] : memref<10240x32xf32, #tpu.memory_space<vmem_shared>> -> memref<10240x32xf32, #tpu.memory_space<vmem_shared>>
    tpu.wait_indirect_dma semaphore(%arg16 : memref<!tpu.dma_semaphore, #tpu.memory_space<semaphore_mem>>) src(%dma_wait3A_2230 : memref<100x32xf32, #tpu.memory_space<vmem>>) dst(%dma_wait3A_2236 : memref<10240x32xf32, #tpu.memory_space<vmem_shared>>)
    %barrier3A_2237 = arith.constant 0 : index
    tpu.barrier barrier_id(%barrier3A_2237)
    "tpu.region"() ({
      %run_scoped3A = tpu.sem_alloc : memref<!tpu.dma_semaphore, #tpu.memory_space<semaphore_mem>>
      %dma_start3A_2238 = arith.constant 0 : i32
      %dma_start3A_2239 = tpu.memref_slice %arg6[%arg0, %mul3A_2, %dma_start3A_2238] : memref<2x10240x32xf32, #tpu.memory_space<hbm>> -> memref<1x640x32xf32, #tpu.memory_space<hbm>>
      %dma_start3A_2240 = tpu.memref_squeeze %dma_start3A_2239 : memref<1x640x32xf32, #tpu.memory_space<hbm>> -> memref<640x32xf32, #tpu.memory_space<hbm>>
      %dma_start3A_2241 = arith.constant 0 : i32
      %dma_start3A_2242 = tpu.memref_slice %arg14[%mul3A_2, %dma_start3A_2241] : memref<10240x32xf32, #tpu.memory_space<vmem_shared>> -> memref<640x32xf32, #tpu.memory_space<vmem_shared>>
      tpu.enqueue_dma source(%dma_start3A_2242 : memref<640x32xf32, #tpu.memory_space<vmem_shared>>) target(%dma_start3A_2240 : memref<640x32xf32, #tpu.memory_space<hbm>>) target_semaphore(%run_scoped3A : memref<!tpu.dma_semaphore, #tpu.memory_space<semaphore_mem>>)
      %dma_wait3A_2243 = arith.constant 0 : i32
      %dma_wait3A_2244 = tpu.memref_slice %arg6[%arg0, %mul3A_2, %dma_wait3A_2243] : memref<2x10240x32xf32, #tpu.memory_space<hbm>> -> memref<1x640x32xf32, #tpu.memory_space<hbm>>
      %dma_wait3A_2245 = tpu.memref_squeeze %dma_wait3A_2244 : memref<1x640x32xf32, #tpu.memory_space<hbm>> -> memref<640x32xf32, #tpu.memory_space<hbm>>
      %dma_wait3A_2246 = arith.constant 0 : i32
      %dma_wait3A_2247 = tpu.memref_slice %arg14[%mul3A_2, %dma_wait3A_2246] : memref<10240x32xf32, #tpu.memory_space<vmem_shared>> -> memref<640x32xf32, #tpu.memory_space<vmem_shared>>
      tpu.wait_dma2 semaphore(%run_scoped3A : memref<!tpu.dma_semaphore, #tpu.memory_space<semaphore_mem>>) src(%dma_wait3A_2247 : memref<640x32xf32, #tpu.memory_space<vmem_shared>>) dst(%dma_wait3A_2245 : memref<640x32xf32, #tpu.memory_space<hbm>>)
      tpu.yield
    }) : () -> ()
    return
  }
}

module attributes {stable_mosaic.version = 14 : i64} {
  func.func @_final_body(%arg0: memref<2x10240x32xf32, #tpu.memory_space<vmem>>, %arg1: memref<10000x128xf32, #tpu.memory_space<vmem>>, %arg2: memref<144x128xf32, #tpu.memory_space<vmem>>, %arg3: memref<1x128xf32, #tpu.memory_space<vmem>>, %arg4: memref<10000x128xf32, #tpu.memory_space<vmem>>) attributes {dimension_semantics = [], scalar_prefetch = 0 : i64, scratch_operands = 0 : i64, tpu.core_type = #tpu.core_type<tc>} {
    %get3A = arith.constant 0 : index
    %get3A_0 = arith.constant 0 : index
    %get3A_1 = arith.constant 0 : index
    %get3A_2 = vector.load %arg0[%get3A, %get3A_0, %get3A_1] : memref<2x10240x32xf32, #tpu.memory_space<vmem>>, vector<1x10240x32xf32>
    %get3A_3 = vector.shape_cast %get3A_2 : vector<1x10240x32xf32> to vector<10240x32xf32>
    %get3A_4 = arith.constant 1 : index
    %get3A_5 = arith.constant 0 : index
    %get3A_6 = arith.constant 0 : index
    %get3A_7 = vector.load %arg0[%get3A_4, %get3A_5, %get3A_6] : memref<2x10240x32xf32, #tpu.memory_space<vmem>>, vector<1x10240x32xf32>
    %get3A_8 = vector.shape_cast %get3A_7 : vector<1x10240x32xf32> to vector<10240x32xf32>
    %add3A = arith.addf %get3A_3, %get3A_8 : vector<10240x32xf32>
    %slice3A = vector.extract_strided_slice %add3A {offsets = [0, 16], sizes = [10000, 1], strides = [1, 1]} : vector<10240x32xf32> to vector<10000x1xf32>
    %max3A = arith.constant 1.000000e+00 : f32
    %max3A_9 = vector.broadcast %max3A : f32 to vector<10000x1xf32>
    %max3A_10 = arith.maximumf %slice3A, %max3A_9 : vector<10000x1xf32>
    %slice3A_11 = vector.extract_strided_slice %add3A {offsets = [0, 0], sizes = [10000, 16], strides = [1, 1]} : vector<10240x32xf32> to vector<10000x16xf32>
    %div3A = vector.broadcast %max3A_10 : vector<10000x1xf32> to vector<10000x16xf32>
    %div3A_12 = arith.divf %slice3A_11, %div3A : vector<10000x16xf32>
    %get3A_13 = arith.constant 0 : index
    %get3A_14 = arith.constant 0 : index
    %get3A_15 = vector.load %arg1[%get3A_13, %get3A_14] : memref<10000x128xf32, #tpu.memory_space<vmem>>, vector<10000x128xf32>
    %concatenate3A = tpu.concatenate %get3A_15, %div3A_12 in 1 : vector<10000x128xf32>, vector<10000x16xf32> -> vector<10000x144xf32>
    %get3A_16 = arith.constant 0 : index
    %get3A_17 = arith.constant 0 : index
    %get3A_18 = vector.load %arg2[%get3A_16, %get3A_17] : memref<144x128xf32, #tpu.memory_space<vmem>>, vector<144x128xf32>
    %dot_general3A = arith.constant dense<0.000000e+00> : vector<10000x128xf32>
    %dot_general3A_19 = tpu.matmul %concatenate3A, %get3A_18, %dot_general3A {dimension_numbers = #tpu.dot_dimension_numbers<[1], [0], [0], [1], [0, 0, 1, 1], [], []>, transpose_lhs_hint = false} : vector<10000x144xf32>, vector<144x128xf32>, vector<10000x128xf32> -> vector<10000x128xf32>
    %get3A_20 = arith.constant 0 : index
    %get3A_21 = arith.constant 0 : index
    %get3A_22 = vector.load %arg3[%get3A_20, %get3A_21] : memref<1x128xf32, #tpu.memory_space<vmem>>, vector<1x128xf32>
    %add3A_23 = vector.broadcast %get3A_22 : vector<1x128xf32> to vector<10000x128xf32>
    %add3A_24 = arith.addf %dot_general3A_19, %add3A_23 : vector<10000x128xf32>
    %max3A_25 = arith.constant 0.000000e+00 : f32
    %max3A_26 = vector.broadcast %max3A_25 : f32 to vector<10000x128xf32>
    %max3A_27 = arith.maximumf %add3A_24, %max3A_26 : vector<10000x128xf32>
    %swap3A = arith.constant 0 : index
    %swap3A_28 = arith.constant 0 : index
    %swap3A_29 = vector.load %arg4[%swap3A, %swap3A_28] : memref<10000x128xf32, #tpu.memory_space<vmem>>, vector<10000x128xf32>
    tpu.vector_store %arg4[%swap3A, %swap3A_28], %max3A_27 {strides = array<i32>} : memref<10000x128xf32, #tpu.memory_space<vmem>>, vector<10000x128xf32>,
    return
  }
}

</mosaic_0001>

<sc_bundles>
// kernel: kernel.4.cloned.1.call-start
scs
__scs_entry_jumppad:
0x0: {  	(pc) =	sbr.rel $0x88, $3  }
0x1: {  	(tag) =	ssettag $0x0;
	lr =	simm.s32 $0x1  }
0x2: {  	[smem:$0x3F9B] =	sst lr;
	_ =	strace $0xD0000000  }
0x3: {  	_ = 	snop  }
0x4: {  	_ = 	snop  }
0x5: {  	_ = 	snop  }
0x6: {  	_ = 	snop  }
0x7: {  	_ = 	snop  }
__scs_overlays_trampoline_lowered:
0x8: {  	[smem:$0x3FAA] =	sst s0  }
0x9: {  	[smem:$0x3FAB] =	sst s1  }
0xa: {  	[smem:$0x3FAC] =	sst s2  }
0xb: {  	[smem:$0x3FAD] =	sst s3  }
0xc: {  	[smem:$0x3FAE] =	sst s4  }
0xd: {  	[smem:$0x3FAF] =	sst s5  }
0xe: {  	[smem:$0x3FB0] =	sst s6  }
0xf: {  	[smem:$0x3FB1] =	sst s7  }
0x10: {  	[smem:$0x3FB2] =	sst s8  }
0x11: {  	[smem:$0x3FB3] =	sst s9;
	s0 =	simm.s32 @!p0 $0x0  }
0x12: {  	s1 =	sld [smem:$0x3F99];
	s0 =	simm.s32 @p0 $0x1  }
0x13: {  	[smem:$0x3FB4] =	sst s0;
	s0 =	simm.s32 @!p1 $0x0  }
0x14: {  	s2 =	sld [smem:$0x3F98];
	s0 =	simm.s32 @p1 $0x1  }
0x15: {  	[smem:$0x3FB5] =	sst s0;
	s0 =	simm.s32 @!p2 $0x0  }
0x16: {  	s3 =	sld [smem:$0x3FDB];
	s0 =	simm.s32 @p2 $0x1  }
0x17: {  	s4 =	simm.s32 $0x1BF5;
	[smem:$0x3FB7] =	sst s0  }
0x18: {  	s0 =	sld [smem:$0x3F9A];
	_ =	swait.ge [sflag:s4], $0x0  }
0x19: {  	s7 =	sld [smem:$0x3F9B]  }
0x1a: {  	s8 =	sadd.s32 $0xFFFFE003, lr  }
0x1b: {  	s9 =	sadd.s32 $0xFFFFFEF7, lr;
	s5 =	simm.s32 $0xFFFFFFFF;
	p2 =	slt.u32 s8, $0xFFFFF086  }
0x1c: {  	p1 =	slt.u32 s9, $0xF7A;
	s5 =	simm.s32 @!p2 $0x0  }
0x1d: {  	s5 =	simm.s32 @p1 $0x1;
	p0 =	seq.s32 s7, s2  }
0x1e: {  	s7 =	smul.u32 @!p0 $0xF7A, s2;
	p2 =	seq.s32 @!p0 s5, $0x0  }
0x1f: {  	s9 =	smul.u32 $0xF7A, s1;
	s8 =	simm.s32 @!p0 $0x1BF5;
	p2 =	por !p2, p0  }
0x20: {  	[sflag:s8] =	ssyncset.s32 @!p0 $0xFFFFF086;
	s6 =	sadd.s32 @!p0 s3, s7;
	s7 =	simm.s32 @!p0 $0x108  }
0x21: {  	s3 =	sadd.s32 s3, s9;
	s6 =	sadd.s32 @!p0 $0x88, s6;
	s7 =	simm.s32 @p2 $0x1082  }
0x22: {  	[simem:s7], [sflag:s8] =	dma.local @!p0 [hbm:s6], $0xF7A  }
0x23: {  	s9 =	sor.u32 $0xD0000000, s2;
	s6 =	simm.s32 $0x108;
	_ =	swait.ge @!p0 [sflag:s8], $0x0  }
0x24: {  	s3 =	sadd.s32 $0x88, s3;
	s6 =	simm.s32 @!p1 $0x1082;
	[sflag:s4] =	ssyncset.s32 $0xFFFFF086  }
0x25: {  	[simem:s6], [sflag:s4] =	dma.local [hbm:s3], $0xF7A  }
0x26: {  	[smem:$0x3F9B] =	sst s1;
	(tag) =	ssettag s2;
	_ =	strace s9  }
0x27: {  	s1 =	sld [smem:$0x3FAB]  }
0x28: {  	s2 =	sld [smem:$0x3FAC]  }
0x29: {  	s4 =	sld [smem:$0x3FAE]  }
0x2a: {  	p0 =	seq.s32 s5, $0x0;
	s5 =	sld [smem:$0x3FAF]  }
0x2b: {  	s6 =	sld [smem:$0x3FB0]  }
0x2c: {  	s7 =	sld [smem:$0x3FB1]  }
0x2d: {  	s3 =	simm.s32 $0x108;
	s8 =	sld [smem:$0x3FB2]  }
0x2e: {  	s3 =	simm.s32 @!p0 $0x1082;
	s9 =	sld [smem:$0x3FB3]  }
0x2f: {  	lr =	sadd.s32 s0, s3;
	s0 =	sld [smem:$0x3FAA]  }
0x30: {  	s3 =	sld [smem:$0x3FAD]  }
0x31: {  	[smem:$0x3FB6] =	sst s10  }
0x32: {  	s10 =	sld [smem:$0x3FB4];
	_ =	sdelay $0x3  }
0x33: {  	p0 =	seq.s32 s10, $0x1;
	s10 =	sld [smem:$0x3FB6];
	_ =	sdelay $0x3  }
0x34: {  	[smem:$0x3FB6] =	sst s10  }
0x35: {  	s10 =	sld [smem:$0x3FB5];
	_ =	sdelay $0x3  }
0x36: {  	p1 =	seq.s32 s10, $0x1;
	s10 =	sld [smem:$0x3FB6];
	_ =	sdelay $0x3  }
0x37: {  	[smem:$0x3FB6] =	sst s10  }
0x38: {  	s10 =	sld [smem:$0x3FB7]  }
0x39: {  	_ = 	snop;
	(pc) =	sbr.ind lr, $3  }
0x3a: {  	_ = 	snop  }
0x3b: {  	_ = 	snop  }
0x3c: {  	p2 =	seq.s32 s10, $0x1;
	s10 =	sld [smem:$0x3FB6]  }
0x3d: {  	_ =	shalt  }
0x3e: {  	_ =	shalt  }
0x3f: {  	_ =	shalt  }
0x40: {  	_ =	shalt  }
0x41: {  	_ =	shalt  }
0x42: {  	_ =	shalt  }
0x43: {  	_ =	shalt  }
0x44: {  	_ =	shalt  }
0x45: {  	_ =	shalt  }
0x46: {  	_ =	shalt  }
0x47: {  	_ =	shalt  }
0x48: {  	_ =	shalt  }
0x49: {  	_ =	shalt  }
0x4a: {  	_ =	shalt  }
0x4b: {  	_ =	shalt  }
0x4c: {  	_ =	shalt  }
0x4d: {  	_ =	shalt  }
0x4e: {  	_ =	shalt  }
0x4f: {  	_ =	shalt  }
0x50: {  	_ =	shalt  }
0x51: {  	_ =	shalt  }
0x52: {  	_ =	shalt  }
0x53: {  	_ =	shalt  }
0x54: {  	_ =	shalt  }
0x55: {  	_ =	shalt  }
0x56: {  	_ =	shalt  }
0x57: {  	_ =	shalt  }
0x58: {  	_ =	shalt  }
0x59: {  	_ =	shalt  }
0x5a: {  	_ =	shalt  }
0x5b: {  	_ =	shalt  }
0x5c: {  	_ =	shalt  }
0x5d: {  	_ =	shalt  }
0x5e: {  	_ =	shalt  }
0x5f: {  	_ =	shalt  }
0x60: {  	_ =	shalt  }
0x61: {  	_ =	shalt  }
0x62: {  	_ =	shalt  }
0x63: {  	_ =	shalt  }
0x64: {  	_ =	shalt  }
0x65: {  	_ =	shalt  }
0x66: {  	_ =	shalt  }
0x67: {  	_ =	shalt  }
0x68: {  	_ =	shalt  }
0x69: {  	_ =	shalt  }
0x6a: {  	_ =	shalt  }
0x6b: {  	_ =	shalt  }
0x6c: {  	_ =	shalt  }
0x6d: {  	_ =	shalt  }
0x6e: {  	_ =	shalt  }
0x6f: {  	_ =	shalt  }
0x70: {  	_ =	shalt  }
0x71: {  	_ =	shalt  }
0x72: {  	_ =	shalt  }
0x73: {  	_ =	shalt  }
0x74: {  	_ =	shalt  }
0x75: {  	_ =	shalt  }
0x76: {  	_ =	shalt  }
0x77: {  	_ =	shalt  }
0x78: {  	_ =	shalt  }
0x79: {  	_ =	shalt  }
0x7a: {  	_ =	shalt  }
0x7b: {  	_ =	shalt  }
0x7c: {  	_ =	shalt  }
0x7d: {  	_ =	shalt  }
0x7e: {  	_ =	shalt  }
0x7f: {  	_ =	shalt  }
0x80: {  	_ =	shalt  }
0x81: {  	_ =	shalt  }
0x82: {  	_ =	shalt  }
0x83: {  	_ =	shalt  }
0x84: {  	_ =	shalt  }
0x85: {  	_ =	shalt  }
0x86: {  	_ =	shalt  }
0x87: {  	_ =	shalt  }
.Lfunc_end0:
.L_simem_size_0:
called_computation_lowered:
.L_overlay_start_0:
0x88: {  	s2 =	sld [smem:$0x3FD9]  }
0x89: {  	s3 =	sld [smem:$0x3FFE];
	_ =	sdelay $0x1  }
0x8a: {  	s1 =	srdreg.scid  }
0x8b: {  	s0 =	sand.u32 $0x1, s1  }
0x8c: {  	s17 =	sshll.u32 s0, $0xA;
	s2 =	sadd.s32 s3, s2  }
0x8d: {  	s2 =	sadd.s32 s2, s17  }
0x8e: {  	[smem:$0x3FC2] =	sst s2  }
0x8f: {  	_ = 	snop  }
0x90: {  	s2 =	sld [smem:$0x3FC6]  }
0x91: {  	s18 =	sld [smem:$0x3FD0];
	(tm) =	ssettm $0x1  }
0x92: {  	s4 =	sld [smem:$0x3FFB];
	_ =	sdelay $0x3  }
0x93: {  	_ =	strace s4  }
0x94: {  	s4 =	sld [smem:$0x3FFC];
	_ =	sdelay $0x3  }
0x95: {  	_ =	strace s4  }
0x96: {  	s4 =	sld [smem:$0x3FFD];
	_ =	sdelay $0x3  }
0x97: {  	_ =	strace s4  }
0x98: {  	_ =	strace $0x8FFFFFFF  }
0x99: {  	s19 =	sld [smem:$0x3FDB];
	_ =	sdelay $0x1  }
0x9a: {  	s5 =	simm.s32 $_scs_section_size  }
0x9b: {  	s6 =	simm.s32 $_size__tile_overlayer_lowered;
	s7 =	simm.s32 $_tile_overlayer_lowered  }
0x9c: {  	s22 =	simm.s32 $0x1BFF;
	s21 =	sshll.u32 s7, $0x1;
	s4 =	sadd.s32 s5, s19  }
0x9d: {  	s8 =	simm.s32 $0x0;
	s20 =	sshll.u32 s6, $0x1;
	s6 =	sadd.s32 s21, s4  }
0x9e: {  	[timem:s8], [sflag:s22] =	dma.local [hbm:s6], s20  }
0x9f: {  	_ =	swait.ge [sflag:s22], s20  }
0xa0: {  	s5 =	ssub.s32 $0x0, s20;
	[sflag:s22] =	ssyncset.done $0x0  }
0xa1: {  	[sflag:s22] =	ssyncadd.s32 s5;
	_ =	sdelay $0x1  }
0xa2: {  	s23 =	simm.s32 $0x1B8B  }
0xa3: {  	_ =	swait.ge [sflag:s23], $0x1  }
0xa4: {  	[sflag:s23] =	ssyncset.done $0x0  }
0xa5: {  	s25 =	simm.s32 $0x1B8E;
	s24 =	sld [smem:$0x3FFE];
	[sflag:s23] =	ssyncadd.s32 $0xFFFFFFFF  }
0xa6: {  	s26 =	simm.s32 $execute0_lowered;
	[smem:$0x3FD2] =	sst s25  }
0xa7: {  	s6 =	sshll.u32 s26, $0x1;
	_ =	strace $0x80000046;
	[dreg:$0x1] =	wrdreg $0xFFFFFFFF  }
0xa8: {  	s28 =	simm.s32 $_size_execute0_lowered;
	s4 =	sadd.s32 s4, s6;
	[dreg:$0x0] =	wrdreg $0x0  }
0xa9: {  	s6 =	sshll.u32 s28, $0x1;
	[dreg:$0x2] =	wrdreg s4  }
0xaa: {  	[dreg:$0x3] =	wrdreg s6  }
0xab: {  	[dreg:$0x4] =	wrdreg $0xC0  }
0xac: {  	_ =	task [dreg:s8], $0x5FFFF  }
0xad: {  	[dreg:$0x1] =	wrdreg $0xFFFFFFFF  }
0xae: {  	[dreg:$0x0] =	wrdreg $0x60  }
0xaf: {  	[dreg:$0x2] =	wrdreg s24  }
0xb0: {  	[dreg:$0x3] =	wrdreg s2  }
0xb1: {  	[dreg:$0x4] =	wrdreg s18  }
0xb2: {  	[dreg:$0x5] =	wrdreg $0x1A7700  }
0xb3: {  	[dreg:$0x6] =	wrdreg $0x9  }
0xb4: {  	_ =	task.clear_ibuf [dreg:s8], $0x7FFFF;
	_ =	strace $0x90000046  }
0xb5: {  	s29 =	simm.s32 $0x9;
	_ =	strace $0x80000048  }
0xb6: {  	_ =	swait.ge [sflag:s29], $0x1  }
0xb7: {  	[sflag:s29] =	ssyncadd.s32 $0xFFFFFFFF  }
0xb8: {  	_ =	strace $0x90000048  }
0xb9: {  	_ =	sfence  }
0xba: {  	s30 =	sld [smem:$0x0];
	_ =	sdelay $0x2  }
0xbb: {  	s31 =	sshll.u32 s1, $0xD;
	s1 =	sshrl.u32 s1, $0x2  }
0xbc: {  	s3 =	sand.u32 $0x4000, s31;
	s1 =	sadd.s32 s1, s30  }
0xbd: {  	s0 =	sor.u32 s3, s0;
	s1 =	sshll.u32 s1, $0x11  }
0xbe: {  	s0 =	sor.u32 s1, s0  }
0xbf: {  	s0 =	sadd.s32 $0x8F2B, s0  }
0xc0: {  	[sflag:s0] =	ssyncadd.remote.s32 $0x1  }
0xc1: {  	_ =	sfence.sel $0xFFFF  }
0xc2: {  	[dreg:$0x0] =	wrdreg $0xFFFFFFFF;
	(pc) =	sbr.abs _section_cstart, $3  }
0xc3: {  	[dreg:$0x1] =	wrdreg $0xFFFFFFFF  }
0xc4: {  	_ =	task.clear_ibuf [dreg:s8], $0x2FFFF;
	_ =	strace $0x9FFFFFFF  }
0xc5: {  	(tm) =	ssettm $0x7FFFFFFF  }
tec
execute0_lowered:
.L_overlay_start_1:
0x0: {  	(tag) =	ssettag $0x1  }
0x1: {  	s0 =	srdreg.scid;
	s17 =	stileid.u32  }
0x2: {  	s3 =	rddreg [dreg:$0x0];
	s31 =	simm.s32 $0x3;
	s4 =	sand.u32 $0x1, s0  }
0x3: {  	s29 =	simm.s32 $0x0;
	s1 =	smul.u32 $0x5000, s17;
	s0 =	sshll.u32 s4, $0x4  }
0x4: {  	s6 =	ssub.s32 $0x2, s4;
	s4 =	smul.u32 $0x50000, s4;
	s2 =	sor.u32 s17, s0  }
0x5: {  	s5 =	sadd.s32 $0x4E2E00, s3;
	s8 =	sshrl.u32 s1, $0x3;
	s0 =	smul.u32 $0x514, s2  }
0x6: {  	s9 =	sshrl.u32 s6, $0x1;
	s7 =	smul.u32 $0x2710, s2;
	s4 =	sadd.s32 s1, s4  }
0x7: {  	s10 =	smul.u32 $0x4E20, s2;
	s2 =	ssub.s32 s6, s9;
	s4 =	sshrl.u32 s4, $0x3  }
0x8: {  	s0 =	sadd.s32 s0, s3;
	s3 =	sadd.s32 s8, s3;
	s9 =	sadd.s32 $0x3E8, s7  }
0x9: {  	s26 =	sadd.s32 s5, s10;
	s30 =	sadd.s32 $0x7D0, s7;
	s10 =	sadd.s32 $0xBB8, s7  }
0xa: {  	s11 =	sadd.s32 $0xFA0, s7;
	s12 =	sadd.s32 $0x1388, s7;
	s13 =	sadd.s32 $0x1770, s7  }
0xb: {  	s14 =	sadd.s32 $0x1B58, s7;
	s15 =	sadd.s32 $0x1F40, s7;
	s16 =	sadd.s32 $0x2328, s7  }
0xc: {  	[dreg:$0x5] =	wrdreg s26;
	s28 =	sshll.u32 s9, $0x1;
	s18 =	sshll.u32 s30, $0x1  }
0xd: {  	s19 =	sshll.u32 s10, $0x1;
	s20 =	sshll.u32 s11, $0x1;
	s21 =	sshll.u32 s12, $0x1  }
0xe: {  	s22 =	sshll.u32 s13, $0x1;
	s23 =	sshll.u32 s14, $0x1;
	s24 =	sshll.u32 s15, $0x1  }
0xf: {  	s25 =	sshll.u32 s16, $0x1;
	s26 =	sshrl.u32 s7, $0x3;
	s6 =	sshrl.u32 s9, $0x3  }
0x10: {  	s8 =	sadd.s32 s5, s28;
	s28 =	sshrl.u32 s30, $0x3;
	s30 =	rddreg [dreg:$0x1]  }
0x11: {  	s10 =	sshrl.u32 s10, $0x3;
	[dreg:$0x6] =	wrdreg s8;
	s8 =	sadd.s32 s5, s18  }
0x12: {  	s11 =	sshrl.u32 s11, $0x3;
	s18 =	simm.s32 $0x0;
	[dreg:$0x7] =	wrdreg s8  }
0x13: {  	s3 =	sadd.s32 $0xB200, s3;
	s6 =	sadd.s32 s30, s6;
	[smem:$0x7FF] =	sst s18  }
0x14: {  	s0 =	sadd.s32 $0xE00, s0;
	s9 =	sadd.s32 s30, s28;
	[dreg:$0x10] =	wrdreg s6  }
0x15: {  	s7 =	simm.s32 $0xAF00;
	s8 =	sadd.s32 s5, s19;
	[dreg:$0x11] =	wrdreg s9  }
0x16: {  	s28 =	sshll.u32 s17, $0x6;
	s19 =	sadd.s32 s30, s11;
	[dreg:$0x8] =	wrdreg s8  }
0x17: {  	s18 =	sshrl.u32 s12, $0x3;
	s8 =	sadd.s32 s5, s20;
	[dreg:$0x13] =	wrdreg s19  }
0x18: {  	s17 =	simm.s32 $0x11300;
	s20 =	sadd.s32 s30, s18;
	[dreg:$0x9] =	wrdreg s8  }
0x19: {  	s9 =	simm.s32 $0xC800;
	s8 =	sadd.s32 s5, s21;
	[dreg:$0x14] =	wrdreg s20  }
0x1a: {  	s11 =	simm.s32 $0xD480;
	[dreg:$0xa] =	wrdreg s8;
	s8 =	sadd.s32 s5, s22  }
0x1b: {  	s12 =	simm.s32 $0xE100;
	s22 =	sshrl.u32 s14, $0x3;
	[dreg:$0xb] =	wrdreg s8  }
0x1c: {  	s8 =	sadd.s32 s5, s23;
	s23 =	sadd.s32 s30, s22;
	s22 =	rddreg [dreg:$0x3]  }
0x1d: {  	s18 =	simm.s32 $0x11F80;
	s19 =	simm.s32 $0x12C00;
	[dreg:$0xc] =	wrdreg s8  }
0x1e: {  	s21 =	sshrl.u32 s13, $0x3;
	s13 =	simm.s32 $0xED80;
	[dreg:$0x16] =	wrdreg s23  }
0x1f: {  	s8 =	sadd.s32 s5, s24;
	s5 =	sadd.s32 s5, s25;
	s25 =	rddreg [dreg:$0x2]  }
0x20: {  	s20 =	simm.s32 $0x13880;
	s14 =	simm.s32 $0x2;
	[dreg:$0xd] =	wrdreg s8  }
0x21: {  	s24 =	sshrl.u32 s15, $0x3;
	[dreg:$0xe] =	wrdreg s5;
	s5 =	sadd.s32 s30, s26  }
0x22: {  	s1 =	sadd.s32 s1, s22;
	s4 =	sadd.s32 s25, s4;
	[dreg:$0xf] =	wrdreg s5  }
0x23: {  	s26 =	sshrl.u32 s16, $0x3;
	s5 =	sadd.s32 s30, s10;
	[dreg:$0x19] =	wrdreg s4  }
0x24: {  	s15 =	simm.s32 $0xFA00;
	s6 =	sadd.s32 s30, s26;
	[dreg:$0x12] =	wrdreg s5  }
0x25: {  	s23 =	simm.s32 $0x14500;
	s5 =	sadd.s32 s30, s21;
	[dreg:$0x18] =	wrdreg s6  }
0x26: {  	s8 =	simm.s32 $0xBB80;
	[dreg:$0x15] =	wrdreg s5;
	s5 =	sadd.s32 s30, s24  }
0x27: {  	s16 =	simm.s32 $0x10680;
	s25 =	simm.s32 $0x15E00;
	[dreg:$0x17] =	wrdreg s5  }
0x28: {  	s4 =	sor.u32 $0x1C03, s28;
	_ =	strace $0x80000047;
	[dreg:$0x1a] =	wrdreg s1  }
0x29: {  	s26 =	simm.s32 $0x16A80;
	s21 =	simm.s32 $0x1;
	[dreg:$0x1b] =	wrdreg s3  }
0x2a: {  	s6 =	simm.s32 $0xA280;
	s30 =	smax.u32 s2, $0x1;
	[dreg:$0x1d] =	wrdreg s0  }
0x2b: {  	v0 =	vimm.f32 $0.0e+00;
	vm0 =	vcmask $0x300;
	v1 =	vimm.s32 $0x0;
	s2 =	simm.s32 $0x64;
	s24 =	simm.s32 $0x15180;
	[dreg:$0x1e] =	wrdreg s30  }
0x2c: {  	v0 =	vsel vm0, $0x3F800000, v0;
	v1 =	vsel vm0, $0x3, v1;
	s0 =	simm.s32 $0x17700;
	s1 =	simm.s32 $0x17AE8;
	[dreg:$0x1c] =	wrdreg s4  }
.LBB2_1:
0x2d: {  	s3 =	rddreg [dreg:$0x1a]  }
0x2e: {  	s10 =	rddreg [dreg:$0x1b];
	s30 =	sshrl.u32 s3, $0x3  }
0x2f: {  	[spmem:s30], [sflag:s4] =	dma.local [hbm:s10], $0xA00  }
0x30: {  	_ =	swait.ge [sflag:s31], $0xA00  }
0x31: {  	s5 =	simm.s32 $0x17ED0;
	[sflag:s31] =	ssyncset.done $0x0  }
0x32: {  	s4 =	simm.s32 $0x0;
	s10 =	rddreg [dreg:$0x1d];
	[sflag:s31] =	ssyncadd.s32 $0xFFFFF600  }
0x33: {  	[tilespmem:s5], [sflag:$0x3] =	stream.linear.gather [hbm4b:s10+s4], $0x28A0, $0x38;
	[tilespmem:$0x1F770] =	vst v63  }
0x34: {  	_ =	swait.ge [sflag:s31], $0x28A0  }
0x35: {  	[sflag:s31] =	ssyncset.done $0x0  }
0x36: {  	s10 =	simm.s32 $0x7D90;
	[sflag:s31] =	ssyncadd.s32 $0xFFFFD760  }
0x37: {  	[tilespmem:s10+$0xFFFFFFA0] =	vst v0  }
0x38: {  	[tilespmem:s10+$0xFFFFFFC0] =	vst v0  }
0x39: {  	[tilespmem:s10+$0xFFFFFFE0] =	vst v0  }
0x3a: {  	[tilespmem:s10+$0x0] =	vst v0  }
0x3b: {  	[tilespmem:s10+$0x20] =	vst v0  }
0x3c: {  	[tilespmem:s10+$0x40] =	vst v0  }
0x3d: {  	[tilespmem:s10+$0x60] =	vst v0  }
0x3e: {  	s3 =	simm.s32 $0xFA90;
	[tilespmem:s10+$0xFFFFFF80] =	vst v0  }
0x3f: {  	[tilespmem:s3+$0xFFFFFFA0] =	vst v0  }
0x40: {  	[tilespmem:s3+$0xFFFFFFC0] =	vst v0  }
0x41: {  	[tilespmem:s3+$0xFFFFFFE0] =	vst v0  }
0x42: {  	[tilespmem:s3+$0x0] =	vst v0  }
0x43: {  	[tilespmem:s3+$0x20] =	vst v0  }
0x44: {  	[tilespmem:s3+$0x40] =	vst v0  }
0x45: {  	[tilespmem:s3+$0x60] =	vst v0  }
0x46: {  	s28 =	simm.s32 $0x7E90;
	s10 =	simm.s32 $0x0;
	[tilespmem:s3+$0xFFFFFF80] =	vst v0  }
.LBB2_2:
0x47: {  	[tilespmem:s28+$0xFFFFFFA0] =	vst v0;
	s3 =	sadd.s32 $0x100, s3  }
0x48: {  	[tilespmem:s3+$0xFFFFFFA0] =	vst v0  }
0x49: {  	[tilespmem:s28+$0xFFFFFFC0] =	vst v0  }
0x4a: {  	[tilespmem:s3+$0xFFFFFFC0] =	vst v0  }
0x4b: {  	[tilespmem:s28+$0xFFFFFFE0] =	vst v0  }
0x4c: {  	[tilespmem:s3+$0xFFFFFFE0] =	vst v0  }
0x4d: {  	[tilespmem:s28+$0x0] =	vst v0  }
0x4e: {  	[tilespmem:s3+$0x0] =	vst v0  }
0x4f: {  	[tilespmem:s28+$0x20] =	vst v0  }
0x50: {  	s10 =	sadd.s32 $0x8, s10;
	[tilespmem:s3+$0x20] =	vst v0  }
0x51: {  	p0 =	slt.u32 s10, $0x3E0;
	[tilespmem:s28+$0x40] =	vst v0  }
.Ltmp0:
0x52: {  	[tilespmem:s3+$0x40] =	vst v0;
	(pc) =	sbr.rel @p0 .LBB2_2-.Ltmp0, $4  }
0x53: {  	[tilespmem:s28+$0x60] =	vst v0  }
0x54: {  	[tilespmem:s3+$0x60] =	vst v0  }
0x55: {  	[tilespmem:s28+$0xFFFFFF80] =	vst v0  }
0x56: {  	s28 =	sadd.s32 $0x100, s28;
	[tilespmem:s3+$0xFFFFFF80] =	vst v0  }
0x57: {  	[bflag:$0x0] =	sbarrier.arrive $0xFFFF  }
0x58: {  	s3 =	simm.s32 $0x0;
	s4 =	rddreg [dreg:$0x5]  }
0x59: {  	[tilespmem:s3], [sflag:$0x1] =	stream.linear.gather [hbm4b:s4+s3], $0x3E80, $0x38;
	[tilespmem:$0x1F770] =	vst v63  }
0x5a: {  	s5 =	simm.s32 $0x1;
	s10 =	rddreg [dreg:$0xf]  }
0x5b: {  	[tilespmem:s0], [sflag:$0x1] =	stream.linear.gather [hbm4b:s10+s3], $0x3E8, $0x38;
	[tilespmem:$0x1F770] =	vst v63  }
0x5c: {  	v3 =	vmov s5;
	s5 =	simm.s32 $0x3;
	s10 =	simm.s32 $0x2  }
0x5d: {  	s28 =	simm.s32 $0x4;
	v2 =	vmov s3;
	v5 =	vmov s5;
	s5 =	simm.s32 $0x6;
	v4 =	vmov s10;
	s10 =	simm.s32 $0x5  }
0x5e: {  	v6 =	vmov s28;
	v8 =	vmov s5;
	s5 =	simm.s32 $0x3E80;
	v7 =	vmov s10;
	s10 =	rddreg [dreg:$0x6]  }
0x5f: {  	v2 =	vshrl.u32 v2, $0x3;
	v3 =	vshrl.u32 v3, $0x3;
	v6 =	vshrl.u32 v6, $0x3;
	[tilespmem:s5], [sflag:$0x1] =	stream.linear.gather [hbm4b:s10+s3], $0x3E80, $0x38;
	[tilespmem:$0x1F770] =	vst v63  }
0x60: {  	v2 =	vshll.u32 v2, v1;
	v5 =	vshrl.u32 v5, $0x3;
	v3 =	vshll.u32 v3, v1;
	s10 =	rddreg [dreg:$0x10]  }
0x61: {  	v6 =	vshll.u32 v6, v1;
	v8 =	vshrl.u32 v8, $0x3;
	v4 =	vshrl.u32 v4, $0x3;
	[tilespmem:s1], [sflag:$0x1] =	stream.linear.gather [hbm4b:s10+s3], $0x3E8, $0x38;
	[tilespmem:$0x1F770] =	vst v63  }
0x62: {  	v2 =	vbroadcast v2, $0x0;
	v3 =	vadd.s32 $0x1, v3;
	v4 =	vshll.u32 v4, v1;
	_ =	swait.ge [sflag:s21], $0x3E80  }
0x63: {  	v5 =	vshll.u32 v5, v1;
	v3 =	vbroadcast v3, $0x0;
	v4 =	vadd.s32 $0x2, v4;
	[sflag:s21] =	ssyncset.done $0x0  }
0x64: {  	v5 =	vadd.s32 $0x3, v5;
	v7 =	vshrl.u32 v7, $0x3;
	v4 =	vbroadcast v4, $0x0;
	[sflag:s21] =	ssyncadd.s32 $0xFFFFC180  }
0x65: {  	v6 =	vadd.s32 $0x4, v6;
	v5 =	vbroadcast v5, $0x0;
	v7 =	vshll.u32 v7, v1;
	_ =	swait.ge [sflag:s21], $0x3E8  }
0x66: {  	v8 =	vshll.u32 v8, v1;
	v6 =	vbroadcast v6, $0x0;
	s5 =	simm.s32 $0x7;
	v7 =	vadd.s32 $0x5, v7;
	[sflag:s21] =	ssyncset.done $0x0  }
0x67: {  	v8 =	vadd.s32 $0x6, v8;
	v9 =	vmov s5;
	v7 =	vbroadcast v7, $0x0;
	[sflag:s21] =	ssyncadd.s32 $0xFFFFFC18  }
0x68: {  	v8 =	vbroadcast v8, $0x0;
	v9 =	vshrl.u32 v9, $0x3;
	v2 =	vld.idx.msk [tilespmem:v2+s0+$0x0], $0xffff  }
0x69: {  	s4 =	simm.s32 $0x9;
	v9 =	vshll.u32 v9, v1;
	v3 =	vld.idx.msk [tilespmem:v3+s0+$0x0], $0xffff  }
0x6a: {  	v11 =	vmov s4;
	s4 =	simm.s32 $0xC;
	v9 =	vadd.s32 $0x7, v9;
	v4 =	vld.idx.msk [tilespmem:v4+s0+$0x0], $0xffff  }
0x6b: {  	v14 =	vmov s4;
	v11 =	vshrl.u32 v11, $0x3;
	v9 =	vbroadcast v9, $0x0;
	v5 =	vld.idx.msk [tilespmem:v5+s0+$0x0], $0xffff  }
0x6c: {  	v14 =	vshrl.u32 v14, $0x3;
	v11 =	vshll.u32 v11, v1;
	s5 =	simm.s32 $0xB;
	v6 =	vld.idx.msk [tilespmem:v6+s0+$0x0], $0xffff  }
0x6d: {  	v14 =	vshll.u32 v14, v1;
	v11 =	vadd.s32 $0x1, v11;
	s10 =	simm.s32 $0x8;
	v13 =	vmov s5;
	s5 =	simm.s32 $0xD;
	v7 =	vld.idx.msk [tilespmem:v7+s0+$0x0], $0xffff  }
0x6e: {  	v14 =	vadd.s32 $0x4, v14;
	v10 =	vmov s10;
	v15 =	vmov s5;
	s5 =	simm.s32 $0x40;
	v8 =	vld.idx.msk [tilespmem:v8+s0+$0x0], $0xffff  }
0x6f: {  	v11 =	vbroadcast v11, $0x0;
	v14 =	vbroadcast v14, $0x0;
	s10 =	simm.s32 $0xA;
	v10 =	vshrl.u32 v10, $0x3;
	v17 =	vld [tilespmem:s5+$0x30]  }
0x70: {  	v13 =	vshrl.u32 v13, $0x3;
	v12 =	vmov s10;
	v10 =	vshll.u32 v10, v1;
	v18 =	vld [tilespmem:s5+$0xFFFFFFC0]  }
0x71: {  	s10 =	simm.s32 $0xE;
	v15 =	vshrl.u32 v15, $0x3;
	v12 =	vshrl.u32 v12, $0x3;
	v10 =	vbroadcast v10, $0x0;
	v9 =	vld.idx.msk [tilespmem:v9+s0+$0x0], $0xffff  }
0x72: {  	v13 =	vshll.u32 v13, v1;
	v16 =	vmov s10;
	v12 =	vshll.u32 v12, v1;
	v19 =	vld [tilespmem:s5+$0xFFFFFFD0]  }
0x73: {  	v15 =	vshll.u32 v15, v1;
	v13 =	vadd.s32 $0x3, v13;
	v12 =	vadd.s32 $0x2, v12;
	v20 =	vld [tilespmem:s5+$0xFFFFFFE0]  }
0x74: {  	s10 =	simm.s32 $0xF;
	v16 =	vshrl.u32 v16, $0x3;
	v15 =	vadd.s32 $0x5, v15;
	v12 =	vbroadcast v12, $0x0;
	v21 =	vld [tilespmem:s5+$0xFFFFFFF0]  }
0x75: {  	v13 =	vbroadcast v13, $0x0;
	v22 =	vmov s10;
	v16 =	vshll.u32 v16, v1;
	v24 =	vld [tilespmem:s5+$0x20]  }
0x76: {  	v16 =	vadd.s32 $0x6, v16;
	v23 =	vld [tilespmem:s5+$0x0];
	v9 =	vmul.f32 v17, v9;
	v17 =	vshrl.u32 v22, $0x3  }
0x77: {  	v18 =	vmul.f32 v18, v2;
	v2 =	vld.idx.msk [tilespmem:v10+s0+$0x0], $0xffff;
	v10 =	vbroadcast v16, $0x0;
	v17 =	vshll.u32 v17, v1  }
0x78: {  	s4 =	simm.s32 $0x10;
	v15 =	vbroadcast v15, $0x0;
	v19 =	vmul.f32 v19, v3;
	v22 =	vld [tilespmem:s5+$0x10];
	v16 =	vadd.s32 $0x7, v17  }
0x79: {  	v3 =	vld.idx.msk [tilespmem:v11+s0+$0x0], $0xffff;
	v17 =	vmul.f32 v20, v4;
	v4 =	vmov s4;
	v11 =	vbroadcast v16, $0x0  }
0x7a: {  	s10 =	simm.s32 $0x12;
	v24 =	vmul.f32 v24, v8;
	s5 =	simm.s32 $0x11;
	v16 =	vmul.f32 v21, v5;
	v20 =	vshrl.u32 v4, $0x3;
	v4 =	vld.idx.msk [tilespmem:v12+s0+$0x0], $0xffff  }
0x7b: {  	s28 =	simm.s32 $0x7D80;
	v12 =	vmul.f32 v23, v6;
	v21 =	vmov s5;
	v23 =	vmov s10;
	s5 =	simm.s32 $0x13;
	s10 =	simm.s32 $0x14;
	v5 =	vld.idx.msk [tilespmem:v13+s0+$0x0], $0xffff  }
0x7c: {  	[tilespmem:s28+$0xFFFFFF80] =	vst v18;
	v6 =	vld.idx.msk [tilespmem:v14+s0+$0x0], $0xffff;
	v13 =	vmov s5;
	v25 =	vmov s10;
	s5 =	simm.s32 $0x15;
	v14 =	vshll.u32 v20, v1  }
0x7d: {  	[tilespmem:s28+$0x60] =	vst v9;
	s10 =	simm.s32 $0x16;
	v18 =	vshrl.u32 v23, $0x3;
	v8 =	vld.idx.msk [tilespmem:v10+s0+$0x0], $0xffff;
	v22 =	vmul.f32 v22, v7;
	v9 =	vmov s5  }
0x7e: {  	v20 =	vmov s10;
	v7 =	vld.idx.msk [tilespmem:v15+s0+$0x0], $0xffff;
	v15 =	vshrl.u32 v21, $0x3;
	v13 =	vshrl.u32 v13, $0x3  }
0x7f: {  	[tilespmem:s28+$0xFFFFFFA0] =	vst v19;
	v19 =	vshrl.u32 v25, $0x3;
	s10 =	simm.s32 $0xC0;
	v10 =	vbroadcast v14, $0x0;
	v21 =	vshrl.u32 v9, $0x3;
	v9 =	vld.idx.msk [tilespmem:v11+s0+$0x0], $0xffff  }
0x80: {  	[tilespmem:s28+$0x40] =	vst v24;
	v20 =	vshrl.u32 v20, $0x3;
	v14 =	vshll.u32 v15, v1;
	v15 =	vshll.u32 v18, v1;
	v11 =	vld [tilespmem:s10+$0x30]  }
0x81: {  	[tilespmem:s28+$0xFFFFFFC0] =	vst v17;
	v17 =	vshll.u32 v13, v1;
	v18 =	vshll.u32 v19, v1;
	v13 =	vld [tilespmem:s10+$0xFFFFFFC0];
	v19 =	vshll.u32 v21, v1  }
0x82: {  	[tilespmem:s28+$0x0] =	vst v12;
	v12 =	vadd.s32 $0x1, v14;
	v15 =	vadd.s32 $0x2, v15;
	v23 =	vshll.u32 v20, v1;
	v14 =	vld [tilespmem:s10+$0xFFFFFFD0]  }
0x83: {  	[tilespmem:s28+$0xFFFFFFE0] =	vst v16;
	v21 =	vadd.s32 $0x3, v17;
	v20 =	vadd.s32 $0x4, v18;
	v16 =	vbroadcast v12, $0x0;
	v12 =	vld [tilespmem:s10+$0xFFFFFFE0]  }
0x84: {  	s3 =	simm.s32 $0x18;
	s4 =	simm.s32 $0x17;
	[tilespmem:s28+$0x20] =	vst v22;
	v17 =	vbroadcast v15, $0x0;
	v19 =	vadd.s32 $0x5, v19;
	v18 =	vadd.s32 $0x6, v23;
	v15 =	vld [tilespmem:s10+$0xFFFFFFF0]  }
.LBB2_4:
0x85: {  	p0 =	slt.u32 s3, $0x3E0;
	v21 =	vbroadcast v21, $0x0;
	v22 =	vmov s4;
	v23 =	vld [tilespmem:s10+$0x0];
	v9 =	vmul.f32 v11, v9  }
0x86: {  	v11 =	vbroadcast v20, $0x0;
	s28 =	sadd.s32 $0x100, s28;
	v20 =	vshrl.u32 v22, $0x3;
	v13 =	vmul.f32 v13, v2;
	v22 =	vld [tilespmem:s10+$0x10]  }
0x87: {  	v19 =	vbroadcast v19, $0x0;
	v20 =	vshll.u32 v20, v1;
	v14 =	vmul.f32 v14, v3;
	v24 =	vld [tilespmem:s10+$0x20];
	[tilespmem:s28+$0x60] =	vst v9  }
0x88: {  	v9 =	vbroadcast v18, $0x0;
	v2 =	vld.idx.msk [tilespmem:v10+s0+$0x0], $0xffff;
	v10 =	vadd.s32 $0x7, v20;
	[tilespmem:s28+$0xFFFFFF80] =	vst v13;
	v12 =	vmul.f32 v12, v4  }
0x89: {  	v4 =	vmov s3;
	v3 =	vld.idx.msk [tilespmem:v16+s0+$0x0], $0xffff;
	v10 =	vbroadcast v10, $0x0;
	[tilespmem:s28+$0xFFFFFFA0] =	vst v14;
	v13 =	vmul.f32 v15, v5  }
0x8a: {  	s4 =	sadd.s32 $0x1, s3;
	s5 =	sadd.s32 $0x2, s3;
	v14 =	vshrl.u32 v4, $0x3;
	v4 =	vld.idx.msk [tilespmem:v17+s0+$0x0], $0xffff;
	[tilespmem:s28+$0xFFFFFFC0] =	vst v12;
	v12 =	vmul.f32 v23, v6  }
0x8b: {  	v15 =	vmov s4;
	v16 =	vmov s5;
	s4 =	sadd.s32 $0x3, s3;
	s5 =	sadd.s32 $0x4, s3;
	v5 =	vld.idx.msk [tilespmem:v21+s0+$0x0], $0xffff;
	[tilespmem:s28+$0xFFFFFFE0] =	vst v13;
	v13 =	vmul.f32 v22, v7  }
0x8c: {  	v17 =	vmov s4;
	v18 =	vmov s5;
	s4 =	sadd.s32 $0x5, s3;
	s5 =	sadd.s32 $0x6, s3;
	v6 =	vld.idx.msk [tilespmem:v11+s0+$0x0], $0xffff;
	[tilespmem:s28+$0x0] =	vst v12;
	v11 =	vmul.f32 v24, v8  }
0x8d: {  	v20 =	vmov s5;
	v12 =	vshll.u32 v14, v1;
	v14 =	vmov s4;
	v7 =	vld.idx.msk [tilespmem:v19+s0+$0x0], $0xffff;
	[tilespmem:s28+$0x20] =	vst v13  }
0x8e: {  	v13 =	vshrl.u32 v15, $0x3;
	v15 =	vshrl.u32 v16, $0x3;
	v16 =	vshrl.u32 v17, $0x3;
	v8 =	vld.idx.msk [tilespmem:v9+s0+$0x0], $0xffff;
	[tilespmem:s28+$0x40] =	vst v11  }
0x8f: {  	s10 =	sadd.s32 $0x80, s10;
	v17 =	vshrl.u32 v18, $0x3;
	v14 =	vshrl.u32 v14, $0x3;
	v18 =	vshrl.u32 v20, $0x3;
	v9 =	vld.idx.msk [tilespmem:v10+s0+$0x0], $0xffff  }
.Ltmp1:
0x90: {  	v15 =	vshll.u32 v15, v1;
	v10 =	vbroadcast v12, $0x0;
	v12 =	vshll.u32 v13, v1;
	v11 =	vld [tilespmem:s10+$0x30];
	(pc) =	sbr.rel @p0 .LBB2_4-.Ltmp1, $4  }
0x91: {  	v19 =	vshll.u32 v16, v1;
	v17 =	vshll.u32 v17, v1;
	v22 =	vshll.u32 v14, v1;
	v13 =	vld [tilespmem:s10+$0xFFFFFFC0]  }
0x92: {  	v18 =	vshll.u32 v18, v1;
	v15 =	vadd.s32 $0x2, v15;
	v12 =	vadd.s32 $0x1, v12;
	v14 =	vld [tilespmem:s10+$0xFFFFFFD0]  }
0x93: {  	v21 =	vadd.s32 $0x3, v19;
	v20 =	vadd.s32 $0x4, v17;
	v16 =	vbroadcast v12, $0x0;
	v12 =	vld [tilespmem:s10+$0xFFFFFFE0]  }
0x94: {  	s4 =	sadd.s32 $0x7, s3;
	s3 =	sadd.s32 $0x8, s3;
	v19 =	vadd.s32 $0x5, v22;
	v18 =	vadd.s32 $0x6, v18;
	v17 =	vbroadcast v15, $0x0;
	v15 =	vld [tilespmem:s10+$0xFFFFFFF0]  }
0x95: {  	_ = 	snop  }
0x96: {  	v23 =	vld [tilespmem:s10+$0x0]  }
0x97: {  	v24 =	vld [tilespmem:s10+$0x10]  }
0x98: {  	v25 =	vld [tilespmem:s10+$0x20]  }
0x99: {  	v21 =	vbroadcast v21, $0x0;
	v22 =	vmov s4;
	v10 =	vld.idx.msk [tilespmem:v10+s0+$0x0], $0xffff  }
0x9a: {  	v20 =	vbroadcast v20, $0x0;
	v16 =	vld.idx.msk [tilespmem:v16+s0+$0x0], $0xffff;
	v22 =	vshrl.u32 v22, $0x3;
	v2 =	vmul.f32 v13, v2  }
0x9b: {  	v19 =	vbroadcast v19, $0x0;
	s3 =	sadd.s32 $0x100, s28;
	s10 =	sadd.s32 $0x80, s10;
	v17 =	vld.idx.msk [tilespmem:v17+s0+$0x0], $0xffff;
	v22 =	vshll.u32 v22, v1;
	v3 =	vmul.f32 v14, v3  }
0x9c: {  	v22 =	vadd.s32 $0x7, v22;
	[tilespmem:s3+$0xFFFFFF80] =	vst v2;
	v2 =	vmul.f32 v12, v4;
	v4 =	vld [tilespmem:s10+$0x30]  }
0x9d: {  	v22 =	vbroadcast v22, $0x0;
	[tilespmem:s3+$0xFFFFFFA0] =	vst v3;
	v3 =	vmul.f32 v15, v5;
	v5 =	vld [tilespmem:s10+$0xFFFFFFC0]  }
0x9e: {  	[tilespmem:s3+$0xFFFFFFC0] =	vst v2;
	v2 =	vmul.f32 v23, v6;
	v6 =	vld [tilespmem:s10+$0xFFFFFFD0]  }
0x9f: {  	v18 =	vbroadcast v18, $0x0;
	v9 =	vmul.f32 v11, v9;
	v21 =	vld.idx.msk [tilespmem:v21+s0+$0x0], $0xffff  }
0xa0: {  	v20 =	vld.idx.msk [tilespmem:v20+s0+$0x0], $0xffff  }
0xa1: {  	[tilespmem:s3+$0x60] =	vst v9;
	v11 =	vld.idx.msk [tilespmem:v19+s0+$0x0], $0xffff  }
0xa2: {  	[tilespmem:s3+$0xFFFFFFE0] =	vst v3;
	v3 =	vmul.f32 v24, v7;
	v7 =	vld [tilespmem:s10+$0xFFFFFFE0]  }
0xa3: {  	[tilespmem:s3+$0x0] =	vst v2;
	v2 =	vmul.f32 v25, v8;
	v9 =	vld.idx.msk [tilespmem:v22+s0+$0x0], $0xffff  }
0xa4: {  	[tilespmem:s3+$0x20] =	vst v3;
	v3 =	vld [tilespmem:s10+$0x0]  }
0xa5: {  	v13 =	vld.idx.msk [tilespmem:v18+s0+$0x0], $0xffff;
	[tilespmem:s3+$0x40] =	vst v2;
	v2 =	vmul.f32 v5, v10  }
0xa6: {  	v5 =	vld [tilespmem:s10+$0x10];
	s3 =	sadd.s32 $0x100, s3  }
0xa7: {  	v8 =	vld [tilespmem:s10+$0xFFFFFFF0];
	[tilespmem:s3+$0xFFFFFF80] =	vst v2;
	v2 =	vmul.f32 v7, v17  }
0xa8: {  	v6 =	vmul.f32 v6, v16;
	v4 =	vmul.f32 v4, v9;
	v9 =	vld [tilespmem:s10+$0x20]  }
0xa9: {  	[tilespmem:s3+$0xFFFFFFC0] =	vst v2;
	v2 =	vmul.f32 v3, v20  }
0xaa: {  	[tilespmem:s3+$0xFFFFFFA0] =	vst v6  }
0xab: {  	v3 =	vmul.f32 v5, v11;
	[tilespmem:s3+$0x0] =	vst v2  }
0xac: {  	[tilespmem:s3+$0x60] =	vst v4;
	v4 =	vmul.f32 v8, v21  }
0xad: {  	[tilespmem:s3+$0x20] =	vst v3;
	v2 =	vmul.f32 v9, v13  }
0xae: {  	[tilespmem:s3+$0xFFFFFFE0] =	vst v4  }
0xaf: {  	s5 =	simm.s32 $0x17ED0;
	s10 =	simm.s32 $0x7D00;
	[tilespmem:s3+$0x40] =	vst v2  }
0xb0: {  	[spmem:s22] =	stream.indirect.scatter.add.f32 [tilespmem:s10], [sflag:$0x2], $0x20, s5, s2, $0xb8;
	[tilespmem:$0x1F770] =	vst v63  }
0xb1: {  	s5 =	simm.s32 $0x17F38;
	s10 =	simm.s32 $0x8980  }
0xb2: {  	[spmem:s22] =	stream.indirect.scatter.add.f32 [tilespmem:s10], [sflag:$0x2], $0x20, s5, s2, $0xb8;
	[tilespmem:$0x1F770] =	vst v63  }
0xb3: {  	s5 =	simm.s32 $0x17FA0;
	s10 =	simm.s32 $0x9600  }
0xb4: {  	[spmem:s22] =	stream.indirect.scatter.add.f32 [tilespmem:s10], [sflag:$0x2], $0x20, s5, s2, $0xb8;
	[tilespmem:$0x1F770] =	vst v63  }
0xb5: {  	s5 =	simm.s32 $0x18008  }
0xb6: {  	[spmem:s22] =	stream.indirect.scatter.add.f32 [tilespmem:s6], [sflag:$0x2], $0x20, s5, s2, $0xb8;
	[tilespmem:$0x1F770] =	vst v63  }
0xb7: {  	s10 =	simm.s32 $0x18070  }
0xb8: {  	[spmem:s22] =	stream.indirect.scatter.add.f32 [tilespmem:s7], [sflag:$0x2], $0x20, s10, s2, $0xb8;
	[tilespmem:$0x1F770] =	vst v63  }
0xb9: {  	s4 =	simm.s32 $0x180D8  }
0xba: {  	[spmem:s22] =	stream.indirect.scatter.add.f32 [tilespmem:s8], [sflag:$0x2], $0x20, s4, s2, $0xb8;
	[tilespmem:$0x1F770] =	vst v63  }
0xbb: {  	s5 =	simm.s32 $0x18140  }
0xbc: {  	[spmem:s22] =	stream.indirect.scatter.add.f32 [tilespmem:s9], [sflag:$0x2], $0x20, s5, s2, $0xb8;
	[tilespmem:$0x1F770] =	vst v63  }
0xbd: {  	s10 =	simm.s32 $0x181A8  }
0xbe: {  	[spmem:s22] =	stream.indirect.scatter.add.f32 [tilespmem:s11], [sflag:$0x2], $0x20, s10, s2, $0xb8;
	[tilespmem:$0x1F770] =	vst v63  }
0xbf: {  	s4 =	simm.s32 $0x18210  }
0xc0: {  	[spmem:s22] =	stream.indirect.scatter.add.f32 [tilespmem:s12], [sflag:$0x2], $0x20, s4, s2, $0xb8;
	[tilespmem:$0x1F770] =	vst v63  }
0xc1: {  	s5 =	simm.s32 $0x18278  }
0xc2: {  	[spmem:s22] =	stream.indirect.scatter.add.f32 [tilespmem:s13], [sflag:$0x2], $0x20, s5, s2, $0xb8;
	[tilespmem:$0x1F770] =	vst v63  }
0xc3: {  	_ =	swait.ge [sflag:s14], $0xC80  }
0xc4: {  	[sflag:s14] =	ssyncset.done $0x0  }
0xc5: {  	[sflag:s14] =	ssyncadd.s32 $0xFFFFF380  }
0xc6: {  	_ =	swait.ge [sflag:s14], $0xC80  }
0xc7: {  	[sflag:s14] =	ssyncset.done $0x0  }
0xc8: {  	[sflag:s14] =	ssyncadd.s32 $0xFFFFF380  }
0xc9: {  	_ =	swait.ge [sflag:s14], $0xC80  }
0xca: {  	[sflag:s14] =	ssyncset.done $0x0  }
0xcb: {  	[sflag:s14] =	ssyncadd.s32 $0xFFFFF380  }
0xcc: {  	_ =	swait.ge [sflag:s14], $0xC80  }
0xcd: {  	[sflag:s14] =	ssyncset.done $0x0  }
0xce: {  	[sflag:s14] =	ssyncadd.s32 $0xFFFFF380  }
0xcf: {  	_ =	swait.ge [sflag:s14], $0xC80  }
0xd0: {  	[sflag:s14] =	ssyncset.done $0x0  }
0xd1: {  	[sflag:s14] =	ssyncadd.s32 $0xFFFFF380  }
0xd2: {  	_ =	swait.ge [sflag:s14], $0xC80  }
0xd3: {  	[sflag:s14] =	ssyncset.done $0x0  }
0xd4: {  	[sflag:s14] =	ssyncadd.s32 $0xFFFFF380  }
0xd5: {  	_ =	swait.ge [sflag:s14], $0xC80  }
0xd6: {  	[sflag:s14] =	ssyncset.done $0x0  }
0xd7: {  	[sflag:s14] =	ssyncadd.s32 $0xFFFFF380  }
0xd8: {  	_ =	swait.ge [sflag:s14], $0xC80  }
0xd9: {  	[sflag:s14] =	ssyncset.done $0x0  }
0xda: {  	[sflag:s14] =	ssyncadd.s32 $0xFFFFF380  }
0xdb: {  	_ =	swait.ge [sflag:s14], $0xC80  }
0xdc: {  	[sflag:s14] =	ssyncset.done $0x0  }
0xdd: {  	s3 =	simm.s32 $0x0;
	s10 =	simm.s32 $0x1;
	[sflag:s14] =	ssyncadd.s32 $0xFFFFF380  }
0xde: {  	v2 =	vmov s3;
	v3 =	vmov s10;
	s10 =	simm.s32 $0x4;
	s5 =	simm.s32 $0x2;
	_ =	swait.ge [sflag:s14], $0xC80  }
0xdf: {  	v2 =	vshrl.u32 v2, $0x3;
	s4 =	simm.s32 $0x3;
	v4 =	vmov s5;
	s5 =	simm.s32 $0x5;
	[sflag:s14] =	ssyncset.done $0x0  }
0xe0: {  	v2 =	vshll.u32 v2, v1;
	v6 =	vmov s10;
	s10 =	simm.s32 $0x6;
	v7 =	vmov s5;
	s5 =	rddreg [dreg:$0x7];
	[sflag:s14] =	ssyncadd.s32 $0xFFFFF380  }
0xe1: {  	v2 =	vbroadcast v2, $0x0;
	v3 =	vshrl.u32 v3, $0x3;
	v5 =	vmov s4;
	[tilespmem:s3], [sflag:$0x1] =	stream.linear.gather [hbm4b:s5+s3], $0x3E80, $0x38;
	[tilespmem:$0x1F770] =	vst v63  }
0xe2: {  	v8 =	vmov s10;
	v6 =	vshrl.u32 v6, $0x3;
	v3 =	vshll.u32 v3, v1;
	s10 =	rddreg [dreg:$0x11]  }
0xe3: {  	v5 =	vshrl.u32 v5, $0x3;
	v8 =	vshrl.u32 v8, $0x3;
	v4 =	vshrl.u32 v4, $0x3;
	[tilespmem:s0], [sflag:$0x1] =	stream.linear.gather [hbm4b:s10+s3], $0x3E8, $0x38;
	[tilespmem:$0x1F770] =	vst v63  }
0xe4: {  	v6 =	vshll.u32 v6, v1;
	v3 =	vadd.s32 $0x1, v3;
	v4 =	vshll.u32 v4, v1;
	_ =	swait.ge [sflag:s21], $0x3E80  }
0xe5: {  	v5 =	vshll.u32 v5, v1;
	v3 =	vbroadcast v3, $0x0;
	v4 =	vadd.s32 $0x2, v4;
	[sflag:s21] =	ssyncset.done $0x0  }
0xe6: {  	v5 =	vadd.s32 $0x3, v5;
	v7 =	vshrl.u32 v7, $0x3;
	v4 =	vbroadcast v4, $0x0;
	[sflag:s21] =	ssyncadd.s32 $0xFFFFC180  }
0xe7: {  	v6 =	vadd.s32 $0x4, v6;
	v5 =	vbroadcast v5, $0x0;
	v7 =	vshll.u32 v7, v1;
	_ =	swait.ge [sflag:s21], $0x3E8  }
0xe8: {  	v8 =	vshll.u32 v8, v1;
	v6 =	vbroadcast v6, $0x0;
	v7 =	vadd.s32 $0x5, v7;
	s5 =	simm.s32 $0x7;
	[sflag:s21] =	ssyncset.done $0x0  }
0xe9: {  	v8 =	vadd.s32 $0x6, v8;
	v7 =	vbroadcast v7, $0x0;
	v9 =	vmov s5;
	[sflag:s21] =	ssyncadd.s32 $0xFFFFFC18  }
0xea: {  	v8 =	vbroadcast v8, $0x0;
	v9 =	vshrl.u32 v9, $0x3;
	v2 =	vld.idx.msk [tilespmem:v2+s1+$0x0], $0xffff  }
0xeb: {  	s4 =	simm.s32 $0x9;
	v9 =	vshll.u32 v9, v1;
	v3 =	vld.idx.msk [tilespmem:v3+s1+$0x0], $0xffff  }
0xec: {  	v11 =	vmov s4;
	s4 =	simm.s32 $0xC;
	v9 =	vadd.s32 $0x7, v9;
	v4 =	vld.idx.msk [tilespmem:v4+s1+$0x0], $0xffff  }
0xed: {  	v14 =	vmov s4;
	v11 =	vshrl.u32 v11, $0x3;
	v9 =	vbroadcast v9, $0x0;
	v5 =	vld.idx.msk [tilespmem:v5+s1+$0x0], $0xffff  }
0xee: {  	v14 =	vshrl.u32 v14, $0x3;
	v11 =	vshll.u32 v11, v1;
	s5 =	simm.s32 $0xA;
	v6 =	vld.idx.msk [tilespmem:v6+s1+$0x0], $0xffff  }
0xef: {  	v14 =	vshll.u32 v14, v1;
	v11 =	vadd.s32 $0x1, v11;
	s10 =	simm.s32 $0x8;
	v12 =	vmov s5;
	s5 =	simm.s32 $0xD;
	v7 =	vld.idx.msk [tilespmem:v7+s1+$0x0], $0xffff  }
0xf0: {  	v14 =	vadd.s32 $0x4, v14;
	v10 =	vmov s10;
	v15 =	vmov s5;
	s5 =	simm.s32 $0x3EC0;
	v8 =	vld.idx.msk [tilespmem:v8+s1+$0x0], $0xffff  }
0xf1: {  	v11 =	vbroadcast v11, $0x0;
	v14 =	vbroadcast v14, $0x0;
	s10 =	simm.s32 $0xB;
	v10 =	vshrl.u32 v10, $0x3;
	v17 =	vld [tilespmem:s5+$0x30]  }
0xf2: {  	v12 =	vshrl.u32 v12, $0x3;
	v13 =	vmov s10;
	v10 =	vshll.u32 v10, v1;
	v18 =	vld [tilespmem:s5+$0xFFFFFFC0]  }
0xf3: {  	s10 =	simm.s32 $0xE;
	v15 =	vshrl.u32 v15, $0x3;
	v12 =	vshll.u32 v12, v1;
	v10 =	vbroadcast v10, $0x0;
	v9 =	vld.idx.msk [tilespmem:v9+s1+$0x0], $0xffff  }
0xf4: {  	v16 =	vmov s10;
	v13 =	vshrl.u32 v13, $0x3;
	v15 =	vshll.u32 v15, v1;
	v19 =	vld [tilespmem:s5+$0xFFFFFFD0]  }
0xf5: {  	v12 =	vadd.s32 $0x2, v12;
	v16 =	vshrl.u32 v16, $0x3;
	v13 =	vshll.u32 v13, v1;
	v20 =	vld [tilespmem:s5+$0xFFFFFFE0]  }
0xf6: {  	s10 =	simm.s32 $0xF;
	v12 =	vbroadcast v12, $0x0;
	v15 =	vadd.s32 $0x5, v15;
	v13 =	vadd.s32 $0x3, v13;
	v21 =	vld [tilespmem:s5+$0xFFFFFFF0]  }
0xf7: {  	v22 =	vmov s10;
	v16 =	vshll.u32 v16, v1;
	v13 =	vbroadcast v13, $0x0;
	v62 =	vld [tilespmem:s5+$0x20]  }
0xf8: {  	v16 =	vadd.s32 $0x6, v16;
	v23 =	vld [tilespmem:s5+$0x0];
	v9 =	vmul.f32 v17, v9;
	v17 =	vshrl.u32 v22, $0x3  }
0xf9: {  	v18 =	vmul.f32 v18, v2;
	v2 =	vld.idx.msk [tilespmem:v10+s1+$0x0], $0xffff;
	v10 =	vbroadcast v16, $0x0;
	v17 =	vshll.u32 v17, v1  }
0xfa: {  	s4 =	simm.s32 $0x10;
	v15 =	vbroadcast v15, $0x0;
	v19 =	vmul.f32 v19, v3;
	v22 =	vld [tilespmem:s5+$0x10];
	v16 =	vadd.s32 $0x7, v17  }
0xfb: {  	v3 =	vld.idx.msk [tilespmem:v11+s1+$0x0], $0xffff;
	v17 =	vmul.f32 v20, v4;
	v4 =	vmov s4;
	v11 =	vbroadcast v16, $0x0  }
0xfc: {  	s10 =	simm.s32 $0x12;
	v24 =	vmul.f32 v62, v8;
	s5 =	simm.s32 $0x11;
	v16 =	vmul.f32 v21, v5;
	v20 =	vshrl.u32 v4, $0x3;
	v4 =	vld.idx.msk [tilespmem:v12+s1+$0x0], $0xffff  }
0xfd: {  	s28 =	simm.s32 $0xFA80;
	v12 =	vmul.f32 v23, v6;
	v21 =	vmov s5;
	v23 =	vmov s10;
	s5 =	simm.s32 $0x13;
	s10 =	simm.s32 $0x14;
	v5 =	vld.idx.msk [tilespmem:v13+s1+$0x0], $0xffff  }
0xfe: {  	[tilespmem:s28+$0xFFFFFF80] =	vst v18;
	v6 =	vld.idx.msk [tilespmem:v14+s1+$0x0], $0xffff;
	v13 =	vmov s5;
	v63 =	vmov s10;
	s5 =	simm.s32 $0x15;
	v14 =	vshll.u32 v20, v1  }
0xff: {  	[tilespmem:s28+$0x60] =	vst v9;
	s10 =	simm.s32 $0x16;
	v18 =	vshrl.u32 v23, $0x3;
	v8 =	vld.idx.msk [tilespmem:v10+s1+$0x0], $0xffff;
	v22 =	vmul.f32 v22, v7;
	v9 =	vmov s5  }
0x100: {  	v20 =	vmov s10;
	v7 =	vld.idx.msk [tilespmem:v15+s1+$0x0], $0xffff;
	v15 =	vshrl.u32 v21, $0x3;
	v13 =	vshrl.u32 v13, $0x3  }
0x101: {  	[tilespmem:s28+$0xFFFFFFA0] =	vst v19;
	v19 =	vshrl.u32 v63, $0x3;
	s10 =	simm.s32 $0x3F40;
	v10 =	vbroadcast v14, $0x0;
	v21 =	vshrl.u32 v9, $0x3;
	v9 =	vld.idx.msk [tilespmem:v11+s1+$0x0], $0xffff  }
0x102: {  	[tilespmem:s28+$0x40] =	vst v24;
	v20 =	vshrl.u32 v20, $0x3;
	v14 =	vshll.u32 v15, v1;
	v15 =	vshll.u32 v18, v1;
	v11 =	vld [tilespmem:s10+$0x30]  }
0x103: {  	[tilespmem:s28+$0xFFFFFFC0] =	vst v17;
	v17 =	vshll.u32 v13, v1;
	v18 =	vshll.u32 v19, v1;
	v13 =	vld [tilespmem:s10+$0xFFFFFFC0];
	v19 =	vshll.u32 v21, v1  }
0x104: {  	[tilespmem:s28+$0x0] =	vst v12;
	v12 =	vadd.s32 $0x1, v14;
	v15 =	vadd.s32 $0x2, v15;
	v23 =	vshll.u32 v20, v1;
	v14 =	vld [tilespmem:s10+$0xFFFFFFD0]  }
0x105: {  	[tilespmem:s28+$0xFFFFFFE0] =	vst v16;
	v21 =	vadd.s32 $0x3, v17;
	v20 =	vadd.s32 $0x4, v18;
	v16 =	vbroadcast v12, $0x0;
	v12 =	vld [tilespmem:s10+$0xFFFFFFE0]  }
0x106: {  	s3 =	simm.s32 $0x18;
	s4 =	simm.s32 $0x17;
	[tilespmem:s28+$0x20] =	vst v22;
	v17 =	vbroadcast v15, $0x0;
	v19 =	vadd.s32 $0x5, v19;
	v18 =	vadd.s32 $0x6, v23;
	v15 =	vld [tilespmem:s10+$0xFFFFFFF0]  }
.LBB2_6:
0x107: {  	p0 =	slt.u32 s3, $0x3E0;
	v21 =	vbroadcast v21, $0x0;
	v22 =	vmov s4;
	v23 =	vld [tilespmem:s10+$0x0];
	v9 =	vmul.f32 v11, v9  }
0x108: {  	v11 =	vbroadcast v20, $0x0;
	s28 =	sadd.s32 $0x100, s28;
	v20 =	vshrl.u32 v22, $0x3;
	v13 =	vmul.f32 v13, v2;
	v22 =	vld [tilespmem:s10+$0x10]  }
0x109: {  	v19 =	vbroadcast v19, $0x0;
	v20 =	vshll.u32 v20, v1;
	v14 =	vmul.f32 v14, v3;
	v24 =	vld [tilespmem:s10+$0x20];
	[tilespmem:s28+$0x60] =	vst v9  }
0x10a: {  	v9 =	vbroadcast v18, $0x0;
	v2 =	vld.idx.msk [tilespmem:v10+s1+$0x0], $0xffff;
	v10 =	vadd.s32 $0x7, v20;
	[tilespmem:s28+$0xFFFFFF80] =	vst v13;
	v12 =	vmul.f32 v12, v4  }
0x10b: {  	v4 =	vmov s3;
	v3 =	vld.idx.msk [tilespmem:v16+s1+$0x0], $0xffff;
	v10 =	vbroadcast v10, $0x0;
	[tilespmem:s28+$0xFFFFFFA0] =	vst v14;
	v13 =	vmul.f32 v15, v5  }
0x10c: {  	s4 =	sadd.s32 $0x1, s3;
	s5 =	sadd.s32 $0x2, s3;
	v14 =	vshrl.u32 v4, $0x3;
	v4 =	vld.idx.msk [tilespmem:v17+s1+$0x0], $0xffff;
	[tilespmem:s28+$0xFFFFFFC0] =	vst v12;
	v12 =	vmul.f32 v23, v6  }
0x10d: {  	v15 =	vmov s4;
	v16 =	vmov s5;
	s4 =	sadd.s32 $0x3, s3;
	s5 =	sadd.s32 $0x4, s3;
	v5 =	vld.idx.msk [tilespmem:v21+s1+$0x0], $0xffff;
	[tilespmem:s28+$0xFFFFFFE0] =	vst v13;
	v13 =	vmul.f32 v22, v7  }
0x10e: {  	v17 =	vmov s4;
	v18 =	vmov s5;
	s4 =	sadd.s32 $0x5, s3;
	s5 =	sadd.s32 $0x6, s3;
	v6 =	vld.idx.msk [tilespmem:v11+s1+$0x0], $0xffff;
	[tilespmem:s28+$0x0] =	vst v12;
	v11 =	vmul.f32 v24, v8  }
0x10f: {  	v20 =	vmov s5;
	v12 =	vshll.u32 v14, v1;
	v14 =	vmov s4;
	v7 =	vld.idx.msk [tilespmem:v19+s1+$0x0], $0xffff;
	[tilespmem:s28+$0x20] =	vst v13  }
0x110: {  	v13 =	vshrl.u32 v15, $0x3;
	v15 =	vshrl.u32 v16, $0x3;
	v16 =	vshrl.u32 v17, $0x3;
	v8 =	vld.idx.msk [tilespmem:v9+s1+$0x0], $0xffff;
	[tilespmem:s28+$0x40] =	vst v11  }
0x111: {  	s10 =	sadd.s32 $0x80, s10;
	v17 =	vshrl.u32 v18, $0x3;
	v14 =	vshrl.u32 v14, $0x3;
	v18 =	vshrl.u32 v20, $0x3;
	v9 =	vld.idx.msk [tilespmem:v10+s1+$0x0], $0xffff  }
.Ltmp2:
0x112: {  	v15 =	vshll.u32 v15, v1;
	v10 =	vbroadcast v12, $0x0;
	v12 =	vshll.u32 v13, v1;
	v11 =	vld [tilespmem:s10+$0x30];
	(pc) =	sbr.rel @p0 .LBB2_6-.Ltmp2, $4  }
0x113: {  	v19 =	vshll.u32 v16, v1;
	v17 =	vshll.u32 v17, v1;
	v22 =	vshll.u32 v14, v1;
	v13 =	vld [tilespmem:s10+$0xFFFFFFC0]  }
0x114: {  	v18 =	vshll.u32 v18, v1;
	v15 =	vadd.s32 $0x2, v15;
	v12 =	vadd.s32 $0x1, v12;
	v14 =	vld [tilespmem:s10+$0xFFFFFFD0]  }
0x115: {  	v21 =	vadd.s32 $0x3, v19;
	v20 =	vadd.s32 $0x4, v17;
	v16 =	vbroadcast v12, $0x0;
	v12 =	vld [tilespmem:s10+$0xFFFFFFE0]  }
0x116: {  	s4 =	sadd.s32 $0x7, s3;
	s3 =	sadd.s32 $0x8, s3;
	v19 =	vadd.s32 $0x5, v22;
	v18 =	vadd.s32 $0x6, v18;
	v17 =	vbroadcast v15, $0x0;
	v15 =	vld [tilespmem:s10+$0xFFFFFFF0]  }
0x117: {  	_ = 	snop  }
0x118: {  	v23 =	vld [tilespmem:s10+$0x0]  }
0x119: {  	v24 =	vld [tilespmem:s10+$0x10]  }
0x11a: {  	v25 =	vld [tilespmem:s10+$0x20]  }
0x11b: {  	v21 =	vbroadcast v21, $0x0;
	v22 =	vmov s4;
	v10 =	vld.idx.msk [tilespmem:v10+s1+$0x0], $0xffff  }
0x11c: {  	v20 =	vbroadcast v20, $0x0;
	v16 =	vld.idx.msk [tilespmem:v16+s1+$0x0], $0xffff;
	v22 =	vshrl.u32 v22, $0x3;
	v2 =	vmul.f32 v13, v2  }
0x11d: {  	v19 =	vbroadcast v19, $0x0;
	s3 =	sadd.s32 $0x100, s28;
	s10 =	sadd.s32 $0x80, s10;
	v17 =	vld.idx.msk [tilespmem:v17+s1+$0x0], $0xffff;
	v22 =	vshll.u32 v22, v1;
	v3 =	vmul.f32 v14, v3  }
0x11e: {  	v22 =	vadd.s32 $0x7, v22;
	[tilespmem:s3+$0xFFFFFF80] =	vst v2;
	v2 =	vmul.f32 v12, v4;
	v4 =	vld [tilespmem:s10+$0x30]  }
0x11f: {  	v22 =	vbroadcast v22, $0x0;
	[tilespmem:s3+$0xFFFFFFA0] =	vst v3;
	v3 =	vmul.f32 v15, v5;
	v5 =	vld [tilespmem:s10+$0xFFFFFFC0]  }
0x120: {  	[tilespmem:s3+$0xFFFFFFC0] =	vst v2;
	v2 =	vmul.f32 v23, v6;
	v6 =	vld [tilespmem:s10+$0xFFFFFFD0]  }
0x121: {  	v18 =	vbroadcast v18, $0x0;
	v9 =	vmul.f32 v11, v9;
	v21 =	vld.idx.msk [tilespmem:v21+s1+$0x0], $0xffff  }
0x122: {  	v20 =	vld.idx.msk [tilespmem:v20+s1+$0x0], $0xffff  }
0x123: {  	[tilespmem:s3+$0x60] =	vst v9;
	v11 =	vld.idx.msk [tilespmem:v19+s1+$0x0], $0xffff  }
0x124: {  	[tilespmem:s3+$0xFFFFFFE0] =	vst v3;
	v3 =	vmul.f32 v24, v7;
	v7 =	vld [tilespmem:s10+$0xFFFFFFE0]  }
0x125: {  	[tilespmem:s3+$0x0] =	vst v2;
	v2 =	vmul.f32 v25, v8;
	v9 =	vld.idx.msk [tilespmem:v22+s1+$0x0], $0xffff  }
0x126: {  	[tilespmem:s3+$0x20] =	vst v3;
	v3 =	vld [tilespmem:s10+$0x0]  }
0x127: {  	v13 =	vld.idx.msk [tilespmem:v18+s1+$0x0], $0xffff;
	[tilespmem:s3+$0x40] =	vst v2;
	v2 =	vmul.f32 v5, v10  }
0x128: {  	v5 =	vld [tilespmem:s10+$0x10];
	s3 =	sadd.s32 $0x100, s3  }
0x129: {  	v8 =	vld [tilespmem:s10+$0xFFFFFFF0];
	[tilespmem:s3+$0xFFFFFF80] =	vst v2;
	v2 =	vmul.f32 v7, v17  }
0x12a: {  	v6 =	vmul.f32 v6, v16;
	v4 =	vmul.f32 v4, v9;
	v9 =	vld [tilespmem:s10+$0x20]  }
0x12b: {  	[tilespmem:s3+$0xFFFFFFC0] =	vst v2;
	v2 =	vmul.f32 v3, v20  }
0x12c: {  	[tilespmem:s3+$0xFFFFFFA0] =	vst v6  }
0x12d: {  	v3 =	vmul.f32 v5, v11;
	[tilespmem:s3+$0x0] =	vst v2  }
0x12e: {  	[tilespmem:s3+$0x60] =	vst v4;
	v4 =	vmul.f32 v8, v21  }
0x12f: {  	[tilespmem:s3+$0x20] =	vst v3;
	v2 =	vmul.f32 v9, v13  }
0x130: {  	[tilespmem:s3+$0xFFFFFFE0] =	vst v4  }
0x131: {  	s5 =	simm.s32 $0x182E0;
	[tilespmem:s3+$0x40] =	vst v2  }
0x132: {  	[spmem:s22] =	stream.indirect.scatter.add.f32 [tilespmem:s15], [sflag:$0x2], $0x20, s5, s2, $0xb8;
	[tilespmem:$0x1F770] =	vst v63  }
0x133: {  	s10 =	simm.s32 $0x18348  }
0x134: {  	[spmem:s22] =	stream.indirect.scatter.add.f32 [tilespmem:s16], [sflag:$0x2], $0x20, s10, s2, $0xb8;
	[tilespmem:$0x1F770] =	vst v63  }
0x135: {  	s4 =	simm.s32 $0x183B0  }
0x136: {  	[spmem:s22] =	stream.indirect.scatter.add.f32 [tilespmem:s17], [sflag:$0x2], $0x20, s4, s2, $0xb8;
	[tilespmem:$0x1F770] =	vst v63  }
0x137: {  	s5 =	simm.s32 $0x18418  }
0x138: {  	[spmem:s22] =	stream.indirect.scatter.add.f32 [tilespmem:s18], [sflag:$0x2], $0x20, s5, s2, $0xb8;
	[tilespmem:$0x1F770] =	vst v63  }
0x139: {  	s10 =	simm.s32 $0x18480  }
0x13a: {  	[spmem:s22] =	stream.indirect.scatter.add.f32 [tilespmem:s19], [sflag:$0x2], $0x20, s10, s2, $0xb8;
	[tilespmem:$0x1F770] =	vst v63  }
0x13b: {  	s4 =	simm.s32 $0x184E8  }
0x13c: {  	[spmem:s22] =	stream.indirect.scatter.add.f32 [tilespmem:s20], [sflag:$0x2], $0x20, s4, s2, $0xb8;
	[tilespmem:$0x1F770] =	vst v63  }
0x13d: {  	s5 =	simm.s32 $0x18550  }
0x13e: {  	[spmem:s22] =	stream.indirect.scatter.add.f32 [tilespmem:s23], [sflag:$0x2], $0x20, s5, s2, $0xb8;
	[tilespmem:$0x1F770] =	vst v63  }
0x13f: {  	s10 =	simm.s32 $0x185B8  }
0x140: {  	[spmem:s22] =	stream.indirect.scatter.add.f32 [tilespmem:s24], [sflag:$0x2], $0x20, s10, s2, $0xb8;
	[tilespmem:$0x1F770] =	vst v63  }
0x141: {  	s4 =	simm.s32 $0x18620  }
0x142: {  	[spmem:s22] =	stream.indirect.scatter.add.f32 [tilespmem:s25], [sflag:$0x2], $0x20, s4, s2, $0xb8;
	[tilespmem:$0x1F770] =	vst v63  }
0x143: {  	s5 =	simm.s32 $0x18688  }
0x144: {  	[spmem:s22] =	stream.indirect.scatter.add.f32 [tilespmem:s26], [sflag:$0x2], $0x20, s5, s2, $0xb8;
	[tilespmem:$0x1F770] =	vst v63  }
0x145: {  	_ =	swait.ge [sflag:s14], $0xC80  }
0x146: {  	[sflag:s14] =	ssyncset.done $0x0  }
0x147: {  	[sflag:s14] =	ssyncadd.s32 $0xFFFFF380  }
0x148: {  	_ =	swait.ge [sflag:s14], $0xC80  }
0x149: {  	[sflag:s14] =	ssyncset.done $0x0  }
0x14a: {  	[sflag:s14] =	ssyncadd.s32 $0xFFFFF380  }
0x14b: {  	_ =	swait.ge [sflag:s14], $0xC80  }
0x14c: {  	[sflag:s14] =	ssyncset.done $0x0  }
0x14d: {  	[sflag:s14] =	ssyncadd.s32 $0xFFFFF380  }
0x14e: {  	_ =	swait.ge [sflag:s14], $0xC80  }
0x14f: {  	[sflag:s14] =	ssyncset.done $0x0  }
0x150: {  	[sflag:s14] =	ssyncadd.s32 $0xFFFFF380  }
0x151: {  	_ =	swait.ge [sflag:s14], $0xC80  }
0x152: {  	[sflag:s14] =	ssyncset.done $0x0  }
0x153: {  	[sflag:s14] =	ssyncadd.s32 $0xFFFFF380  }
0x154: {  	_ =	swait.ge [sflag:s14], $0xC80  }
0x155: {  	[sflag:s14] =	ssyncset.done $0x0  }
0x156: {  	[sflag:s14] =	ssyncadd.s32 $0xFFFFF380  }
0x157: {  	_ =	swait.ge [sflag:s14], $0xC80  }
0x158: {  	[sflag:s14] =	ssyncset.done $0x0  }
0x159: {  	[sflag:s14] =	ssyncadd.s32 $0xFFFFF380  }
0x15a: {  	_ =	swait.ge [sflag:s14], $0xC80  }
0x15b: {  	[sflag:s14] =	ssyncset.done $0x0  }
0x15c: {  	[sflag:s14] =	ssyncadd.s32 $0xFFFFF380  }
0x15d: {  	_ =	swait.ge [sflag:s14], $0xC80  }
0x15e: {  	s10 =	simm.s32 $0x1;
	[sflag:s14] =	ssyncset.done $0x0  }
0x15f: {  	s3 =	simm.s32 $0x0;
	v3 =	vmov s10;
	s10 =	simm.s32 $0x4;
	[sflag:s14] =	ssyncadd.s32 $0xFFFFF380  }
0x160: {  	v2 =	vmov s3;
	s4 =	simm.s32 $0x3;
	s5 =	simm.s32 $0x2;
	_ =	swait.ge [sflag:s14], $0xC80  }
0x161: {  	v2 =	vshrl.u32 v2, $0x3;
	v6 =	vmov s10;
	s10 =	simm.s32 $0x6;
	v4 =	vmov s5;
	s5 =	simm.s32 $0x5;
	[sflag:s14] =	ssyncset.done $0x0  }
0x162: {  	v2 =	vshll.u32 v2, v1;
	v8 =	vmov s10;
	s10 =	simm.s32 $0x3E80;
	v7 =	vmov s5;
	s5 =	rddreg [dreg:$0x8];
	[sflag:s14] =	ssyncadd.s32 $0xFFFFF380  }
0x163: {  	v2 =	vbroadcast v2, $0x0;
	v3 =	vshrl.u32 v3, $0x3;
	[tilespmem:s10], [sflag:$0x1] =	stream.linear.gather [hbm4b:s5+s3], $0x3E80, $0x38;
	[tilespmem:$0x1F770] =	vst v63  }
0x164: {  	v5 =	vmov s4;
	v6 =	vshrl.u32 v6, $0x3;
	v3 =	vshll.u32 v3, v1;
	s10 =	rddreg [dreg:$0x12]  }
0x165: {  	v5 =	vshrl.u32 v5, $0x3;
	v8 =	vshrl.u32 v8, $0x3;
	v4 =	vshrl.u32 v4, $0x3;
	[tilespmem:s1], [sflag:$0x1] =	stream.linear.gather [hbm4b:s10+s3], $0x3E8, $0x38;
	[tilespmem:$0x1F770] =	vst v63  }
0x166: {  	v6 =	vshll.u32 v6, v1;
	v3 =	vadd.s32 $0x1, v3;
	v4 =	vshll.u32 v4, v1;
	_ =	swait.ge [sflag:s21], $0x3E80  }
0x167: {  	v5 =	vshll.u32 v5, v1;
	v3 =	vbroadcast v3, $0x0;
	v4 =	vadd.s32 $0x2, v4;
	[sflag:s21] =	ssyncset.done $0x0  }
0x168: {  	v5 =	vadd.s32 $0x3, v5;
	v7 =	vshrl.u32 v7, $0x3;
	v4 =	vbroadcast v4, $0x0;
	[sflag:s21] =	ssyncadd.s32 $0xFFFFC180  }
0x169: {  	v6 =	vadd.s32 $0x4, v6;
	v5 =	vbroadcast v5, $0x0;
	v7 =	vshll.u32 v7, v1;
	_ =	swait.ge [sflag:s21], $0x3E8  }
0x16a: {  	v8 =	vshll.u32 v8, v1;
	v6 =	vbroadcast v6, $0x0;
	v7 =	vadd.s32 $0x5, v7;
	s5 =	simm.s32 $0x7;
	[sflag:s21] =	ssyncset.done $0x0  }
0x16b: {  	v8 =	vadd.s32 $0x6, v8;
	v7 =	vbroadcast v7, $0x0;
	v9 =	vmov s5;
	[sflag:s21] =	ssyncadd.s32 $0xFFFFFC18  }
0x16c: {  	v8 =	vbroadcast v8, $0x0;
	v9 =	vshrl.u32 v9, $0x3;
	v2 =	vld.idx.msk [tilespmem:v2+s0+$0x0], $0xffff  }
0x16d: {  	s4 =	simm.s32 $0x9;
	v9 =	vshll.u32 v9, v1;
	v3 =	vld.idx.msk [tilespmem:v3+s0+$0x0], $0xffff  }
0x16e: {  	v11 =	vmov s4;
	s4 =	simm.s32 $0xC;
	v9 =	vadd.s32 $0x7, v9;
	v4 =	vld.idx.msk [tilespmem:v4+s0+$0x0], $0xffff  }
0x16f: {  	v14 =	vmov s4;
	v11 =	vshrl.u32 v11, $0x3;
	v9 =	vbroadcast v9, $0x0;
	v5 =	vld.idx.msk [tilespmem:v5+s0+$0x0], $0xffff  }
0x170: {  	v14 =	vshrl.u32 v14, $0x3;
	v11 =	vshll.u32 v11, v1;
	s5 =	simm.s32 $0xA;
	v6 =	vld.idx.msk [tilespmem:v6+s0+$0x0], $0xffff  }
0x171: {  	v14 =	vshll.u32 v14, v1;
	v11 =	vadd.s32 $0x1, v11;
	s10 =	simm.s32 $0x8;
	v12 =	vmov s5;
	s5 =	simm.s32 $0xD;
	v7 =	vld.idx.msk [tilespmem:v7+s0+$0x0], $0xffff  }
0x172: {  	v14 =	vadd.s32 $0x4, v14;
	v10 =	vmov s10;
	v15 =	vmov s5;
	s5 =	simm.s32 $0x40;
	v8 =	vld.idx.msk [tilespmem:v8+s0+$0x0], $0xffff  }
0x173: {  	v11 =	vbroadcast v11, $0x0;
	v14 =	vbroadcast v14, $0x0;
	s10 =	simm.s32 $0xB;
	v10 =	vshrl.u32 v10, $0x3;
	v17 =	vld [tilespmem:s5+$0x30]  }
0x174: {  	v12 =	vshrl.u32 v12, $0x3;
	v13 =	vmov s10;
	v10 =	vshll.u32 v10, v1;
	v18 =	vld [tilespmem:s5+$0xFFFFFFC0]  }
0x175: {  	s10 =	simm.s32 $0xE;
	v15 =	vshrl.u32 v15, $0x3;
	v12 =	vshll.u32 v12, v1;
	v10 =	vbroadcast v10, $0x0;
	v9 =	vld.idx.msk [tilespmem:v9+s0+$0x0], $0xffff  }
0x176: {  	v16 =	vmov s10;
	v13 =	vshrl.u32 v13, $0x3;
	v15 =	vshll.u32 v15, v1;
	v19 =	vld [tilespmem:s5+$0xFFFFFFD0]  }
0x177: {  	v12 =	vadd.s32 $0x2, v12;
	v16 =	vshrl.u32 v16, $0x3;
	v13 =	vshll.u32 v13, v1;
	v20 =	vld [tilespmem:s5+$0xFFFFFFE0]  }
0x178: {  	s10 =	simm.s32 $0xF;
	v12 =	vbroadcast v12, $0x0;
	v15 =	vadd.s32 $0x5, v15;
	v13 =	vadd.s32 $0x3, v13;
	v21 =	vld [tilespmem:s5+$0xFFFFFFF0]  }
0x179: {  	v22 =	vmov s10;
	v16 =	vshll.u32 v16, v1;
	v13 =	vbroadcast v13, $0x0;
	v62 =	vld [tilespmem:s5+$0x20]  }
0x17a: {  	v16 =	vadd.s32 $0x6, v16;
	v23 =	vld [tilespmem:s5+$0x0];
	v9 =	vmul.f32 v17, v9;
	v17 =	vshrl.u32 v22, $0x3  }
0x17b: {  	v18 =	vmul.f32 v18, v2;
	v2 =	vld.idx.msk [tilespmem:v10+s0+$0x0], $0xffff;
	v10 =	vbroadcast v16, $0x0;
	v17 =	vshll.u32 v17, v1  }
0x17c: {  	s4 =	simm.s32 $0x10;
	v15 =	vbroadcast v15, $0x0;
	v19 =	vmul.f32 v19, v3;
	v22 =	vld [tilespmem:s5+$0x10];
	v16 =	vadd.s32 $0x7, v17  }
0x17d: {  	v3 =	vld.idx.msk [tilespmem:v11+s0+$0x0], $0xffff;
	v17 =	vmul.f32 v20, v4;
	v4 =	vmov s4;
	v11 =	vbroadcast v16, $0x0  }
0x17e: {  	s10 =	simm.s32 $0x12;
	v24 =	vmul.f32 v62, v8;
	s5 =	simm.s32 $0x11;
	v16 =	vmul.f32 v21, v5;
	v20 =	vshrl.u32 v4, $0x3;
	v4 =	vld.idx.msk [tilespmem:v12+s0+$0x0], $0xffff  }
0x17f: {  	s28 =	simm.s32 $0x7D80;
	v12 =	vmul.f32 v23, v6;
	v21 =	vmov s5;
	v23 =	vmov s10;
	s5 =	simm.s32 $0x13;
	s10 =	simm.s32 $0x14;
	v5 =	vld.idx.msk [tilespmem:v13+s0+$0x0], $0xffff  }
0x180: {  	[tilespmem:s28+$0xFFFFFF80] =	vst v18;
	v6 =	vld.idx.msk [tilespmem:v14+s0+$0x0], $0xffff;
	v13 =	vmov s5;
	v63 =	vmov s10;
	s5 =	simm.s32 $0x15;
	v14 =	vshll.u32 v20, v1  }
0x181: {  	[tilespmem:s28+$0x60] =	vst v9;
	s10 =	simm.s32 $0x16;
	v18 =	vshrl.u32 v23, $0x3;
	v8 =	vld.idx.msk [tilespmem:v10+s0+$0x0], $0xffff;
	v22 =	vmul.f32 v22, v7;
	v9 =	vmov s5  }
0x182: {  	v20 =	vmov s10;
	v7 =	vld.idx.msk [tilespmem:v15+s0+$0x0], $0xffff;
	v15 =	vshrl.u32 v21, $0x3;
	v13 =	vshrl.u32 v13, $0x3  }
0x183: {  	[tilespmem:s28+$0xFFFFFFA0] =	vst v19;
	v19 =	vshrl.u32 v63, $0x3;
	s10 =	simm.s32 $0xC0;
	v10 =	vbroadcast v14, $0x0;
	v21 =	vshrl.u32 v9, $0x3;
	v9 =	vld.idx.msk [tilespmem:v11+s0+$0x0], $0xffff  }
0x184: {  	[tilespmem:s28+$0x40] =	vst v24;
	v20 =	vshrl.u32 v20, $0x3;
	v14 =	vshll.u32 v15, v1;
	v15 =	vshll.u32 v18, v1;
	v11 =	vld [tilespmem:s10+$0x30]  }
0x185: {  	[tilespmem:s28+$0xFFFFFFC0] =	vst v17;
	v17 =	vshll.u32 v13, v1;
	v18 =	vshll.u32 v19, v1;
	v13 =	vld [tilespmem:s10+$0xFFFFFFC0];
	v19 =	vshll.u32 v21, v1  }
0x186: {  	[tilespmem:s28+$0x0] =	vst v12;
	v12 =	vadd.s32 $0x1, v14;
	v15 =	vadd.s32 $0x2, v15;
	v23 =	vshll.u32 v20, v1;
	v14 =	vld [tilespmem:s10+$0xFFFFFFD0]  }
0x187: {  	[tilespmem:s28+$0xFFFFFFE0] =	vst v16;
	v21 =	vadd.s32 $0x3, v17;
	v20 =	vadd.s32 $0x4, v18;
	v16 =	vbroadcast v12, $0x0;
	v12 =	vld [tilespmem:s10+$0xFFFFFFE0]  }
0x188: {  	s3 =	simm.s32 $0x18;
	s4 =	simm.s32 $0x17;
	[tilespmem:s28+$0x20] =	vst v22;
	v17 =	vbroadcast v15, $0x0;
	v19 =	vadd.s32 $0x5, v19;
	v18 =	vadd.s32 $0x6, v23;
	v15 =	vld [tilespmem:s10+$0xFFFFFFF0]  }
.LBB2_8:
0x189: {  	p0 =	slt.u32 s3, $0x3E0;
	v21 =	vbroadcast v21, $0x0;
	v22 =	vmov s4;
	v23 =	vld [tilespmem:s10+$0x0];
	v9 =	vmul.f32 v11, v9  }
0x18a: {  	v11 =	vbroadcast v20, $0x0;
	s28 =	sadd.s32 $0x100, s28;
	v20 =	vshrl.u32 v22, $0x3;
	v13 =	vmul.f32 v13, v2;
	v22 =	vld [tilespmem:s10+$0x10]  }
0x18b: {  	v19 =	vbroadcast v19, $0x0;
	v20 =	vshll.u32 v20, v1;
	v14 =	vmul.f32 v14, v3;
	v24 =	vld [tilespmem:s10+$0x20];
	[tilespmem:s28+$0x60] =	vst v9  }
0x18c: {  	v9 =	vbroadcast v18, $0x0;
	v2 =	vld.idx.msk [tilespmem:v10+s0+$0x0], $0xffff;
	v10 =	vadd.s32 $0x7, v20;
	[tilespmem:s28+$0xFFFFFF80] =	vst v13;
	v12 =	vmul.f32 v12, v4  }
0x18d: {  	v4 =	vmov s3;
	v3 =	vld.idx.msk [tilespmem:v16+s0+$0x0], $0xffff;
	v10 =	vbroadcast v10, $0x0;
	[tilespmem:s28+$0xFFFFFFA0] =	vst v14;
	v13 =	vmul.f32 v15, v5  }
0x18e: {  	s4 =	sadd.s32 $0x1, s3;
	s5 =	sadd.s32 $0x2, s3;
	v14 =	vshrl.u32 v4, $0x3;
	v4 =	vld.idx.msk [tilespmem:v17+s0+$0x0], $0xffff;
	[tilespmem:s28+$0xFFFFFFC0] =	vst v12;
	v12 =	vmul.f32 v23, v6  }
0x18f: {  	v15 =	vmov s4;
	v16 =	vmov s5;
	s4 =	sadd.s32 $0x3, s3;
	s5 =	sadd.s32 $0x4, s3;
	v5 =	vld.idx.msk [tilespmem:v21+s0+$0x0], $0xffff;
	[tilespmem:s28+$0xFFFFFFE0] =	vst v13;
	v13 =	vmul.f32 v22, v7  }
0x190: {  	v17 =	vmov s4;
	v18 =	vmov s5;
	s4 =	sadd.s32 $0x5, s3;
	s5 =	sadd.s32 $0x6, s3;
	v6 =	vld.idx.msk [tilespmem:v11+s0+$0x0], $0xffff;
	[tilespmem:s28+$0x0] =	vst v12;
	v11 =	vmul.f32 v24, v8  }
0x191: {  	v20 =	vmov s5;
	v12 =	vshll.u32 v14, v1;
	v14 =	vmov s4;
	v7 =	vld.idx.msk [tilespmem:v19+s0+$0x0], $0xffff;
	[tilespmem:s28+$0x20] =	vst v13  }
0x192: {  	v13 =	vshrl.u32 v15, $0x3;
	v15 =	vshrl.u32 v16, $0x3;
	v16 =	vshrl.u32 v17, $0x3;
	v8 =	vld.idx.msk [tilespmem:v9+s0+$0x0], $0xffff;
	[tilespmem:s28+$0x40] =	vst v11  }
0x193: {  	s10 =	sadd.s32 $0x80, s10;
	v17 =	vshrl.u32 v18, $0x3;
	v14 =	vshrl.u32 v14, $0x3;
	v18 =	vshrl.u32 v20, $0x3;
	v9 =	vld.idx.msk [tilespmem:v10+s0+$0x0], $0xffff  }
.Ltmp3:
0x194: {  	v15 =	vshll.u32 v15, v1;
	v10 =	vbroadcast v12, $0x0;
	v12 =	vshll.u32 v13, v1;
	v11 =	vld [tilespmem:s10+$0x30];
	(pc) =	sbr.rel @p0 .LBB2_8-.Ltmp3, $4  }
0x195: {  	v19 =	vshll.u32 v16, v1;
	v17 =	vshll.u32 v17, v1;
	v22 =	vshll.u32 v14, v1;
	v13 =	vld [tilespmem:s10+$0xFFFFFFC0]  }
0x196: {  	v18 =	vshll.u32 v18, v1;
	v15 =	vadd.s32 $0x2, v15;
	v12 =	vadd.s32 $0x1, v12;
	v14 =	vld [tilespmem:s10+$0xFFFFFFD0]  }
0x197: {  	v21 =	vadd.s32 $0x3, v19;
	v20 =	vadd.s32 $0x4, v17;
	v16 =	vbroadcast v12, $0x0;
	v12 =	vld [tilespmem:s10+$0xFFFFFFE0]  }
0x198: {  	s4 =	sadd.s32 $0x7, s3;
	s3 =	sadd.s32 $0x8, s3;
	v19 =	vadd.s32 $0x5, v22;
	v18 =	vadd.s32 $0x6, v18;
	v17 =	vbroadcast v15, $0x0;
	v15 =	vld [tilespmem:s10+$0xFFFFFFF0]  }
0x199: {  	_ = 	snop  }
0x19a: {  	v23 =	vld [tilespmem:s10+$0x0]  }
0x19b: {  	v24 =	vld [tilespmem:s10+$0x10]  }
0x19c: {  	v25 =	vld [tilespmem:s10+$0x20]  }
0x19d: {  	v21 =	vbroadcast v21, $0x0;
	v22 =	vmov s4;
	v10 =	vld.idx.msk [tilespmem:v10+s0+$0x0], $0xffff  }
0x19e: {  	v20 =	vbroadcast v20, $0x0;
	v16 =	vld.idx.msk [tilespmem:v16+s0+$0x0], $0xffff;
	v22 =	vshrl.u32 v22, $0x3;
	v2 =	vmul.f32 v13, v2  }
0x19f: {  	v19 =	vbroadcast v19, $0x0;
	s3 =	sadd.s32 $0x100, s28;
	s10 =	sadd.s32 $0x80, s10;
	v17 =	vld.idx.msk [tilespmem:v17+s0+$0x0], $0xffff;
	v22 =	vshll.u32 v22, v1;
	v3 =	vmul.f32 v14, v3  }
0x1a0: {  	v22 =	vadd.s32 $0x7, v22;
	[tilespmem:s3+$0xFFFFFF80] =	vst v2;
	v2 =	vmul.f32 v12, v4;
	v4 =	vld [tilespmem:s10+$0x30]  }
0x1a1: {  	v22 =	vbroadcast v22, $0x0;
	[tilespmem:s3+$0xFFFFFFA0] =	vst v3;
	v3 =	vmul.f32 v15, v5;
	v5 =	vld [tilespmem:s10+$0xFFFFFFC0]  }
0x1a2: {  	[tilespmem:s3+$0xFFFFFFC0] =	vst v2;
	v2 =	vmul.f32 v23, v6;
	v6 =	vld [tilespmem:s10+$0xFFFFFFD0]  }
0x1a3: {  	v18 =	vbroadcast v18, $0x0;
	v9 =	vmul.f32 v11, v9;
	v21 =	vld.idx.msk [tilespmem:v21+s0+$0x0], $0xffff  }
0x1a4: {  	v20 =	vld.idx.msk [tilespmem:v20+s0+$0x0], $0xffff  }
0x1a5: {  	[tilespmem:s3+$0x60] =	vst v9;
	v11 =	vld.idx.msk [tilespmem:v19+s0+$0x0], $0xffff  }
0x1a6: {  	[tilespmem:s3+$0xFFFFFFE0] =	vst v3;
	v3 =	vmul.f32 v24, v7;
	v7 =	vld [tilespmem:s10+$0xFFFFFFE0]  }
0x1a7: {  	[tilespmem:s3+$0x0] =	vst v2;
	v2 =	vmul.f32 v25, v8;
	v9 =	vld.idx.msk [tilespmem:v22+s0+$0x0], $0xffff  }
0x1a8: {  	[tilespmem:s3+$0x20] =	vst v3;
	v3 =	vld [tilespmem:s10+$0x0]  }
0x1a9: {  	v13 =	vld.idx.msk [tilespmem:v18+s0+$0x0], $0xffff;
	[tilespmem:s3+$0x40] =	vst v2;
	v2 =	vmul.f32 v5, v10  }
0x1aa: {  	v5 =	vld [tilespmem:s10+$0x10];
	s3 =	sadd.s32 $0x100, s3  }
0x1ab: {  	v8 =	vld [tilespmem:s10+$0xFFFFFFF0];
	[tilespmem:s3+$0xFFFFFF80] =	vst v2;
	v2 =	vmul.f32 v7, v17  }
0x1ac: {  	v6 =	vmul.f32 v6, v16;
	v4 =	vmul.f32 v4, v9;
	v9 =	vld [tilespmem:s10+$0x20]  }
0x1ad: {  	[tilespmem:s3+$0xFFFFFFC0] =	vst v2;
	v2 =	vmul.f32 v3, v20  }
0x1ae: {  	[tilespmem:s3+$0xFFFFFFA0] =	vst v6  }
0x1af: {  	v3 =	vmul.f32 v5, v11;
	[tilespmem:s3+$0x0] =	vst v2  }
0x1b0: {  	[tilespmem:s3+$0x60] =	vst v4;
	v4 =	vmul.f32 v8, v21  }
0x1b1: {  	[tilespmem:s3+$0x20] =	vst v3;
	v2 =	vmul.f32 v9, v13  }
0x1b2: {  	[tilespmem:s3+$0xFFFFFFE0] =	vst v4  }
0x1b3: {  	s5 =	simm.s32 $0x7D00;
	s10 =	simm.s32 $0x186F0;
	[tilespmem:s3+$0x40] =	vst v2  }
0x1b4: {  	[spmem:s22] =	stream.indirect.scatter.add.f32 [tilespmem:s5], [sflag:$0x2], $0x20, s10, s2, $0xb8;
	[tilespmem:$0x1F770] =	vst v63  }
0x1b5: {  	s5 =	simm.s32 $0x8980;
	s10 =	simm.s32 $0x18758  }
0x1b6: {  	[spmem:s22] =	stream.indirect.scatter.add.f32 [tilespmem:s5], [sflag:$0x2], $0x20, s10, s2, $0xb8;
	[tilespmem:$0x1F770] =	vst v63  }
0x1b7: {  	s5 =	simm.s32 $0x9600;
	s10 =	simm.s32 $0x187C0  }
0x1b8: {  	[spmem:s22] =	stream.indirect.scatter.add.f32 [tilespmem:s5], [sflag:$0x2], $0x20, s10, s2, $0xb8;
	[tilespmem:$0x1F770] =	vst v63  }
0x1b9: {  	s5 =	simm.s32 $0x18828  }
0x1ba: {  	[spmem:s22] =	stream.indirect.scatter.add.f32 [tilespmem:s6], [sflag:$0x2], $0x20, s5, s2, $0xb8;
	[tilespmem:$0x1F770] =	vst v63  }
0x1bb: {  	s10 =	simm.s32 $0x18890  }
0x1bc: {  	[spmem:s22] =	stream.indirect.scatter.add.f32 [tilespmem:s7], [sflag:$0x2], $0x20, s10, s2, $0xb8;
	[tilespmem:$0x1F770] =	vst v63  }
0x1bd: {  	s4 =	simm.s32 $0x188F8  }
0x1be: {  	[spmem:s22] =	stream.indirect.scatter.add.f32 [tilespmem:s8], [sflag:$0x2], $0x20, s4, s2, $0xb8;
	[tilespmem:$0x1F770] =	vst v63  }
0x1bf: {  	s5 =	simm.s32 $0x18960  }
0x1c0: {  	[spmem:s22] =	stream.indirect.scatter.add.f32 [tilespmem:s9], [sflag:$0x2], $0x20, s5, s2, $0xb8;
	[tilespmem:$0x1F770] =	vst v63  }
0x1c1: {  	s10 =	simm.s32 $0x189C8  }
0x1c2: {  	[spmem:s22] =	stream.indirect.scatter.add.f32 [tilespmem:s11], [sflag:$0x2], $0x20, s10, s2, $0xb8;
	[tilespmem:$0x1F770] =	vst v63  }
0x1c3: {  	s4 =	simm.s32 $0x18A30  }
0x1c4: {  	[spmem:s22] =	stream.indirect.scatter.add.f32 [tilespmem:s12], [sflag:$0x2], $0x20, s4, s2, $0xb8;
	[tilespmem:$0x1F770] =	vst v63  }
0x1c5: {  	s5 =	simm.s32 $0x18A98  }
0x1c6: {  	[spmem:s22] =	stream.indirect.scatter.add.f32 [tilespmem:s13], [sflag:$0x2], $0x20, s5, s2, $0xb8;
	[tilespmem:$0x1F770] =	vst v63  }
0x1c7: {  	_ =	swait.ge [sflag:s14], $0xC80  }
0x1c8: {  	[sflag:s14] =	ssyncset.done $0x0  }
0x1c9: {  	[sflag:s14] =	ssyncadd.s32 $0xFFFFF380  }
0x1ca: {  	_ =	swait.ge [sflag:s14], $0xC80  }
0x1cb: {  	[sflag:s14] =	ssyncset.done $0x0  }
0x1cc: {  	[sflag:s14] =	ssyncadd.s32 $0xFFFFF380  }
0x1cd: {  	_ =	swait.ge [sflag:s14], $0xC80  }
0x1ce: {  	[sflag:s14] =	ssyncset.done $0x0  }
0x1cf: {  	[sflag:s14] =	ssyncadd.s32 $0xFFFFF380  }
0x1d0: {  	_ =	swait.ge [sflag:s14], $0xC80  }
0x1d1: {  	[sflag:s14] =	ssyncset.done $0x0  }
0x1d2: {  	[sflag:s14] =	ssyncadd.s32 $0xFFFFF380  }
0x1d3: {  	_ =	swait.ge [sflag:s14], $0xC80  }
0x1d4: {  	[sflag:s14] =	ssyncset.done $0x0  }
0x1d5: {  	[sflag:s14] =	ssyncadd.s32 $0xFFFFF380  }
0x1d6: {  	_ =	swait.ge [sflag:s14], $0xC80  }
0x1d7: {  	[sflag:s14] =	ssyncset.done $0x0  }
0x1d8: {  	[sflag:s14] =	ssyncadd.s32 $0xFFFFF380  }
0x1d9: {  	_ =	swait.ge [sflag:s14], $0xC80  }
0x1da: {  	[sflag:s14] =	ssyncset.done $0x0  }
0x1db: {  	[sflag:s14] =	ssyncadd.s32 $0xFFFFF380  }
0x1dc: {  	_ =	swait.ge [sflag:s14], $0xC80  }
0x1dd: {  	[sflag:s14] =	ssyncset.done $0x0  }
0x1de: {  	[sflag:s14] =	ssyncadd.s32 $0xFFFFF380  }
0x1df: {  	_ =	swait.ge [sflag:s14], $0xC80  }
0x1e0: {  	[sflag:s14] =	ssyncset.done $0x0  }
0x1e1: {  	s3 =	simm.s32 $0x0;
	s10 =	simm.s32 $0x1;
	[sflag:s14] =	ssyncadd.s32 $0xFFFFF380  }
0x1e2: {  	v2 =	vmov s3;
	v3 =	vmov s10;
	s10 =	simm.s32 $0x4;
	s5 =	simm.s32 $0x2;
	_ =	swait.ge [sflag:s14], $0xC80  }
0x1e3: {  	v2 =	vshrl.u32 v2, $0x3;
	s4 =	simm.s32 $0x3;
	v4 =	vmov s5;
	s5 =	simm.s32 $0x5;
	[sflag:s14] =	ssyncset.done $0x0  }
0x1e4: {  	v2 =	vshll.u32 v2, v1;
	v6 =	vmov s10;
	s10 =	simm.s32 $0x6;
	v7 =	vmov s5;
	s5 =	rddreg [dreg:$0x9];
	[sflag:s14] =	ssyncadd.s32 $0xFFFFF380  }
0x1e5: {  	v2 =	vbroadcast v2, $0x0;
	v3 =	vshrl.u32 v3, $0x3;
	v5 =	vmov s4;
	[tilespmem:s3], [sflag:$0x1] =	stream.linear.gather [hbm4b:s5+s3], $0x3E80, $0x38;
	[tilespmem:$0x1F770] =	vst v63  }
0x1e6: {  	v8 =	vmov s10;
	v6 =	vshrl.u32 v6, $0x3;
	v3 =	vshll.u32 v3, v1;
	s10 =	rddreg [dreg:$0x13]  }
0x1e7: {  	v5 =	vshrl.u32 v5, $0x3;
	v8 =	vshrl.u32 v8, $0x3;
	v4 =	vshrl.u32 v4, $0x3;
	[tilespmem:s0], [sflag:$0x1] =	stream.linear.gather [hbm4b:s10+s3], $0x3E8, $0x38;
	[tilespmem:$0x1F770] =	vst v63  }
0x1e8: {  	v6 =	vshll.u32 v6, v1;
	v3 =	vadd.s32 $0x1, v3;
	v4 =	vshll.u32 v4, v1;
	_ =	swait.ge [sflag:s21], $0x3E80  }
0x1e9: {  	v5 =	vshll.u32 v5, v1;
	v3 =	vbroadcast v3, $0x0;
	v4 =	vadd.s32 $0x2, v4;
	[sflag:s21] =	ssyncset.done $0x0  }
0x1ea: {  	v5 =	vadd.s32 $0x3, v5;
	v7 =	vshrl.u32 v7, $0x3;
	v4 =	vbroadcast v4, $0x0;
	[sflag:s21] =	ssyncadd.s32 $0xFFFFC180  }
0x1eb: {  	v6 =	vadd.s32 $0x4, v6;
	v5 =	vbroadcast v5, $0x0;
	v7 =	vshll.u32 v7, v1;
	_ =	swait.ge [sflag:s21], $0x3E8  }
0x1ec: {  	v8 =	vshll.u32 v8, v1;
	v6 =	vbroadcast v6, $0x0;
	v7 =	vadd.s32 $0x5, v7;
	s5 =	simm.s32 $0x7;
	[sflag:s21] =	ssyncset.done $0x0  }
0x1ed: {  	v8 =	vadd.s32 $0x6, v8;
	v7 =	vbroadcast v7, $0x0;
	v9 =	vmov s5;
	[sflag:s21] =	ssyncadd.s32 $0xFFFFFC18  }
0x1ee: {  	v8 =	vbroadcast v8, $0x0;
	v9 =	vshrl.u32 v9, $0x3;
	v2 =	vld.idx.msk [tilespmem:v2+s1+$0x0], $0xffff  }
0x1ef: {  	s4 =	simm.s32 $0x9;
	v9 =	vshll.u32 v9, v1;
	v3 =	vld.idx.msk [tilespmem:v3+s1+$0x0], $0xffff  }
0x1f0: {  	v11 =	vmov s4;
	s4 =	simm.s32 $0xC;
	v9 =	vadd.s32 $0x7, v9;
	v4 =	vld.idx.msk [tilespmem:v4+s1+$0x0], $0xffff  }
0x1f1: {  	v14 =	vmov s4;
	v11 =	vshrl.u32 v11, $0x3;
	v9 =	vbroadcast v9, $0x0;
	v5 =	vld.idx.msk [tilespmem:v5+s1+$0x0], $0xffff  }
0x1f2: {  	v14 =	vshrl.u32 v14, $0x3;
	v11 =	vshll.u32 v11, v1;
	s5 =	simm.s32 $0xA;
	v6 =	vld.idx.msk [tilespmem:v6+s1+$0x0], $0xffff  }
0x1f3: {  	v14 =	vshll.u32 v14, v1;
	v11 =	vadd.s32 $0x1, v11;
	s10 =	simm.s32 $0x8;
	v12 =	vmov s5;
	s5 =	simm.s32 $0xD;
	v7 =	vld.idx.msk [tilespmem:v7+s1+$0x0], $0xffff  }
0x1f4: {  	v14 =	vadd.s32 $0x4, v14;
	v10 =	vmov s10;
	v15 =	vmov s5;
	s5 =	simm.s32 $0x3EC0;
	v8 =	vld.idx.msk [tilespmem:v8+s1+$0x0], $0xffff  }
0x1f5: {  	v11 =	vbroadcast v11, $0x0;
	v14 =	vbroadcast v14, $0x0;
	s10 =	simm.s32 $0xB;
	v10 =	vshrl.u32 v10, $0x3;
	v17 =	vld [tilespmem:s5+$0x30]  }
0x1f6: {  	v12 =	vshrl.u32 v12, $0x3;
	v13 =	vmov s10;
	v10 =	vshll.u32 v10, v1;
	v18 =	vld [tilespmem:s5+$0xFFFFFFC0]  }
0x1f7: {  	s10 =	simm.s32 $0xE;
	v15 =	vshrl.u32 v15, $0x3;
	v12 =	vshll.u32 v12, v1;
	v10 =	vbroadcast v10, $0x0;
	v9 =	vld.idx.msk [tilespmem:v9+s1+$0x0], $0xffff  }
0x1f8: {  	v16 =	vmov s10;
	v13 =	vshrl.u32 v13, $0x3;
	v15 =	vshll.u32 v15, v1;
	v19 =	vld [tilespmem:s5+$0xFFFFFFD0]  }
0x1f9: {  	v12 =	vadd.s32 $0x2, v12;
	v16 =	vshrl.u32 v16, $0x3;
	v13 =	vshll.u32 v13, v1;
	v20 =	vld [tilespmem:s5+$0xFFFFFFE0]  }
0x1fa: {  	s10 =	simm.s32 $0xF;
	v12 =	vbroadcast v12, $0x0;
	v15 =	vadd.s32 $0x5, v15;
	v13 =	vadd.s32 $0x3, v13;
	v21 =	vld [tilespmem:s5+$0xFFFFFFF0]  }
0x1fb: {  	v22 =	vmov s10;
	v16 =	vshll.u32 v16, v1;
	v13 =	vbroadcast v13, $0x0;
	v62 =	vld [tilespmem:s5+$0x20]  }
0x1fc: {  	v16 =	vadd.s32 $0x6, v16;
	v23 =	vld [tilespmem:s5+$0x0];
	v9 =	vmul.f32 v17, v9;
	v17 =	vshrl.u32 v22, $0x3  }
0x1fd: {  	v18 =	vmul.f32 v18, v2;
	v2 =	vld.idx.msk [tilespmem:v10+s1+$0x0], $0xffff;
	v10 =	vbroadcast v16, $0x0;
	v17 =	vshll.u32 v17, v1  }
0x1fe: {  	s4 =	simm.s32 $0x10;
	v15 =	vbroadcast v15, $0x0;
	v19 =	vmul.f32 v19, v3;
	v22 =	vld [tilespmem:s5+$0x10];
	v16 =	vadd.s32 $0x7, v17  }
0x1ff: {  	v3 =	vld.idx.msk [tilespmem:v11+s1+$0x0], $0xffff;
	v17 =	vmul.f32 v20, v4;
	v4 =	vmov s4;
	v11 =	vbroadcast v16, $0x0  }
0x200: {  	s10 =	simm.s32 $0x12;
	v24 =	vmul.f32 v62, v8;
	s5 =	simm.s32 $0x11;
	v16 =	vmul.f32 v21, v5;
	v20 =	vshrl.u32 v4, $0x3;
	v4 =	vld.idx.msk [tilespmem:v12+s1+$0x0], $0xffff  }
0x201: {  	s28 =	simm.s32 $0xFA80;
	v12 =	vmul.f32 v23, v6;
	v21 =	vmov s5;
	v23 =	vmov s10;
	s5 =	simm.s32 $0x13;
	s10 =	simm.s32 $0x14;
	v5 =	vld.idx.msk [tilespmem:v13+s1+$0x0], $0xffff  }
0x202: {  	[tilespmem:s28+$0xFFFFFF80] =	vst v18;
	v6 =	vld.idx.msk [tilespmem:v14+s1+$0x0], $0xffff;
	v13 =	vmov s5;
	v63 =	vmov s10;
	s5 =	simm.s32 $0x15;
	v14 =	vshll.u32 v20, v1  }
0x203: {  	[tilespmem:s28+$0x60] =	vst v9;
	s10 =	simm.s32 $0x16;
	v18 =	vshrl.u32 v23, $0x3;
	v8 =	vld.idx.msk [tilespmem:v10+s1+$0x0], $0xffff;
	v22 =	vmul.f32 v22, v7;
	v9 =	vmov s5  }
0x204: {  	v20 =	vmov s10;
	v7 =	vld.idx.msk [tilespmem:v15+s1+$0x0], $0xffff;
	v15 =	vshrl.u32 v21, $0x3;
	v13 =	vshrl.u32 v13, $0x3  }
0x205: {  	[tilespmem:s28+$0xFFFFFFA0] =	vst v19;
	v19 =	vshrl.u32 v63, $0x3;
	s10 =	simm.s32 $0x3F40;
	v10 =	vbroadcast v14, $0x0;
	v21 =	vshrl.u32 v9, $0x3;
	v9 =	vld.idx.msk [tilespmem:v11+s1+$0x0], $0xffff  }
0x206: {  	[tilespmem:s28+$0x40] =	vst v24;
	v20 =	vshrl.u32 v20, $0x3;
	v14 =	vshll.u32 v15, v1;
	v15 =	vshll.u32 v18, v1;
	v11 =	vld [tilespmem:s10+$0x30]  }
0x207: {  	[tilespmem:s28+$0xFFFFFFC0] =	vst v17;
	v17 =	vshll.u32 v13, v1;
	v18 =	vshll.u32 v19, v1;
	v13 =	vld [tilespmem:s10+$0xFFFFFFC0];
	v19 =	vshll.u32 v21, v1  }
0x208: {  	[tilespmem:s28+$0x0] =	vst v12;
	v12 =	vadd.s32 $0x1, v14;
	v15 =	vadd.s32 $0x2, v15;
	v23 =	vshll.u32 v20, v1;
	v14 =	vld [tilespmem:s10+$0xFFFFFFD0]  }
0x209: {  	[tilespmem:s28+$0xFFFFFFE0] =	vst v16;
	v21 =	vadd.s32 $0x3, v17;
	v20 =	vadd.s32 $0x4, v18;
	v16 =	vbroadcast v12, $0x0;
	v12 =	vld [tilespmem:s10+$0xFFFFFFE0]  }
0x20a: {  	s3 =	simm.s32 $0x18;
	s4 =	simm.s32 $0x17;
	[tilespmem:s28+$0x20] =	vst v22;
	v17 =	vbroadcast v15, $0x0;
	v19 =	vadd.s32 $0x5, v19;
	v18 =	vadd.s32 $0x6, v23;
	v15 =	vld [tilespmem:s10+$0xFFFFFFF0]  }
.LBB2_10:
0x20b: {  	p0 =	slt.u32 s3, $0x3E0;
	v21 =	vbroadcast v21, $0x0;
	v22 =	vmov s4;
	v23 =	vld [tilespmem:s10+$0x0];
	v9 =	vmul.f32 v11, v9  }
0x20c: {  	v11 =	vbroadcast v20, $0x0;
	s28 =	sadd.s32 $0x100, s28;
	v20 =	vshrl.u32 v22, $0x3;
	v13 =	vmul.f32 v13, v2;
	v22 =	vld [tilespmem:s10+$0x10]  }
0x20d: {  	v19 =	vbroadcast v19, $0x0;
	v20 =	vshll.u32 v20, v1;
	v14 =	vmul.f32 v14, v3;
	v24 =	vld [tilespmem:s10+$0x20];
	[tilespmem:s28+$0x60] =	vst v9  }
0x20e: {  	v9 =	vbroadcast v18, $0x0;
	v2 =	vld.idx.msk [tilespmem:v10+s1+$0x0], $0xffff;
	v10 =	vadd.s32 $0x7, v20;
	[tilespmem:s28+$0xFFFFFF80] =	vst v13;
	v12 =	vmul.f32 v12, v4  }
0x20f: {  	v4 =	vmov s3;
	v3 =	vld.idx.msk [tilespmem:v16+s1+$0x0], $0xffff;
	v10 =	vbroadcast v10, $0x0;
	[tilespmem:s28+$0xFFFFFFA0] =	vst v14;
	v13 =	vmul.f32 v15, v5  }
0x210: {  	s4 =	sadd.s32 $0x1, s3;
	s5 =	sadd.s32 $0x2, s3;
	v14 =	vshrl.u32 v4, $0x3;
	v4 =	vld.idx.msk [tilespmem:v17+s1+$0x0], $0xffff;
	[tilespmem:s28+$0xFFFFFFC0] =	vst v12;
	v12 =	vmul.f32 v23, v6  }
0x211: {  	v15 =	vmov s4;
	v16 =	vmov s5;
	s4 =	sadd.s32 $0x3, s3;
	s5 =	sadd.s32 $0x4, s3;
	v5 =	vld.idx.msk [tilespmem:v21+s1+$0x0], $0xffff;
	[tilespmem:s28+$0xFFFFFFE0] =	vst v13;
	v13 =	vmul.f32 v22, v7  }
0x212: {  	v17 =	vmov s4;
	v18 =	vmov s5;
	s4 =	sadd.s32 $0x5, s3;
	s5 =	sadd.s32 $0x6, s3;
	v6 =	vld.idx.msk [tilespmem:v11+s1+$0x0], $0xffff;
	[tilespmem:s28+$0x0] =	vst v12;
	v11 =	vmul.f32 v24, v8  }
0x213: {  	v20 =	vmov s5;
	v12 =	vshll.u32 v14, v1;
	v14 =	vmov s4;
	v7 =	vld.idx.msk [tilespmem:v19+s1+$0x0], $0xffff;
	[tilespmem:s28+$0x20] =	vst v13  }
0x214: {  	v13 =	vshrl.u32 v15, $0x3;
	v15 =	vshrl.u32 v16, $0x3;
	v16 =	vshrl.u32 v17, $0x3;
	v8 =	vld.idx.msk [tilespmem:v9+s1+$0x0], $0xffff;
	[tilespmem:s28+$0x40] =	vst v11  }
0x215: {  	s10 =	sadd.s32 $0x80, s10;
	v17 =	vshrl.u32 v18, $0x3;
	v14 =	vshrl.u32 v14, $0x3;
	v18 =	vshrl.u32 v20, $0x3;
	v9 =	vld.idx.msk [tilespmem:v10+s1+$0x0], $0xffff  }
.Ltmp4:
0x216: {  	v15 =	vshll.u32 v15, v1;
	v10 =	vbroadcast v12, $0x0;
	v12 =	vshll.u32 v13, v1;
	v11 =	vld [tilespmem:s10+$0x30];
	(pc) =	sbr.rel @p0 .LBB2_10-.Ltmp4, $4  }
0x217: {  	v19 =	vshll.u32 v16, v1;
	v17 =	vshll.u32 v17, v1;
	v22 =	vshll.u32 v14, v1;
	v13 =	vld [tilespmem:s10+$0xFFFFFFC0]  }
0x218: {  	v18 =	vshll.u32 v18, v1;
	v15 =	vadd.s32 $0x2, v15;
	v12 =	vadd.s32 $0x1, v12;
	v14 =	vld [tilespmem:s10+$0xFFFFFFD0]  }
0x219: {  	v21 =	vadd.s32 $0x3, v19;
	v20 =	vadd.s32 $0x4, v17;
	v16 =	vbroadcast v12, $0x0;
	v12 =	vld [tilespmem:s10+$0xFFFFFFE0]  }
0x21a: {  	s4 =	sadd.s32 $0x7, s3;
	s3 =	sadd.s32 $0x8, s3;
	v19 =	vadd.s32 $0x5, v22;
	v18 =	vadd.s32 $0x6, v18;
	v17 =	vbroadcast v15, $0x0;
	v15 =	vld [tilespmem:s10+$0xFFFFFFF0]  }
0x21b: {  	_ = 	snop  }
0x21c: {  	v23 =	vld [tilespmem:s10+$0x0]  }
0x21d: {  	v24 =	vld [tilespmem:s10+$0x10]  }
0x21e: {  	v25 =	vld [tilespmem:s10+$0x20]  }
0x21f: {  	v21 =	vbroadcast v21, $0x0;
	v22 =	vmov s4;
	v10 =	vld.idx.msk [tilespmem:v10+s1+$0x0], $0xffff  }
0x220: {  	v20 =	vbroadcast v20, $0x0;
	v16 =	vld.idx.msk [tilespmem:v16+s1+$0x0], $0xffff;
	v22 =	vshrl.u32 v22, $0x3;
	v2 =	vmul.f32 v13, v2  }
0x221: {  	v19 =	vbroadcast v19, $0x0;
	s3 =	sadd.s32 $0x100, s28;
	s10 =	sadd.s32 $0x80, s10;
	v17 =	vld.idx.msk [tilespmem:v17+s1+$0x0], $0xffff;
	v22 =	vshll.u32 v22, v1;
	v3 =	vmul.f32 v14, v3  }
0x222: {  	v22 =	vadd.s32 $0x7, v22;
	[tilespmem:s3+$0xFFFFFF80] =	vst v2;
	v2 =	vmul.f32 v12, v4;
	v4 =	vld [tilespmem:s10+$0x30]  }
0x223: {  	v22 =	vbroadcast v22, $0x0;
	[tilespmem:s3+$0xFFFFFFA0] =	vst v3;
	v3 =	vmul.f32 v15, v5;
	v5 =	vld [tilespmem:s10+$0xFFFFFFC0]  }
0x224: {  	[tilespmem:s3+$0xFFFFFFC0] =	vst v2;
	v2 =	vmul.f32 v23, v6;
	v6 =	vld [tilespmem:s10+$0xFFFFFFD0]  }
0x225: {  	v18 =	vbroadcast v18, $0x0;
	v9 =	vmul.f32 v11, v9;
	v21 =	vld.idx.msk [tilespmem:v21+s1+$0x0], $0xffff  }
0x226: {  	v20 =	vld.idx.msk [tilespmem:v20+s1+$0x0], $0xffff  }
0x227: {  	[tilespmem:s3+$0x60] =	vst v9;
	v11 =	vld.idx.msk [tilespmem:v19+s1+$0x0], $0xffff  }
0x228: {  	[tilespmem:s3+$0xFFFFFFE0] =	vst v3;
	v3 =	vmul.f32 v24, v7;
	v7 =	vld [tilespmem:s10+$0xFFFFFFE0]  }
0x229: {  	[tilespmem:s3+$0x0] =	vst v2;
	v2 =	vmul.f32 v25, v8;
	v9 =	vld.idx.msk [tilespmem:v22+s1+$0x0], $0xffff  }
0x22a: {  	[tilespmem:s3+$0x20] =	vst v3;
	v3 =	vld [tilespmem:s10+$0x0]  }
0x22b: {  	v13 =	vld.idx.msk [tilespmem:v18+s1+$0x0], $0xffff;
	[tilespmem:s3+$0x40] =	vst v2;
	v2 =	vmul.f32 v5, v10  }
0x22c: {  	v5 =	vld [tilespmem:s10+$0x10];
	s3 =	sadd.s32 $0x100, s3  }
0x22d: {  	v8 =	vld [tilespmem:s10+$0xFFFFFFF0];
	[tilespmem:s3+$0xFFFFFF80] =	vst v2;
	v2 =	vmul.f32 v7, v17  }
0x22e: {  	v6 =	vmul.f32 v6, v16;
	v4 =	vmul.f32 v4, v9;
	v9 =	vld [tilespmem:s10+$0x20]  }
0x22f: {  	[tilespmem:s3+$0xFFFFFFC0] =	vst v2;
	v2 =	vmul.f32 v3, v20  }
0x230: {  	[tilespmem:s3+$0xFFFFFFA0] =	vst v6  }
0x231: {  	v3 =	vmul.f32 v5, v11;
	[tilespmem:s3+$0x0] =	vst v2  }
0x232: {  	[tilespmem:s3+$0x60] =	vst v4;
	v4 =	vmul.f32 v8, v21  }
0x233: {  	[tilespmem:s3+$0x20] =	vst v3;
	v2 =	vmul.f32 v9, v13  }
0x234: {  	[tilespmem:s3+$0xFFFFFFE0] =	vst v4  }
0x235: {  	s5 =	simm.s32 $0x18B00;
	[tilespmem:s3+$0x40] =	vst v2  }
0x236: {  	[spmem:s22] =	stream.indirect.scatter.add.f32 [tilespmem:s15], [sflag:$0x2], $0x20, s5, s2, $0xb8;
	[tilespmem:$0x1F770] =	vst v63  }
0x237: {  	s10 =	simm.s32 $0x18B68  }
0x238: {  	[spmem:s22] =	stream.indirect.scatter.add.f32 [tilespmem:s16], [sflag:$0x2], $0x20, s10, s2, $0xb8;
	[tilespmem:$0x1F770] =	vst v63  }
0x239: {  	s4 =	simm.s32 $0x18BD0  }
0x23a: {  	[spmem:s22] =	stream.indirect.scatter.add.f32 [tilespmem:s17], [sflag:$0x2], $0x20, s4, s2, $0xb8;
	[tilespmem:$0x1F770] =	vst v63  }
0x23b: {  	s5 =	simm.s32 $0x18C38  }
0x23c: {  	[spmem:s22] =	stream.indirect.scatter.add.f32 [tilespmem:s18], [sflag:$0x2], $0x20, s5, s2, $0xb8;
	[tilespmem:$0x1F770] =	vst v63  }
0x23d: {  	s10 =	simm.s32 $0x18CA0  }
0x23e: {  	[spmem:s22] =	stream.indirect.scatter.add.f32 [tilespmem:s19], [sflag:$0x2], $0x20, s10, s2, $0xb8;
	[tilespmem:$0x1F770] =	vst v63  }
0x23f: {  	s4 =	simm.s32 $0x18D08  }
0x240: {  	[spmem:s22] =	stream.indirect.scatter.add.f32 [tilespmem:s20], [sflag:$0x2], $0x20, s4, s2, $0xb8;
	[tilespmem:$0x1F770] =	vst v63  }
0x241: {  	s5 =	simm.s32 $0x18D70  }
0x242: {  	[spmem:s22] =	stream.indirect.scatter.add.f32 [tilespmem:s23], [sflag:$0x2], $0x20, s5, s2, $0xb8;
	[tilespmem:$0x1F770] =	vst v63  }
0x243: {  	s10 =	simm.s32 $0x18DD8  }
0x244: {  	[spmem:s22] =	stream.indirect.scatter.add.f32 [tilespmem:s24], [sflag:$0x2], $0x20, s10, s2, $0xb8;
	[tilespmem:$0x1F770] =	vst v63  }
0x245: {  	s4 =	simm.s32 $0x18E40  }
0x246: {  	[spmem:s22] =	stream.indirect.scatter.add.f32 [tilespmem:s25], [sflag:$0x2], $0x20, s4, s2, $0xb8;
	[tilespmem:$0x1F770] =	vst v63  }
0x247: {  	s5 =	simm.s32 $0x18EA8  }
0x248: {  	[spmem:s22] =	stream.indirect.scatter.add.f32 [tilespmem:s26], [sflag:$0x2], $0x20, s5, s2, $0xb8;
	[tilespmem:$0x1F770] =	vst v63  }
0x249: {  	_ =	swait.ge [sflag:s14], $0xC80  }
0x24a: {  	[sflag:s14] =	ssyncset.done $0x0  }
0x24b: {  	[sflag:s14] =	ssyncadd.s32 $0xFFFFF380  }
0x24c: {  	_ =	swait.ge [sflag:s14], $0xC80  }
0x24d: {  	[sflag:s14] =	ssyncset.done $0x0  }
0x24e: {  	[sflag:s14] =	ssyncadd.s32 $0xFFFFF380  }
0x24f: {  	_ =	swait.ge [sflag:s14], $0xC80  }
0x250: {  	[sflag:s14] =	ssyncset.done $0x0  }
0x251: {  	[sflag:s14] =	ssyncadd.s32 $0xFFFFF380  }
0x252: {  	_ =	swait.ge [sflag:s14], $0xC80  }
0x253: {  	[sflag:s14] =	ssyncset.done $0x0  }
0x254: {  	[sflag:s14] =	ssyncadd.s32 $0xFFFFF380  }
0x255: {  	_ =	swait.ge [sflag:s14], $0xC80  }
0x256: {  	[sflag:s14] =	ssyncset.done $0x0  }
0x257: {  	[sflag:s14] =	ssyncadd.s32 $0xFFFFF380  }
0x258: {  	_ =	swait.ge [sflag:s14], $0xC80  }
0x259: {  	[sflag:s14] =	ssyncset.done $0x0  }
0x25a: {  	[sflag:s14] =	ssyncadd.s32 $0xFFFFF380  }
0x25b: {  	_ =	swait.ge [sflag:s14], $0xC80  }
0x25c: {  	[sflag:s14] =	ssyncset.done $0x0  }
0x25d: {  	[sflag:s14] =	ssyncadd.s32 $0xFFFFF380  }
0x25e: {  	_ =	swait.ge [sflag:s14], $0xC80  }
0x25f: {  	[sflag:s14] =	ssyncset.done $0x0  }
0x260: {  	[sflag:s14] =	ssyncadd.s32 $0xFFFFF380  }
0x261: {  	_ =	swait.ge [sflag:s14], $0xC80  }
0x262: {  	s10 =	simm.s32 $0x1;
	[sflag:s14] =	ssyncset.done $0x0  }
0x263: {  	s3 =	simm.s32 $0x0;
	v3 =	vmov s10;
	s10 =	simm.s32 $0x4;
	[sflag:s14] =	ssyncadd.s32 $0xFFFFF380  }
0x264: {  	v2 =	vmov s3;
	s4 =	simm.s32 $0x3;
	s5 =	simm.s32 $0x2;
	_ =	swait.ge [sflag:s14], $0xC80  }
0x265: {  	v2 =	vshrl.u32 v2, $0x3;
	v6 =	vmov s10;
	s10 =	simm.s32 $0x6;
	v4 =	vmov s5;
	s5 =	simm.s32 $0x5;
	[sflag:s14] =	ssyncset.done $0x0  }
0x266: {  	v2 =	vshll.u32 v2, v1;
	v8 =	vmov s10;
	s10 =	simm.s32 $0x3E80;
	v7 =	vmov s5;
	s5 =	rddreg [dreg:$0xa];
	[sflag:s14] =	ssyncadd.s32 $0xFFFFF380  }
0x267: {  	v2 =	vbroadcast v2, $0x0;
	v3 =	vshrl.u32 v3, $0x3;
	[tilespmem:s10], [sflag:$0x1] =	stream.linear.gather [hbm4b:s5+s3], $0x3E80, $0x38;
	[tilespmem:$0x1F770] =	vst v63  }
0x268: {  	v5 =	vmov s4;
	v6 =	vshrl.u32 v6, $0x3;
	v3 =	vshll.u32 v3, v1;
	s10 =	rddreg [dreg:$0x14]  }
0x269: {  	v5 =	vshrl.u32 v5, $0x3;
	v8 =	vshrl.u32 v8, $0x3;
	v4 =	vshrl.u32 v4, $0x3;
	[tilespmem:s1], [sflag:$0x1] =	stream.linear.gather [hbm4b:s10+s3], $0x3E8, $0x38;
	[tilespmem:$0x1F770] =	vst v63  }
0x26a: {  	v6 =	vshll.u32 v6, v1;
	v3 =	vadd.s32 $0x1, v3;
	v4 =	vshll.u32 v4, v1;
	_ =	swait.ge [sflag:s21], $0x3E80  }
0x26b: {  	v5 =	vshll.u32 v5, v1;
	v3 =	vbroadcast v3, $0x0;
	v4 =	vadd.s32 $0x2, v4;
	[sflag:s21] =	ssyncset.done $0x0  }
0x26c: {  	v5 =	vadd.s32 $0x3, v5;
	v7 =	vshrl.u32 v7, $0x3;
	v4 =	vbroadcast v4, $0x0;
	[sflag:s21] =	ssyncadd.s32 $0xFFFFC180  }
0x26d: {  	v6 =	vadd.s32 $0x4, v6;
	v5 =	vbroadcast v5, $0x0;
	v7 =	vshll.u32 v7, v1;
	_ =	swait.ge [sflag:s21], $0x3E8  }
0x26e: {  	v8 =	vshll.u32 v8, v1;
	v6 =	vbroadcast v6, $0x0;
	v7 =	vadd.s32 $0x5, v7;
	s5 =	simm.s32 $0x7;
	[sflag:s21] =	ssyncset.done $0x0  }
0x26f: {  	v8 =	vadd.s32 $0x6, v8;
	v7 =	vbroadcast v7, $0x0;
	v9 =	vmov s5;
	[sflag:s21] =	ssyncadd.s32 $0xFFFFFC18  }
0x270: {  	v8 =	vbroadcast v8, $0x0;
	v9 =	vshrl.u32 v9, $0x3;
	v2 =	vld.idx.msk [tilespmem:v2+s0+$0x0], $0xffff  }
0x271: {  	s4 =	simm.s32 $0x9;
	v9 =	vshll.u32 v9, v1;
	v3 =	vld.idx.msk [tilespmem:v3+s0+$0x0], $0xffff  }
0x272: {  	v11 =	vmov s4;
	s4 =	simm.s32 $0xC;
	v9 =	vadd.s32 $0x7, v9;
	v4 =	vld.idx.msk [tilespmem:v4+s0+$0x0], $0xffff  }
0x273: {  	v14 =	vmov s4;
	v11 =	vshrl.u32 v11, $0x3;
	v9 =	vbroadcast v9, $0x0;
	v5 =	vld.idx.msk [tilespmem:v5+s0+$0x0], $0xffff  }
0x274: {  	v14 =	vshrl.u32 v14, $0x3;
	v11 =	vshll.u32 v11, v1;
	s5 =	simm.s32 $0xA;
	v6 =	vld.idx.msk [tilespmem:v6+s0+$0x0], $0xffff  }
0x275: {  	v14 =	vshll.u32 v14, v1;
	v11 =	vadd.s32 $0x1, v11;
	s10 =	simm.s32 $0x8;
	v12 =	vmov s5;
	s5 =	simm.s32 $0xD;
	v7 =	vld.idx.msk [tilespmem:v7+s0+$0x0], $0xffff  }
0x276: {  	v14 =	vadd.s32 $0x4, v14;
	v10 =	vmov s10;
	v15 =	vmov s5;
	s5 =	simm.s32 $0x40;
	v8 =	vld.idx.msk [tilespmem:v8+s0+$0x0], $0xffff  }
0x277: {  	v11 =	vbroadcast v11, $0x0;
	v14 =	vbroadcast v14, $0x0;
	s10 =	simm.s32 $0xB;
	v10 =	vshrl.u32 v10, $0x3;
	v17 =	vld [tilespmem:s5+$0x30]  }
0x278: {  	v12 =	vshrl.u32 v12, $0x3;
	v13 =	vmov s10;
	v10 =	vshll.u32 v10, v1;
	v18 =	vld [tilespmem:s5+$0xFFFFFFC0]  }
0x279: {  	s10 =	simm.s32 $0xE;
	v15 =	vshrl.u32 v15, $0x3;
	v12 =	vshll.u32 v12, v1;
	v10 =	vbroadcast v10, $0x0;
	v9 =	vld.idx.msk [tilespmem:v9+s0+$0x0], $0xffff  }
0x27a: {  	v16 =	vmov s10;
	v13 =	vshrl.u32 v13, $0x3;
	v15 =	vshll.u32 v15, v1;
	v19 =	vld [tilespmem:s5+$0xFFFFFFD0]  }
0x27b: {  	v12 =	vadd.s32 $0x2, v12;
	v16 =	vshrl.u32 v16, $0x3;
	v13 =	vshll.u32 v13, v1;
	v20 =	vld [tilespmem:s5+$0xFFFFFFE0]  }
0x27c: {  	s10 =	simm.s32 $0xF;
	v12 =	vbroadcast v12, $0x0;
	v15 =	vadd.s32 $0x5, v15;
	v13 =	vadd.s32 $0x3, v13;
	v21 =	vld [tilespmem:s5+$0xFFFFFFF0]  }
0x27d: {  	v22 =	vmov s10;
	v16 =	vshll.u32 v16, v1;
	v13 =	vbroadcast v13, $0x0;
	v62 =	vld [tilespmem:s5+$0x20]  }
0x27e: {  	v16 =	vadd.s32 $0x6, v16;
	v23 =	vld [tilespmem:s5+$0x0];
	v9 =	vmul.f32 v17, v9;
	v17 =	vshrl.u32 v22, $0x3  }
0x27f: {  	v18 =	vmul.f32 v18, v2;
	v2 =	vld.idx.msk [tilespmem:v10+s0+$0x0], $0xffff;
	v10 =	vbroadcast v16, $0x0;
	v17 =	vshll.u32 v17, v1  }
0x280: {  	s4 =	simm.s32 $0x10;
	v15 =	vbroadcast v15, $0x0;
	v19 =	vmul.f32 v19, v3;
	v22 =	vld [tilespmem:s5+$0x10];
	v16 =	vadd.s32 $0x7, v17  }
0x281: {  	v3 =	vld.idx.msk [tilespmem:v11+s0+$0x0], $0xffff;
	v17 =	vmul.f32 v20, v4;
	v4 =	vmov s4;
	v11 =	vbroadcast v16, $0x0  }
0x282: {  	s10 =	simm.s32 $0x12;
	v24 =	vmul.f32 v62, v8;
	s5 =	simm.s32 $0x11;
	v16 =	vmul.f32 v21, v5;
	v20 =	vshrl.u32 v4, $0x3;
	v4 =	vld.idx.msk [tilespmem:v12+s0+$0x0], $0xffff  }
0x283: {  	s28 =	simm.s32 $0x7D80;
	v12 =	vmul.f32 v23, v6;
	v21 =	vmov s5;
	v23 =	vmov s10;
	s5 =	simm.s32 $0x13;
	s10 =	simm.s32 $0x14;
	v5 =	vld.idx.msk [tilespmem:v13+s0+$0x0], $0xffff  }
0x284: {  	[tilespmem:s28+$0xFFFFFF80] =	vst v18;
	v6 =	vld.idx.msk [tilespmem:v14+s0+$0x0], $0xffff;
	v13 =	vmov s5;
	v63 =	vmov s10;
	s5 =	simm.s32 $0x15;
	v14 =	vshll.u32 v20, v1  }
0x285: {  	[tilespmem:s28+$0x60] =	vst v9;
	s10 =	simm.s32 $0x16;
	v18 =	vshrl.u32 v23, $0x3;
	v8 =	vld.idx.msk [tilespmem:v10+s0+$0x0], $0xffff;
	v22 =	vmul.f32 v22, v7;
	v9 =	vmov s5  }
0x286: {  	v20 =	vmov s10;
	v7 =	vld.idx.msk [tilespmem:v15+s0+$0x0], $0xffff;
	v15 =	vshrl.u32 v21, $0x3;
	v13 =	vshrl.u32 v13, $0x3  }
0x287: {  	[tilespmem:s28+$0xFFFFFFA0] =	vst v19;
	v19 =	vshrl.u32 v63, $0x3;
	s10 =	simm.s32 $0xC0;
	v10 =	vbroadcast v14, $0x0;
	v21 =	vshrl.u32 v9, $0x3;
	v9 =	vld.idx.msk [tilespmem:v11+s0+$0x0], $0xffff  }
0x288: {  	[tilespmem:s28+$0x40] =	vst v24;
	v20 =	vshrl.u32 v20, $0x3;
	v14 =	vshll.u32 v15, v1;
	v15 =	vshll.u32 v18, v1;
	v11 =	vld [tilespmem:s10+$0x30]  }
0x289: {  	[tilespmem:s28+$0xFFFFFFC0] =	vst v17;
	v17 =	vshll.u32 v13, v1;
	v18 =	vshll.u32 v19, v1;
	v13 =	vld [tilespmem:s10+$0xFFFFFFC0];
	v19 =	vshll.u32 v21, v1  }
0x28a: {  	[tilespmem:s28+$0x0] =	vst v12;
	v12 =	vadd.s32 $0x1, v14;
	v15 =	vadd.s32 $0x2, v15;
	v23 =	vshll.u32 v20, v1;
	v14 =	vld [tilespmem:s10+$0xFFFFFFD0]  }
0x28b: {  	[tilespmem:s28+$0xFFFFFFE0] =	vst v16;
	v21 =	vadd.s32 $0x3, v17;
	v20 =	vadd.s32 $0x4, v18;
	v16 =	vbroadcast v12, $0x0;
	v12 =	vld [tilespmem:s10+$0xFFFFFFE0]  }
0x28c: {  	s3 =	simm.s32 $0x18;
	s4 =	simm.s32 $0x17;
	[tilespmem:s28+$0x20] =	vst v22;
	v17 =	vbroadcast v15, $0x0;
	v19 =	vadd.s32 $0x5, v19;
	v18 =	vadd.s32 $0x6, v23;
	v15 =	vld [tilespmem:s10+$0xFFFFFFF0]  }
.LBB2_12:
0x28d: {  	p0 =	slt.u32 s3, $0x3E0;
	v21 =	vbroadcast v21, $0x0;
	v22 =	vmov s4;
	v23 =	vld [tilespmem:s10+$0x0];
	v9 =	vmul.f32 v11, v9  }
0x28e: {  	v11 =	vbroadcast v20, $0x0;
	s28 =	sadd.s32 $0x100, s28;
	v20 =	vshrl.u32 v22, $0x3;
	v13 =	vmul.f32 v13, v2;
	v22 =	vld [tilespmem:s10+$0x10]  }
0x28f: {  	v19 =	vbroadcast v19, $0x0;
	v20 =	vshll.u32 v20, v1;
	v14 =	vmul.f32 v14, v3;
	v24 =	vld [tilespmem:s10+$0x20];
	[tilespmem:s28+$0x60] =	vst v9  }
0x290: {  	v9 =	vbroadcast v18, $0x0;
	v2 =	vld.idx.msk [tilespmem:v10+s0+$0x0], $0xffff;
	v10 =	vadd.s32 $0x7, v20;
	[tilespmem:s28+$0xFFFFFF80] =	vst v13;
	v12 =	vmul.f32 v12, v4  }
0x291: {  	v4 =	vmov s3;
	v3 =	vld.idx.msk [tilespmem:v16+s0+$0x0], $0xffff;
	v10 =	vbroadcast v10, $0x0;
	[tilespmem:s28+$0xFFFFFFA0] =	vst v14;
	v13 =	vmul.f32 v15, v5  }
0x292: {  	s4 =	sadd.s32 $0x1, s3;
	s5 =	sadd.s32 $0x2, s3;
	v14 =	vshrl.u32 v4, $0x3;
	v4 =	vld.idx.msk [tilespmem:v17+s0+$0x0], $0xffff;
	[tilespmem:s28+$0xFFFFFFC0] =	vst v12;
	v12 =	vmul.f32 v23, v6  }
0x293: {  	v15 =	vmov s4;
	v16 =	vmov s5;
	s4 =	sadd.s32 $0x3, s3;
	s5 =	sadd.s32 $0x4, s3;
	v5 =	vld.idx.msk [tilespmem:v21+s0+$0x0], $0xffff;
	[tilespmem:s28+$0xFFFFFFE0] =	vst v13;
	v13 =	vmul.f32 v22, v7  }
0x294: {  	v17 =	vmov s4;
	v18 =	vmov s5;
	s4 =	sadd.s32 $0x5, s3;
	s5 =	sadd.s32 $0x6, s3;
	v6 =	vld.idx.msk [tilespmem:v11+s0+$0x0], $0xffff;
	[tilespmem:s28+$0x0] =	vst v12;
	v11 =	vmul.f32 v24, v8  }
0x295: {  	v20 =	vmov s5;
	v12 =	vshll.u32 v14, v1;
	v14 =	vmov s4;
	v7 =	vld.idx.msk [tilespmem:v19+s0+$0x0], $0xffff;
	[tilespmem:s28+$0x20] =	vst v13  }
0x296: {  	v13 =	vshrl.u32 v15, $0x3;
	v15 =	vshrl.u32 v16, $0x3;
	v16 =	vshrl.u32 v17, $0x3;
	v8 =	vld.idx.msk [tilespmem:v9+s0+$0x0], $0xffff;
	[tilespmem:s28+$0x40] =	vst v11  }
0x297: {  	s10 =	sadd.s32 $0x80, s10;
	v17 =	vshrl.u32 v18, $0x3;
	v14 =	vshrl.u32 v14, $0x3;
	v18 =	vshrl.u32 v20, $0x3;
	v9 =	vld.idx.msk [tilespmem:v10+s0+$0x0], $0xffff  }
.Ltmp5:
0x298: {  	v15 =	vshll.u32 v15, v1;
	v10 =	vbroadcast v12, $0x0;
	v12 =	vshll.u32 v13, v1;
	v11 =	vld [tilespmem:s10+$0x30];
	(pc) =	sbr.rel @p0 .LBB2_12-.Ltmp5, $4  }
0x299: {  	v19 =	vshll.u32 v16, v1;
	v17 =	vshll.u32 v17, v1;
	v22 =	vshll.u32 v14, v1;
	v13 =	vld [tilespmem:s10+$0xFFFFFFC0]  }
0x29a: {  	v18 =	vshll.u32 v18, v1;
	v15 =	vadd.s32 $0x2, v15;
	v12 =	vadd.s32 $0x1, v12;
	v14 =	vld [tilespmem:s10+$0xFFFFFFD0]  }
0x29b: {  	v21 =	vadd.s32 $0x3, v19;
	v20 =	vadd.s32 $0x4, v17;
	v16 =	vbroadcast v12, $0x0;
	v12 =	vld [tilespmem:s10+$0xFFFFFFE0]  }
0x29c: {  	s4 =	sadd.s32 $0x7, s3;
	s3 =	sadd.s32 $0x8, s3;
	v19 =	vadd.s32 $0x5, v22;
	v18 =	vadd.s32 $0x6, v18;
	v17 =	vbroadcast v15, $0x0;
	v15 =	vld [tilespmem:s10+$0xFFFFFFF0]  }
0x29d: {  	_ = 	snop  }
0x29e: {  	v23 =	vld [tilespmem:s10+$0x0]  }
0x29f: {  	v24 =	vld [tilespmem:s10+$0x10]  }
0x2a0: {  	v25 =	vld [tilespmem:s10+$0x20]  }
0x2a1: {  	v21 =	vbroadcast v21, $0x0;
	v22 =	vmov s4;
	v10 =	vld.idx.msk [tilespmem:v10+s0+$0x0], $0xffff  }
0x2a2: {  	v20 =	vbroadcast v20, $0x0;
	v16 =	vld.idx.msk [tilespmem:v16+s0+$0x0], $0xffff;
	v22 =	vshrl.u32 v22, $0x3;
	v2 =	vmul.f32 v13, v2  }
0x2a3: {  	v19 =	vbroadcast v19, $0x0;
	s3 =	sadd.s32 $0x100, s28;
	s10 =	sadd.s32 $0x80, s10;
	v17 =	vld.idx.msk [tilespmem:v17+s0+$0x0], $0xffff;
	v22 =	vshll.u32 v22, v1;
	v3 =	vmul.f32 v14, v3  }
0x2a4: {  	v22 =	vadd.s32 $0x7, v22;
	[tilespmem:s3+$0xFFFFFF80] =	vst v2;
	v2 =	vmul.f32 v12, v4;
	v4 =	vld [tilespmem:s10+$0x30]  }
0x2a5: {  	v22 =	vbroadcast v22, $0x0;
	[tilespmem:s3+$0xFFFFFFA0] =	vst v3;
	v3 =	vmul.f32 v15, v5;
	v5 =	vld [tilespmem:s10+$0xFFFFFFC0]  }
0x2a6: {  	[tilespmem:s3+$0xFFFFFFC0] =	vst v2;
	v2 =	vmul.f32 v23, v6;
	v6 =	vld [tilespmem:s10+$0xFFFFFFD0]  }
0x2a7: {  	v18 =	vbroadcast v18, $0x0;
	v9 =	vmul.f32 v11, v9;
	v21 =	vld.idx.msk [tilespmem:v21+s0+$0x0], $0xffff  }
0x2a8: {  	v20 =	vld.idx.msk [tilespmem:v20+s0+$0x0], $0xffff  }
0x2a9: {  	[tilespmem:s3+$0x60] =	vst v9;
	v11 =	vld.idx.msk [tilespmem:v19+s0+$0x0], $0xffff  }
0x2aa: {  	[tilespmem:s3+$0xFFFFFFE0] =	vst v3;
	v3 =	vmul.f32 v24, v7;
	v7 =	vld [tilespmem:s10+$0xFFFFFFE0]  }
0x2ab: {  	[tilespmem:s3+$0x0] =	vst v2;
	v2 =	vmul.f32 v25, v8;
	v9 =	vld.idx.msk [tilespmem:v22+s0+$0x0], $0xffff  }
0x2ac: {  	[tilespmem:s3+$0x20] =	vst v3;
	v3 =	vld [tilespmem:s10+$0x0]  }
0x2ad: {  	v13 =	vld.idx.msk [tilespmem:v18+s0+$0x0], $0xffff;
	[tilespmem:s3+$0x40] =	vst v2;
	v2 =	vmul.f32 v5, v10  }
0x2ae: {  	v5 =	vld [tilespmem:s10+$0x10];
	s3 =	sadd.s32 $0x100, s3  }
0x2af: {  	v8 =	vld [tilespmem:s10+$0xFFFFFFF0];
	[tilespmem:s3+$0xFFFFFF80] =	vst v2;
	v2 =	vmul.f32 v7, v17  }
0x2b0: {  	v6 =	vmul.f32 v6, v16;
	v4 =	vmul.f32 v4, v9;
	v9 =	vld [tilespmem:s10+$0x20]  }
0x2b1: {  	[tilespmem:s3+$0xFFFFFFC0] =	vst v2;
	v2 =	vmul.f32 v3, v20  }
0x2b2: {  	[tilespmem:s3+$0xFFFFFFA0] =	vst v6  }
0x2b3: {  	v3 =	vmul.f32 v5, v11;
	[tilespmem:s3+$0x0] =	vst v2  }
0x2b4: {  	[tilespmem:s3+$0x60] =	vst v4;
	v4 =	vmul.f32 v8, v21  }
0x2b5: {  	[tilespmem:s3+$0x20] =	vst v3;
	v2 =	vmul.f32 v9, v13  }
0x2b6: {  	[tilespmem:s3+$0xFFFFFFE0] =	vst v4  }
0x2b7: {  	s5 =	simm.s32 $0x7D00;
	s10 =	simm.s32 $0x18F10;
	[tilespmem:s3+$0x40] =	vst v2  }
0x2b8: {  	[spmem:s22] =	stream.indirect.scatter.add.f32 [tilespmem:s5], [sflag:$0x2], $0x20, s10, s2, $0xb8;
	[tilespmem:$0x1F770] =	vst v63  }
0x2b9: {  	s5 =	simm.s32 $0x8980;
	s10 =	simm.s32 $0x18F78  }
0x2ba: {  	[spmem:s22] =	stream.indirect.scatter.add.f32 [tilespmem:s5], [sflag:$0x2], $0x20, s10, s2, $0xb8;
	[tilespmem:$0x1F770] =	vst v63  }
0x2bb: {  	s5 =	simm.s32 $0x9600;
	s10 =	simm.s32 $0x18FE0  }
0x2bc: {  	[spmem:s22] =	stream.indirect.scatter.add.f32 [tilespmem:s5], [sflag:$0x2], $0x20, s10, s2, $0xb8;
	[tilespmem:$0x1F770] =	vst v63  }
0x2bd: {  	s5 =	simm.s32 $0x19048  }
0x2be: {  	[spmem:s22] =	stream.indirect.scatter.add.f32 [tilespmem:s6], [sflag:$0x2], $0x20, s5, s2, $0xb8;
	[tilespmem:$0x1F770] =	vst v63  }
0x2bf: {  	s10 =	simm.s32 $0x190B0  }
0x2c0: {  	[spmem:s22] =	stream.indirect.scatter.add.f32 [tilespmem:s7], [sflag:$0x2], $0x20, s10, s2, $0xb8;
	[tilespmem:$0x1F770] =	vst v63  }
0x2c1: {  	s4 =	simm.s32 $0x19118  }
0x2c2: {  	[spmem:s22] =	stream.indirect.scatter.add.f32 [tilespmem:s8], [sflag:$0x2], $0x20, s4, s2, $0xb8;
	[tilespmem:$0x1F770] =	vst v63  }
0x2c3: {  	s5 =	simm.s32 $0x19180  }
0x2c4: {  	[spmem:s22] =	stream.indirect.scatter.add.f32 [tilespmem:s9], [sflag:$0x2], $0x20, s5, s2, $0xb8;
	[tilespmem:$0x1F770] =	vst v63  }
0x2c5: {  	s10 =	simm.s32 $0x191E8  }
0x2c6: {  	[spmem:s22] =	stream.indirect.scatter.add.f32 [tilespmem:s11], [sflag:$0x2], $0x20, s10, s2, $0xb8;
	[tilespmem:$0x1F770] =	vst v63  }
0x2c7: {  	s4 =	simm.s32 $0x19250  }
0x2c8: {  	[spmem:s22] =	stream.indirect.scatter.add.f32 [tilespmem:s12], [sflag:$0x2], $0x20, s4, s2, $0xb8;
	[tilespmem:$0x1F770] =	vst v63  }
0x2c9: {  	s5 =	simm.s32 $0x192B8  }
0x2ca: {  	[spmem:s22] =	stream.indirect.scatter.add.f32 [tilespmem:s13], [sflag:$0x2], $0x20, s5, s2, $0xb8;
	[tilespmem:$0x1F770] =	vst v63  }
0x2cb: {  	_ =	swait.ge [sflag:s14], $0xC80  }
0x2cc: {  	[sflag:s14] =	ssyncset.done $0x0  }
0x2cd: {  	[sflag:s14] =	ssyncadd.s32 $0xFFFFF380  }
0x2ce: {  	_ =	swait.ge [sflag:s14], $0xC80  }
0x2cf: {  	[sflag:s14] =	ssyncset.done $0x0  }
0x2d0: {  	[sflag:s14] =	ssyncadd.s32 $0xFFFFF380  }
0x2d1: {  	_ =	swait.ge [sflag:s14], $0xC80  }
0x2d2: {  	[sflag:s14] =	ssyncset.done $0x0  }
0x2d3: {  	[sflag:s14] =	ssyncadd.s32 $0xFFFFF380  }
0x2d4: {  	_ =	swait.ge [sflag:s14], $0xC80  }
0x2d5: {  	[sflag:s14] =	ssyncset.done $0x0  }
0x2d6: {  	[sflag:s14] =	ssyncadd.s32 $0xFFFFF380  }
0x2d7: {  	_ =	swait.ge [sflag:s14], $0xC80  }
0x2d8: {  	[sflag:s14] =	ssyncset.done $0x0  }
0x2d9: {  	[sflag:s14] =	ssyncadd.s32 $0xFFFFF380  }
0x2da: {  	_ =	swait.ge [sflag:s14], $0xC80  }
0x2db: {  	[sflag:s14] =	ssyncset.done $0x0  }
0x2dc: {  	[sflag:s14] =	ssyncadd.s32 $0xFFFFF380  }
0x2dd: {  	_ =	swait.ge [sflag:s14], $0xC80  }
0x2de: {  	[sflag:s14] =	ssyncset.done $0x0  }
0x2df: {  	[sflag:s14] =	ssyncadd.s32 $0xFFFFF380  }
0x2e0: {  	_ =	swait.ge [sflag:s14], $0xC80  }
0x2e1: {  	[sflag:s14] =	ssyncset.done $0x0  }
0x2e2: {  	[sflag:s14] =	ssyncadd.s32 $0xFFFFF380  }
0x2e3: {  	_ =	swait.ge [sflag:s14], $0xC80  }
0x2e4: {  	[sflag:s14] =	ssyncset.done $0x0  }
0x2e5: {  	s3 =	simm.s32 $0x0;
	s10 =	simm.s32 $0x1;
	[sflag:s14] =	ssyncadd.s32 $0xFFFFF380  }
0x2e6: {  	v2 =	vmov s3;
	v3 =	vmov s10;
	s10 =	simm.s32 $0x4;
	s5 =	simm.s32 $0x2;
	_ =	swait.ge [sflag:s14], $0xC80  }
0x2e7: {  	v2 =	vshrl.u32 v2, $0x3;
	s4 =	simm.s32 $0x3;
	v4 =	vmov s5;
	s5 =	simm.s32 $0x5;
	[sflag:s14] =	ssyncset.done $0x0  }
0x2e8: {  	v2 =	vshll.u32 v2, v1;
	v6 =	vmov s10;
	s10 =	simm.s32 $0x6;
	v7 =	vmov s5;
	s5 =	rddreg [dreg:$0xb];
	[sflag:s14] =	ssyncadd.s32 $0xFFFFF380  }
0x2e9: {  	v2 =	vbroadcast v2, $0x0;
	v3 =	vshrl.u32 v3, $0x3;
	v5 =	vmov s4;
	[tilespmem:s3], [sflag:$0x1] =	stream.linear.gather [hbm4b:s5+s3], $0x3E80, $0x38;
	[tilespmem:$0x1F770] =	vst v63  }
0x2ea: {  	v8 =	vmov s10;
	v6 =	vshrl.u32 v6, $0x3;
	v3 =	vshll.u32 v3, v1;
	s10 =	rddreg [dreg:$0x15]  }
0x2eb: {  	v5 =	vshrl.u32 v5, $0x3;
	v8 =	vshrl.u32 v8, $0x3;
	v4 =	vshrl.u32 v4, $0x3;
	[tilespmem:s0], [sflag:$0x1] =	stream.linear.gather [hbm4b:s10+s3], $0x3E8, $0x38;
	[tilespmem:$0x1F770] =	vst v63  }
0x2ec: {  	v6 =	vshll.u32 v6, v1;
	v3 =	vadd.s32 $0x1, v3;
	v4 =	vshll.u32 v4, v1;
	_ =	swait.ge [sflag:s21], $0x3E80  }
0x2ed: {  	v5 =	vshll.u32 v5, v1;
	v3 =	vbroadcast v3, $0x0;
	v4 =	vadd.s32 $0x2, v4;
	[sflag:s21] =	ssyncset.done $0x0  }
0x2ee: {  	v5 =	vadd.s32 $0x3, v5;
	v7 =	vshrl.u32 v7, $0x3;
	v4 =	vbroadcast v4, $0x0;
	[sflag:s21] =	ssyncadd.s32 $0xFFFFC180  }
0x2ef: {  	v6 =	vadd.s32 $0x4, v6;
	v5 =	vbroadcast v5, $0x0;
	v7 =	vshll.u32 v7, v1;
	_ =	swait.ge [sflag:s21], $0x3E8  }
0x2f0: {  	v8 =	vshll.u32 v8, v1;
	v6 =	vbroadcast v6, $0x0;
	v7 =	vadd.s32 $0x5, v7;
	s5 =	simm.s32 $0x7;
	[sflag:s21] =	ssyncset.done $0x0  }
0x2f1: {  	v8 =	vadd.s32 $0x6, v8;
	v7 =	vbroadcast v7, $0x0;
	v9 =	vmov s5;
	[sflag:s21] =	ssyncadd.s32 $0xFFFFFC18  }
0x2f2: {  	v8 =	vbroadcast v8, $0x0;
	v9 =	vshrl.u32 v9, $0x3;
	v2 =	vld.idx.msk [tilespmem:v2+s1+$0x0], $0xffff  }
0x2f3: {  	s4 =	simm.s32 $0x9;
	v9 =	vshll.u32 v9, v1;
	v3 =	vld.idx.msk [tilespmem:v3+s1+$0x0], $0xffff  }
0x2f4: {  	v11 =	vmov s4;
	s4 =	simm.s32 $0xC;
	v9 =	vadd.s32 $0x7, v9;
	v4 =	vld.idx.msk [tilespmem:v4+s1+$0x0], $0xffff  }
0x2f5: {  	v14 =	vmov s4;
	v11 =	vshrl.u32 v11, $0x3;
	v9 =	vbroadcast v9, $0x0;
	v5 =	vld.idx.msk [tilespmem:v5+s1+$0x0], $0xffff  }
0x2f6: {  	v14 =	vshrl.u32 v14, $0x3;
	v11 =	vshll.u32 v11, v1;
	s5 =	simm.s32 $0xA;
	v6 =	vld.idx.msk [tilespmem:v6+s1+$0x0], $0xffff  }
0x2f7: {  	v14 =	vshll.u32 v14, v1;
	v11 =	vadd.s32 $0x1, v11;
	s10 =	simm.s32 $0x8;
	v12 =	vmov s5;
	s5 =	simm.s32 $0xD;
	v7 =	vld.idx.msk [tilespmem:v7+s1+$0x0], $0xffff  }
0x2f8: {  	v14 =	vadd.s32 $0x4, v14;
	v10 =	vmov s10;
	v15 =	vmov s5;
	s5 =	simm.s32 $0x3EC0;
	v8 =	vld.idx.msk [tilespmem:v8+s1+$0x0], $0xffff  }
0x2f9: {  	v11 =	vbroadcast v11, $0x0;
	v14 =	vbroadcast v14, $0x0;
	s10 =	simm.s32 $0xB;
	v10 =	vshrl.u32 v10, $0x3;
	v17 =	vld [tilespmem:s5+$0x30]  }
0x2fa: {  	v12 =	vshrl.u32 v12, $0x3;
	v13 =	vmov s10;
	v10 =	vshll.u32 v10, v1;
	v18 =	vld [tilespmem:s5+$0xFFFFFFC0]  }
0x2fb: {  	s10 =	simm.s32 $0xE;
	v15 =	vshrl.u32 v15, $0x3;
	v12 =	vshll.u32 v12, v1;
	v10 =	vbroadcast v10, $0x0;
	v9 =	vld.idx.msk [tilespmem:v9+s1+$0x0], $0xffff  }
0x2fc: {  	v16 =	vmov s10;
	v13 =	vshrl.u32 v13, $0x3;
	v15 =	vshll.u32 v15, v1;
	v19 =	vld [tilespmem:s5+$0xFFFFFFD0]  }
0x2fd: {  	v12 =	vadd.s32 $0x2, v12;
	v16 =	vshrl.u32 v16, $0x3;
	v13 =	vshll.u32 v13, v1;
	v20 =	vld [tilespmem:s5+$0xFFFFFFE0]  }
0x2fe: {  	s10 =	simm.s32 $0xF;
	v12 =	vbroadcast v12, $0x0;
	v15 =	vadd.s32 $0x5, v15;
	v13 =	vadd.s32 $0x3, v13;
	v21 =	vld [tilespmem:s5+$0xFFFFFFF0]  }
0x2ff: {  	v22 =	vmov s10;
	v16 =	vshll.u32 v16, v1;
	v13 =	vbroadcast v13, $0x0;
	v62 =	vld [tilespmem:s5+$0x20]  }
0x300: {  	v16 =	vadd.s32 $0x6, v16;
	v23 =	vld [tilespmem:s5+$0x0];
	v9 =	vmul.f32 v17, v9;
	v17 =	vshrl.u32 v22, $0x3  }
0x301: {  	v18 =	vmul.f32 v18, v2;
	v2 =	vld.idx.msk [tilespmem:v10+s1+$0x0], $0xffff;
	v10 =	vbroadcast v16, $0x0;
	v17 =	vshll.u32 v17, v1  }
0x302: {  	s4 =	simm.s32 $0x10;
	v15 =	vbroadcast v15, $0x0;
	v19 =	vmul.f32 v19, v3;
	v22 =	vld [tilespmem:s5+$0x10];
	v16 =	vadd.s32 $0x7, v17  }
0x303: {  	v3 =	vld.idx.msk [tilespmem:v11+s1+$0x0], $0xffff;
	v17 =	vmul.f32 v20, v4;
	v4 =	vmov s4;
	v11 =	vbroadcast v16, $0x0  }
0x304: {  	s10 =	simm.s32 $0x12;
	v24 =	vmul.f32 v62, v8;
	s5 =	simm.s32 $0x11;
	v16 =	vmul.f32 v21, v5;
	v20 =	vshrl.u32 v4, $0x3;
	v4 =	vld.idx.msk [tilespmem:v12+s1+$0x0], $0xffff  }
0x305: {  	s28 =	simm.s32 $0xFA80;
	v12 =	vmul.f32 v23, v6;
	v21 =	vmov s5;
	v23 =	vmov s10;
	s5 =	simm.s32 $0x13;
	s10 =	simm.s32 $0x14;
	v5 =	vld.idx.msk [tilespmem:v13+s1+$0x0], $0xffff  }
0x306: {  	[tilespmem:s28+$0xFFFFFF80] =	vst v18;
	v6 =	vld.idx.msk [tilespmem:v14+s1+$0x0], $0xffff;
	v13 =	vmov s5;
	v63 =	vmov s10;
	s5 =	simm.s32 $0x15;
	v14 =	vshll.u32 v20, v1  }
0x307: {  	[tilespmem:s28+$0x60] =	vst v9;
	s10 =	simm.s32 $0x16;
	v18 =	vshrl.u32 v23, $0x3;
	v8 =	vld.idx.msk [tilespmem:v10+s1+$0x0], $0xffff;
	v22 =	vmul.f32 v22, v7;
	v9 =	vmov s5  }
0x308: {  	v20 =	vmov s10;
	v7 =	vld.idx.msk [tilespmem:v15+s1+$0x0], $0xffff;
	v15 =	vshrl.u32 v21, $0x3;
	v13 =	vshrl.u32 v13, $0x3  }
0x309: {  	[tilespmem:s28+$0xFFFFFFA0] =	vst v19;
	v19 =	vshrl.u32 v63, $0x3;
	s10 =	simm.s32 $0x3F40;
	v10 =	vbroadcast v14, $0x0;
	v21 =	vshrl.u32 v9, $0x3;
	v9 =	vld.idx.msk [tilespmem:v11+s1+$0x0], $0xffff  }
0x30a: {  	[tilespmem:s28+$0x40] =	vst v24;
	v20 =	vshrl.u32 v20, $0x3;
	v14 =	vshll.u32 v15, v1;
	v15 =	vshll.u32 v18, v1;
	v11 =	vld [tilespmem:s10+$0x30]  }
0x30b: {  	[tilespmem:s28+$0xFFFFFFC0] =	vst v17;
	v17 =	vshll.u32 v13, v1;
	v18 =	vshll.u32 v19, v1;
	v13 =	vld [tilespmem:s10+$0xFFFFFFC0];
	v19 =	vshll.u32 v21, v1  }
0x30c: {  	[tilespmem:s28+$0x0] =	vst v12;
	v12 =	vadd.s32 $0x1, v14;
	v15 =	vadd.s32 $0x2, v15;
	v23 =	vshll.u32 v20, v1;
	v14 =	vld [tilespmem:s10+$0xFFFFFFD0]  }
0x30d: {  	[tilespmem:s28+$0xFFFFFFE0] =	vst v16;
	v21 =	vadd.s32 $0x3, v17;
	v20 =	vadd.s32 $0x4, v18;
	v16 =	vbroadcast v12, $0x0;
	v12 =	vld [tilespmem:s10+$0xFFFFFFE0]  }
0x30e: {  	s3 =	simm.s32 $0x18;
	s4 =	simm.s32 $0x17;
	[tilespmem:s28+$0x20] =	vst v22;
	v17 =	vbroadcast v15, $0x0;
	v19 =	vadd.s32 $0x5, v19;
	v18 =	vadd.s32 $0x6, v23;
	v15 =	vld [tilespmem:s10+$0xFFFFFFF0]  }
.LBB2_14:
0x30f: {  	p0 =	slt.u32 s3, $0x3E0;
	v21 =	vbroadcast v21, $0x0;
	v22 =	vmov s4;
	v23 =	vld [tilespmem:s10+$0x0];
	v9 =	vmul.f32 v11, v9  }
0x310: {  	v11 =	vbroadcast v20, $0x0;
	s28 =	sadd.s32 $0x100, s28;
	v20 =	vshrl.u32 v22, $0x3;
	v13 =	vmul.f32 v13, v2;
	v22 =	vld [tilespmem:s10+$0x10]  }
0x311: {  	v19 =	vbroadcast v19, $0x0;
	v20 =	vshll.u32 v20, v1;
	v14 =	vmul.f32 v14, v3;
	v24 =	vld [tilespmem:s10+$0x20];
	[tilespmem:s28+$0x60] =	vst v9  }
0x312: {  	v9 =	vbroadcast v18, $0x0;
	v2 =	vld.idx.msk [tilespmem:v10+s1+$0x0], $0xffff;
	v10 =	vadd.s32 $0x7, v20;
	[tilespmem:s28+$0xFFFFFF80] =	vst v13;
	v12 =	vmul.f32 v12, v4  }
0x313: {  	v4 =	vmov s3;
	v3 =	vld.idx.msk [tilespmem:v16+s1+$0x0], $0xffff;
	v10 =	vbroadcast v10, $0x0;
	[tilespmem:s28+$0xFFFFFFA0] =	vst v14;
	v13 =	vmul.f32 v15, v5  }
0x314: {  	s4 =	sadd.s32 $0x1, s3;
	s5 =	sadd.s32 $0x2, s3;
	v14 =	vshrl.u32 v4, $0x3;
	v4 =	vld.idx.msk [tilespmem:v17+s1+$0x0], $0xffff;
	[tilespmem:s28+$0xFFFFFFC0] =	vst v12;
	v12 =	vmul.f32 v23, v6  }
0x315: {  	v15 =	vmov s4;
	v16 =	vmov s5;
	s4 =	sadd.s32 $0x3, s3;
	s5 =	sadd.s32 $0x4, s3;
	v5 =	vld.idx.msk [tilespmem:v21+s1+$0x0], $0xffff;
	[tilespmem:s28+$0xFFFFFFE0] =	vst v13;
	v13 =	vmul.f32 v22, v7  }
0x316: {  	v17 =	vmov s4;
	v18 =	vmov s5;
	s4 =	sadd.s32 $0x5, s3;
	s5 =	sadd.s32 $0x6, s3;
	v6 =	vld.idx.msk [tilespmem:v11+s1+$0x0], $0xffff;
	[tilespmem:s28+$0x0] =	vst v12;
	v11 =	vmul.f32 v24, v8  }
0x317: {  	v20 =	vmov s5;
	v12 =	vshll.u32 v14, v1;
	v14 =	vmov s4;
	v7 =	vld.idx.msk [tilespmem:v19+s1+$0x0], $0xffff;
	[tilespmem:s28+$0x20] =	vst v13  }
0x318: {  	v13 =	vshrl.u32 v15, $0x3;
	v15 =	vshrl.u32 v16, $0x3;
	v16 =	vshrl.u32 v17, $0x3;
	v8 =	vld.idx.msk [tilespmem:v9+s1+$0x0], $0xffff;
	[tilespmem:s28+$0x40] =	vst v11  }
0x319: {  	s10 =	sadd.s32 $0x80, s10;
	v17 =	vshrl.u32 v18, $0x3;
	v14 =	vshrl.u32 v14, $0x3;
	v18 =	vshrl.u32 v20, $0x3;
	v9 =	vld.idx.msk [tilespmem:v10+s1+$0x0], $0xffff  }
.Ltmp6:
0x31a: {  	v15 =	vshll.u32 v15, v1;
	v10 =	vbroadcast v12, $0x0;
	v12 =	vshll.u32 v13, v1;
	v11 =	vld [tilespmem:s10+$0x30];
	(pc) =	sbr.rel @p0 .LBB2_14-.Ltmp6, $4  }
0x31b: {  	v19 =	vshll.u32 v16, v1;
	v17 =	vshll.u32 v17, v1;
	v22 =	vshll.u32 v14, v1;
	v13 =	vld [tilespmem:s10+$0xFFFFFFC0]  }
0x31c: {  	v18 =	vshll.u32 v18, v1;
	v15 =	vadd.s32 $0x2, v15;
	v12 =	vadd.s32 $0x1, v12;
	v14 =	vld [tilespmem:s10+$0xFFFFFFD0]  }
0x31d: {  	v21 =	vadd.s32 $0x3, v19;
	v20 =	vadd.s32 $0x4, v17;
	v16 =	vbroadcast v12, $0x0;
	v12 =	vld [tilespmem:s10+$0xFFFFFFE0]  }
0x31e: {  	s4 =	sadd.s32 $0x7, s3;
	s3 =	sadd.s32 $0x8, s3;
	v19 =	vadd.s32 $0x5, v22;
	v18 =	vadd.s32 $0x6, v18;
	v17 =	vbroadcast v15, $0x0;
	v15 =	vld [tilespmem:s10+$0xFFFFFFF0]  }
0x31f: {  	_ = 	snop  }
0x320: {  	v23 =	vld [tilespmem:s10+$0x0]  }
0x321: {  	v24 =	vld [tilespmem:s10+$0x10]  }
0x322: {  	v25 =	vld [tilespmem:s10+$0x20]  }
0x323: {  	v21 =	vbroadcast v21, $0x0;
	v22 =	vmov s4;
	v10 =	vld.idx.msk [tilespmem:v10+s1+$0x0], $0xffff  }
0x324: {  	v20 =	vbroadcast v20, $0x0;
	v16 =	vld.idx.msk [tilespmem:v16+s1+$0x0], $0xffff;
	v22 =	vshrl.u32 v22, $0x3;
	v2 =	vmul.f32 v13, v2  }
0x325: {  	v19 =	vbroadcast v19, $0x0;
	s3 =	sadd.s32 $0x100, s28;
	s10 =	sadd.s32 $0x80, s10;
	v17 =	vld.idx.msk [tilespmem:v17+s1+$0x0], $0xffff;
	v22 =	vshll.u32 v22, v1;
	v3 =	vmul.f32 v14, v3  }
0x326: {  	v22 =	vadd.s32 $0x7, v22;
	[tilespmem:s3+$0xFFFFFF80] =	vst v2;
	v2 =	vmul.f32 v12, v4;
	v4 =	vld [tilespmem:s10+$0x30]  }
0x327: {  	v22 =	vbroadcast v22, $0x0;
	[tilespmem:s3+$0xFFFFFFA0] =	vst v3;
	v3 =	vmul.f32 v15, v5;
	v5 =	vld [tilespmem:s10+$0xFFFFFFC0]  }
0x328: {  	[tilespmem:s3+$0xFFFFFFC0] =	vst v2;
	v2 =	vmul.f32 v23, v6;
	v6 =	vld [tilespmem:s10+$0xFFFFFFD0]  }
0x329: {  	v18 =	vbroadcast v18, $0x0;
	v9 =	vmul.f32 v11, v9;
	v21 =	vld.idx.msk [tilespmem:v21+s1+$0x0], $0xffff  }
0x32a: {  	v20 =	vld.idx.msk [tilespmem:v20+s1+$0x0], $0xffff  }
0x32b: {  	[tilespmem:s3+$0x60] =	vst v9;
	v11 =	vld.idx.msk [tilespmem:v19+s1+$0x0], $0xffff  }
0x32c: {  	[tilespmem:s3+$0xFFFFFFE0] =	vst v3;
	v3 =	vmul.f32 v24, v7;
	v7 =	vld [tilespmem:s10+$0xFFFFFFE0]  }
0x32d: {  	[tilespmem:s3+$0x0] =	vst v2;
	v2 =	vmul.f32 v25, v8;
	v9 =	vld.idx.msk [tilespmem:v22+s1+$0x0], $0xffff  }
0x32e: {  	[tilespmem:s3+$0x20] =	vst v3;
	v3 =	vld [tilespmem:s10+$0x0]  }
0x32f: {  	v13 =	vld.idx.msk [tilespmem:v18+s1+$0x0], $0xffff;
	[tilespmem:s3+$0x40] =	vst v2;
	v2 =	vmul.f32 v5, v10  }
0x330: {  	v5 =	vld [tilespmem:s10+$0x10];
	s3 =	sadd.s32 $0x100, s3  }
0x331: {  	v8 =	vld [tilespmem:s10+$0xFFFFFFF0];
	[tilespmem:s3+$0xFFFFFF80] =	vst v2;
	v2 =	vmul.f32 v7, v17  }
0x332: {  	v6 =	vmul.f32 v6, v16;
	v4 =	vmul.f32 v4, v9;
	v9 =	vld [tilespmem:s10+$0x20]  }
0x333: {  	[tilespmem:s3+$0xFFFFFFC0] =	vst v2;
	v2 =	vmul.f32 v3, v20  }
0x334: {  	[tilespmem:s3+$0xFFFFFFA0] =	vst v6  }
0x335: {  	v3 =	vmul.f32 v5, v11;
	[tilespmem:s3+$0x0] =	vst v2  }
0x336: {  	[tilespmem:s3+$0x60] =	vst v4;
	v4 =	vmul.f32 v8, v21  }
0x337: {  	[tilespmem:s3+$0x20] =	vst v3;
	v2 =	vmul.f32 v9, v13  }
0x338: {  	[tilespmem:s3+$0xFFFFFFE0] =	vst v4  }
0x339: {  	s5 =	simm.s32 $0x19320;
	[tilespmem:s3+$0x40] =	vst v2  }
0x33a: {  	[spmem:s22] =	stream.indirect.scatter.add.f32 [tilespmem:s15], [sflag:$0x2], $0x20, s5, s2, $0xb8;
	[tilespmem:$0x1F770] =	vst v63  }
0x33b: {  	s10 =	simm.s32 $0x19388  }
0x33c: {  	[spmem:s22] =	stream.indirect.scatter.add.f32 [tilespmem:s16], [sflag:$0x2], $0x20, s10, s2, $0xb8;
	[tilespmem:$0x1F770] =	vst v63  }
0x33d: {  	s4 =	simm.s32 $0x193F0  }
0x33e: {  	[spmem:s22] =	stream.indirect.scatter.add.f32 [tilespmem:s17], [sflag:$0x2], $0x20, s4, s2, $0xb8;
	[tilespmem:$0x1F770] =	vst v63  }
0x33f: {  	s5 =	simm.s32 $0x19458  }
0x340: {  	[spmem:s22] =	stream.indirect.scatter.add.f32 [tilespmem:s18], [sflag:$0x2], $0x20, s5, s2, $0xb8;
	[tilespmem:$0x1F770] =	vst v63  }
0x341: {  	s10 =	simm.s32 $0x194C0  }
0x342: {  	[spmem:s22] =	stream.indirect.scatter.add.f32 [tilespmem:s19], [sflag:$0x2], $0x20, s10, s2, $0xb8;
	[tilespmem:$0x1F770] =	vst v63  }
0x343: {  	s4 =	simm.s32 $0x19528  }
0x344: {  	[spmem:s22] =	stream.indirect.scatter.add.f32 [tilespmem:s20], [sflag:$0x2], $0x20, s4, s2, $0xb8;
	[tilespmem:$0x1F770] =	vst v63  }
0x345: {  	s5 =	simm.s32 $0x19590  }
0x346: {  	[spmem:s22] =	stream.indirect.scatter.add.f32 [tilespmem:s23], [sflag:$0x2], $0x20, s5, s2, $0xb8;
	[tilespmem:$0x1F770] =	vst v63  }
0x347: {  	s10 =	simm.s32 $0x195F8  }
0x348: {  	[spmem:s22] =	stream.indirect.scatter.add.f32 [tilespmem:s24], [sflag:$0x2], $0x20, s10, s2, $0xb8;
	[tilespmem:$0x1F770] =	vst v63  }
0x349: {  	s4 =	simm.s32 $0x19660  }
0x34a: {  	[spmem:s22] =	stream.indirect.scatter.add.f32 [tilespmem:s25], [sflag:$0x2], $0x20, s4, s2, $0xb8;
	[tilespmem:$0x1F770] =	vst v63  }
0x34b: {  	s5 =	simm.s32 $0x196C8  }
0x34c: {  	[spmem:s22] =	stream.indirect.scatter.add.f32 [tilespmem:s26], [sflag:$0x2], $0x20, s5, s2, $0xb8;
	[tilespmem:$0x1F770] =	vst v63  }
0x34d: {  	_ =	swait.ge [sflag:s14], $0xC80  }
0x34e: {  	[sflag:s14] =	ssyncset.done $0x0  }
0x34f: {  	[sflag:s14] =	ssyncadd.s32 $0xFFFFF380  }
0x350: {  	_ =	swait.ge [sflag:s14], $0xC80  }
0x351: {  	[sflag:s14] =	ssyncset.done $0x0  }
0x352: {  	[sflag:s14] =	ssyncadd.s32 $0xFFFFF380  }
0x353: {  	_ =	swait.ge [sflag:s14], $0xC80  }
0x354: {  	[sflag:s14] =	ssyncset.done $0x0  }
0x355: {  	[sflag:s14] =	ssyncadd.s32 $0xFFFFF380  }
0x356: {  	_ =	swait.ge [sflag:s14], $0xC80  }
0x357: {  	[sflag:s14] =	ssyncset.done $0x0  }
0x358: {  	[sflag:s14] =	ssyncadd.s32 $0xFFFFF380  }
0x359: {  	_ =	swait.ge [sflag:s14], $0xC80  }
0x35a: {  	[sflag:s14] =	ssyncset.done $0x0  }
0x35b: {  	[sflag:s14] =	ssyncadd.s32 $0xFFFFF380  }
0x35c: {  	_ =	swait.ge [sflag:s14], $0xC80  }
0x35d: {  	[sflag:s14] =	ssyncset.done $0x0  }
0x35e: {  	[sflag:s14] =	ssyncadd.s32 $0xFFFFF380  }
0x35f: {  	_ =	swait.ge [sflag:s14], $0xC80  }
0x360: {  	[sflag:s14] =	ssyncset.done $0x0  }
0x361: {  	[sflag:s14] =	ssyncadd.s32 $0xFFFFF380  }
0x362: {  	_ =	swait.ge [sflag:s14], $0xC80  }
0x363: {  	[sflag:s14] =	ssyncset.done $0x0  }
0x364: {  	[sflag:s14] =	ssyncadd.s32 $0xFFFFF380  }
0x365: {  	_ =	swait.ge [sflag:s14], $0xC80  }
0x366: {  	s10 =	simm.s32 $0x1;
	[sflag:s14] =	ssyncset.done $0x0  }
0x367: {  	s3 =	simm.s32 $0x0;
	v3 =	vmov s10;
	s10 =	simm.s32 $0x4;
	[sflag:s14] =	ssyncadd.s32 $0xFFFFF380  }
0x368: {  	v2 =	vmov s3;
	s4 =	simm.s32 $0x3;
	s5 =	simm.s32 $0x2;
	_ =	swait.ge [sflag:s14], $0xC80  }
0x369: {  	v2 =	vshrl.u32 v2, $0x3;
	v6 =	vmov s10;
	s10 =	simm.s32 $0x6;
	v4 =	vmov s5;
	s5 =	simm.s32 $0x5;
	[sflag:s14] =	ssyncset.done $0x0  }
0x36a: {  	v2 =	vshll.u32 v2, v1;
	v8 =	vmov s10;
	s10 =	simm.s32 $0x3E80;
	v7 =	vmov s5;
	s5 =	rddreg [dreg:$0xc];
	[sflag:s14] =	ssyncadd.s32 $0xFFFFF380  }
0x36b: {  	v2 =	vbroadcast v2, $0x0;
	v3 =	vshrl.u32 v3, $0x3;
	[tilespmem:s10], [sflag:$0x1] =	stream.linear.gather [hbm4b:s5+s3], $0x3E80, $0x38;
	[tilespmem:$0x1F770] =	vst v63  }
0x36c: {  	v5 =	vmov s4;
	v6 =	vshrl.u32 v6, $0x3;
	v3 =	vshll.u32 v3, v1;
	s10 =	rddreg [dreg:$0x16]  }
0x36d: {  	v5 =	vshrl.u32 v5, $0x3;
	v8 =	vshrl.u32 v8, $0x3;
	v4 =	vshrl.u32 v4, $0x3;
	[tilespmem:s1], [sflag:$0x1] =	stream.linear.gather [hbm4b:s10+s3], $0x3E8, $0x38;
	[tilespmem:$0x1F770] =	vst v63  }
0x36e: {  	v6 =	vshll.u32 v6, v1;
	v3 =	vadd.s32 $0x1, v3;
	v4 =	vshll.u32 v4, v1;
	_ =	swait.ge [sflag:s21], $0x3E80  }
0x36f: {  	v5 =	vshll.u32 v5, v1;
	v3 =	vbroadcast v3, $0x0;
	v4 =	vadd.s32 $0x2, v4;
	[sflag:s21] =	ssyncset.done $0x0  }
0x370: {  	v5 =	vadd.s32 $0x3, v5;
	v7 =	vshrl.u32 v7, $0x3;
	v4 =	vbroadcast v4, $0x0;
	[sflag:s21] =	ssyncadd.s32 $0xFFFFC180  }
0x371: {  	v6 =	vadd.s32 $0x4, v6;
	v5 =	vbroadcast v5, $0x0;
	v7 =	vshll.u32 v7, v1;
	_ =	swait.ge [sflag:s21], $0x3E8  }
0x372: {  	v8 =	vshll.u32 v8, v1;
	v6 =	vbroadcast v6, $0x0;
	v7 =	vadd.s32 $0x5, v7;
	s5 =	simm.s32 $0x7;
	[sflag:s21] =	ssyncset.done $0x0  }
0x373: {  	v8 =	vadd.s32 $0x6, v8;
	v7 =	vbroadcast v7, $0x0;
	v9 =	vmov s5;
	[sflag:s21] =	ssyncadd.s32 $0xFFFFFC18  }
0x374: {  	v8 =	vbroadcast v8, $0x0;
	v9 =	vshrl.u32 v9, $0x3;
	v2 =	vld.idx.msk [tilespmem:v2+s0+$0x0], $0xffff  }
0x375: {  	s4 =	simm.s32 $0x9;
	v9 =	vshll.u32 v9, v1;
	v3 =	vld.idx.msk [tilespmem:v3+s0+$0x0], $0xffff  }
0x376: {  	v11 =	vmov s4;
	s4 =	simm.s32 $0xC;
	v9 =	vadd.s32 $0x7, v9;
	v4 =	vld.idx.msk [tilespmem:v4+s0+$0x0], $0xffff  }
0x377: {  	v14 =	vmov s4;
	v11 =	vshrl.u32 v11, $0x3;
	v9 =	vbroadcast v9, $0x0;
	v5 =	vld.idx.msk [tilespmem:v5+s0+$0x0], $0xffff  }
0x378: {  	v14 =	vshrl.u32 v14, $0x3;
	v11 =	vshll.u32 v11, v1;
	s5 =	simm.s32 $0xA;
	v6 =	vld.idx.msk [tilespmem:v6+s0+$0x0], $0xffff  }
0x379: {  	v14 =	vshll.u32 v14, v1;
	v11 =	vadd.s32 $0x1, v11;
	s10 =	simm.s32 $0x8;
	v12 =	vmov s5;
	s5 =	simm.s32 $0xD;
	v7 =	vld.idx.msk [tilespmem:v7+s0+$0x0], $0xffff  }
0x37a: {  	v14 =	vadd.s32 $0x4, v14;
	v10 =	vmov s10;
	v15 =	vmov s5;
	s5 =	simm.s32 $0x40;
	v8 =	vld.idx.msk [tilespmem:v8+s0+$0x0], $0xffff  }
0x37b: {  	v11 =	vbroadcast v11, $0x0;
	v14 =	vbroadcast v14, $0x0;
	s10 =	simm.s32 $0xB;
	v10 =	vshrl.u32 v10, $0x3;
	v17 =	vld [tilespmem:s5+$0x30]  }
0x37c: {  	v12 =	vshrl.u32 v12, $0x3;
	v13 =	vmov s10;
	v10 =	vshll.u32 v10, v1;
	v18 =	vld [tilespmem:s5+$0xFFFFFFC0]  }
0x37d: {  	s10 =	simm.s32 $0xE;
	v15 =	vshrl.u32 v15, $0x3;
	v12 =	vshll.u32 v12, v1;
	v10 =	vbroadcast v10, $0x0;
	v9 =	vld.idx.msk [tilespmem:v9+s0+$0x0], $0xffff  }
0x37e: {  	v16 =	vmov s10;
	v13 =	vshrl.u32 v13, $0x3;
	v15 =	vshll.u32 v15, v1;
	v19 =	vld [tilespmem:s5+$0xFFFFFFD0]  }
0x37f: {  	v12 =	vadd.s32 $0x2, v12;
	v16 =	vshrl.u32 v16, $0x3;
	v13 =	vshll.u32 v13, v1;
	v20 =	vld [tilespmem:s5+$0xFFFFFFE0]  }
0x380: {  	s10 =	simm.s32 $0xF;
	v12 =	vbroadcast v12, $0x0;
	v15 =	vadd.s32 $0x5, v15;
	v13 =	vadd.s32 $0x3, v13;
	v21 =	vld [tilespmem:s5+$0xFFFFFFF0]  }
0x381: {  	v22 =	vmov s10;
	v16 =	vshll.u32 v16, v1;
	v13 =	vbroadcast v13, $0x0;
	v62 =	vld [tilespmem:s5+$0x20]  }
0x382: {  	v16 =	vadd.s32 $0x6, v16;
	v23 =	vld [tilespmem:s5+$0x0];
	v9 =	vmul.f32 v17, v9;
	v17 =	vshrl.u32 v22, $0x3  }
0x383: {  	v18 =	vmul.f32 v18, v2;
	v2 =	vld.idx.msk [tilespmem:v10+s0+$0x0], $0xffff;
	v10 =	vbroadcast v16, $0x0;
	v17 =	vshll.u32 v17, v1  }
0x384: {  	s4 =	simm.s32 $0x10;
	v15 =	vbroadcast v15, $0x0;
	v19 =	vmul.f32 v19, v3;
	v22 =	vld [tilespmem:s5+$0x10];
	v16 =	vadd.s32 $0x7, v17  }
0x385: {  	v3 =	vld.idx.msk [tilespmem:v11+s0+$0x0], $0xffff;
	v17 =	vmul.f32 v20, v4;
	v4 =	vmov s4;
	v11 =	vbroadcast v16, $0x0  }
0x386: {  	s10 =	simm.s32 $0x12;
	v24 =	vmul.f32 v62, v8;
	s5 =	simm.s32 $0x11;
	v16 =	vmul.f32 v21, v5;
	v20 =	vshrl.u32 v4, $0x3;
	v4 =	vld.idx.msk [tilespmem:v12+s0+$0x0], $0xffff  }
0x387: {  	s28 =	simm.s32 $0x7D80;
	v12 =	vmul.f32 v23, v6;
	v21 =	vmov s5;
	v23 =	vmov s10;
	s5 =	simm.s32 $0x13;
	s10 =	simm.s32 $0x14;
	v5 =	vld.idx.msk [tilespmem:v13+s0+$0x0], $0xffff  }
0x388: {  	[tilespmem:s28+$0xFFFFFF80] =	vst v18;
	v6 =	vld.idx.msk [tilespmem:v14+s0+$0x0], $0xffff;
	v13 =	vmov s5;
	v63 =	vmov s10;
	s5 =	simm.s32 $0x15;
	v14 =	vshll.u32 v20, v1  }
0x389: {  	[tilespmem:s28+$0x60] =	vst v9;
	s10 =	simm.s32 $0x16;
	v18 =	vshrl.u32 v23, $0x3;
	v8 =	vld.idx.msk [tilespmem:v10+s0+$0x0], $0xffff;
	v22 =	vmul.f32 v22, v7;
	v9 =	vmov s5  }
0x38a: {  	v20 =	vmov s10;
	v7 =	vld.idx.msk [tilespmem:v15+s0+$0x0], $0xffff;
	v15 =	vshrl.u32 v21, $0x3;
	v13 =	vshrl.u32 v13, $0x3  }
0x38b: {  	[tilespmem:s28+$0xFFFFFFA0] =	vst v19;
	v19 =	vshrl.u32 v63, $0x3;
	s10 =	simm.s32 $0xC0;
	v10 =	vbroadcast v14, $0x0;
	v21 =	vshrl.u32 v9, $0x3;
	v9 =	vld.idx.msk [tilespmem:v11+s0+$0x0], $0xffff  }
0x38c: {  	[tilespmem:s28+$0x40] =	vst v24;
	v20 =	vshrl.u32 v20, $0x3;
	v14 =	vshll.u32 v15, v1;
	v15 =	vshll.u32 v18, v1;
	v11 =	vld [tilespmem:s10+$0x30]  }
0x38d: {  	[tilespmem:s28+$0xFFFFFFC0] =	vst v17;
	v17 =	vshll.u32 v13, v1;
	v18 =	vshll.u32 v19, v1;
	v13 =	vld [tilespmem:s10+$0xFFFFFFC0];
	v19 =	vshll.u32 v21, v1  }
0x38e: {  	[tilespmem:s28+$0x0] =	vst v12;
	v12 =	vadd.s32 $0x1, v14;
	v15 =	vadd.s32 $0x2, v15;
	v23 =	vshll.u32 v20, v1;
	v14 =	vld [tilespmem:s10+$0xFFFFFFD0]  }
0x38f: {  	[tilespmem:s28+$0xFFFFFFE0] =	vst v16;
	v21 =	vadd.s32 $0x3, v17;
	v20 =	vadd.s32 $0x4, v18;
	v16 =	vbroadcast v12, $0x0;
	v12 =	vld [tilespmem:s10+$0xFFFFFFE0]  }
0x390: {  	s3 =	simm.s32 $0x18;
	s4 =	simm.s32 $0x17;
	[tilespmem:s28+$0x20] =	vst v22;
	v17 =	vbroadcast v15, $0x0;
	v19 =	vadd.s32 $0x5, v19;
	v18 =	vadd.s32 $0x6, v23;
	v15 =	vld [tilespmem:s10+$0xFFFFFFF0]  }
.LBB2_16:
0x391: {  	p0 =	slt.u32 s3, $0x3E0;
	v21 =	vbroadcast v21, $0x0;
	v22 =	vmov s4;
	v23 =	vld [tilespmem:s10+$0x0];
	v9 =	vmul.f32 v11, v9  }
0x392: {  	v11 =	vbroadcast v20, $0x0;
	s28 =	sadd.s32 $0x100, s28;
	v20 =	vshrl.u32 v22, $0x3;
	v13 =	vmul.f32 v13, v2;
	v22 =	vld [tilespmem:s10+$0x10]  }
0x393: {  	v19 =	vbroadcast v19, $0x0;
	v20 =	vshll.u32 v20, v1;
	v14 =	vmul.f32 v14, v3;
	v24 =	vld [tilespmem:s10+$0x20];
	[tilespmem:s28+$0x60] =	vst v9  }
0x394: {  	v9 =	vbroadcast v18, $0x0;
	v2 =	vld.idx.msk [tilespmem:v10+s0+$0x0], $0xffff;
	v10 =	vadd.s32 $0x7, v20;
	[tilespmem:s28+$0xFFFFFF80] =	vst v13;
	v12 =	vmul.f32 v12, v4  }
0x395: {  	v4 =	vmov s3;
	v3 =	vld.idx.msk [tilespmem:v16+s0+$0x0], $0xffff;
	v10 =	vbroadcast v10, $0x0;
	[tilespmem:s28+$0xFFFFFFA0] =	vst v14;
	v13 =	vmul.f32 v15, v5  }
0x396: {  	s4 =	sadd.s32 $0x1, s3;
	s5 =	sadd.s32 $0x2, s3;
	v14 =	vshrl.u32 v4, $0x3;
	v4 =	vld.idx.msk [tilespmem:v17+s0+$0x0], $0xffff;
	[tilespmem:s28+$0xFFFFFFC0] =	vst v12;
	v12 =	vmul.f32 v23, v6  }
0x397: {  	v15 =	vmov s4;
	v16 =	vmov s5;
	s4 =	sadd.s32 $0x3, s3;
	s5 =	sadd.s32 $0x4, s3;
	v5 =	vld.idx.msk [tilespmem:v21+s0+$0x0], $0xffff;
	[tilespmem:s28+$0xFFFFFFE0] =	vst v13;
	v13 =	vmul.f32 v22, v7  }
0x398: {  	v17 =	vmov s4;
	v18 =	vmov s5;
	s4 =	sadd.s32 $0x5, s3;
	s5 =	sadd.s32 $0x6, s3;
	v6 =	vld.idx.msk [tilespmem:v11+s0+$0x0], $0xffff;
	[tilespmem:s28+$0x0] =	vst v12;
	v11 =	vmul.f32 v24, v8  }
0x399: {  	v20 =	vmov s5;
	v12 =	vshll.u32 v14, v1;
	v14 =	vmov s4;
	v7 =	vld.idx.msk [tilespmem:v19+s0+$0x0], $0xffff;
	[tilespmem:s28+$0x20] =	vst v13  }
0x39a: {  	v13 =	vshrl.u32 v15, $0x3;
	v15 =	vshrl.u32 v16, $0x3;
	v16 =	vshrl.u32 v17, $0x3;
	v8 =	vld.idx.msk [tilespmem:v9+s0+$0x0], $0xffff;
	[tilespmem:s28+$0x40] =	vst v11  }
0x39b: {  	s10 =	sadd.s32 $0x80, s10;
	v17 =	vshrl.u32 v18, $0x3;
	v14 =	vshrl.u32 v14, $0x3;
	v18 =	vshrl.u32 v20, $0x3;
	v9 =	vld.idx.msk [tilespmem:v10+s0+$0x0], $0xffff  }
.Ltmp7:
0x39c: {  	v15 =	vshll.u32 v15, v1;
	v10 =	vbroadcast v12, $0x0;
	v12 =	vshll.u32 v13, v1;
	v11 =	vld [tilespmem:s10+$0x30];
	(pc) =	sbr.rel @p0 .LBB2_16-.Ltmp7, $4  }
0x39d: {  	v19 =	vshll.u32 v16, v1;
	v17 =	vshll.u32 v17, v1;
	v22 =	vshll.u32 v14, v1;
	v13 =	vld [tilespmem:s10+$0xFFFFFFC0]  }
0x39e: {  	v18 =	vshll.u32 v18, v1;
	v15 =	vadd.s32 $0x2, v15;
	v12 =	vadd.s32 $0x1, v12;
	v14 =	vld [tilespmem:s10+$0xFFFFFFD0]  }
0x39f: {  	v21 =	vadd.s32 $0x3, v19;
	v20 =	vadd.s32 $0x4, v17;
	v16 =	vbroadcast v12, $0x0;
	v12 =	vld [tilespmem:s10+$0xFFFFFFE0]  }
0x3a0: {  	s4 =	sadd.s32 $0x7, s3;
	s3 =	sadd.s32 $0x8, s3;
	v19 =	vadd.s32 $0x5, v22;
	v18 =	vadd.s32 $0x6, v18;
	v17 =	vbroadcast v15, $0x0;
	v15 =	vld [tilespmem:s10+$0xFFFFFFF0]  }
0x3a1: {  	_ = 	snop  }
0x3a2: {  	v23 =	vld [tilespmem:s10+$0x0]  }
0x3a3: {  	v24 =	vld [tilespmem:s10+$0x10]  }
0x3a4: {  	v25 =	vld [tilespmem:s10+$0x20]  }
0x3a5: {  	v21 =	vbroadcast v21, $0x0;
	v22 =	vmov s4;
	v10 =	vld.idx.msk [tilespmem:v10+s0+$0x0], $0xffff  }
0x3a6: {  	v20 =	vbroadcast v20, $0x0;
	v16 =	vld.idx.msk [tilespmem:v16+s0+$0x0], $0xffff;
	v22 =	vshrl.u32 v22, $0x3;
	v2 =	vmul.f32 v13, v2  }
0x3a7: {  	v19 =	vbroadcast v19, $0x0;
	s3 =	sadd.s32 $0x100, s28;
	s10 =	sadd.s32 $0x80, s10;
	v17 =	vld.idx.msk [tilespmem:v17+s0+$0x0], $0xffff;
	v22 =	vshll.u32 v22, v1;
	v3 =	vmul.f32 v14, v3  }
0x3a8: {  	v22 =	vadd.s32 $0x7, v22;
	[tilespmem:s3+$0xFFFFFF80] =	vst v2;
	v2 =	vmul.f32 v12, v4;
	v4 =	vld [tilespmem:s10+$0x30]  }
0x3a9: {  	v22 =	vbroadcast v22, $0x0;
	[tilespmem:s3+$0xFFFFFFA0] =	vst v3;
	v3 =	vmul.f32 v15, v5;
	v5 =	vld [tilespmem:s10+$0xFFFFFFC0]  }
0x3aa: {  	[tilespmem:s3+$0xFFFFFFC0] =	vst v2;
	v2 =	vmul.f32 v23, v6;
	v6 =	vld [tilespmem:s10+$0xFFFFFFD0]  }
0x3ab: {  	v18 =	vbroadcast v18, $0x0;
	v9 =	vmul.f32 v11, v9;
	v21 =	vld.idx.msk [tilespmem:v21+s0+$0x0], $0xffff  }
0x3ac: {  	v20 =	vld.idx.msk [tilespmem:v20+s0+$0x0], $0xffff  }
0x3ad: {  	[tilespmem:s3+$0x60] =	vst v9;
	v11 =	vld.idx.msk [tilespmem:v19+s0+$0x0], $0xffff  }
0x3ae: {  	[tilespmem:s3+$0xFFFFFFE0] =	vst v3;
	v3 =	vmul.f32 v24, v7;
	v7 =	vld [tilespmem:s10+$0xFFFFFFE0]  }
0x3af: {  	[tilespmem:s3+$0x0] =	vst v2;
	v2 =	vmul.f32 v25, v8;
	v9 =	vld.idx.msk [tilespmem:v22+s0+$0x0], $0xffff  }
0x3b0: {  	[tilespmem:s3+$0x20] =	vst v3;
	v3 =	vld [tilespmem:s10+$0x0]  }
0x3b1: {  	v13 =	vld.idx.msk [tilespmem:v18+s0+$0x0], $0xffff;
	[tilespmem:s3+$0x40] =	vst v2;
	v2 =	vmul.f32 v5, v10  }
0x3b2: {  	v5 =	vld [tilespmem:s10+$0x10];
	s3 =	sadd.s32 $0x100, s3  }
0x3b3: {  	v8 =	vld [tilespmem:s10+$0xFFFFFFF0];
	[tilespmem:s3+$0xFFFFFF80] =	vst v2;
	v2 =	vmul.f32 v7, v17  }
0x3b4: {  	v6 =	vmul.f32 v6, v16;
	v4 =	vmul.f32 v4, v9;
	v9 =	vld [tilespmem:s10+$0x20]  }
0x3b5: {  	[tilespmem:s3+$0xFFFFFFC0] =	vst v2;
	v2 =	vmul.f32 v3, v20  }
0x3b6: {  	[tilespmem:s3+$0xFFFFFFA0] =	vst v6  }
0x3b7: {  	v3 =	vmul.f32 v5, v11;
	[tilespmem:s3+$0x0] =	vst v2  }
0x3b8: {  	[tilespmem:s3+$0x60] =	vst v4;
	v4 =	vmul.f32 v8, v21  }
0x3b9: {  	[tilespmem:s3+$0x20] =	vst v3;
	v2 =	vmul.f32 v9, v13  }
0x3ba: {  	[tilespmem:s3+$0xFFFFFFE0] =	vst v4  }
0x3bb: {  	s5 =	simm.s32 $0x7D00;
	s10 =	simm.s32 $0x19730;
	[tilespmem:s3+$0x40] =	vst v2  }
0x3bc: {  	[spmem:s22] =	stream.indirect.scatter.add.f32 [tilespmem:s5], [sflag:$0x2], $0x20, s10, s2, $0xb8;
	[tilespmem:$0x1F770] =	vst v63  }
0x3bd: {  	s5 =	simm.s32 $0x8980;
	s10 =	simm.s32 $0x19798  }
0x3be: {  	[spmem:s22] =	stream.indirect.scatter.add.f32 [tilespmem:s5], [sflag:$0x2], $0x20, s10, s2, $0xb8;
	[tilespmem:$0x1F770] =	vst v63  }
0x3bf: {  	s5 =	simm.s32 $0x9600;
	s10 =	simm.s32 $0x19800  }
0x3c0: {  	[spmem:s22] =	stream.indirect.scatter.add.f32 [tilespmem:s5], [sflag:$0x2], $0x20, s10, s2, $0xb8;
	[tilespmem:$0x1F770] =	vst v63  }
0x3c1: {  	s5 =	simm.s32 $0x19868  }
0x3c2: {  	[spmem:s22] =	stream.indirect.scatter.add.f32 [tilespmem:s6], [sflag:$0x2], $0x20, s5, s2, $0xb8;
	[tilespmem:$0x1F770] =	vst v63  }
0x3c3: {  	s10 =	simm.s32 $0x198D0  }
0x3c4: {  	[spmem:s22] =	stream.indirect.scatter.add.f32 [tilespmem:s7], [sflag:$0x2], $0x20, s10, s2, $0xb8;
	[tilespmem:$0x1F770] =	vst v63  }
0x3c5: {  	s4 =	simm.s32 $0x19938  }
0x3c6: {  	[spmem:s22] =	stream.indirect.scatter.add.f32 [tilespmem:s8], [sflag:$0x2], $0x20, s4, s2, $0xb8;
	[tilespmem:$0x1F770] =	vst v63  }
0x3c7: {  	s5 =	simm.s32 $0x199A0  }
0x3c8: {  	[spmem:s22] =	stream.indirect.scatter.add.f32 [tilespmem:s9], [sflag:$0x2], $0x20, s5, s2, $0xb8;
	[tilespmem:$0x1F770] =	vst v63  }
0x3c9: {  	s10 =	simm.s32 $0x19A08  }
0x3ca: {  	[spmem:s22] =	stream.indirect.scatter.add.f32 [tilespmem:s11], [sflag:$0x2], $0x20, s10, s2, $0xb8;
	[tilespmem:$0x1F770] =	vst v63  }
0x3cb: {  	s4 =	simm.s32 $0x19A70  }
0x3cc: {  	[spmem:s22] =	stream.indirect.scatter.add.f32 [tilespmem:s12], [sflag:$0x2], $0x20, s4, s2, $0xb8;
	[tilespmem:$0x1F770] =	vst v63  }
0x3cd: {  	s5 =	simm.s32 $0x19AD8  }
0x3ce: {  	[spmem:s22] =	stream.indirect.scatter.add.f32 [tilespmem:s13], [sflag:$0x2], $0x20, s5, s2, $0xb8;
	[tilespmem:$0x1F770] =	vst v63  }
0x3cf: {  	_ =	swait.ge [sflag:s14], $0xC80  }
0x3d0: {  	[sflag:s14] =	ssyncset.done $0x0  }
0x3d1: {  	[sflag:s14] =	ssyncadd.s32 $0xFFFFF380  }
0x3d2: {  	_ =	swait.ge [sflag:s14], $0xC80  }
0x3d3: {  	[sflag:s14] =	ssyncset.done $0x0  }
0x3d4: {  	[sflag:s14] =	ssyncadd.s32 $0xFFFFF380  }
0x3d5: {  	_ =	swait.ge [sflag:s14], $0xC80  }
0x3d6: {  	[sflag:s14] =	ssyncset.done $0x0  }
0x3d7: {  	[sflag:s14] =	ssyncadd.s32 $0xFFFFF380  }
0x3d8: {  	_ =	swait.ge [sflag:s14], $0xC80  }
0x3d9: {  	[sflag:s14] =	ssyncset.done $0x0  }
0x3da: {  	[sflag:s14] =	ssyncadd.s32 $0xFFFFF380  }
0x3db: {  	_ =	swait.ge [sflag:s14], $0xC80  }
0x3dc: {  	[sflag:s14] =	ssyncset.done $0x0  }
0x3dd: {  	[sflag:s14] =	ssyncadd.s32 $0xFFFFF380  }
0x3de: {  	_ =	swait.ge [sflag:s14], $0xC80  }
0x3df: {  	[sflag:s14] =	ssyncset.done $0x0  }
0x3e0: {  	[sflag:s14] =	ssyncadd.s32 $0xFFFFF380  }
0x3e1: {  	_ =	swait.ge [sflag:s14], $0xC80  }
0x3e2: {  	[sflag:s14] =	ssyncset.done $0x0  }
0x3e3: {  	[sflag:s14] =	ssyncadd.s32 $0xFFFFF380  }
0x3e4: {  	_ =	swait.ge [sflag:s14], $0xC80  }
0x3e5: {  	[sflag:s14] =	ssyncset.done $0x0  }
0x3e6: {  	[sflag:s14] =	ssyncadd.s32 $0xFFFFF380  }
0x3e7: {  	_ =	swait.ge [sflag:s14], $0xC80  }
0x3e8: {  	[sflag:s14] =	ssyncset.done $0x0  }
0x3e9: {  	s3 =	simm.s32 $0x0;
	s10 =	simm.s32 $0x1;
	[sflag:s14] =	ssyncadd.s32 $0xFFFFF380  }
0x3ea: {  	v2 =	vmov s3;
	v3 =	vmov s10;
	s10 =	simm.s32 $0x4;
	s5 =	simm.s32 $0x2;
	_ =	swait.ge [sflag:s14], $0xC80  }
0x3eb: {  	v2 =	vshrl.u32 v2, $0x3;
	s4 =	simm.s32 $0x3;
	v4 =	vmov s5;
	s5 =	simm.s32 $0x5;
	[sflag:s14] =	ssyncset.done $0x0  }
0x3ec: {  	v2 =	vshll.u32 v2, v1;
	v6 =	vmov s10;
	s10 =	simm.s32 $0x6;
	v7 =	vmov s5;
	s5 =	rddreg [dreg:$0xd];
	[sflag:s14] =	ssyncadd.s32 $0xFFFFF380  }
0x3ed: {  	v2 =	vbroadcast v2, $0x0;
	v3 =	vshrl.u32 v3, $0x3;
	v5 =	vmov s4;
	[tilespmem:s3], [sflag:$0x1] =	stream.linear.gather [hbm4b:s5+s3], $0x3E80, $0x38;
	[tilespmem:$0x1F770] =	vst v63  }
0x3ee: {  	v8 =	vmov s10;
	v6 =	vshrl.u32 v6, $0x3;
	v3 =	vshll.u32 v3, v1;
	s10 =	rddreg [dreg:$0x17]  }
0x3ef: {  	v5 =	vshrl.u32 v5, $0x3;
	v8 =	vshrl.u32 v8, $0x3;
	v4 =	vshrl.u32 v4, $0x3;
	[tilespmem:s0], [sflag:$0x1] =	stream.linear.gather [hbm4b:s10+s3], $0x3E8, $0x38;
	[tilespmem:$0x1F770] =	vst v63  }
0x3f0: {  	v6 =	vshll.u32 v6, v1;
	v3 =	vadd.s32 $0x1, v3;
	v4 =	vshll.u32 v4, v1;
	_ =	swait.ge [sflag:s21], $0x3E80  }
0x3f1: {  	v5 =	vshll.u32 v5, v1;
	v3 =	vbroadcast v3, $0x0;
	v4 =	vadd.s32 $0x2, v4;
	[sflag:s21] =	ssyncset.done $0x0  }
0x3f2: {  	v5 =	vadd.s32 $0x3, v5;
	v7 =	vshrl.u32 v7, $0x3;
	v4 =	vbroadcast v4, $0x0;
	[sflag:s21] =	ssyncadd.s32 $0xFFFFC180  }
0x3f3: {  	v6 =	vadd.s32 $0x4, v6;
	v5 =	vbroadcast v5, $0x0;
	v7 =	vshll.u32 v7, v1;
	_ =	swait.ge [sflag:s21], $0x3E8  }
0x3f4: {  	v8 =	vshll.u32 v8, v1;
	v6 =	vbroadcast v6, $0x0;
	v7 =	vadd.s32 $0x5, v7;
	s5 =	simm.s32 $0x7;
	[sflag:s21] =	ssyncset.done $0x0  }
0x3f5: {  	v8 =	vadd.s32 $0x6, v8;
	v7 =	vbroadcast v7, $0x0;
	v9 =	vmov s5;
	[sflag:s21] =	ssyncadd.s32 $0xFFFFFC18  }
0x3f6: {  	v8 =	vbroadcast v8, $0x0;
	v9 =	vshrl.u32 v9, $0x3;
	v2 =	vld.idx.msk [tilespmem:v2+s1+$0x0], $0xffff  }
0x3f7: {  	s4 =	simm.s32 $0x9;
	v9 =	vshll.u32 v9, v1;
	v3 =	vld.idx.msk [tilespmem:v3+s1+$0x0], $0xffff  }
0x3f8: {  	v11 =	vmov s4;
	s4 =	simm.s32 $0xC;
	v9 =	vadd.s32 $0x7, v9;
	v4 =	vld.idx.msk [tilespmem:v4+s1+$0x0], $0xffff  }
0x3f9: {  	v14 =	vmov s4;
	v11 =	vshrl.u32 v11, $0x3;
	v9 =	vbroadcast v9, $0x0;
	v5 =	vld.idx.msk [tilespmem:v5+s1+$0x0], $0xffff  }
0x3fa: {  	v14 =	vshrl.u32 v14, $0x3;
	v11 =	vshll.u32 v11, v1;
	s5 =	simm.s32 $0xA;
	v6 =	vld.idx.msk [tilespmem:v6+s1+$0x0], $0xffff  }
0x3fb: {  	v14 =	vshll.u32 v14, v1;
	v11 =	vadd.s32 $0x1, v11;
	s10 =	simm.s32 $0x8;
	v12 =	vmov s5;
	s5 =	simm.s32 $0xD;
	v7 =	vld.idx.msk [tilespmem:v7+s1+$0x0], $0xffff  }
0x3fc: {  	v14 =	vadd.s32 $0x4, v14;
	v10 =	vmov s10;
	v15 =	vmov s5;
	s5 =	simm.s32 $0x3EC0;
	v8 =	vld.idx.msk [tilespmem:v8+s1+$0x0], $0xffff  }
0x3fd: {  	v11 =	vbroadcast v11, $0x0;
	v14 =	vbroadcast v14, $0x0;
	s10 =	simm.s32 $0xB;
	v10 =	vshrl.u32 v10, $0x3;
	v17 =	vld [tilespmem:s5+$0x30]  }
0x3fe: {  	v12 =	vshrl.u32 v12, $0x3;
	v13 =	vmov s10;
	v10 =	vshll.u32 v10, v1;
	v18 =	vld [tilespmem:s5+$0xFFFFFFC0]  }
0x3ff: {  	s10 =	simm.s32 $0xE;
	v15 =	vshrl.u32 v15, $0x3;
	v12 =	vshll.u32 v12, v1;
	v10 =	vbroadcast v10, $0x0;
	v9 =	vld.idx.msk [tilespmem:v9+s1+$0x0], $0xffff  }
0x400: {  	v16 =	vmov s10;
	v13 =	vshrl.u32 v13, $0x3;
	v15 =	vshll.u32 v15, v1;
	v19 =	vld [tilespmem:s5+$0xFFFFFFD0]  }
0x401: {  	v12 =	vadd.s32 $0x2, v12;
	v16 =	vshrl.u32 v16, $0x3;
	v13 =	vshll.u32 v13, v1;
	v20 =	vld [tilespmem:s5+$0xFFFFFFE0]  }
0x402: {  	s10 =	simm.s32 $0xF;
	v12 =	vbroadcast v12, $0x0;
	v15 =	vadd.s32 $0x5, v15;
	v13 =	vadd.s32 $0x3, v13;
	v21 =	vld [tilespmem:s5+$0xFFFFFFF0]  }
0x403: {  	v22 =	vmov s10;
	v16 =	vshll.u32 v16, v1;
	v13 =	vbroadcast v13, $0x0;
	v62 =	vld [tilespmem:s5+$0x20]  }
0x404: {  	v16 =	vadd.s32 $0x6, v16;
	v23 =	vld [tilespmem:s5+$0x0];
	v9 =	vmul.f32 v17, v9;
	v17 =	vshrl.u32 v22, $0x3  }
0x405: {  	v18 =	vmul.f32 v18, v2;
	v2 =	vld.idx.msk [tilespmem:v10+s1+$0x0], $0xffff;
	v10 =	vbroadcast v16, $0x0;
	v17 =	vshll.u32 v17, v1  }
0x406: {  	s4 =	simm.s32 $0x10;
	v15 =	vbroadcast v15, $0x0;
	v19 =	vmul.f32 v19, v3;
	v22 =	vld [tilespmem:s5+$0x10];
	v16 =	vadd.s32 $0x7, v17  }
0x407: {  	v3 =	vld.idx.msk [tilespmem:v11+s1+$0x0], $0xffff;
	v17 =	vmul.f32 v20, v4;
	v4 =	vmov s4;
	v11 =	vbroadcast v16, $0x0  }
0x408: {  	s10 =	simm.s32 $0x12;
	v24 =	vmul.f32 v62, v8;
	s5 =	simm.s32 $0x11;
	v16 =	vmul.f32 v21, v5;
	v20 =	vshrl.u32 v4, $0x3;
	v4 =	vld.idx.msk [tilespmem:v12+s1+$0x0], $0xffff  }
0x409: {  	s28 =	simm.s32 $0xFA80;
	v12 =	vmul.f32 v23, v6;
	v21 =	vmov s5;
	v23 =	vmov s10;
	s5 =	simm.s32 $0x13;
	s10 =	simm.s32 $0x14;
	v5 =	vld.idx.msk [tilespmem:v13+s1+$0x0], $0xffff  }
0x40a: {  	[tilespmem:s28+$0xFFFFFF80] =	vst v18;
	v6 =	vld.idx.msk [tilespmem:v14+s1+$0x0], $0xffff;
	v13 =	vmov s5;
	v63 =	vmov s10;
	s5 =	simm.s32 $0x15;
	v14 =	vshll.u32 v20, v1  }
0x40b: {  	[tilespmem:s28+$0x60] =	vst v9;
	s10 =	simm.s32 $0x16;
	v18 =	vshrl.u32 v23, $0x3;
	v8 =	vld.idx.msk [tilespmem:v10+s1+$0x0], $0xffff;
	v22 =	vmul.f32 v22, v7;
	v9 =	vmov s5  }
0x40c: {  	v20 =	vmov s10;
	v7 =	vld.idx.msk [tilespmem:v15+s1+$0x0], $0xffff;
	v15 =	vshrl.u32 v21, $0x3;
	v13 =	vshrl.u32 v13, $0x3  }
0x40d: {  	[tilespmem:s28+$0xFFFFFFA0] =	vst v19;
	v19 =	vshrl.u32 v63, $0x3;
	s10 =	simm.s32 $0x3F40;
	v10 =	vbroadcast v14, $0x0;
	v21 =	vshrl.u32 v9, $0x3;
	v9 =	vld.idx.msk [tilespmem:v11+s1+$0x0], $0xffff  }
0x40e: {  	[tilespmem:s28+$0x40] =	vst v24;
	v20 =	vshrl.u32 v20, $0x3;
	v14 =	vshll.u32 v15, v1;
	v15 =	vshll.u32 v18, v1;
	v11 =	vld [tilespmem:s10+$0x30]  }
0x40f: {  	[tilespmem:s28+$0xFFFFFFC0] =	vst v17;
	v17 =	vshll.u32 v13, v1;
	v18 =	vshll.u32 v19, v1;
	v13 =	vld [tilespmem:s10+$0xFFFFFFC0];
	v19 =	vshll.u32 v21, v1  }
0x410: {  	[tilespmem:s28+$0x0] =	vst v12;
	v12 =	vadd.s32 $0x1, v14;
	v15 =	vadd.s32 $0x2, v15;
	v23 =	vshll.u32 v20, v1;
	v14 =	vld [tilespmem:s10+$0xFFFFFFD0]  }
0x411: {  	[tilespmem:s28+$0xFFFFFFE0] =	vst v16;
	v21 =	vadd.s32 $0x3, v17;
	v20 =	vadd.s32 $0x4, v18;
	v16 =	vbroadcast v12, $0x0;
	v12 =	vld [tilespmem:s10+$0xFFFFFFE0]  }
0x412: {  	s3 =	simm.s32 $0x18;
	s4 =	simm.s32 $0x17;
	[tilespmem:s28+$0x20] =	vst v22;
	v17 =	vbroadcast v15, $0x0;
	v19 =	vadd.s32 $0x5, v19;
	v18 =	vadd.s32 $0x6, v23;
	v15 =	vld [tilespmem:s10+$0xFFFFFFF0]  }
.LBB2_18:
0x413: {  	p0 =	slt.u32 s3, $0x3E0;
	v21 =	vbroadcast v21, $0x0;
	v22 =	vmov s4;
	v23 =	vld [tilespmem:s10+$0x0];
	v9 =	vmul.f32 v11, v9  }
0x414: {  	v11 =	vbroadcast v20, $0x0;
	s28 =	sadd.s32 $0x100, s28;
	v20 =	vshrl.u32 v22, $0x3;
	v13 =	vmul.f32 v13, v2;
	v22 =	vld [tilespmem:s10+$0x10]  }
0x415: {  	v19 =	vbroadcast v19, $0x0;
	v20 =	vshll.u32 v20, v1;
	v14 =	vmul.f32 v14, v3;
	v24 =	vld [tilespmem:s10+$0x20];
	[tilespmem:s28+$0x60] =	vst v9  }
0x416: {  	v9 =	vbroadcast v18, $0x0;
	v2 =	vld.idx.msk [tilespmem:v10+s1+$0x0], $0xffff;
	v10 =	vadd.s32 $0x7, v20;
	[tilespmem:s28+$0xFFFFFF80] =	vst v13;
	v12 =	vmul.f32 v12, v4  }
0x417: {  	v4 =	vmov s3;
	v3 =	vld.idx.msk [tilespmem:v16+s1+$0x0], $0xffff;
	v10 =	vbroadcast v10, $0x0;
	[tilespmem:s28+$0xFFFFFFA0] =	vst v14;
	v13 =	vmul.f32 v15, v5  }
0x418: {  	s4 =	sadd.s32 $0x1, s3;
	s5 =	sadd.s32 $0x2, s3;
	v14 =	vshrl.u32 v4, $0x3;
	v4 =	vld.idx.msk [tilespmem:v17+s1+$0x0], $0xffff;
	[tilespmem:s28+$0xFFFFFFC0] =	vst v12;
	v12 =	vmul.f32 v23, v6  }
0x419: {  	v15 =	vmov s4;
	v16 =	vmov s5;
	s4 =	sadd.s32 $0x3, s3;
	s5 =	sadd.s32 $0x4, s3;
	v5 =	vld.idx.msk [tilespmem:v21+s1+$0x0], $0xffff;
	[tilespmem:s28+$0xFFFFFFE0] =	vst v13;
	v13 =	vmul.f32 v22, v7  }
0x41a: {  	v17 =	vmov s4;
	v18 =	vmov s5;
	s4 =	sadd.s32 $0x5, s3;
	s5 =	sadd.s32 $0x6, s3;
	v6 =	vld.idx.msk [tilespmem:v11+s1+$0x0], $0xffff;
	[tilespmem:s28+$0x0] =	vst v12;
	v11 =	vmul.f32 v24, v8  }
0x41b: {  	v20 =	vmov s5;
	v12 =	vshll.u32 v14, v1;
	v14 =	vmov s4;
	v7 =	vld.idx.msk [tilespmem:v19+s1+$0x0], $0xffff;
	[tilespmem:s28+$0x20] =	vst v13  }
0x41c: {  	v13 =	vshrl.u32 v15, $0x3;
	v15 =	vshrl.u32 v16, $0x3;
	v16 =	vshrl.u32 v17, $0x3;
	v8 =	vld.idx.msk [tilespmem:v9+s1+$0x0], $0xffff;
	[tilespmem:s28+$0x40] =	vst v11  }
0x41d: {  	s10 =	sadd.s32 $0x80, s10;
	v17 =	vshrl.u32 v18, $0x3;
	v14 =	vshrl.u32 v14, $0x3;
	v18 =	vshrl.u32 v20, $0x3;
	v9 =	vld.idx.msk [tilespmem:v10+s1+$0x0], $0xffff  }
.Ltmp8:
0x41e: {  	v15 =	vshll.u32 v15, v1;
	v10 =	vbroadcast v12, $0x0;
	v12 =	vshll.u32 v13, v1;
	v11 =	vld [tilespmem:s10+$0x30];
	(pc) =	sbr.rel @p0 .LBB2_18-.Ltmp8, $4  }
0x41f: {  	v19 =	vshll.u32 v16, v1;
	v17 =	vshll.u32 v17, v1;
	v22 =	vshll.u32 v14, v1;
	v13 =	vld [tilespmem:s10+$0xFFFFFFC0]  }
0x420: {  	v18 =	vshll.u32 v18, v1;
	v15 =	vadd.s32 $0x2, v15;
	v12 =	vadd.s32 $0x1, v12;
	v14 =	vld [tilespmem:s10+$0xFFFFFFD0]  }
0x421: {  	v21 =	vadd.s32 $0x3, v19;
	v20 =	vadd.s32 $0x4, v17;
	v16 =	vbroadcast v12, $0x0;
	v12 =	vld [tilespmem:s10+$0xFFFFFFE0]  }
0x422: {  	s4 =	sadd.s32 $0x7, s3;
	s3 =	sadd.s32 $0x8, s3;
	v19 =	vadd.s32 $0x5, v22;
	v18 =	vadd.s32 $0x6, v18;
	v17 =	vbroadcast v15, $0x0;
	v15 =	vld [tilespmem:s10+$0xFFFFFFF0]  }
0x423: {  	_ = 	snop  }
0x424: {  	v23 =	vld [tilespmem:s10+$0x0]  }
0x425: {  	v24 =	vld [tilespmem:s10+$0x10]  }
0x426: {  	v25 =	vld [tilespmem:s10+$0x20]  }
0x427: {  	v21 =	vbroadcast v21, $0x0;
	v22 =	vmov s4;
	v10 =	vld.idx.msk [tilespmem:v10+s1+$0x0], $0xffff  }
0x428: {  	v20 =	vbroadcast v20, $0x0;
	v16 =	vld.idx.msk [tilespmem:v16+s1+$0x0], $0xffff;
	v22 =	vshrl.u32 v22, $0x3;
	v2 =	vmul.f32 v13, v2  }
0x429: {  	v19 =	vbroadcast v19, $0x0;
	s3 =	sadd.s32 $0x100, s28;
	s10 =	sadd.s32 $0x80, s10;
	v17 =	vld.idx.msk [tilespmem:v17+s1+$0x0], $0xffff;
	v22 =	vshll.u32 v22, v1;
	v3 =	vmul.f32 v14, v3  }
0x42a: {  	v22 =	vadd.s32 $0x7, v22;
	[tilespmem:s3+$0xFFFFFF80] =	vst v2;
	v2 =	vmul.f32 v12, v4;
	v4 =	vld [tilespmem:s10+$0x30]  }
0x42b: {  	v22 =	vbroadcast v22, $0x0;
	[tilespmem:s3+$0xFFFFFFA0] =	vst v3;
	v3 =	vmul.f32 v15, v5;
	v5 =	vld [tilespmem:s10+$0xFFFFFFC0]  }
0x42c: {  	[tilespmem:s3+$0xFFFFFFC0] =	vst v2;
	v2 =	vmul.f32 v23, v6;
	v6 =	vld [tilespmem:s10+$0xFFFFFFD0]  }
0x42d: {  	v18 =	vbroadcast v18, $0x0;
	v9 =	vmul.f32 v11, v9;
	v21 =	vld.idx.msk [tilespmem:v21+s1+$0x0], $0xffff  }
0x42e: {  	v20 =	vld.idx.msk [tilespmem:v20+s1+$0x0], $0xffff  }
0x42f: {  	[tilespmem:s3+$0x60] =	vst v9;
	v11 =	vld.idx.msk [tilespmem:v19+s1+$0x0], $0xffff  }
0x430: {  	[tilespmem:s3+$0xFFFFFFE0] =	vst v3;
	v3 =	vmul.f32 v24, v7;
	v7 =	vld [tilespmem:s10+$0xFFFFFFE0]  }
0x431: {  	[tilespmem:s3+$0x0] =	vst v2;
	v2 =	vmul.f32 v25, v8;
	v9 =	vld.idx.msk [tilespmem:v22+s1+$0x0], $0xffff  }
0x432: {  	[tilespmem:s3+$0x20] =	vst v3;
	v3 =	vld [tilespmem:s10+$0x0]  }
0x433: {  	v13 =	vld.idx.msk [tilespmem:v18+s1+$0x0], $0xffff;
	[tilespmem:s3+$0x40] =	vst v2;
	v2 =	vmul.f32 v5, v10  }
0x434: {  	v5 =	vld [tilespmem:s10+$0x10];
	s3 =	sadd.s32 $0x100, s3  }
0x435: {  	v8 =	vld [tilespmem:s10+$0xFFFFFFF0];
	[tilespmem:s3+$0xFFFFFF80] =	vst v2;
	v2 =	vmul.f32 v7, v17  }
0x436: {  	v6 =	vmul.f32 v6, v16;
	v4 =	vmul.f32 v4, v9;
	v9 =	vld [tilespmem:s10+$0x20]  }
0x437: {  	[tilespmem:s3+$0xFFFFFFC0] =	vst v2;
	v2 =	vmul.f32 v3, v20  }
0x438: {  	[tilespmem:s3+$0xFFFFFFA0] =	vst v6  }
0x439: {  	v3 =	vmul.f32 v5, v11;
	[tilespmem:s3+$0x0] =	vst v2  }
0x43a: {  	[tilespmem:s3+$0x60] =	vst v4;
	v4 =	vmul.f32 v8, v21  }
0x43b: {  	[tilespmem:s3+$0x20] =	vst v3;
	v2 =	vmul.f32 v9, v13  }
0x43c: {  	[tilespmem:s3+$0xFFFFFFE0] =	vst v4  }
0x43d: {  	s5 =	simm.s32 $0x19B40;
	[tilespmem:s3+$0x40] =	vst v2  }
0x43e: {  	[spmem:s22] =	stream.indirect.scatter.add.f32 [tilespmem:s15], [sflag:$0x2], $0x20, s5, s2, $0xb8;
	[tilespmem:$0x1F770] =	vst v63  }
0x43f: {  	s10 =	simm.s32 $0x19BA8  }
0x440: {  	[spmem:s22] =	stream.indirect.scatter.add.f32 [tilespmem:s16], [sflag:$0x2], $0x20, s10, s2, $0xb8;
	[tilespmem:$0x1F770] =	vst v63  }
0x441: {  	s4 =	simm.s32 $0x19C10  }
0x442: {  	[spmem:s22] =	stream.indirect.scatter.add.f32 [tilespmem:s17], [sflag:$0x2], $0x20, s4, s2, $0xb8;
	[tilespmem:$0x1F770] =	vst v63  }
0x443: {  	s5 =	simm.s32 $0x19C78  }
0x444: {  	[spmem:s22] =	stream.indirect.scatter.add.f32 [tilespmem:s18], [sflag:$0x2], $0x20, s5, s2, $0xb8;
	[tilespmem:$0x1F770] =	vst v63  }
0x445: {  	s10 =	simm.s32 $0x19CE0  }
0x446: {  	[spmem:s22] =	stream.indirect.scatter.add.f32 [tilespmem:s19], [sflag:$0x2], $0x20, s10, s2, $0xb8;
	[tilespmem:$0x1F770] =	vst v63  }
0x447: {  	s4 =	simm.s32 $0x19D48  }
0x448: {  	[spmem:s22] =	stream.indirect.scatter.add.f32 [tilespmem:s20], [sflag:$0x2], $0x20, s4, s2, $0xb8;
	[tilespmem:$0x1F770] =	vst v63  }
0x449: {  	s5 =	simm.s32 $0x19DB0  }
0x44a: {  	[spmem:s22] =	stream.indirect.scatter.add.f32 [tilespmem:s23], [sflag:$0x2], $0x20, s5, s2, $0xb8;
	[tilespmem:$0x1F770] =	vst v63  }
0x44b: {  	s10 =	simm.s32 $0x19E18  }
0x44c: {  	[spmem:s22] =	stream.indirect.scatter.add.f32 [tilespmem:s24], [sflag:$0x2], $0x20, s10, s2, $0xb8;
	[tilespmem:$0x1F770] =	vst v63  }
0x44d: {  	s4 =	simm.s32 $0x19E80  }
0x44e: {  	[spmem:s22] =	stream.indirect.scatter.add.f32 [tilespmem:s25], [sflag:$0x2], $0x20, s4, s2, $0xb8;
	[tilespmem:$0x1F770] =	vst v63  }
0x44f: {  	s5 =	simm.s32 $0x19EE8  }
0x450: {  	[spmem:s22] =	stream.indirect.scatter.add.f32 [tilespmem:s26], [sflag:$0x2], $0x20, s5, s2, $0xb8;
	[tilespmem:$0x1F770] =	vst v63  }
0x451: {  	_ =	swait.ge [sflag:s14], $0xC80  }
0x452: {  	[sflag:s14] =	ssyncset.done $0x0  }
0x453: {  	[sflag:s14] =	ssyncadd.s32 $0xFFFFF380  }
0x454: {  	_ =	swait.ge [sflag:s14], $0xC80  }
0x455: {  	[sflag:s14] =	ssyncset.done $0x0  }
0x456: {  	[sflag:s14] =	ssyncadd.s32 $0xFFFFF380  }
0x457: {  	_ =	swait.ge [sflag:s14], $0xC80  }
0x458: {  	[sflag:s14] =	ssyncset.done $0x0  }
0x459: {  	[sflag:s14] =	ssyncadd.s32 $0xFFFFF380  }
0x45a: {  	_ =	swait.ge [sflag:s14], $0xC80  }
0x45b: {  	[sflag:s14] =	ssyncset.done $0x0  }
0x45c: {  	[sflag:s14] =	ssyncadd.s32 $0xFFFFF380  }
0x45d: {  	_ =	swait.ge [sflag:s14], $0xC80  }
0x45e: {  	[sflag:s14] =	ssyncset.done $0x0  }
0x45f: {  	[sflag:s14] =	ssyncadd.s32 $0xFFFFF380  }
0x460: {  	_ =	swait.ge [sflag:s14], $0xC80  }
0x461: {  	[sflag:s14] =	ssyncset.done $0x0  }
0x462: {  	[sflag:s14] =	ssyncadd.s32 $0xFFFFF380  }
0x463: {  	_ =	swait.ge [sflag:s14], $0xC80  }
0x464: {  	[sflag:s14] =	ssyncset.done $0x0  }
0x465: {  	[sflag:s14] =	ssyncadd.s32 $0xFFFFF380  }
0x466: {  	_ =	swait.ge [sflag:s14], $0xC80  }
0x467: {  	[sflag:s14] =	ssyncset.done $0x0  }
0x468: {  	[sflag:s14] =	ssyncadd.s32 $0xFFFFF380  }
0x469: {  	_ =	swait.ge [sflag:s14], $0xC80  }
0x46a: {  	s10 =	simm.s32 $0x1;
	[sflag:s14] =	ssyncset.done $0x0  }
0x46b: {  	s3 =	simm.s32 $0x0;
	v3 =	vmov s10;
	s10 =	simm.s32 $0x4;
	[sflag:s14] =	ssyncadd.s32 $0xFFFFF380  }
0x46c: {  	v2 =	vmov s3;
	s4 =	simm.s32 $0x3;
	s5 =	simm.s32 $0x2;
	_ =	swait.ge [sflag:s14], $0xC80  }
0x46d: {  	v2 =	vshrl.u32 v2, $0x3;
	v6 =	vmov s10;
	s10 =	simm.s32 $0x6;
	v4 =	vmov s5;
	s5 =	simm.s32 $0x5;
	[sflag:s14] =	ssyncset.done $0x0  }
0x46e: {  	v2 =	vshll.u32 v2, v1;
	v8 =	vmov s10;
	s10 =	simm.s32 $0x3E80;
	v7 =	vmov s5;
	s5 =	rddreg [dreg:$0xe];
	[sflag:s14] =	ssyncadd.s32 $0xFFFFF380  }
0x46f: {  	v2 =	vbroadcast v2, $0x0;
	v3 =	vshrl.u32 v3, $0x3;
	[tilespmem:s10], [sflag:$0x1] =	stream.linear.gather [hbm4b:s5+s3], $0x3E80, $0x38;
	[tilespmem:$0x1F770] =	vst v63  }
0x470: {  	v5 =	vmov s4;
	v6 =	vshrl.u32 v6, $0x3;
	v3 =	vshll.u32 v3, v1;
	s10 =	rddreg [dreg:$0x18]  }
0x471: {  	v5 =	vshrl.u32 v5, $0x3;
	v8 =	vshrl.u32 v8, $0x3;
	v4 =	vshrl.u32 v4, $0x3;
	[tilespmem:s1], [sflag:$0x1] =	stream.linear.gather [hbm4b:s10+s3], $0x3E8, $0x38;
	[tilespmem:$0x1F770] =	vst v63  }
0x472: {  	v6 =	vshll.u32 v6, v1;
	v3 =	vadd.s32 $0x1, v3;
	v4 =	vshll.u32 v4, v1;
	_ =	swait.ge [sflag:s21], $0x3E80  }
0x473: {  	v5 =	vshll.u32 v5, v1;
	v3 =	vbroadcast v3, $0x0;
	v4 =	vadd.s32 $0x2, v4;
	[sflag:s21] =	ssyncset.done $0x0  }
0x474: {  	v5 =	vadd.s32 $0x3, v5;
	v7 =	vshrl.u32 v7, $0x3;
	v4 =	vbroadcast v4, $0x0;
	[sflag:s21] =	ssyncadd.s32 $0xFFFFC180  }
0x475: {  	v6 =	vadd.s32 $0x4, v6;
	v5 =	vbroadcast v5, $0x0;
	v7 =	vshll.u32 v7, v1;
	_ =	swait.ge [sflag:s21], $0x3E8  }
0x476: {  	v8 =	vshll.u32 v8, v1;
	v6 =	vbroadcast v6, $0x0;
	v7 =	vadd.s32 $0x5, v7;
	s5 =	simm.s32 $0x7;
	[sflag:s21] =	ssyncset.done $0x0  }
0x477: {  	v8 =	vadd.s32 $0x6, v8;
	v7 =	vbroadcast v7, $0x0;
	v9 =	vmov s5;
	[sflag:s21] =	ssyncadd.s32 $0xFFFFFC18  }
0x478: {  	v8 =	vbroadcast v8, $0x0;
	v9 =	vshrl.u32 v9, $0x3;
	v2 =	vld.idx.msk [tilespmem:v2+s0+$0x0], $0xffff  }
0x479: {  	s4 =	simm.s32 $0x9;
	v9 =	vshll.u32 v9, v1;
	v3 =	vld.idx.msk [tilespmem:v3+s0+$0x0], $0xffff  }
0x47a: {  	v11 =	vmov s4;
	s4 =	simm.s32 $0xC;
	v9 =	vadd.s32 $0x7, v9;
	v4 =	vld.idx.msk [tilespmem:v4+s0+$0x0], $0xffff  }
0x47b: {  	v14 =	vmov s4;
	v11 =	vshrl.u32 v11, $0x3;
	v9 =	vbroadcast v9, $0x0;
	v5 =	vld.idx.msk [tilespmem:v5+s0+$0x0], $0xffff  }
0x47c: {  	v14 =	vshrl.u32 v14, $0x3;
	v11 =	vshll.u32 v11, v1;
	s5 =	simm.s32 $0xA;
	v6 =	vld.idx.msk [tilespmem:v6+s0+$0x0], $0xffff  }
0x47d: {  	v14 =	vshll.u32 v14, v1;
	v11 =	vadd.s32 $0x1, v11;
	s10 =	simm.s32 $0x8;
	v12 =	vmov s5;
	s5 =	simm.s32 $0xD;
	v7 =	vld.idx.msk [tilespmem:v7+s0+$0x0], $0xffff  }
0x47e: {  	v14 =	vadd.s32 $0x4, v14;
	v10 =	vmov s10;
	v15 =	vmov s5;
	s5 =	simm.s32 $0x40;
	v8 =	vld.idx.msk [tilespmem:v8+s0+$0x0], $0xffff  }
0x47f: {  	v11 =	vbroadcast v11, $0x0;
	v14 =	vbroadcast v14, $0x0;
	s10 =	simm.s32 $0xB;
	v10 =	vshrl.u32 v10, $0x3;
	v17 =	vld [tilespmem:s5+$0x30]  }
0x480: {  	v12 =	vshrl.u32 v12, $0x3;
	v13 =	vmov s10;
	v10 =	vshll.u32 v10, v1;
	v18 =	vld [tilespmem:s5+$0xFFFFFFC0]  }
0x481: {  	s10 =	simm.s32 $0xE;
	v15 =	vshrl.u32 v15, $0x3;
	v12 =	vshll.u32 v12, v1;
	v10 =	vbroadcast v10, $0x0;
	v9 =	vld.idx.msk [tilespmem:v9+s0+$0x0], $0xffff  }
0x482: {  	v16 =	vmov s10;
	v13 =	vshrl.u32 v13, $0x3;
	v15 =	vshll.u32 v15, v1;
	v19 =	vld [tilespmem:s5+$0xFFFFFFD0]  }
0x483: {  	v12 =	vadd.s32 $0x2, v12;
	v16 =	vshrl.u32 v16, $0x3;
	v13 =	vshll.u32 v13, v1;
	v20 =	vld [tilespmem:s5+$0xFFFFFFE0]  }
0x484: {  	s10 =	simm.s32 $0xF;
	v12 =	vbroadcast v12, $0x0;
	v15 =	vadd.s32 $0x5, v15;
	v13 =	vadd.s32 $0x3, v13;
	v21 =	vld [tilespmem:s5+$0xFFFFFFF0]  }
0x485: {  	v22 =	vmov s10;
	v16 =	vshll.u32 v16, v1;
	v13 =	vbroadcast v13, $0x0;
	v62 =	vld [tilespmem:s5+$0x20]  }
0x486: {  	v16 =	vadd.s32 $0x6, v16;
	v23 =	vld [tilespmem:s5+$0x0];
	v9 =	vmul.f32 v17, v9;
	v17 =	vshrl.u32 v22, $0x3  }
0x487: {  	v18 =	vmul.f32 v18, v2;
	v2 =	vld.idx.msk [tilespmem:v10+s0+$0x0], $0xffff;
	v10 =	vbroadcast v16, $0x0;
	v17 =	vshll.u32 v17, v1  }
0x488: {  	s4 =	simm.s32 $0x10;
	v15 =	vbroadcast v15, $0x0;
	v19 =	vmul.f32 v19, v3;
	v22 =	vld [tilespmem:s5+$0x10];
	v16 =	vadd.s32 $0x7, v17  }
0x489: {  	v3 =	vld.idx.msk [tilespmem:v11+s0+$0x0], $0xffff;
	v17 =	vmul.f32 v20, v4;
	v4 =	vmov s4;
	v11 =	vbroadcast v16, $0x0  }
0x48a: {  	s10 =	simm.s32 $0x12;
	v24 =	vmul.f32 v62, v8;
	s5 =	simm.s32 $0x11;
	v16 =	vmul.f32 v21, v5;
	v20 =	vshrl.u32 v4, $0x3;
	v4 =	vld.idx.msk [tilespmem:v12+s0+$0x0], $0xffff  }
0x48b: {  	s28 =	simm.s32 $0x7D80;
	v12 =	vmul.f32 v23, v6;
	v21 =	vmov s5;
	v23 =	vmov s10;
	s5 =	simm.s32 $0x13;
	s10 =	simm.s32 $0x14;
	v5 =	vld.idx.msk [tilespmem:v13+s0+$0x0], $0xffff  }
0x48c: {  	[tilespmem:s28+$0xFFFFFF80] =	vst v18;
	v6 =	vld.idx.msk [tilespmem:v14+s0+$0x0], $0xffff;
	v13 =	vmov s5;
	v63 =	vmov s10;
	s5 =	simm.s32 $0x15;
	v14 =	vshll.u32 v20, v1  }
0x48d: {  	[tilespmem:s28+$0x60] =	vst v9;
	s10 =	simm.s32 $0x16;
	v18 =	vshrl.u32 v23, $0x3;
	v8 =	vld.idx.msk [tilespmem:v10+s0+$0x0], $0xffff;
	v22 =	vmul.f32 v22, v7;
	v9 =	vmov s5  }
0x48e: {  	v20 =	vmov s10;
	v7 =	vld.idx.msk [tilespmem:v15+s0+$0x0], $0xffff;
	v15 =	vshrl.u32 v21, $0x3;
	v13 =	vshrl.u32 v13, $0x3  }
0x48f: {  	[tilespmem:s28+$0xFFFFFFA0] =	vst v19;
	v19 =	vshrl.u32 v63, $0x3;
	s10 =	simm.s32 $0xC0;
	v10 =	vbroadcast v14, $0x0;
	v21 =	vshrl.u32 v9, $0x3;
	v9 =	vld.idx.msk [tilespmem:v11+s0+$0x0], $0xffff  }
0x490: {  	[tilespmem:s28+$0x40] =	vst v24;
	v20 =	vshrl.u32 v20, $0x3;
	v14 =	vshll.u32 v15, v1;
	v15 =	vshll.u32 v18, v1;
	v11 =	vld [tilespmem:s10+$0x30]  }
0x491: {  	[tilespmem:s28+$0xFFFFFFC0] =	vst v17;
	v17 =	vshll.u32 v13, v1;
	v18 =	vshll.u32 v19, v1;
	v13 =	vld [tilespmem:s10+$0xFFFFFFC0];
	v19 =	vshll.u32 v21, v1  }
0x492: {  	[tilespmem:s28+$0x0] =	vst v12;
	v12 =	vadd.s32 $0x1, v14;
	v15 =	vadd.s32 $0x2, v15;
	v23 =	vshll.u32 v20, v1;
	v14 =	vld [tilespmem:s10+$0xFFFFFFD0]  }
0x493: {  	[tilespmem:s28+$0xFFFFFFE0] =	vst v16;
	v21 =	vadd.s32 $0x3, v17;
	v20 =	vadd.s32 $0x4, v18;
	v16 =	vbroadcast v12, $0x0;
	v12 =	vld [tilespmem:s10+$0xFFFFFFE0]  }
0x494: {  	s3 =	simm.s32 $0x18;
	s4 =	simm.s32 $0x17;
	[tilespmem:s28+$0x20] =	vst v22;
	v17 =	vbroadcast v15, $0x0;
	v19 =	vadd.s32 $0x5, v19;
	v18 =	vadd.s32 $0x6, v23;
	v15 =	vld [tilespmem:s10+$0xFFFFFFF0]  }
.LBB2_20:
0x495: {  	p0 =	slt.u32 s3, $0x3E0;
	v21 =	vbroadcast v21, $0x0;
	v22 =	vmov s4;
	v23 =	vld [tilespmem:s10+$0x0];
	v9 =	vmul.f32 v11, v9  }
0x496: {  	v11 =	vbroadcast v20, $0x0;
	s28 =	sadd.s32 $0x100, s28;
	v20 =	vshrl.u32 v22, $0x3;
	v13 =	vmul.f32 v13, v2;
	v22 =	vld [tilespmem:s10+$0x10]  }
0x497: {  	v19 =	vbroadcast v19, $0x0;
	v20 =	vshll.u32 v20, v1;
	v14 =	vmul.f32 v14, v3;
	v24 =	vld [tilespmem:s10+$0x20];
	[tilespmem:s28+$0x60] =	vst v9  }
0x498: {  	v9 =	vbroadcast v18, $0x0;
	v2 =	vld.idx.msk [tilespmem:v10+s0+$0x0], $0xffff;
	v10 =	vadd.s32 $0x7, v20;
	[tilespmem:s28+$0xFFFFFF80] =	vst v13;
	v12 =	vmul.f32 v12, v4  }
0x499: {  	v4 =	vmov s3;
	v3 =	vld.idx.msk [tilespmem:v16+s0+$0x0], $0xffff;
	v10 =	vbroadcast v10, $0x0;
	[tilespmem:s28+$0xFFFFFFA0] =	vst v14;
	v13 =	vmul.f32 v15, v5  }
0x49a: {  	s4 =	sadd.s32 $0x1, s3;
	s5 =	sadd.s32 $0x2, s3;
	v14 =	vshrl.u32 v4, $0x3;
	v4 =	vld.idx.msk [tilespmem:v17+s0+$0x0], $0xffff;
	[tilespmem:s28+$0xFFFFFFC0] =	vst v12;
	v12 =	vmul.f32 v23, v6  }
0x49b: {  	v15 =	vmov s4;
	v16 =	vmov s5;
	s4 =	sadd.s32 $0x3, s3;
	s5 =	sadd.s32 $0x4, s3;
	v5 =	vld.idx.msk [tilespmem:v21+s0+$0x0], $0xffff;
	[tilespmem:s28+$0xFFFFFFE0] =	vst v13;
	v13 =	vmul.f32 v22, v7  }
0x49c: {  	v17 =	vmov s4;
	v18 =	vmov s5;
	s4 =	sadd.s32 $0x5, s3;
	s5 =	sadd.s32 $0x6, s3;
	v6 =	vld.idx.msk [tilespmem:v11+s0+$0x0], $0xffff;
	[tilespmem:s28+$0x0] =	vst v12;
	v11 =	vmul.f32 v24, v8  }
0x49d: {  	v20 =	vmov s5;
	v12 =	vshll.u32 v14, v1;
	v14 =	vmov s4;
	v7 =	vld.idx.msk [tilespmem:v19+s0+$0x0], $0xffff;
	[tilespmem:s28+$0x20] =	vst v13  }
0x49e: {  	v13 =	vshrl.u32 v15, $0x3;
	v15 =	vshrl.u32 v16, $0x3;
	v16 =	vshrl.u32 v17, $0x3;
	v8 =	vld.idx.msk [tilespmem:v9+s0+$0x0], $0xffff;
	[tilespmem:s28+$0x40] =	vst v11  }
0x49f: {  	s10 =	sadd.s32 $0x80, s10;
	v17 =	vshrl.u32 v18, $0x3;
	v14 =	vshrl.u32 v14, $0x3;
	v18 =	vshrl.u32 v20, $0x3;
	v9 =	vld.idx.msk [tilespmem:v10+s0+$0x0], $0xffff  }
.Ltmp9:
0x4a0: {  	v15 =	vshll.u32 v15, v1;
	v10 =	vbroadcast v12, $0x0;
	v12 =	vshll.u32 v13, v1;
	v11 =	vld [tilespmem:s10+$0x30];
	(pc) =	sbr.rel @p0 .LBB2_20-.Ltmp9, $4  }
0x4a1: {  	v19 =	vshll.u32 v16, v1;
	v17 =	vshll.u32 v17, v1;
	v22 =	vshll.u32 v14, v1;
	v13 =	vld [tilespmem:s10+$0xFFFFFFC0]  }
0x4a2: {  	v18 =	vshll.u32 v18, v1;
	v15 =	vadd.s32 $0x2, v15;
	v12 =	vadd.s32 $0x1, v12;
	v14 =	vld [tilespmem:s10+$0xFFFFFFD0]  }
0x4a3: {  	v21 =	vadd.s32 $0x3, v19;
	v20 =	vadd.s32 $0x4, v17;
	v16 =	vbroadcast v12, $0x0;
	v12 =	vld [tilespmem:s10+$0xFFFFFFE0]  }
0x4a4: {  	s4 =	sadd.s32 $0x7, s3;
	s3 =	sadd.s32 $0x8, s3;
	v19 =	vadd.s32 $0x5, v22;
	v18 =	vadd.s32 $0x6, v18;
	v17 =	vbroadcast v15, $0x0;
	v15 =	vld [tilespmem:s10+$0xFFFFFFF0]  }
0x4a5: {  	_ = 	snop  }
0x4a6: {  	v23 =	vld [tilespmem:s10+$0x0]  }
0x4a7: {  	v24 =	vld [tilespmem:s10+$0x10]  }
0x4a8: {  	v25 =	vld [tilespmem:s10+$0x20]  }
0x4a9: {  	v21 =	vbroadcast v21, $0x0;
	v22 =	vmov s4;
	v10 =	vld.idx.msk [tilespmem:v10+s0+$0x0], $0xffff  }
0x4aa: {  	v20 =	vbroadcast v20, $0x0;
	v16 =	vld.idx.msk [tilespmem:v16+s0+$0x0], $0xffff;
	v22 =	vshrl.u32 v22, $0x3;
	v2 =	vmul.f32 v13, v2  }
0x4ab: {  	v19 =	vbroadcast v19, $0x0;
	s3 =	sadd.s32 $0x100, s28;
	s10 =	sadd.s32 $0x80, s10;
	v17 =	vld.idx.msk [tilespmem:v17+s0+$0x0], $0xffff;
	v22 =	vshll.u32 v22, v1;
	v3 =	vmul.f32 v14, v3  }
0x4ac: {  	v22 =	vadd.s32 $0x7, v22;
	[tilespmem:s3+$0xFFFFFF80] =	vst v2;
	v2 =	vmul.f32 v12, v4;
	v4 =	vld [tilespmem:s10+$0x30]  }
0x4ad: {  	v22 =	vbroadcast v22, $0x0;
	[tilespmem:s3+$0xFFFFFFA0] =	vst v3;
	v3 =	vmul.f32 v15, v5;
	v5 =	vld [tilespmem:s10+$0xFFFFFFC0]  }
0x4ae: {  	[tilespmem:s3+$0xFFFFFFC0] =	vst v2;
	v2 =	vmul.f32 v23, v6;
	v6 =	vld [tilespmem:s10+$0xFFFFFFD0]  }
0x4af: {  	v18 =	vbroadcast v18, $0x0;
	v9 =	vmul.f32 v11, v9;
	v21 =	vld.idx.msk [tilespmem:v21+s0+$0x0], $0xffff  }
0x4b0: {  	v20 =	vld.idx.msk [tilespmem:v20+s0+$0x0], $0xffff  }
0x4b1: {  	[tilespmem:s3+$0x60] =	vst v9;
	v11 =	vld.idx.msk [tilespmem:v19+s0+$0x0], $0xffff  }
0x4b2: {  	[tilespmem:s3+$0xFFFFFFE0] =	vst v3;
	v3 =	vmul.f32 v24, v7;
	v7 =	vld [tilespmem:s10+$0xFFFFFFE0]  }
0x4b3: {  	[tilespmem:s3+$0x0] =	vst v2;
	v2 =	vmul.f32 v25, v8;
	v9 =	vld.idx.msk [tilespmem:v22+s0+$0x0], $0xffff  }
0x4b4: {  	[tilespmem:s3+$0x20] =	vst v3;
	v3 =	vld [tilespmem:s10+$0x0]  }
0x4b5: {  	v13 =	vld.idx.msk [tilespmem:v18+s0+$0x0], $0xffff;
	[tilespmem:s3+$0x40] =	vst v2;
	v2 =	vmul.f32 v5, v10  }
0x4b6: {  	v5 =	vld [tilespmem:s10+$0x10];
	s3 =	sadd.s32 $0x100, s3  }
0x4b7: {  	v8 =	vld [tilespmem:s10+$0xFFFFFFF0];
	[tilespmem:s3+$0xFFFFFF80] =	vst v2;
	v2 =	vmul.f32 v7, v17  }
0x4b8: {  	v6 =	vmul.f32 v6, v16;
	v4 =	vmul.f32 v4, v9;
	v9 =	vld [tilespmem:s10+$0x20]  }
0x4b9: {  	[tilespmem:s3+$0xFFFFFFC0] =	vst v2;
	v2 =	vmul.f32 v3, v20  }
0x4ba: {  	[tilespmem:s3+$0xFFFFFFA0] =	vst v6  }
0x4bb: {  	v3 =	vmul.f32 v5, v11;
	[tilespmem:s3+$0x0] =	vst v2  }
0x4bc: {  	[tilespmem:s3+$0x60] =	vst v4;
	v4 =	vmul.f32 v8, v21  }
0x4bd: {  	[tilespmem:s3+$0x20] =	vst v3;
	v2 =	vmul.f32 v9, v13  }
0x4be: {  	[tilespmem:s3+$0xFFFFFFE0] =	vst v4  }
0x4bf: {  	s5 =	simm.s32 $0x7D00;
	s10 =	simm.s32 $0x19F50;
	[tilespmem:s3+$0x40] =	vst v2  }
0x4c0: {  	[spmem:s22] =	stream.indirect.scatter.add.f32 [tilespmem:s5], [sflag:$0x2], $0x20, s10, s2, $0xb8;
	[tilespmem:$0x1F770] =	vst v63  }
0x4c1: {  	s5 =	simm.s32 $0x8980;
	s10 =	simm.s32 $0x19FB8  }
0x4c2: {  	[spmem:s22] =	stream.indirect.scatter.add.f32 [tilespmem:s5], [sflag:$0x2], $0x20, s10, s2, $0xb8;
	[tilespmem:$0x1F770] =	vst v63  }
0x4c3: {  	s5 =	simm.s32 $0x9600;
	s10 =	simm.s32 $0x1A020  }
0x4c4: {  	[spmem:s22] =	stream.indirect.scatter.add.f32 [tilespmem:s5], [sflag:$0x2], $0x20, s10, s2, $0xb8;
	[tilespmem:$0x1F770] =	vst v63  }
0x4c5: {  	s5 =	simm.s32 $0x1A088  }
0x4c6: {  	[spmem:s22] =	stream.indirect.scatter.add.f32 [tilespmem:s6], [sflag:$0x2], $0x20, s5, s2, $0xb8;
	[tilespmem:$0x1F770] =	vst v63  }
0x4c7: {  	s10 =	simm.s32 $0x1A0F0  }
0x4c8: {  	[spmem:s22] =	stream.indirect.scatter.add.f32 [tilespmem:s7], [sflag:$0x2], $0x20, s10, s2, $0xb8;
	[tilespmem:$0x1F770] =	vst v63  }
0x4c9: {  	s4 =	simm.s32 $0x1A158  }
0x4ca: {  	[spmem:s22] =	stream.indirect.scatter.add.f32 [tilespmem:s8], [sflag:$0x2], $0x20, s4, s2, $0xb8;
	[tilespmem:$0x1F770] =	vst v63  }
0x4cb: {  	s5 =	simm.s32 $0x1A1C0;
	s4 =	simm.s32 $0x0  }
0x4cc: {  	[spmem:s22] =	stream.indirect.scatter.add.f32 [tilespmem:s9], [sflag:$0x2], $0x20, s5, s2, $0xb8;
	[tilespmem:$0x1F770] =	vst v63  }
0x4cd: {  	s10 =	simm.s32 $0x1A228;
	v2 =	vmov s4;
	s4 =	simm.s32 $0x2;
	s5 =	simm.s32 $0x1  }
0x4ce: {  	[spmem:s22] =	stream.indirect.scatter.add.f32 [tilespmem:s11], [sflag:$0x2], $0x20, s10, s2, $0xb8;
	[tilespmem:$0x1F770] =	vst v63  }
0x4cf: {  	v2 =	vshrl.u32 v2, $0x3;
	v4 =	vmov s4;
	s4 =	simm.s32 $0x5;
	v3 =	vmov s5;
	s10 =	simm.s32 $0x3  }
0x4d0: {  	s5 =	simm.s32 $0x4;
	v2 =	vshll.u32 v2, v1;
	v7 =	vmov s4;
	v5 =	vmov s10;
	s10 =	simm.s32 $0x1A290  }
0x4d1: {  	v4 =	vshrl.u32 v4, $0x3;
	v6 =	vmov s5;
	v3 =	vshrl.u32 v3, $0x3;
	[spmem:s22] =	stream.indirect.scatter.add.f32 [tilespmem:s12], [sflag:$0x2], $0x20, s10, s2, $0xb8;
	[tilespmem:$0x1F770] =	vst v63  }
0x4d2: {  	s4 =	simm.s32 $0x1A2F8;
	s5 =	simm.s32 $0x6;
	v7 =	vshrl.u32 v7, $0x3;
	v2 =	vbroadcast v2, $0x0;
	v4 =	vshll.u32 v4, v1  }
0x4d3: {  	v8 =	vmov s5;
	v6 =	vshrl.u32 v6, $0x3;
	v3 =	vshll.u32 v3, v1;
	[spmem:s22] =	stream.indirect.scatter.add.f32 [tilespmem:s13], [sflag:$0x2], $0x20, s4, s2, $0xb8;
	[tilespmem:$0x1F770] =	vst v63  }
0x4d4: {  	v7 =	vshll.u32 v7, v1;
	v5 =	vshrl.u32 v5, $0x3;
	v3 =	vadd.s32 $0x1, v3;
	_ =	swait.ge [sflag:s21], $0x3E80  }
0x4d5: {  	v4 =	vadd.s32 $0x2, v4;
	v5 =	vshll.u32 v5, v1;
	v3 =	vbroadcast v3, $0x0;
	[sflag:s21] =	ssyncset.done $0x0  }
0x4d6: {  	v6 =	vshll.u32 v6, v1;
	v4 =	vbroadcast v4, $0x0;
	v5 =	vadd.s32 $0x3, v5;
	[sflag:s21] =	ssyncadd.s32 $0xFFFFC180  }
0x4d7: {  	v8 =	vshrl.u32 v8, $0x3;
	v6 =	vadd.s32 $0x4, v6;
	v5 =	vbroadcast v5, $0x0;
	_ =	swait.ge [sflag:s21], $0x3E8  }
0x4d8: {  	v7 =	vadd.s32 $0x5, v7;
	v8 =	vshll.u32 v8, v1;
	v6 =	vbroadcast v6, $0x0;
	[sflag:s21] =	ssyncset.done $0x0  }
0x4d9: {  	s5 =	simm.s32 $0x7;
	v7 =	vbroadcast v7, $0x0;
	v8 =	vadd.s32 $0x6, v8;
	[sflag:s21] =	ssyncadd.s32 $0xFFFFFC18  }
0x4da: {  	v9 =	vmov s5;
	v8 =	vbroadcast v8, $0x0;
	v2 =	vld.idx.msk [tilespmem:v2+s1+$0x0], $0xffff  }
0x4db: {  	s10 =	simm.s32 $0x8;
	v9 =	vshrl.u32 v9, $0x3;
	v3 =	vld.idx.msk [tilespmem:v3+s1+$0x0], $0xffff  }
0x4dc: {  	s5 =	simm.s32 $0xA;
	v10 =	vmov s10;
	v9 =	vshll.u32 v9, v1;
	v4 =	vld.idx.msk [tilespmem:v4+s1+$0x0], $0xffff  }
0x4dd: {  	s10 =	simm.s32 $0xB;
	v12 =	vmov s5;
	s5 =	simm.s32 $0xD;
	v10 =	vshrl.u32 v10, $0x3;
	v9 =	vadd.s32 $0x7, v9;
	v5 =	vld.idx.msk [tilespmem:v5+s1+$0x0], $0xffff  }
0x4de: {  	s4 =	simm.s32 $0x9;
	v13 =	vmov s10;
	v15 =	vmov s5;
	v9 =	vbroadcast v9, $0x0;
	v6 =	vld.idx.msk [tilespmem:v6+s1+$0x0], $0xffff  }
0x4df: {  	s10 =	simm.s32 $0xE;
	v12 =	vshrl.u32 v12, $0x3;
	v11 =	vmov s4;
	v10 =	vshll.u32 v10, v1;
	v7 =	vld.idx.msk [tilespmem:v7+s1+$0x0], $0xffff  }
0x4e0: {  	s5 =	simm.s32 $0x3EC0;
	s4 =	simm.s32 $0xC;
	v16 =	vmov s10;
	v13 =	vshrl.u32 v13, $0x3;
	v15 =	vshrl.u32 v15, $0x3;
	v8 =	vld.idx.msk [tilespmem:v8+s1+$0x0], $0xffff  }
0x4e1: {  	v12 =	vshll.u32 v12, v1;
	v14 =	vmov s4;
	v11 =	vshrl.u32 v11, $0x3;
	v17 =	vld [tilespmem:s5+$0x30]  }
0x4e2: {  	v16 =	vshrl.u32 v16, $0x3;
	v10 =	vbroadcast v10, $0x0;
	v13 =	vshll.u32 v13, v1;
	v18 =	vld [tilespmem:s5+$0xFFFFFFC0]  }
0x4e3: {  	s10 =	simm.s32 $0xF;
	v15 =	vshll.u32 v15, v1;
	v12 =	vadd.s32 $0x2, v12;
	v11 =	vshll.u32 v11, v1;
	v19 =	vld [tilespmem:s5+$0xFFFFFFD0]  }
0x4e4: {  	v22 =	vmov s10;
	v14 =	vshrl.u32 v14, $0x3;
	v11 =	vadd.s32 $0x1, v11;
	v9 =	vld.idx.msk [tilespmem:v9+s1+$0x0], $0xffff  }
0x4e5: {  	v16 =	vshll.u32 v16, v1;
	v13 =	vadd.s32 $0x3, v13;
	v11 =	vbroadcast v11, $0x0;
	v62 =	vld [tilespmem:s5+$0x20]  }
0x4e6: {  	v12 =	vbroadcast v12, $0x0;
	v15 =	vadd.s32 $0x5, v15;
	v14 =	vshll.u32 v14, v1;
	v20 =	vld [tilespmem:s5+$0xFFFFFFE0]  }
0x4e7: {  	v13 =	vbroadcast v13, $0x0;
	v15 =	vbroadcast v15, $0x0;
	v14 =	vadd.s32 $0x4, v14;
	v21 =	vld [tilespmem:s5+$0xFFFFFFF0]  }
0x4e8: {  	v16 =	vadd.s32 $0x6, v16;
	v14 =	vbroadcast v14, $0x0;
	v23 =	vld [tilespmem:s5+$0x0];
	v18 =	vmul.f32 v18, v2  }
0x4e9: {  	v19 =	vmul.f32 v19, v3;
	v2 =	vld.idx.msk [tilespmem:v10+s1+$0x0], $0xffff;
	v9 =	vmul.f32 v17, v9;
	v17 =	vshrl.u32 v22, $0x3  }
0x4ea: {  	s4 =	simm.s32 $0x10;
	v10 =	vbroadcast v16, $0x0;
	v24 =	vmul.f32 v62, v8;
	v22 =	vld [tilespmem:s5+$0x10];
	v17 =	vshll.u32 v17, v1  }
0x4eb: {  	v3 =	vld.idx.msk [tilespmem:v11+s1+$0x0], $0xffff;
	v16 =	vadd.s32 $0x7, v17;
	v17 =	vmul.f32 v20, v4;
	v4 =	vmov s4  }
0x4ec: {  	s10 =	simm.s32 $0x12;
	s5 =	simm.s32 $0x11;
	v11 =	vbroadcast v16, $0x0;
	v16 =	vmul.f32 v21, v5;
	v20 =	vshrl.u32 v4, $0x3;
	v4 =	vld.idx.msk [tilespmem:v12+s1+$0x0], $0xffff  }
0x4ed: {  	s28 =	simm.s32 $0xFA80;
	v21 =	vmul.f32 v23, v6;
	v12 =	vmov s5;
	v23 =	vmov s10;
	s5 =	simm.s32 $0x13;
	s10 =	simm.s32 $0x14;
	v5 =	vld.idx.msk [tilespmem:v13+s1+$0x0], $0xffff  }
0x4ee: {  	[tilespmem:s28+$0x60] =	vst v9;
	v6 =	vld.idx.msk [tilespmem:v14+s1+$0x0], $0xffff;
	v13 =	vmov s5;
	v63 =	vmov s10;
	s5 =	simm.s32 $0x15;
	v9 =	vshll.u32 v20, v1  }
0x4ef: {  	[tilespmem:s28+$0xFFFFFF80] =	vst v18;
	s10 =	simm.s32 $0x16;
	v18 =	vshrl.u32 v23, $0x3;
	v22 =	vmul.f32 v22, v7;
	v14 =	vmov s5;
	v7 =	vld.idx.msk [tilespmem:v15+s1+$0x0], $0xffff  }
0x4f0: {  	v20 =	vmov s10;
	v15 =	vshrl.u32 v12, $0x3;
	v23 =	vshrl.u32 v13, $0x3;
	v8 =	vld.idx.msk [tilespmem:v10+s1+$0x0], $0xffff;
	s10 =	simm.s32 $0x3F40  }
0x4f1: {  	[tilespmem:s28+$0xFFFFFFC0] =	vst v17;
	v10 =	vshrl.u32 v63, $0x3;
	v9 =	vbroadcast v9, $0x0;
	v17 =	vshll.u32 v18, v1;
	v13 =	vld [tilespmem:s10+$0x30]  }
0x4f2: {  	[tilespmem:s28+$0xFFFFFFA0] =	vst v19;
	v14 =	vshrl.u32 v14, $0x3;
	v19 =	vshrl.u32 v20, $0x3;
	v18 =	vshll.u32 v23, v1;
	v12 =	vld.idx.msk [tilespmem:v11+s1+$0x0], $0xffff  }
0x4f3: {  	[tilespmem:s28+$0xFFFFFFE0] =	vst v16;
	v20 =	vshll.u32 v10, v1;
	v23 =	vshll.u32 v14, v1;
	v11 =	vshll.u32 v15, v1;
	v15 =	vld [tilespmem:s10+$0xFFFFFFC0]  }
0x4f4: {  	[tilespmem:s28+$0x0] =	vst v21;
	v16 =	vld [tilespmem:s10+$0xFFFFFFD0];
	v21 =	vadd.s32 $0x3, v18;
	v20 =	vadd.s32 $0x4, v20;
	v10 =	vadd.s32 $0x1, v11  }
0x4f5: {  	[tilespmem:s28+$0x40] =	vst v24;
	v14 =	vld [tilespmem:s10+$0xFFFFFFE0];
	v11 =	vadd.s32 $0x2, v17;
	v17 =	vshll.u32 v19, v1;
	v10 =	vbroadcast v10, $0x0  }
0x4f6: {  	s3 =	simm.s32 $0x18;
	s4 =	simm.s32 $0x17;
	[tilespmem:s28+$0x20] =	vst v22;
	v19 =	vadd.s32 $0x5, v23;
	v11 =	vbroadcast v11, $0x0;
	v18 =	vadd.s32 $0x6, v17;
	v17 =	vld [tilespmem:s10+$0xFFFFFFF0]  }
.LBB2_22:
0x4f7: {  	p0 =	slt.u32 s3, $0x3E0;
	v21 =	vbroadcast v21, $0x0;
	v22 =	vmov s4;
	v23 =	vld [tilespmem:s10+$0x0];
	v12 =	vmul.f32 v13, v12  }
0x4f8: {  	v13 =	vbroadcast v20, $0x0;
	s28 =	sadd.s32 $0x100, s28;
	v20 =	vshrl.u32 v22, $0x3;
	v15 =	vmul.f32 v15, v2;
	v22 =	vld [tilespmem:s10+$0x10]  }
0x4f9: {  	v19 =	vbroadcast v19, $0x0;
	v20 =	vshll.u32 v20, v1;
	v16 =	vmul.f32 v16, v3;
	v24 =	vld [tilespmem:s10+$0x20];
	[tilespmem:s28+$0x60] =	vst v12  }
0x4fa: {  	v2 =	vld.idx.msk [tilespmem:v9+s1+$0x0], $0xffff;
	v9 =	vbroadcast v18, $0x0;
	v12 =	vadd.s32 $0x7, v20;
	[tilespmem:s28+$0xFFFFFF80] =	vst v15;
	v14 =	vmul.f32 v14, v4  }
0x4fb: {  	v4 =	vmov s3;
	v3 =	vld.idx.msk [tilespmem:v10+s1+$0x0], $0xffff;
	v10 =	vbroadcast v12, $0x0;
	[tilespmem:s28+$0xFFFFFFA0] =	vst v16;
	v12 =	vmul.f32 v17, v5  }
0x4fc: {  	s4 =	sadd.s32 $0x1, s3;
	s5 =	sadd.s32 $0x2, s3;
	v15 =	vshrl.u32 v4, $0x3;
	v4 =	vld.idx.msk [tilespmem:v11+s1+$0x0], $0xffff;
	[tilespmem:s28+$0xFFFFFFC0] =	vst v14;
	v11 =	vmul.f32 v23, v6  }
0x4fd: {  	v16 =	vmov s5;
	s5 =	sadd.s32 $0x4, s3;
	v14 =	vmov s4;
	s4 =	sadd.s32 $0x3, s3;
	v5 =	vld.idx.msk [tilespmem:v21+s1+$0x0], $0xffff;
	[tilespmem:s28+$0xFFFFFFE0] =	vst v12;
	v12 =	vmul.f32 v22, v7  }
0x4fe: {  	v18 =	vmov s5;
	s5 =	sadd.s32 $0x6, s3;
	v17 =	vmov s4;
	s4 =	sadd.s32 $0x5, s3;
	v6 =	vld.idx.msk [tilespmem:v13+s1+$0x0], $0xffff;
	[tilespmem:s28+$0x0] =	vst v11;
	v11 =	vmul.f32 v24, v8  }
0x4ff: {  	v20 =	vmov s5;
	v13 =	vshll.u32 v15, v1;
	v15 =	vmov s4;
	v7 =	vld.idx.msk [tilespmem:v19+s1+$0x0], $0xffff;
	[tilespmem:s28+$0x20] =	vst v12  }
0x500: {  	v16 =	vshrl.u32 v16, $0x3;
	v14 =	vshrl.u32 v14, $0x3;
	v17 =	vshrl.u32 v17, $0x3;
	v8 =	vld.idx.msk [tilespmem:v9+s1+$0x0], $0xffff;
	[tilespmem:s28+$0x40] =	vst v11  }
0x501: {  	s10 =	sadd.s32 $0x80, s10;
	v15 =	vshrl.u32 v15, $0x3;
	v11 =	vshrl.u32 v18, $0x3;
	v18 =	vshrl.u32 v20, $0x3;
	v12 =	vld.idx.msk [tilespmem:v10+s1+$0x0], $0xffff  }
.Ltmp10:
0x502: {  	v9 =	vbroadcast v13, $0x0;
	v10 =	vshll.u32 v14, v1;
	v14 =	vshll.u32 v16, v1;
	v13 =	vld [tilespmem:s10+$0x30];
	(pc) =	sbr.rel @p0 .LBB2_22-.Ltmp10, $4  }
0x503: {  	v17 =	vshll.u32 v17, v1;
	v19 =	vshll.u32 v15, v1;
	v11 =	vshll.u32 v11, v1;
	v15 =	vld [tilespmem:s10+$0xFFFFFFC0]  }
0x504: {  	v18 =	vshll.u32 v18, v1;
	v10 =	vadd.s32 $0x1, v10;
	v22 =	vadd.s32 $0x2, v14;
	v16 =	vld [tilespmem:s10+$0xFFFFFFD0]  }
0x505: {  	v21 =	vadd.s32 $0x3, v17;
	v20 =	vadd.s32 $0x4, v11;
	v10 =	vbroadcast v10, $0x0;
	v14 =	vld [tilespmem:s10+$0xFFFFFFE0]  }
0x506: {  	s4 =	sadd.s32 $0x7, s3;
	s3 =	sadd.s32 $0x8, s3;
	v19 =	vadd.s32 $0x5, v19;
	v18 =	vadd.s32 $0x6, v18;
	v11 =	vbroadcast v22, $0x0;
	v17 =	vld [tilespmem:s10+$0xFFFFFFF0]  }
0x507: {  	_ = 	snop  }
0x508: {  	v22 =	vld [tilespmem:s10+$0x0]  }
0x509: {  	v24 =	vld [tilespmem:s10+$0x10]  }
0x50a: {  	v25 =	vld [tilespmem:s10+$0x20]  }
0x50b: {  	v57 =	vld.idx.msk [tilespmem:v9+s1+$0x0], $0xffff  }
0x50c: {  	v23 =	vmov s4;
	s3 =	sadd.s32 $0x80, s10;
	v59 =	vld.idx.msk [tilespmem:v10+s1+$0x0], $0xffff  }
0x50d: {  	v23 =	vshrl.u32 v23, $0x3;
	v26 =	vld [tilespmem:s3+$0x30]  }
0x50e: {  	v27 =	vld [tilespmem:s3+$0xFFFFFFC0];
	v23 =	vshll.u32 v23, v1  }
0x50f: {  	v28 =	vld [tilespmem:s3+$0xFFFFFFD0];
	v23 =	vadd.s32 $0x7, v23  }
0x510: {  	v29 =	vld [tilespmem:s3+$0xFFFFFFE0];
	v2 =	vmul.f32 v15, v2;
	v23 =	vbroadcast v23, $0x0  }
0x511: {  	v12 =	vmul.f32 v13, v12;
	s28 =	sadd.s32 $0x100, s28;
	v54 =	vbroadcast v20, $0x0;
	v30 =	vld [tilespmem:s3+$0xFFFFFFF0]  }
0x512: {  	v21 =	vbroadcast v21, $0x0;
	v52 =	vld [tilespmem:s3+$0x0];
	[tilespmem:s28+$0xFFFFFF80] =	vst v2;
	v2 =	vmul.f32 v14, v4  }
0x513: {  	v58 =	vbroadcast v18, $0x0;
	v53 =	vld [tilespmem:s3+$0x10];
	v3 =	vmul.f32 v16, v3;
	[tilespmem:s28+$0x60] =	vst v12  }
0x514: {  	v55 =	vbroadcast v19, $0x0;
	v31 =	vld [tilespmem:s3+$0x20];
	[tilespmem:s28+$0xFFFFFFC0] =	vst v2;
	v2 =	vmul.f32 v22, v6  }
0x515: {  	v60 =	vld.idx.msk [tilespmem:v11+s1+$0x0], $0xffff;
	[tilespmem:s28+$0xFFFFFFA0] =	vst v3;
	v3 =	vmul.f32 v17, v5  }
0x516: {  	[tilespmem:s28+$0x0] =	vst v2;
	v2 =	vmul.f32 v25, v8;
	v56 =	vld.idx.msk [tilespmem:v23+s1+$0x0], $0xffff  }
0x517: {  	[tilespmem:s28+$0xFFFFFFE0] =	vst v3;
	v3 =	vmul.f32 v24, v7;
	v62 =	vld.idx.msk [tilespmem:v54+s1+$0x0], $0xffff  }
0x518: {  	v61 =	vld.idx.msk [tilespmem:v21+s1+$0x0], $0xffff;
	[tilespmem:s28+$0x40] =	vst v2;
	v2 =	vmul.f32 v27, v57  }
0x519: {  	s4 =	sadd.s32 $0x100, s28;
	v63 =	vld.idx.msk [tilespmem:v58+s1+$0x0], $0xffff;
	v6 =	vmul.f32 v28, v59;
	[tilespmem:s28+$0x20] =	vst v3  }
0x51a: {  	v4 =	vld.idx.msk [tilespmem:v55+s1+$0x0], $0xffff;
	[tilespmem:s4+$0xFFFFFF80] =	vst v2;
	v2 =	vmul.f32 v29, v60  }
0x51b: {  	[tilespmem:s4+$0xFFFFFFA0] =	vst v6;
	v3 =	vmul.f32 v26, v56  }
0x51c: {  	[tilespmem:s4+$0xFFFFFFC0] =	vst v2;
	v2 =	vmul.f32 v52, v62  }
0x51d: {  	[tilespmem:s4+$0x60] =	vst v3;
	v3 =	vmul.f32 v30, v61  }
0x51e: {  	[tilespmem:s4+$0x0] =	vst v2;
	v2 =	vmul.f32 v31, v63  }
0x51f: {  	[tilespmem:s4+$0xFFFFFFE0] =	vst v3;
	v3 =	vmul.f32 v53, v4  }
0x520: {  	[tilespmem:s4+$0x40] =	vst v2  }
0x521: {  	s5 =	simm.s32 $0x1A360;
	[tilespmem:s4+$0x20] =	vst v3  }
0x522: {  	[spmem:s22] =	stream.indirect.scatter.add.f32 [tilespmem:s15], [sflag:$0x2], $0x20, s5, s2, $0xb8;
	[tilespmem:$0x1F770] =	vst v63  }
0x523: {  	s10 =	simm.s32 $0x1A3C8  }
0x524: {  	[spmem:s22] =	stream.indirect.scatter.add.f32 [tilespmem:s16], [sflag:$0x2], $0x20, s10, s2, $0xb8;
	[tilespmem:$0x1F770] =	vst v63  }
0x525: {  	s28 =	simm.s32 $0x1A430  }
0x526: {  	[spmem:s22] =	stream.indirect.scatter.add.f32 [tilespmem:s17], [sflag:$0x2], $0x20, s28, s2, $0xb8;
	[tilespmem:$0x1F770] =	vst v63  }
0x527: {  	s4 =	simm.s32 $0x1A498  }
0x528: {  	[spmem:s22] =	stream.indirect.scatter.add.f32 [tilespmem:s18], [sflag:$0x2], $0x20, s4, s2, $0xb8;
	[tilespmem:$0x1F770] =	vst v63  }
0x529: {  	s5 =	simm.s32 $0x1A500  }
0x52a: {  	[spmem:s22] =	stream.indirect.scatter.add.f32 [tilespmem:s19], [sflag:$0x2], $0x20, s5, s2, $0xb8;
	[tilespmem:$0x1F770] =	vst v63  }
0x52b: {  	s10 =	simm.s32 $0x1A568  }
0x52c: {  	[spmem:s22] =	stream.indirect.scatter.add.f32 [tilespmem:s20], [sflag:$0x2], $0x20, s10, s2, $0xb8;
	[tilespmem:$0x1F770] =	vst v63  }
0x52d: {  	s28 =	simm.s32 $0x1A5D0  }
0x52e: {  	[spmem:s22] =	stream.indirect.scatter.add.f32 [tilespmem:s23], [sflag:$0x2], $0x20, s28, s2, $0xb8;
	[tilespmem:$0x1F770] =	vst v63  }
0x52f: {  	s4 =	simm.s32 $0x1A638  }
0x530: {  	[spmem:s22] =	stream.indirect.scatter.add.f32 [tilespmem:s24], [sflag:$0x2], $0x20, s4, s2, $0xb8;
	[tilespmem:$0x1F770] =	vst v63  }
0x531: {  	s5 =	simm.s32 $0x1A6A0  }
0x532: {  	[spmem:s22] =	stream.indirect.scatter.add.f32 [tilespmem:s25], [sflag:$0x2], $0x20, s5, s2, $0xb8;
	[tilespmem:$0x1F770] =	vst v63  }
0x533: {  	s10 =	simm.s32 $0x1A708  }
0x534: {  	[spmem:s22] =	stream.indirect.scatter.add.f32 [tilespmem:s26], [sflag:$0x2], $0x20, s10, s2, $0xb8;
	[tilespmem:$0x1F770] =	vst v63  }
0x535: {  	_ =	swait.ge [sflag:s14], $0xC80  }
0x536: {  	[sflag:s14] =	ssyncset.done $0x0  }
0x537: {  	[sflag:s14] =	ssyncadd.s32 $0xFFFFF380  }
0x538: {  	_ =	swait.ge [sflag:s14], $0xC80  }
0x539: {  	[sflag:s14] =	ssyncset.done $0x0  }
0x53a: {  	[sflag:s14] =	ssyncadd.s32 $0xFFFFF380  }
0x53b: {  	_ =	swait.ge [sflag:s14], $0xC80  }
0x53c: {  	[sflag:s14] =	ssyncset.done $0x0  }
0x53d: {  	[sflag:s14] =	ssyncadd.s32 $0xFFFFF380  }
0x53e: {  	_ =	swait.ge [sflag:s14], $0xC80  }
0x53f: {  	[sflag:s14] =	ssyncset.done $0x0  }
0x540: {  	[sflag:s14] =	ssyncadd.s32 $0xFFFFF380  }
0x541: {  	_ =	swait.ge [sflag:s14], $0xC80  }
0x542: {  	[sflag:s14] =	ssyncset.done $0x0  }
0x543: {  	[sflag:s14] =	ssyncadd.s32 $0xFFFFF380  }
0x544: {  	_ =	swait.ge [sflag:s14], $0xC80  }
0x545: {  	[sflag:s14] =	ssyncset.done $0x0  }
0x546: {  	[sflag:s14] =	ssyncadd.s32 $0xFFFFF380  }
0x547: {  	_ =	swait.ge [sflag:s14], $0xC80  }
0x548: {  	[sflag:s14] =	ssyncset.done $0x0  }
0x549: {  	[sflag:s14] =	ssyncadd.s32 $0xFFFFF380  }
0x54a: {  	_ =	swait.ge [sflag:s14], $0xC80  }
0x54b: {  	[sflag:s14] =	ssyncset.done $0x0  }
0x54c: {  	[sflag:s14] =	ssyncadd.s32 $0xFFFFF380  }
0x54d: {  	_ =	swait.ge [sflag:s14], $0xC80  }
0x54e: {  	[sflag:s14] =	ssyncset.done $0x0  }
0x54f: {  	[sflag:s14] =	ssyncadd.s32 $0xFFFFF380  }
0x550: {  	_ =	swait.ge [sflag:s14], $0xC80  }
0x551: {  	[sflag:s14] =	ssyncset.done $0x0  }
0x552: {  	[sflag:s14] =	ssyncadd.s32 $0xFFFFF380  }
0x553: {  	_ =	swait.ge [sflag:s14], $0xC80  }
0x554: {  	[sflag:s14] =	ssyncset.done $0x0  }
0x555: {  	[sflag:s14] =	ssyncadd.s32 $0xFFFFF380  }
0x556: {  	_ =	swait.ge [sflag:s14], $0xC80  }
0x557: {  	[sflag:s14] =	ssyncset.done $0x0  }
0x558: {  	[sflag:s14] =	ssyncadd.s32 $0xFFFFF380  }
0x559: {  	_ =	swait.ge [sflag:s14], $0xC80  }
0x55a: {  	[sflag:s14] =	ssyncset.done $0x0  }
0x55b: {  	[sflag:s14] =	ssyncadd.s32 $0xFFFFF380  }
0x55c: {  	_ =	swait.ge [sflag:s14], $0xC80  }
0x55d: {  	[sflag:s14] =	ssyncset.done $0x0  }
0x55e: {  	[sflag:s14] =	ssyncadd.s32 $0xFFFFF380  }
0x55f: {  	_ =	swait.ge [sflag:s14], $0xC80  }
0x560: {  	[sflag:s14] =	ssyncset.done $0x0  }
0x561: {  	[sflag:s14] =	ssyncadd.s32 $0xFFFFF380  }
0x562: {  	_ =	swait.ge [sflag:s14], $0xC80  }
0x563: {  	[sflag:s14] =	ssyncset.done $0x0  }
0x564: {  	[sflag:s14] =	ssyncadd.s32 $0xFFFFF380  }
0x565: {  	_ =	swait.ge [sflag:s14], $0xC80  }
0x566: {  	[sflag:s14] =	ssyncset.done $0x0  }
0x567: {  	[sflag:s14] =	ssyncadd.s32 $0xFFFFF380  }
0x568: {  	_ =	swait.ge [sflag:s14], $0xC80  }
0x569: {  	[sflag:s14] =	ssyncset.done $0x0  }
0x56a: {  	[sflag:s14] =	ssyncadd.s32 $0xFFFFF380  }
0x56b: {  	_ =	swait.ge [sflag:s14], $0xC80  }
0x56c: {  	[sflag:s14] =	ssyncset.done $0x0  }
0x56d: {  	[sflag:s14] =	ssyncadd.s32 $0xFFFFF380  }
0x56e: {  	_ =	swait.ge [sflag:s14], $0xC80  }
0x56f: {  	[sflag:s14] =	ssyncset.done $0x0  }
0x570: {  	[sflag:s14] =	ssyncadd.s32 $0xFFFFF380  }
0x571: {  	[bflag:$0x0] =	sbarrier.arrive $0xFFFF  }
0x572: {  	s28 =	rddreg [dreg:$0x19]  }
0x573: {  	s4 =	rddreg [dreg:$0x1c]  }
0x574: {  	[hbm:s28], [sflag:s4] =	dma.local [spmem:s30], $0xA00  }
0x575: {  	_ =	swait.ge [sflag:s31], $0xA00  }
0x576: {  	s29 =	sadd.s32 $0x1, s29;
	s30 =	rddreg [dreg:$0x1e]  }
0x577: {  	p0 =	sne.s32 s29, s30  }
.Ltmp11:
0x578: {  	_ = 	snop;
	(pc) =	sbr.rel @p0 .LBB2_1-.Ltmp11, $3  }
0x579: {  	_ =	sdelay $0x1  }
0x57a: {  	[sflag:s31] =	ssyncset.done $0x0  }
0x57b: {  	[sflag:s31] =	ssyncadd.s32 $0xFFFFF600  }
0x57c: {  	_ =	sfence.sel $0x180000  }
0x57d: {  	[bflag:$0x0] =	sbarrier.arrive $0xFFFF  }
0x57e: {  	_ =	strace $0x90000047  }
0x57f: {  	s0 =	stileid.u32;
	[bflag:$0x2] =	sbarrier.arrive $0xFFFF  }
0x580: {  	p0 =	sne.s32 s0, $0x0;
	s0 =	rddreg [dreg:$0x4]  }
0x581: {  	s0 =	sadd.s32 @!p0 $0x100000, s0  }
0x582: {  	[sflag:s0] =	ssyncadd.tile.s32 @!p0 $0x1;
	_ =	shalt  }
.Lfunc_end2:
_tile_overlayer_lowered:
.L_overlay_start_2:
0x583: {  	(tag) =	ssettag $0x2  }
0x584: {  	s0 =	rddreg [dreg:$0x0];
	s2 =	stileid.u32  }
0x585: {  	s1 =	rddreg [dreg:$0x1];
	p0 =	sne.s32 s2, $0x0  }
0x586: {  	s3 =	rddreg [dreg:$0x2];
	[bflag:$0x3] =	sbarrier.arrive $0xFFFF;
	s2 =	simm.s32 @!p0 $0x1C03  }
0x587: {  	[timem:s3], [sflag:s2] =	dma.local @!p0 [hbm:s0], s1  }
0x588: {  	s0 =	simm.s32 @!p0 $0x3  }
0x589: {  	_ =	swait.ge @!p0 [sflag:s0], s1  }
0x58a: {  	s1 =	ssub.s32 @!p0 $0x0, s1;
	[sflag:s0] =	ssyncset.done @!p0 $0x0  }
0x58b: {  	[sflag:s0] =	ssyncadd.s32 @!p0 s1  }
0x58c: {  	[bflag:$0x3] =	sbarrier.arrive $0xFFFF  }
0x58d: {  	_ =	shalt  }

</sc_bundles>
